<compile_context>
chip_gen: v7x
topology: tpu7x:2x2x1
jax: 0.10.2.dev20260603
libtpu: 0.0.44.dev20260713+nightly
codegen_flags: <defaults>
</compile_context>

<pallas_src>
import functools

import jax
import jax.numpy as jnp
from jax import lax
from jax.experimental import pallas as pl
from jax.experimental.pallas import tpu as pltpu
from jax.experimental.pallas import tpu_sc as plsc

B = 16384
L = 20
EMBED = 32

NC, NS = 2, 16
NW = NC * NS
ROWS_W = B // NW
CHUNK = 32
NCHUNK = ROWS_W // CHUNK
TOK_W = ROWS_W * L
IDXC = 128
TOK_IDX_ROWS = TOK_W // IDXC
ART_IDX_ROWS = ROWS_W // IDXC
BURSTS = CHUNK * L // IDXC

_mesh = plsc.VectorSubcoreMesh(core_axis_name="c", subcore_axis_name="s")


@functools.partial(
    pl.kernel,
    out_type=jax.ShapeDtypeStruct((B * L // IDXC, IDXC), jnp.int32),
    mesh=_mesh,
    compiler_params=pltpu.CompilerParams(
        needs_layout_passes=False, use_tc_tiling_on_sc=True),
    scratch_types=[
        pltpu.VMEM((ROWS_W, L), jnp.int32),
        pltpu.VMEM((TOK_IDX_ROWS, IDXC), jnp.int32),
    ],
)
def _repack_kernel(tok_hbm, out_hbm, tokstg, tokidx):
    wid = lax.axis_index("s") * NC + lax.axis_index("c")
    base = wid * ROWS_W
    pltpu.sync_copy(tok_hbm.at[pl.ds(base, ROWS_W), :], tokstg)
    lane = lax.iota(jnp.int32, 16)

    def body(g, carry):
        rows16 = g * 16 + lane
        p0 = rows16 * L
        for l in range(L):
            t = plsc.load_gather(
                tokstg, [rows16, jnp.zeros((16,), jnp.int32) + l])
            p = p0 + l
            plsc.store_scatter(
                tokidx,
                [jnp.right_shift(p, 7), jnp.bitwise_and(p, IDXC - 1)], t)
        return carry

    lax.fori_loop(0, ROWS_W // 16, body, 0)
    pltpu.sync_copy(tokidx,
                    out_hbm.at[pl.ds(wid * TOK_IDX_ROWS, TOK_IDX_ROWS), :])


@functools.partial(
    pl.kernel,
    out_type=jax.ShapeDtypeStruct((B, 2 * EMBED), jnp.float32),
    mesh=_mesh,
    compiler_params=pltpu.CompilerParams(
        needs_layout_passes=False, use_tc_tiling_on_sc=False),
    scratch_types=[
        pltpu.VMEM((TOK_IDX_ROWS, IDXC), jnp.int32),
        pltpu.VMEM((ART_IDX_ROWS, IDXC), jnp.int32),
        pltpu.VMEM((ROWS_W, EMBED), jnp.float32),
        pltpu.VMEM((2, CHUNK * L, EMBED), jnp.float32),
        pltpu.VMEM((ROWS_W,), jnp.float32),
        pltpu.VMEM((ROWS_W,), jnp.float32),
        pltpu.VMEM((1, EMBED), jnp.float32),
        pltpu.VMEM((2, CHUNK, EMBED), jnp.float32),
        pltpu.SemaphoreType.DMA,
        pltpu.SemaphoreType.DMA,
        pltpu.SemaphoreType.DMA,
        pltpu.SemaphoreType.DMA,
        pltpu.SemaphoreType.DMA,
    ],
)
def _main_kernel(tokidx_hbm, artid_hbm, art_tab, txt_tab, out_hbm,
                 tokidx, artidx, artrows, tokrows, rcnt, zcnt, row0, outbuf,
                 sem_a, sem_b, sem_art, sem_oa, sem_ob):
    wid = lax.axis_index("s") * NC + lax.axis_index("c")
    base = wid * ROWS_W

    pltpu.sync_copy(tokidx_hbm.at[pl.ds(wid * TOK_IDX_ROWS, TOK_IDX_ROWS), :],
                    tokidx)
    for j in range(ART_IDX_ROWS):
        pltpu.sync_copy(artid_hbm.at[pl.ds(base + j * IDXC, IDXC)],
                        artidx.at[j])
    pltpu.sync_copy(txt_tab.at[pl.ds(0, 1), :], row0)

    art_copies = [pltpu.async_copy(
        art_tab.at[artidx.at[j]],
        artrows.at[pl.ds(j * IDXC, IDXC), :], sem_art)
        for j in range(ART_IDX_ROWS)]

    def fire_chunk(c, par, sem):
        for j in range(BURSTS):
            pltpu.async_copy(
                txt_tab.at[tokidx.at[c * BURSTS + j]],
                tokrows.at[par, pl.ds(j * IDXC, IDXC), :],
                sem)

    fire_chunk(0, 0, sem_a)
    fire_chunk(1, 1, sem_b)

    lane = lax.iota(jnp.int32, 16)

    def cnt_body(g, carry):
        p0 = (g * 16 + lane) * L
        cntf = jnp.zeros((16,), jnp.float32)
        for l in range(L):
            p = p0 + l
            t = plsc.load_gather(
                tokidx, [jnp.right_shift(p, 7), jnp.bitwise_and(p, IDXC - 1)])
            cntf = cntf + (t != 0).astype(jnp.float32)
        rcnt[pl.ds(g * 16, 16)] = 1.0 / jnp.maximum(cntf, 1.0)
        zcnt[pl.ds(g * 16, 16)] = jnp.float32(L) - cntf
        return carry

    lax.fori_loop(0, ROWS_W // 16, cnt_body, 0)

    r0a = row0[0, pl.ds(0, 16)]
    r0b = row0[0, pl.ds(16, 16)]

    for cp in art_copies:
        cp.wait()
    art_out = pltpu.async_copy(
        artrows, out_hbm.at[pl.ds(base, ROWS_W), pl.ds(0, EMBED)], sem_art)

    def drain(ref_slice, sem):
        pltpu.make_async_copy(txt_tab.at[pl.ds(0, CHUNK * L), :],
                              ref_slice, sem).wait()

    def drain_out(par, sem):
        pltpu.make_async_copy(
            txt_tab.at[pl.ds(0, CHUNK), :], outbuf.at[par], sem).wait()

    def do_chunk(c, par):
        def row_body(rr, rcarry):
            for half in range(2):
                r = rr * 2 + half
                g = c * CHUNK + r
                acc0 = tokrows[par, r * L, pl.ds(0, 16)]
                acc1 = tokrows[par, r * L, pl.ds(16, 16)]
                for l in range(1, L):
                    acc0 = acc0 + tokrows[par, r * L + l, pl.ds(0, 16)]
                    acc1 = acc1 + tokrows[par, r * L + l, pl.ds(16, 16)]
                gidx = jnp.zeros((16,), jnp.int32) + g
                rc = plsc.load_gather(rcnt, [gidx])
                zc = plsc.load_gather(zcnt, [gidx])
                outbuf[par, r, pl.ds(0, 16)] = (acc0 - zc * r0a) * rc
                outbuf[par, r, pl.ds(16, 16)] = (acc1 - zc * r0b) * rc
            return rcarry

        lax.fori_loop(0, CHUNK // 2, row_body, 0)

    def pair_body(c2, carry):
        c = c2 * 2
        drain(tokrows.at[0], sem_a)

        @pl.when(c2 >= 1)
        def _():
            drain_out(0, sem_oa)

        do_chunk(c, 0)
        pltpu.async_copy(
            outbuf.at[0],
            out_hbm.at[pl.ds(base + c * CHUNK, CHUNK), pl.ds(EMBED, EMBED)],
            sem_oa)

        @pl.when(c2 < NCHUNK // 2 - 1)
        def _():
            fire_chunk(c + 2, 0, sem_a)

        drain(tokrows.at[1], sem_b)

        @pl.when(c2 >= 1)
        def _():
            drain_out(1, sem_ob)

        do_chunk(c + 1, 1)
        pltpu.async_copy(
            outbuf.at[1],
            out_hbm.at[pl.ds(base + (c + 1) * CHUNK, CHUNK),
                       pl.ds(EMBED, EMBED)],
            sem_ob)

        @pl.when(c2 < NCHUNK // 2 - 1)
        def _():
            fire_chunk(c + 3, 1, sem_b)
        return carry

    lax.fori_loop(0, NCHUNK // 2, pair_body, 0)
    drain_out(0, sem_oa)
    drain_out(1, sem_ob)
    art_out.wait()


def kernel(article_id, prod_name_tokens, article_table, text_table):
    tok2d = _repack_kernel(prod_name_tokens)
    return _main_kernel(tok2d, article_id, article_table, text_table)

# --- scband reference (transcript-rebuilt; emitter-appended) ---
"""Pipeline reference for scband-article-model-12549894439386 (READ-ONLY COPY).

The authoritative reference and input builder live on the scoring server;
editing this copy changes nothing except your own understanding.
"""

import jax, jax.numpy as jnp
import numpy as np

B = 16384
L = 20
ARTICLE_VOCAB = 100000
TEXT_VOCAB = 10000
EMBED = 32


def setup_inputs(seed: int = 0) -> dict:
    key = jax.random.key(seed)
    k1, k2, k3, k4 = jax.random.split(key, 4)
    article_id = jax.random.randint(k1, (B,), 0, ARTICLE_VOCAB, dtype=jnp.int32)
    prod_name_tokens = jax.random.randint(k2, (B, L), 0, TEXT_VOCAB, dtype=jnp.int32)
    article_table = jax.random.normal(k3, (ARTICLE_VOCAB, EMBED), dtype=jnp.float32) * 0.05
    text_table = jax.random.normal(k4, (TEXT_VOCAB, EMBED), dtype=jnp.float32) * 0.05
    return {
        "article_id": article_id,
        "prod_name_tokens": prod_name_tokens,
        "article_table": article_table,
        "text_table": text_table,
    }


def reference(article_id, prod_name_tokens, article_table, text_table):
    # article embedding branch: StringLookup already folded into integer ids
    art_emb = jnp.take(article_table, article_id, axis=0)  # [B, EMBED]
    # text branch: Embedding(mask_zero=True) + GlobalAveragePooling1D (masked mean)
    tok_emb = jnp.take(text_table, prod_name_tokens, axis=0)  # [B, L, EMBED]
    mask = (prod_name_tokens != 0).astype(jnp.float32)  # [B, L]
    summed = jnp.sum(tok_emb * mask[..., None], axis=1)  # [B, EMBED]
    cnt = jnp.maximum(jnp.sum(mask, axis=1, keepdims=True), 1.0)
    txt_emb = summed / cnt
    return jnp.concatenate([art_emb, txt_emb], axis=1)  # [B, 2*EMBED]

if __name__ == "__main__":
    import jax
    _d = setup_inputs()
    print(jax.jit(kernel)(*tuple(_d.values())))

</pallas_src>

<mosaic_0001>
#map = affine_map<(d0, d1) -> (0, 0)>
module attributes {stable_mosaic.version = 14 : i64} {
  func.func @_repack_kernel(%arg0: i32, %arg1: i32, %arg2: memref<16384x20xi32, #tpu.memory_space<hbm>>, %arg3: memref<2560x128xi32, #tpu.memory_space<hbm>>, %arg4: memref<512x20xi32, #tpu.memory_space<vmem>>, %arg5: memref<80x128xi32, #tpu.memory_space<vmem>>) attributes {dimension_semantics = [#tpu.dimension_semantics<core_parallel>, #tpu.dimension_semantics<subcore_parallel>], iteration_bounds = array<i64: 2, 16>, scalar_prefetch = 0 : i64, scratch_operands = 2 : i64, tpu.core_type = #tpu.core_type<sc_vector_subcore>, window_params = [{transform_indices = #map}, {transform_indices = #map}]} {
    %mul3A = arith.constant 2 : i32
    %mul3A_0 = arith.muli %arg1, %mul3A : i32
    %add3A = arith.addi %mul3A_0, %arg0 : i32
    %mul3A_1 = arith.constant 512 : i32
    %mul3A_2 = arith.muli %add3A, %mul3A_1 : i32
    "tpu.region"() ({
      %run_scoped3A = tpu.sem_alloc : memref<!tpu.dma_semaphore, #tpu.memory_space<semaphore_mem>>
      %dma_start3A = arith.constant 0 : i32
      %dma_start3A_10 = tpu.memref_slice %arg2[%mul3A_2, %dma_start3A] : memref<16384x20xi32, #tpu.memory_space<hbm>> -> memref<512x20xi32, #tpu.memory_space<hbm>>
      %dma_start3A_11 = arith.constant 0 : i32
      %dma_start3A_12 = tpu.memref_slice %arg2[%mul3A_2, %dma_start3A_11] : memref<16384x20xi32, #tpu.memory_space<hbm>> -> memref<512x20xi32, #tpu.memory_space<hbm>>
      tpu.enqueue_dma source(%dma_start3A_12 : memref<512x20xi32, #tpu.memory_space<hbm>>) target(%arg4 : memref<512x20xi32, #tpu.memory_space<vmem>>) target_semaphore(%run_scoped3A : memref<!tpu.dma_semaphore, #tpu.memory_space<semaphore_mem>>)
      %dma_wait3A = arith.constant 0 : i32
      %dma_wait3A_13 = tpu.memref_slice %arg2[%mul3A_2, %dma_wait3A] : memref<16384x20xi32, #tpu.memory_space<hbm>> -> memref<512x20xi32, #tpu.memory_space<hbm>>
      %dma_wait3A_14 = arith.constant 0 : i32
      %dma_wait3A_15 = tpu.memref_slice %arg2[%mul3A_2, %dma_wait3A_14] : memref<16384x20xi32, #tpu.memory_space<hbm>> -> memref<512x20xi32, #tpu.memory_space<hbm>>
      tpu.wait_dma2 semaphore(%run_scoped3A : memref<!tpu.dma_semaphore, #tpu.memory_space<semaphore_mem>>) src(%dma_wait3A_15 : memref<512x20xi32, #tpu.memory_space<hbm>>) dst(%arg4 : memref<512x20xi32, #tpu.memory_space<vmem>>)
      tpu.yield
    }) : () -> ()
    %iota3A = tpu.iota {dimensions = array<i32: 0>} : vector<16xi32>
    %scan3A = arith.constant 0 : i32
    %scan3A_3 = arith.constant 0 : i32
    %scan3A_4 = arith.constant 32 : i32
    %scan3A_5 = arith.addi %scan3A_3, %scan3A_4 : i32
    %scan3A_6 = arith.constant 1 : i32
    scf.for %scan3A_10 = %scan3A_3 to %scan3A_5 step %scan3A_6  : i32 {
      %mul3A_11 = arith.constant 16 : i32
      %mul3A_12 = arith.muli %scan3A_10, %mul3A_11 : i32
      %add3A_13 = vector.broadcast %mul3A_12 : i32 to vector<16xi32>
      %add3A_14 = arith.addi %add3A_13, %iota3A : vector<16xi32>
      %mul3A_15 = arith.constant 20 : i32
      %mul3A_16 = vector.broadcast %mul3A_15 : i32 to vector<16xi32>
      %mul3A_17 = arith.muli %add3A_14, %mul3A_16 : vector<16xi32>
      %broadcast_in_dim3A = arith.constant 0 : i32
      %broadcast_in_dim3A_18 = vector.broadcast %broadcast_in_dim3A : i32 to vector<16xi32>
      %add3A_19 = arith.constant 0 : i32
      %add3A_20 = vector.broadcast %add3A_19 : i32 to vector<16xi32>
      %add3A_21 = arith.addi %broadcast_in_dim3A_18, %add3A_20 : vector<16xi32>
      %gather3A = tpu.vector_load_idx %arg4[%add3A_14, %add3A_21] : memref<512x20xi32, #tpu.memory_space<vmem>>[vector<16xi32>, vector<16xi32>], vector<16xi32>,
      %add3A_22 = arith.constant 0 : i32
      %add3A_23 = vector.broadcast %add3A_22 : i32 to vector<16xi32>
      %add3A_24 = arith.addi %mul3A_17, %add3A_23 : vector<16xi32>
      %shift_right_arithmetic3A = arith.constant 7 : i32
      %shift_right_arithmetic3A_25 = vector.broadcast %shift_right_arithmetic3A : i32 to vector<16xi32>
      %shift_right_arithmetic3A_26 = arith.shrsi %add3A_24, %shift_right_arithmetic3A_25 : vector<16xi32>
      %and3A = arith.constant 127 : i32
      %and3A_27 = vector.broadcast %and3A : i32 to vector<16xi32>
      %and3A_28 = arith.andi %add3A_24, %and3A_27 : vector<16xi32>
      tpu.vector_store_idx %arg5[%shift_right_arithmetic3A_26, %and3A_28], %gather3A : memref<80x128xi32, #tpu.memory_space<vmem>>[vector<16xi32>, vector<16xi32>], vector<16xi32>,
      %broadcast_in_dim3A_29 = arith.constant 0 : i32
      %broadcast_in_dim3A_30 = vector.broadcast %broadcast_in_dim3A_29 : i32 to vector<16xi32>
      %add3A_31 = arith.constant 1 : i32
      %add3A_32 = vector.broadcast %add3A_31 : i32 to vector<16xi32>
      %add3A_33 = arith.addi %broadcast_in_dim3A_30, %add3A_32 : vector<16xi32>
      %gather3A_34 = tpu.vector_load_idx %arg4[%add3A_14, %add3A_33] : memref<512x20xi32, #tpu.memory_space<vmem>>[vector<16xi32>, vector<16xi32>], vector<16xi32>,
      %add3A_35 = arith.constant 1 : i32
      %add3A_36 = vector.broadcast %add3A_35 : i32 to vector<16xi32>
      %add3A_37 = arith.addi %mul3A_17, %add3A_36 : vector<16xi32>
      %shift_right_arithmetic3A_38 = arith.constant 7 : i32
      %shift_right_arithmetic3A_39 = vector.broadcast %shift_right_arithmetic3A_38 : i32 to vector<16xi32>
      %shift_right_arithmetic3A_40 = arith.shrsi %add3A_37, %shift_right_arithmetic3A_39 : vector<16xi32>
      %and3A_41 = arith.constant 127 : i32
      %and3A_42 = vector.broadcast %and3A_41 : i32 to vector<16xi32>
      %and3A_43 = arith.andi %add3A_37, %and3A_42 : vector<16xi32>
      tpu.vector_store_idx %arg5[%shift_right_arithmetic3A_40, %and3A_43], %gather3A_34 : memref<80x128xi32, #tpu.memory_space<vmem>>[vector<16xi32>, vector<16xi32>], vector<16xi32>,
      %broadcast_in_dim3A_44 = arith.constant 0 : i32
      %broadcast_in_dim3A_45 = vector.broadcast %broadcast_in_dim3A_44 : i32 to vector<16xi32>
      %add3A_46 = arith.constant 2 : i32
      %add3A_47 = vector.broadcast %add3A_46 : i32 to vector<16xi32>
      %add3A_48 = arith.addi %broadcast_in_dim3A_45, %add3A_47 : vector<16xi32>
      %gather3A_49 = tpu.vector_load_idx %arg4[%add3A_14, %add3A_48] : memref<512x20xi32, #tpu.memory_space<vmem>>[vector<16xi32>, vector<16xi32>], vector<16xi32>,
      %add3A_50 = arith.constant 2 : i32
      %add3A_51 = vector.broadcast %add3A_50 : i32 to vector<16xi32>
      %add3A_52 = arith.addi %mul3A_17, %add3A_51 : vector<16xi32>
      %shift_right_arithmetic3A_53 = arith.constant 7 : i32
      %shift_right_arithmetic3A_54 = vector.broadcast %shift_right_arithmetic3A_53 : i32 to vector<16xi32>
      %shift_right_arithmetic3A_55 = arith.shrsi %add3A_52, %shift_right_arithmetic3A_54 : vector<16xi32>
      %and3A_56 = arith.constant 127 : i32
      %and3A_57 = vector.broadcast %and3A_56 : i32 to vector<16xi32>
      %and3A_58 = arith.andi %add3A_52, %and3A_57 : vector<16xi32>
      tpu.vector_store_idx %arg5[%shift_right_arithmetic3A_55, %and3A_58], %gather3A_49 : memref<80x128xi32, #tpu.memory_space<vmem>>[vector<16xi32>, vector<16xi32>], vector<16xi32>,
      %broadcast_in_dim3A_59 = arith.constant 0 : i32
      %broadcast_in_dim3A_60 = vector.broadcast %broadcast_in_dim3A_59 : i32 to vector<16xi32>
      %add3A_61 = arith.constant 3 : i32
      %add3A_62 = vector.broadcast %add3A_61 : i32 to vector<16xi32>
      %add3A_63 = arith.addi %broadcast_in_dim3A_60, %add3A_62 : vector<16xi32>
      %gather3A_64 = tpu.vector_load_idx %arg4[%add3A_14, %add3A_63] : memref<512x20xi32, #tpu.memory_space<vmem>>[vector<16xi32>, vector<16xi32>], vector<16xi32>,
      %add3A_65 = arith.constant 3 : i32
      %add3A_66 = vector.broadcast %add3A_65 : i32 to vector<16xi32>
      %add3A_67 = arith.addi %mul3A_17, %add3A_66 : vector<16xi32>
      %shift_right_arithmetic3A_68 = arith.constant 7 : i32
      %shift_right_arithmetic3A_69 = vector.broadcast %shift_right_arithmetic3A_68 : i32 to vector<16xi32>
      %shift_right_arithmetic3A_70 = arith.shrsi %add3A_67, %shift_right_arithmetic3A_69 : vector<16xi32>
      %and3A_71 = arith.constant 127 : i32
      %and3A_72 = vector.broadcast %and3A_71 : i32 to vector<16xi32>
      %and3A_73 = arith.andi %add3A_67, %and3A_72 : vector<16xi32>
      tpu.vector_store_idx %arg5[%shift_right_arithmetic3A_70, %and3A_73], %gather3A_64 : memref<80x128xi32, #tpu.memory_space<vmem>>[vector<16xi32>, vector<16xi32>], vector<16xi32>,
      %broadcast_in_dim3A_74 = arith.constant 0 : i32
      %broadcast_in_dim3A_75 = vector.broadcast %broadcast_in_dim3A_74 : i32 to vector<16xi32>
      %add3A_76 = arith.constant 4 : i32
      %add3A_77 = vector.broadcast %add3A_76 : i32 to vector<16xi32>
      %add3A_78 = arith.addi %broadcast_in_dim3A_75, %add3A_77 : vector<16xi32>
      %gather3A_79 = tpu.vector_load_idx %arg4[%add3A_14, %add3A_78] : memref<512x20xi32, #tpu.memory_space<vmem>>[vector<16xi32>, vector<16xi32>], vector<16xi32>,
      %add3A_80 = arith.constant 4 : i32
      %add3A_81 = vector.broadcast %add3A_80 : i32 to vector<16xi32>
      %add3A_82 = arith.addi %mul3A_17, %add3A_81 : vector<16xi32>
      %shift_right_arithmetic3A_83 = arith.constant 7 : i32
      %shift_right_arithmetic3A_84 = vector.broadcast %shift_right_arithmetic3A_83 : i32 to vector<16xi32>
      %shift_right_arithmetic3A_85 = arith.shrsi %add3A_82, %shift_right_arithmetic3A_84 : vector<16xi32>
      %and3A_86 = arith.constant 127 : i32
      %and3A_87 = vector.broadcast %and3A_86 : i32 to vector<16xi32>
      %and3A_88 = arith.andi %add3A_82, %and3A_87 : vector<16xi32>
      tpu.vector_store_idx %arg5[%shift_right_arithmetic3A_85, %and3A_88], %gather3A_79 : memref<80x128xi32, #tpu.memory_space<vmem>>[vector<16xi32>, vector<16xi32>], vector<16xi32>,
      %broadcast_in_dim3A_89 = arith.constant 0 : i32
      %broadcast_in_dim3A_90 = vector.broadcast %broadcast_in_dim3A_89 : i32 to vector<16xi32>
      %add3A_91 = arith.constant 5 : i32
      %add3A_92 = vector.broadcast %add3A_91 : i32 to vector<16xi32>
      %add3A_93 = arith.addi %broadcast_in_dim3A_90, %add3A_92 : vector<16xi32>
      %gather3A_94 = tpu.vector_load_idx %arg4[%add3A_14, %add3A_93] : memref<512x20xi32, #tpu.memory_space<vmem>>[vector<16xi32>, vector<16xi32>], vector<16xi32>,
      %add3A_95 = arith.constant 5 : i32
      %add3A_96 = vector.broadcast %add3A_95 : i32 to vector<16xi32>
      %add3A_97 = arith.addi %mul3A_17, %add3A_96 : vector<16xi32>
      %shift_right_arithmetic3A_98 = arith.constant 7 : i32
      %shift_right_arithmetic3A_99 = vector.broadcast %shift_right_arithmetic3A_98 : i32 to vector<16xi32>
      %shift_right_arithmetic3A_100 = arith.shrsi %add3A_97, %shift_right_arithmetic3A_99 : vector<16xi32>
      %and3A_101 = arith.constant 127 : i32
      %and3A_102 = vector.broadcast %and3A_101 : i32 to vector<16xi32>
      %and3A_103 = arith.andi %add3A_97, %and3A_102 : vector<16xi32>
      tpu.vector_store_idx %arg5[%shift_right_arithmetic3A_100, %and3A_103], %gather3A_94 : memref<80x128xi32, #tpu.memory_space<vmem>>[vector<16xi32>, vector<16xi32>], vector<16xi32>,
      %broadcast_in_dim3A_104 = arith.constant 0 : i32
      %broadcast_in_dim3A_105 = vector.broadcast %broadcast_in_dim3A_104 : i32 to vector<16xi32>
      %add3A_106 = arith.constant 6 : i32
      %add3A_107 = vector.broadcast %add3A_106 : i32 to vector<16xi32>
      %add3A_108 = arith.addi %broadcast_in_dim3A_105, %add3A_107 : vector<16xi32>
      %gather3A_109 = tpu.vector_load_idx %arg4[%add3A_14, %add3A_108] : memref<512x20xi32, #tpu.memory_space<vmem>>[vector<16xi32>, vector<16xi32>], vector<16xi32>,
      %add3A_110 = arith.constant 6 : i32
      %add3A_111 = vector.broadcast %add3A_110 : i32 to vector<16xi32>
      %add3A_112 = arith.addi %mul3A_17, %add3A_111 : vector<16xi32>
      %shift_right_arithmetic3A_113 = arith.constant 7 : i32
      %shift_right_arithmetic3A_114 = vector.broadcast %shift_right_arithmetic3A_113 : i32 to vector<16xi32>
      %shift_right_arithmetic3A_115 = arith.shrsi %add3A_112, %shift_right_arithmetic3A_114 : vector<16xi32>
      %and3A_116 = arith.constant 127 : i32
      %and3A_117 = vector.broadcast %and3A_116 : i32 to vector<16xi32>
      %and3A_118 = arith.andi %add3A_112, %and3A_117 : vector<16xi32>
      tpu.vector_store_idx %arg5[%shift_right_arithmetic3A_115, %and3A_118], %gather3A_109 : memref<80x128xi32, #tpu.memory_space<vmem>>[vector<16xi32>, vector<16xi32>], vector<16xi32>,
      %broadcast_in_dim3A_119 = arith.constant 0 : i32
      %broadcast_in_dim3A_120 = vector.broadcast %broadcast_in_dim3A_119 : i32 to vector<16xi32>
      %add3A_121 = arith.constant 7 : i32
      %add3A_122 = vector.broadcast %add3A_121 : i32 to vector<16xi32>
      %add3A_123 = arith.addi %broadcast_in_dim3A_120, %add3A_122 : vector<16xi32>
      %gather3A_124 = tpu.vector_load_idx %arg4[%add3A_14, %add3A_123] : memref<512x20xi32, #tpu.memory_space<vmem>>[vector<16xi32>, vector<16xi32>], vector<16xi32>,
      %add3A_125 = arith.constant 7 : i32
      %add3A_126 = vector.broadcast %add3A_125 : i32 to vector<16xi32>
      %add3A_127 = arith.addi %mul3A_17, %add3A_126 : vector<16xi32>
      %shift_right_arithmetic3A_128 = arith.constant 7 : i32
      %shift_right_arithmetic3A_129 = vector.broadcast %shift_right_arithmetic3A_128 : i32 to vector<16xi32>
      %shift_right_arithmetic3A_130 = arith.shrsi %add3A_127, %shift_right_arithmetic3A_129 : vector<16xi32>
      %and3A_131 = arith.constant 127 : i32
      %and3A_132 = vector.broadcast %and3A_131 : i32 to vector<16xi32>
      %and3A_133 = arith.andi %add3A_127, %and3A_132 : vector<16xi32>
      tpu.vector_store_idx %arg5[%shift_right_arithmetic3A_130, %and3A_133], %gather3A_124 : memref<80x128xi32, #tpu.memory_space<vmem>>[vector<16xi32>, vector<16xi32>], vector<16xi32>,
      %broadcast_in_dim3A_134 = arith.constant 0 : i32
      %broadcast_in_dim3A_135 = vector.broadcast %broadcast_in_dim3A_134 : i32 to vector<16xi32>
      %add3A_136 = arith.constant 8 : i32
      %add3A_137 = vector.broadcast %add3A_136 : i32 to vector<16xi32>
      %add3A_138 = arith.addi %broadcast_in_dim3A_135, %add3A_137 : vector<16xi32>
      %gather3A_139 = tpu.vector_load_idx %arg4[%add3A_14, %add3A_138] : memref<512x20xi32, #tpu.memory_space<vmem>>[vector<16xi32>, vector<16xi32>], vector<16xi32>,
      %add3A_140 = arith.constant 8 : i32
      %add3A_141 = vector.broadcast %add3A_140 : i32 to vector<16xi32>
      %add3A_142 = arith.addi %mul3A_17, %add3A_141 : vector<16xi32>
      %shift_right_arithmetic3A_143 = arith.constant 7 : i32
      %shift_right_arithmetic3A_144 = vector.broadcast %shift_right_arithmetic3A_143 : i32 to vector<16xi32>
      %shift_right_arithmetic3A_145 = arith.shrsi %add3A_142, %shift_right_arithmetic3A_144 : vector<16xi32>
      %and3A_146 = arith.constant 127 : i32
      %and3A_147 = vector.broadcast %and3A_146 : i32 to vector<16xi32>
      %and3A_148 = arith.andi %add3A_142, %and3A_147 : vector<16xi32>
      tpu.vector_store_idx %arg5[%shift_right_arithmetic3A_145, %and3A_148], %gather3A_139 : memref<80x128xi32, #tpu.memory_space<vmem>>[vector<16xi32>, vector<16xi32>], vector<16xi32>,
      %broadcast_in_dim3A_149 = arith.constant 0 : i32
      %broadcast_in_dim3A_150 = vector.broadcast %broadcast_in_dim3A_149 : i32 to vector<16xi32>
      %add3A_151 = arith.constant 9 : i32
      %add3A_152 = vector.broadcast %add3A_151 : i32 to vector<16xi32>
      %add3A_153 = arith.addi %broadcast_in_dim3A_150, %add3A_152 : vector<16xi32>
      %gather3A_154 = tpu.vector_load_idx %arg4[%add3A_14, %add3A_153] : memref<512x20xi32, #tpu.memory_space<vmem>>[vector<16xi32>, vector<16xi32>], vector<16xi32>,
      %add3A_155 = arith.constant 9 : i32
      %add3A_156 = vector.broadcast %add3A_155 : i32 to vector<16xi32>
      %add3A_157 = arith.addi %mul3A_17, %add3A_156 : vector<16xi32>
      %shift_right_arithmetic3A_158 = arith.constant 7 : i32
      %shift_right_arithmetic3A_159 = vector.broadcast %shift_right_arithmetic3A_158 : i32 to vector<16xi32>
      %shift_right_arithmetic3A_160 = arith.shrsi %add3A_157, %shift_right_arithmetic3A_159 : vector<16xi32>
      %and3A_161 = arith.constant 127 : i32
      %and3A_162 = vector.broadcast %and3A_161 : i32 to vector<16xi32>
      %and3A_163 = arith.andi %add3A_157, %and3A_162 : vector<16xi32>
      tpu.vector_store_idx %arg5[%shift_right_arithmetic3A_160, %and3A_163], %gather3A_154 : memref<80x128xi32, #tpu.memory_space<vmem>>[vector<16xi32>, vector<16xi32>], vector<16xi32>,
      %broadcast_in_dim3A_164 = arith.constant 0 : i32
      %broadcast_in_dim3A_165 = vector.broadcast %broadcast_in_dim3A_164 : i32 to vector<16xi32>
      %add3A_166 = arith.constant 10 : i32
      %add3A_167 = vector.broadcast %add3A_166 : i32 to vector<16xi32>
      %add3A_168 = arith.addi %broadcast_in_dim3A_165, %add3A_167 : vector<16xi32>
      %gather3A_169 = tpu.vector_load_idx %arg4[%add3A_14, %add3A_168] : memref<512x20xi32, #tpu.memory_space<vmem>>[vector<16xi32>, vector<16xi32>], vector<16xi32>,
      %add3A_170 = arith.constant 10 : i32
      %add3A_171 = vector.broadcast %add3A_170 : i32 to vector<16xi32>
      %add3A_172 = arith.addi %mul3A_17, %add3A_171 : vector<16xi32>
      %shift_right_arithmetic3A_173 = arith.constant 7 : i32
      %shift_right_arithmetic3A_174 = vector.broadcast %shift_right_arithmetic3A_173 : i32 to vector<16xi32>
      %shift_right_arithmetic3A_175 = arith.shrsi %add3A_172, %shift_right_arithmetic3A_174 : vector<16xi32>
      %and3A_176 = arith.constant 127 : i32
      %and3A_177 = vector.broadcast %and3A_176 : i32 to vector<16xi32>
      %and3A_178 = arith.andi %add3A_172, %and3A_177 : vector<16xi32>
      tpu.vector_store_idx %arg5[%shift_right_arithmetic3A_175, %and3A_178], %gather3A_169 : memref<80x128xi32, #tpu.memory_space<vmem>>[vector<16xi32>, vector<16xi32>], vector<16xi32>,
      %broadcast_in_dim3A_179 = arith.constant 0 : i32
      %broadcast_in_dim3A_180 = vector.broadcast %broadcast_in_dim3A_179 : i32 to vector<16xi32>
      %add3A_181 = arith.constant 11 : i32
      %add3A_182 = vector.broadcast %add3A_181 : i32 to vector<16xi32>
      %add3A_183 = arith.addi %broadcast_in_dim3A_180, %add3A_182 : vector<16xi32>
      %gather3A_184 = tpu.vector_load_idx %arg4[%add3A_14, %add3A_183] : memref<512x20xi32, #tpu.memory_space<vmem>>[vector<16xi32>, vector<16xi32>], vector<16xi32>,
      %add3A_185 = arith.constant 11 : i32
      %add3A_186 = vector.broadcast %add3A_185 : i32 to vector<16xi32>
      %add3A_187 = arith.addi %mul3A_17, %add3A_186 : vector<16xi32>
      %shift_right_arithmetic3A_188 = arith.constant 7 : i32
      %shift_right_arithmetic3A_189 = vector.broadcast %shift_right_arithmetic3A_188 : i32 to vector<16xi32>
      %shift_right_arithmetic3A_190 = arith.shrsi %add3A_187, %shift_right_arithmetic3A_189 : vector<16xi32>
      %and3A_191 = arith.constant 127 : i32
      %and3A_192 = vector.broadcast %and3A_191 : i32 to vector<16xi32>
      %and3A_193 = arith.andi %add3A_187, %and3A_192 : vector<16xi32>
      tpu.vector_store_idx %arg5[%shift_right_arithmetic3A_190, %and3A_193], %gather3A_184 : memref<80x128xi32, #tpu.memory_space<vmem>>[vector<16xi32>, vector<16xi32>], vector<16xi32>,
      %broadcast_in_dim3A_194 = arith.constant 0 : i32
      %broadcast_in_dim3A_195 = vector.broadcast %broadcast_in_dim3A_194 : i32 to vector<16xi32>
      %add3A_196 = arith.constant 12 : i32
      %add3A_197 = vector.broadcast %add3A_196 : i32 to vector<16xi32>
      %add3A_198 = arith.addi %broadcast_in_dim3A_195, %add3A_197 : vector<16xi32>
      %gather3A_199 = tpu.vector_load_idx %arg4[%add3A_14, %add3A_198] : memref<512x20xi32, #tpu.memory_space<vmem>>[vector<16xi32>, vector<16xi32>], vector<16xi32>,
      %add3A_200 = arith.constant 12 : i32
      %add3A_201 = vector.broadcast %add3A_200 : i32 to vector<16xi32>
      %add3A_202 = arith.addi %mul3A_17, %add3A_201 : vector<16xi32>
      %shift_right_arithmetic3A_203 = arith.constant 7 : i32
      %shift_right_arithmetic3A_204 = vector.broadcast %shift_right_arithmetic3A_203 : i32 to vector<16xi32>
      %shift_right_arithmetic3A_205 = arith.shrsi %add3A_202, %shift_right_arithmetic3A_204 : vector<16xi32>
      %and3A_206 = arith.constant 127 : i32
      %and3A_207 = vector.broadcast %and3A_206 : i32 to vector<16xi32>
      %and3A_208 = arith.andi %add3A_202, %and3A_207 : vector<16xi32>
      tpu.vector_store_idx %arg5[%shift_right_arithmetic3A_205, %and3A_208], %gather3A_199 : memref<80x128xi32, #tpu.memory_space<vmem>>[vector<16xi32>, vector<16xi32>], vector<16xi32>,
      %broadcast_in_dim3A_209 = arith.constant 0 : i32
      %broadcast_in_dim3A_210 = vector.broadcast %broadcast_in_dim3A_209 : i32 to vector<16xi32>
      %add3A_211 = arith.constant 13 : i32
      %add3A_212 = vector.broadcast %add3A_211 : i32 to vector<16xi32>
      %add3A_213 = arith.addi %broadcast_in_dim3A_210, %add3A_212 : vector<16xi32>
      %gather3A_214 = tpu.vector_load_idx %arg4[%add3A_14, %add3A_213] : memref<512x20xi32, #tpu.memory_space<vmem>>[vector<16xi32>, vector<16xi32>], vector<16xi32>,
      %add3A_215 = arith.constant 13 : i32
      %add3A_216 = vector.broadcast %add3A_215 : i32 to vector<16xi32>
      %add3A_217 = arith.addi %mul3A_17, %add3A_216 : vector<16xi32>
      %shift_right_arithmetic3A_218 = arith.constant 7 : i32
      %shift_right_arithmetic3A_219 = vector.broadcast %shift_right_arithmetic3A_218 : i32 to vector<16xi32>
      %shift_right_arithmetic3A_220 = arith.shrsi %add3A_217, %shift_right_arithmetic3A_219 : vector<16xi32>
      %and3A_221 = arith.constant 127 : i32
      %and3A_222 = vector.broadcast %and3A_221 : i32 to vector<16xi32>
      %and3A_223 = arith.andi %add3A_217, %and3A_222 : vector<16xi32>
      tpu.vector_store_idx %arg5[%shift_right_arithmetic3A_220, %and3A_223], %gather3A_214 : memref<80x128xi32, #tpu.memory_space<vmem>>[vector<16xi32>, vector<16xi32>], vector<16xi32>,
      %broadcast_in_dim3A_224 = arith.constant 0 : i32
      %broadcast_in_dim3A_225 = vector.broadcast %broadcast_in_dim3A_224 : i32 to vector<16xi32>
      %add3A_226 = arith.constant 14 : i32
      %add3A_227 = vector.broadcast %add3A_226 : i32 to vector<16xi32>
      %add3A_228 = arith.addi %broadcast_in_dim3A_225, %add3A_227 : vector<16xi32>
      %gather3A_229 = tpu.vector_load_idx %arg4[%add3A_14, %add3A_228] : memref<512x20xi32, #tpu.memory_space<vmem>>[vector<16xi32>, vector<16xi32>], vector<16xi32>,
      %add3A_230 = arith.constant 14 : i32
      %add3A_231 = vector.broadcast %add3A_230 : i32 to vector<16xi32>
      %add3A_232 = arith.addi %mul3A_17, %add3A_231 : vector<16xi32>
      %shift_right_arithmetic3A_233 = arith.constant 7 : i32
      %shift_right_arithmetic3A_234 = vector.broadcast %shift_right_arithmetic3A_233 : i32 to vector<16xi32>
      %shift_right_arithmetic3A_235 = arith.shrsi %add3A_232, %shift_right_arithmetic3A_234 : vector<16xi32>
      %and3A_236 = arith.constant 127 : i32
      %and3A_237 = vector.broadcast %and3A_236 : i32 to vector<16xi32>
      %and3A_238 = arith.andi %add3A_232, %and3A_237 : vector<16xi32>
      tpu.vector_store_idx %arg5[%shift_right_arithmetic3A_235, %and3A_238], %gather3A_229 : memref<80x128xi32, #tpu.memory_space<vmem>>[vector<16xi32>, vector<16xi32>], vector<16xi32>,
      %broadcast_in_dim3A_239 = arith.constant 0 : i32
      %broadcast_in_dim3A_240 = vector.broadcast %broadcast_in_dim3A_239 : i32 to vector<16xi32>
      %add3A_241 = arith.constant 15 : i32
      %add3A_242 = vector.broadcast %add3A_241 : i32 to vector<16xi32>
      %add3A_243 = arith.addi %broadcast_in_dim3A_240, %add3A_242 : vector<16xi32>
      %gather3A_244 = tpu.vector_load_idx %arg4[%add3A_14, %add3A_243] : memref<512x20xi32, #tpu.memory_space<vmem>>[vector<16xi32>, vector<16xi32>], vector<16xi32>,
      %add3A_245 = arith.constant 15 : i32
      %add3A_246 = vector.broadcast %add3A_245 : i32 to vector<16xi32>
      %add3A_247 = arith.addi %mul3A_17, %add3A_246 : vector<16xi32>
      %shift_right_arithmetic3A_248 = arith.constant 7 : i32
      %shift_right_arithmetic3A_249 = vector.broadcast %shift_right_arithmetic3A_248 : i32 to vector<16xi32>
      %shift_right_arithmetic3A_250 = arith.shrsi %add3A_247, %shift_right_arithmetic3A_249 : vector<16xi32>
      %and3A_251 = arith.constant 127 : i32
      %and3A_252 = vector.broadcast %and3A_251 : i32 to vector<16xi32>
      %and3A_253 = arith.andi %add3A_247, %and3A_252 : vector<16xi32>
      tpu.vector_store_idx %arg5[%shift_right_arithmetic3A_250, %and3A_253], %gather3A_244 : memref<80x128xi32, #tpu.memory_space<vmem>>[vector<16xi32>, vector<16xi32>], vector<16xi32>,
      %broadcast_in_dim3A_254 = arith.constant 0 : i32
      %broadcast_in_dim3A_255 = vector.broadcast %broadcast_in_dim3A_254 : i32 to vector<16xi32>
      %add3A_256 = arith.constant 16 : i32
      %add3A_257 = vector.broadcast %add3A_256 : i32 to vector<16xi32>
      %add3A_258 = arith.addi %broadcast_in_dim3A_255, %add3A_257 : vector<16xi32>
      %gather3A_259 = tpu.vector_load_idx %arg4[%add3A_14, %add3A_258] : memref<512x20xi32, #tpu.memory_space<vmem>>[vector<16xi32>, vector<16xi32>], vector<16xi32>,
      %add3A_260 = arith.constant 16 : i32
      %add3A_261 = vector.broadcast %add3A_260 : i32 to vector<16xi32>
      %add3A_262 = arith.addi %mul3A_17, %add3A_261 : vector<16xi32>
      %shift_right_arithmetic3A_263 = arith.constant 7 : i32
      %shift_right_arithmetic3A_264 = vector.broadcast %shift_right_arithmetic3A_263 : i32 to vector<16xi32>
      %shift_right_arithmetic3A_265 = arith.shrsi %add3A_262, %shift_right_arithmetic3A_264 : vector<16xi32>
      %and3A_266 = arith.constant 127 : i32
      %and3A_267 = vector.broadcast %and3A_266 : i32 to vector<16xi32>
      %and3A_268 = arith.andi %add3A_262, %and3A_267 : vector<16xi32>
      tpu.vector_store_idx %arg5[%shift_right_arithmetic3A_265, %and3A_268], %gather3A_259 : memref<80x128xi32, #tpu.memory_space<vmem>>[vector<16xi32>, vector<16xi32>], vector<16xi32>,
      %broadcast_in_dim3A_269 = arith.constant 0 : i32
      %broadcast_in_dim3A_270 = vector.broadcast %broadcast_in_dim3A_269 : i32 to vector<16xi32>
      %add3A_271 = arith.constant 17 : i32
      %add3A_272 = vector.broadcast %add3A_271 : i32 to vector<16xi32>
      %add3A_273 = arith.addi %broadcast_in_dim3A_270, %add3A_272 : vector<16xi32>
      %gather3A_274 = tpu.vector_load_idx %arg4[%add3A_14, %add3A_273] : memref<512x20xi32, #tpu.memory_space<vmem>>[vector<16xi32>, vector<16xi32>], vector<16xi32>,
      %add3A_275 = arith.constant 17 : i32
      %add3A_276 = vector.broadcast %add3A_275 : i32 to vector<16xi32>
      %add3A_277 = arith.addi %mul3A_17, %add3A_276 : vector<16xi32>
      %shift_right_arithmetic3A_278 = arith.constant 7 : i32
      %shift_right_arithmetic3A_279 = vector.broadcast %shift_right_arithmetic3A_278 : i32 to vector<16xi32>
      %shift_right_arithmetic3A_280 = arith.shrsi %add3A_277, %shift_right_arithmetic3A_279 : vector<16xi32>
      %and3A_281 = arith.constant 127 : i32
      %and3A_282 = vector.broadcast %and3A_281 : i32 to vector<16xi32>
      %and3A_283 = arith.andi %add3A_277, %and3A_282 : vector<16xi32>
      tpu.vector_store_idx %arg5[%shift_right_arithmetic3A_280, %and3A_283], %gather3A_274 : memref<80x128xi32, #tpu.memory_space<vmem>>[vector<16xi32>, vector<16xi32>], vector<16xi32>,
      %broadcast_in_dim3A_284 = arith.constant 0 : i32
      %broadcast_in_dim3A_285 = vector.broadcast %broadcast_in_dim3A_284 : i32 to vector<16xi32>
      %add3A_286 = arith.constant 18 : i32
      %add3A_287 = vector.broadcast %add3A_286 : i32 to vector<16xi32>
      %add3A_288 = arith.addi %broadcast_in_dim3A_285, %add3A_287 : vector<16xi32>
      %gather3A_289 = tpu.vector_load_idx %arg4[%add3A_14, %add3A_288] : memref<512x20xi32, #tpu.memory_space<vmem>>[vector<16xi32>, vector<16xi32>], vector<16xi32>,
      %add3A_290 = arith.constant 18 : i32
      %add3A_291 = vector.broadcast %add3A_290 : i32 to vector<16xi32>
      %add3A_292 = arith.addi %mul3A_17, %add3A_291 : vector<16xi32>
      %shift_right_arithmetic3A_293 = arith.constant 7 : i32
      %shift_right_arithmetic3A_294 = vector.broadcast %shift_right_arithmetic3A_293 : i32 to vector<16xi32>
      %shift_right_arithmetic3A_295 = arith.shrsi %add3A_292, %shift_right_arithmetic3A_294 : vector<16xi32>
      %and3A_296 = arith.constant 127 : i32
      %and3A_297 = vector.broadcast %and3A_296 : i32 to vector<16xi32>
      %and3A_298 = arith.andi %add3A_292, %and3A_297 : vector<16xi32>
      tpu.vector_store_idx %arg5[%shift_right_arithmetic3A_295, %and3A_298], %gather3A_289 : memref<80x128xi32, #tpu.memory_space<vmem>>[vector<16xi32>, vector<16xi32>], vector<16xi32>,
      %broadcast_in_dim3A_299 = arith.constant 0 : i32
      %broadcast_in_dim3A_300 = vector.broadcast %broadcast_in_dim3A_299 : i32 to vector<16xi32>
      %add3A_301 = arith.constant 19 : i32
      %add3A_302 = vector.broadcast %add3A_301 : i32 to vector<16xi32>
      %add3A_303 = arith.addi %broadcast_in_dim3A_300, %add3A_302 : vector<16xi32>
      %gather3A_304 = tpu.vector_load_idx %arg4[%add3A_14, %add3A_303] : memref<512x20xi32, #tpu.memory_space<vmem>>[vector<16xi32>, vector<16xi32>], vector<16xi32>,
      %add3A_305 = arith.constant 19 : i32
      %add3A_306 = vector.broadcast %add3A_305 : i32 to vector<16xi32>
      %add3A_307 = arith.addi %mul3A_17, %add3A_306 : vector<16xi32>
      %shift_right_arithmetic3A_308 = arith.constant 7 : i32
      %shift_right_arithmetic3A_309 = vector.broadcast %shift_right_arithmetic3A_308 : i32 to vector<16xi32>
      %shift_right_arithmetic3A_310 = arith.shrsi %add3A_307, %shift_right_arithmetic3A_309 : vector<16xi32>
      %and3A_311 = arith.constant 127 : i32
      %and3A_312 = vector.broadcast %and3A_311 : i32 to vector<16xi32>
      %and3A_313 = arith.andi %add3A_307, %and3A_312 : vector<16xi32>
      tpu.vector_store_idx %arg5[%shift_right_arithmetic3A_310, %and3A_313], %gather3A_304 : memref<80x128xi32, #tpu.memory_space<vmem>>[vector<16xi32>, vector<16xi32>], vector<16xi32>,
    }
    %scan3A_7 = arith.constant 32 : i32
    %mul3A_8 = arith.constant 80 : i32
    %mul3A_9 = arith.muli %add3A, %mul3A_8 : i32
    "tpu.region"() ({
      %run_scoped3A = tpu.sem_alloc : memref<!tpu.dma_semaphore, #tpu.memory_space<semaphore_mem>>
      %dma_start3A = arith.constant 0 : i32
      %dma_start3A_10 = tpu.memref_slice %arg3[%mul3A_9, %dma_start3A] : memref<2560x128xi32, #tpu.memory_space<hbm>> -> memref<80x128xi32, #tpu.memory_space<hbm>>
      %dma_start3A_11 = arith.constant 0 : i32
      %dma_start3A_12 = tpu.memref_slice %arg3[%mul3A_9, %dma_start3A_11] : memref<2560x128xi32, #tpu.memory_space<hbm>> -> memref<80x128xi32, #tpu.memory_space<hbm>>
      tpu.enqueue_dma source(%arg5 : memref<80x128xi32, #tpu.memory_space<vmem>>) target(%dma_start3A_12 : memref<80x128xi32, #tpu.memory_space<hbm>>) target_semaphore(%run_scoped3A : memref<!tpu.dma_semaphore, #tpu.memory_space<semaphore_mem>>)
      %dma_wait3A = arith.constant 0 : i32
      %dma_wait3A_13 = tpu.memref_slice %arg3[%mul3A_9, %dma_wait3A] : memref<2560x128xi32, #tpu.memory_space<hbm>> -> memref<80x128xi32, #tpu.memory_space<hbm>>
      %dma_wait3A_14 = arith.constant 0 : i32
      %dma_wait3A_15 = tpu.memref_slice %arg3[%mul3A_9, %dma_wait3A_14] : memref<2560x128xi32, #tpu.memory_space<hbm>> -> memref<80x128xi32, #tpu.memory_space<hbm>>
      tpu.wait_dma2 semaphore(%run_scoped3A : memref<!tpu.dma_semaphore, #tpu.memory_space<semaphore_mem>>) src(%arg5 : memref<80x128xi32, #tpu.memory_space<vmem>>) dst(%dma_wait3A_15 : memref<80x128xi32, #tpu.memory_space<hbm>>)
      tpu.yield
    }) : () -> ()
    return
  }
}

#map = affine_map<(d0, d1) -> (0, 0)>
#map1 = affine_map<(d0, d1) -> (0)>
module attributes {stable_mosaic.version = 14 : i64} {
  func.func @_main_kernel(%arg0: i32, %arg1: i32, %arg2: memref<2560x128xi32, #tpu.memory_space<hbm>>, %arg3: memref<16384xi32, #tpu.memory_space<hbm>>, %arg4: memref<100000x32xf32, #tpu.memory_space<hbm>>, %arg5: memref<10000x32xf32, #tpu.memory_space<hbm>>, %arg6: memref<16384x64xf32, #tpu.memory_space<hbm>>, %arg7: memref<80x128xi32, #tpu.memory_space<vmem>>, %arg8: memref<4x128xi32, #tpu.memory_space<vmem>>, %arg9: memref<512x32xf32, #tpu.memory_space<vmem>>, %arg10: memref<2x640x32xf32, #tpu.memory_space<vmem>>, %arg11: memref<512xf32, #tpu.memory_space<vmem>>, %arg12: memref<512xf32, #tpu.memory_space<vmem>>, %arg13: memref<1x32xf32, #tpu.memory_space<vmem>>, %arg14: memref<2x32x32xf32, #tpu.memory_space<vmem>>, %arg15: memref<!tpu.dma_semaphore, #tpu.memory_space<semaphore_mem>>, %arg16: memref<!tpu.dma_semaphore, #tpu.memory_space<semaphore_mem>>, %arg17: memref<!tpu.dma_semaphore, #tpu.memory_space<semaphore_mem>>, %arg18: memref<!tpu.dma_semaphore, #tpu.memory_space<semaphore_mem>>, %arg19: memref<!tpu.dma_semaphore, #tpu.memory_space<semaphore_mem>>) attributes {dimension_semantics = [#tpu.dimension_semantics<core_parallel>, #tpu.dimension_semantics<subcore_parallel>], iteration_bounds = array<i64: 2, 16>, scalar_prefetch = 0 : i64, scratch_operands = 13 : i64, tpu.core_type = #tpu.core_type<sc_vector_subcore>, window_params = [{transform_indices = #map}, {transform_indices = #map1}, {transform_indices = #map}, {transform_indices = #map}, {transform_indices = #map}]} {
    %mul3A = arith.constant 2 : i32
    %mul3A_0 = arith.muli %arg1, %mul3A : i32
    %add3A = arith.addi %mul3A_0, %arg0 : i32
    %mul3A_1 = arith.constant 512 : i32
    %mul3A_2 = arith.muli %add3A, %mul3A_1 : i32
    %mul3A_3 = arith.constant 80 : i32
    %mul3A_4 = arith.muli %add3A, %mul3A_3 : i32
    "tpu.region"() ({
      %run_scoped3A_270 = tpu.sem_alloc : memref<!tpu.dma_semaphore, #tpu.memory_space<semaphore_mem>>
      %dma_start3A_271 = arith.constant 0 : i32
      %dma_start3A_272 = tpu.memref_slice %arg2[%mul3A_4, %dma_start3A_271] : memref<2560x128xi32, #tpu.memory_space<hbm>> -> memref<80x128xi32, #tpu.memory_space<hbm>>
      %dma_start3A_273 = arith.constant 0 : i32
      %dma_start3A_274 = tpu.memref_slice %arg2[%mul3A_4, %dma_start3A_273] : memref<2560x128xi32, #tpu.memory_space<hbm>> -> memref<80x128xi32, #tpu.memory_space<hbm>>
      tpu.enqueue_dma source(%dma_start3A_274 : memref<80x128xi32, #tpu.memory_space<hbm>>) target(%arg7 : memref<80x128xi32, #tpu.memory_space<vmem>>) target_semaphore(%run_scoped3A_270 : memref<!tpu.dma_semaphore, #tpu.memory_space<semaphore_mem>>)
      %dma_wait3A_275 = arith.constant 0 : i32
      %dma_wait3A_276 = tpu.memref_slice %arg2[%mul3A_4, %dma_wait3A_275] : memref<2560x128xi32, #tpu.memory_space<hbm>> -> memref<80x128xi32, #tpu.memory_space<hbm>>
      %dma_wait3A_277 = arith.constant 0 : i32
      %dma_wait3A_278 = tpu.memref_slice %arg2[%mul3A_4, %dma_wait3A_277] : memref<2560x128xi32, #tpu.memory_space<hbm>> -> memref<80x128xi32, #tpu.memory_space<hbm>>
      tpu.wait_dma2 semaphore(%run_scoped3A_270 : memref<!tpu.dma_semaphore, #tpu.memory_space<semaphore_mem>>) src(%dma_wait3A_278 : memref<80x128xi32, #tpu.memory_space<hbm>>) dst(%arg7 : memref<80x128xi32, #tpu.memory_space<vmem>>)
      tpu.yield
    }) : () -> ()
    %add3A_5 = arith.constant 0 : i32
    %add3A_6 = arith.addi %mul3A_2, %add3A_5 : i32
    %run_scoped3A = arith.constant 0 : i32
    "tpu.region"() ({
      %run_scoped3A_270 = tpu.sem_alloc : memref<!tpu.dma_semaphore, #tpu.memory_space<semaphore_mem>>
      %dma_start3A_271 = arith.constant 0 : i32
      %dma_start3A_272 = tpu.memref_slice %arg8[%run_scoped3A, %dma_start3A_271] : memref<4x128xi32, #tpu.memory_space<vmem>> -> memref<1x128xi32, #tpu.memory_space<vmem>>
      %dma_start3A_273 = tpu.memref_squeeze %dma_start3A_272 : memref<1x128xi32, #tpu.memory_space<vmem>> -> memref<128xi32, #tpu.memory_space<vmem>>
      %dma_start3A_274 = tpu.memref_slice %arg3[%add3A_6] : memref<16384xi32, #tpu.memory_space<hbm>> -> memref<128xi32, #tpu.memory_space<hbm>>
      %dma_start3A_275 = arith.constant 0 : i32
      %dma_start3A_276 = tpu.memref_slice %arg8[%run_scoped3A, %dma_start3A_275] : memref<4x128xi32, #tpu.memory_space<vmem>> -> memref<1x128xi32, #tpu.memory_space<vmem>>
      %dma_start3A_277 = tpu.memref_squeeze %dma_start3A_276 : memref<1x128xi32, #tpu.memory_space<vmem>> -> memref<128xi32, #tpu.memory_space<vmem>>
      %dma_start3A_278 = tpu.memref_slice %arg3[%add3A_6] : memref<16384xi32, #tpu.memory_space<hbm>> -> memref<128xi32, #tpu.memory_space<hbm>>
      tpu.enqueue_dma source(%dma_start3A_278 : memref<128xi32, #tpu.memory_space<hbm>>) target(%dma_start3A_277 : memref<128xi32, #tpu.memory_space<vmem>>) target_semaphore(%run_scoped3A_270 : memref<!tpu.dma_semaphore, #tpu.memory_space<semaphore_mem>>)
      %dma_wait3A_279 = arith.constant 0 : i32
      %dma_wait3A_280 = tpu.memref_slice %arg8[%run_scoped3A, %dma_wait3A_279] : memref<4x128xi32, #tpu.memory_space<vmem>> -> memref<1x128xi32, #tpu.memory_space<vmem>>
      %dma_wait3A_281 = tpu.memref_squeeze %dma_wait3A_280 : memref<1x128xi32, #tpu.memory_space<vmem>> -> memref<128xi32, #tpu.memory_space<vmem>>
      %dma_wait3A_282 = tpu.memref_slice %arg3[%add3A_6] : memref<16384xi32, #tpu.memory_space<hbm>> -> memref<128xi32, #tpu.memory_space<hbm>>
      %dma_wait3A_283 = arith.constant 0 : i32
      %dma_wait3A_284 = tpu.memref_slice %arg8[%run_scoped3A, %dma_wait3A_283] : memref<4x128xi32, #tpu.memory_space<vmem>> -> memref<1x128xi32, #tpu.memory_space<vmem>>
      %dma_wait3A_285 = tpu.memref_squeeze %dma_wait3A_284 : memref<1x128xi32, #tpu.memory_space<vmem>> -> memref<128xi32, #tpu.memory_space<vmem>>
      %dma_wait3A_286 = tpu.memref_slice %arg3[%add3A_6] : memref<16384xi32, #tpu.memory_space<hbm>> -> memref<128xi32, #tpu.memory_space<hbm>>
      tpu.wait_dma2 semaphore(%run_scoped3A_270 : memref<!tpu.dma_semaphore, #tpu.memory_space<semaphore_mem>>) src(%dma_wait3A_286 : memref<128xi32, #tpu.memory_space<hbm>>) dst(%dma_wait3A_285 : memref<128xi32, #tpu.memory_space<vmem>>)
      tpu.yield
    }) : () -> ()
    %add3A_7 = arith.constant 128 : i32
    %add3A_8 = arith.addi %mul3A_2, %add3A_7 : i32
    %run_scoped3A_9 = arith.constant 1 : i32
    "tpu.region"() ({
      %run_scoped3A_270 = tpu.sem_alloc : memref<!tpu.dma_semaphore, #tpu.memory_space<semaphore_mem>>
      %dma_start3A_271 = arith.constant 0 : i32
      %dma_start3A_272 = tpu.memref_slice %arg8[%run_scoped3A_9, %dma_start3A_271] : memref<4x128xi32, #tpu.memory_space<vmem>> -> memref<1x128xi32, #tpu.memory_space<vmem>>
      %dma_start3A_273 = tpu.memref_squeeze %dma_start3A_272 : memref<1x128xi32, #tpu.memory_space<vmem>> -> memref<128xi32, #tpu.memory_space<vmem>>
      %dma_start3A_274 = tpu.memref_slice %arg3[%add3A_8] : memref<16384xi32, #tpu.memory_space<hbm>> -> memref<128xi32, #tpu.memory_space<hbm>>
      %dma_start3A_275 = arith.constant 0 : i32
      %dma_start3A_276 = tpu.memref_slice %arg8[%run_scoped3A_9, %dma_start3A_275] : memref<4x128xi32, #tpu.memory_space<vmem>> -> memref<1x128xi32, #tpu.memory_space<vmem>>
      %dma_start3A_277 = tpu.memref_squeeze %dma_start3A_276 : memref<1x128xi32, #tpu.memory_space<vmem>> -> memref<128xi32, #tpu.memory_space<vmem>>
      %dma_start3A_278 = tpu.memref_slice %arg3[%add3A_8] : memref<16384xi32, #tpu.memory_space<hbm>> -> memref<128xi32, #tpu.memory_space<hbm>>
      tpu.enqueue_dma source(%dma_start3A_278 : memref<128xi32, #tpu.memory_space<hbm>>) target(%dma_start3A_277 : memref<128xi32, #tpu.memory_space<vmem>>) target_semaphore(%run_scoped3A_270 : memref<!tpu.dma_semaphore, #tpu.memory_space<semaphore_mem>>)
      %dma_wait3A_279 = arith.constant 0 : i32
      %dma_wait3A_280 = tpu.memref_slice %arg8[%run_scoped3A_9, %dma_wait3A_279] : memref<4x128xi32, #tpu.memory_space<vmem>> -> memref<1x128xi32, #tpu.memory_space<vmem>>
      %dma_wait3A_281 = tpu.memref_squeeze %dma_wait3A_280 : memref<1x128xi32, #tpu.memory_space<vmem>> -> memref<128xi32, #tpu.memory_space<vmem>>
      %dma_wait3A_282 = tpu.memref_slice %arg3[%add3A_8] : memref<16384xi32, #tpu.memory_space<hbm>> -> memref<128xi32, #tpu.memory_space<hbm>>
      %dma_wait3A_283 = arith.constant 0 : i32
      %dma_wait3A_284 = tpu.memref_slice %arg8[%run_scoped3A_9, %dma_wait3A_283] : memref<4x128xi32, #tpu.memory_space<vmem>> -> memref<1x128xi32, #tpu.memory_space<vmem>>
      %dma_wait3A_285 = tpu.memref_squeeze %dma_wait3A_284 : memref<1x128xi32, #tpu.memory_space<vmem>> -> memref<128xi32, #tpu.memory_space<vmem>>
      %dma_wait3A_286 = tpu.memref_slice %arg3[%add3A_8] : memref<16384xi32, #tpu.memory_space<hbm>> -> memref<128xi32, #tpu.memory_space<hbm>>
      tpu.wait_dma2 semaphore(%run_scoped3A_270 : memref<!tpu.dma_semaphore, #tpu.memory_space<semaphore_mem>>) src(%dma_wait3A_286 : memref<128xi32, #tpu.memory_space<hbm>>) dst(%dma_wait3A_285 : memref<128xi32, #tpu.memory_space<vmem>>)
      tpu.yield
    }) : () -> ()
    %add3A_10 = arith.constant 256 : i32
    %add3A_11 = arith.addi %mul3A_2, %add3A_10 : i32
    %run_scoped3A_12 = arith.constant 2 : i32
    "tpu.region"() ({
      %run_scoped3A_270 = tpu.sem_alloc : memref<!tpu.dma_semaphore, #tpu.memory_space<semaphore_mem>>
      %dma_start3A_271 = arith.constant 0 : i32
      %dma_start3A_272 = tpu.memref_slice %arg8[%run_scoped3A_12, %dma_start3A_271] : memref<4x128xi32, #tpu.memory_space<vmem>> -> memref<1x128xi32, #tpu.memory_space<vmem>>
      %dma_start3A_273 = tpu.memref_squeeze %dma_start3A_272 : memref<1x128xi32, #tpu.memory_space<vmem>> -> memref<128xi32, #tpu.memory_space<vmem>>
      %dma_start3A_274 = tpu.memref_slice %arg3[%add3A_11] : memref<16384xi32, #tpu.memory_space<hbm>> -> memref<128xi32, #tpu.memory_space<hbm>>
      %dma_start3A_275 = arith.constant 0 : i32
      %dma_start3A_276 = tpu.memref_slice %arg8[%run_scoped3A_12, %dma_start3A_275] : memref<4x128xi32, #tpu.memory_space<vmem>> -> memref<1x128xi32, #tpu.memory_space<vmem>>
      %dma_start3A_277 = tpu.memref_squeeze %dma_start3A_276 : memref<1x128xi32, #tpu.memory_space<vmem>> -> memref<128xi32, #tpu.memory_space<vmem>>
      %dma_start3A_278 = tpu.memref_slice %arg3[%add3A_11] : memref<16384xi32, #tpu.memory_space<hbm>> -> memref<128xi32, #tpu.memory_space<hbm>>
      tpu.enqueue_dma source(%dma_start3A_278 : memref<128xi32, #tpu.memory_space<hbm>>) target(%dma_start3A_277 : memref<128xi32, #tpu.memory_space<vmem>>) target_semaphore(%run_scoped3A_270 : memref<!tpu.dma_semaphore, #tpu.memory_space<semaphore_mem>>)
      %dma_wait3A_279 = arith.constant 0 : i32
      %dma_wait3A_280 = tpu.memref_slice %arg8[%run_scoped3A_12, %dma_wait3A_279] : memref<4x128xi32, #tpu.memory_space<vmem>> -> memref<1x128xi32, #tpu.memory_space<vmem>>
      %dma_wait3A_281 = tpu.memref_squeeze %dma_wait3A_280 : memref<1x128xi32, #tpu.memory_space<vmem>> -> memref<128xi32, #tpu.memory_space<vmem>>
      %dma_wait3A_282 = tpu.memref_slice %arg3[%add3A_11] : memref<16384xi32, #tpu.memory_space<hbm>> -> memref<128xi32, #tpu.memory_space<hbm>>
      %dma_wait3A_283 = arith.constant 0 : i32
      %dma_wait3A_284 = tpu.memref_slice %arg8[%run_scoped3A_12, %dma_wait3A_283] : memref<4x128xi32, #tpu.memory_space<vmem>> -> memref<1x128xi32, #tpu.memory_space<vmem>>
      %dma_wait3A_285 = tpu.memref_squeeze %dma_wait3A_284 : memref<1x128xi32, #tpu.memory_space<vmem>> -> memref<128xi32, #tpu.memory_space<vmem>>
      %dma_wait3A_286 = tpu.memref_slice %arg3[%add3A_11] : memref<16384xi32, #tpu.memory_space<hbm>> -> memref<128xi32, #tpu.memory_space<hbm>>
      tpu.wait_dma2 semaphore(%run_scoped3A_270 : memref<!tpu.dma_semaphore, #tpu.memory_space<semaphore_mem>>) src(%dma_wait3A_286 : memref<128xi32, #tpu.memory_space<hbm>>) dst(%dma_wait3A_285 : memref<128xi32, #tpu.memory_space<vmem>>)
      tpu.yield
    }) : () -> ()
    %add3A_13 = arith.constant 384 : i32
    %add3A_14 = arith.addi %mul3A_2, %add3A_13 : i32
    %run_scoped3A_15 = arith.constant 3 : i32
    "tpu.region"() ({
      %run_scoped3A_270 = tpu.sem_alloc : memref<!tpu.dma_semaphore, #tpu.memory_space<semaphore_mem>>
      %dma_start3A_271 = arith.constant 0 : i32
      %dma_start3A_272 = tpu.memref_slice %arg8[%run_scoped3A_15, %dma_start3A_271] : memref<4x128xi32, #tpu.memory_space<vmem>> -> memref<1x128xi32, #tpu.memory_space<vmem>>
      %dma_start3A_273 = tpu.memref_squeeze %dma_start3A_272 : memref<1x128xi32, #tpu.memory_space<vmem>> -> memref<128xi32, #tpu.memory_space<vmem>>
      %dma_start3A_274 = tpu.memref_slice %arg3[%add3A_14] : memref<16384xi32, #tpu.memory_space<hbm>> -> memref<128xi32, #tpu.memory_space<hbm>>
      %dma_start3A_275 = arith.constant 0 : i32
      %dma_start3A_276 = tpu.memref_slice %arg8[%run_scoped3A_15, %dma_start3A_275] : memref<4x128xi32, #tpu.memory_space<vmem>> -> memref<1x128xi32, #tpu.memory_space<vmem>>
      %dma_start3A_277 = tpu.memref_squeeze %dma_start3A_276 : memref<1x128xi32, #tpu.memory_space<vmem>> -> memref<128xi32, #tpu.memory_space<vmem>>
      %dma_start3A_278 = tpu.memref_slice %arg3[%add3A_14] : memref<16384xi32, #tpu.memory_space<hbm>> -> memref<128xi32, #tpu.memory_space<hbm>>
      tpu.enqueue_dma source(%dma_start3A_278 : memref<128xi32, #tpu.memory_space<hbm>>) target(%dma_start3A_277 : memref<128xi32, #tpu.memory_space<vmem>>) target_semaphore(%run_scoped3A_270 : memref<!tpu.dma_semaphore, #tpu.memory_space<semaphore_mem>>)
      %dma_wait3A_279 = arith.constant 0 : i32
      %dma_wait3A_280 = tpu.memref_slice %arg8[%run_scoped3A_15, %dma_wait3A_279] : memref<4x128xi32, #tpu.memory_space<vmem>> -> memref<1x128xi32, #tpu.memory_space<vmem>>
      %dma_wait3A_281 = tpu.memref_squeeze %dma_wait3A_280 : memref<1x128xi32, #tpu.memory_space<vmem>> -> memref<128xi32, #tpu.memory_space<vmem>>
      %dma_wait3A_282 = tpu.memref_slice %arg3[%add3A_14] : memref<16384xi32, #tpu.memory_space<hbm>> -> memref<128xi32, #tpu.memory_space<hbm>>
      %dma_wait3A_283 = arith.constant 0 : i32
      %dma_wait3A_284 = tpu.memref_slice %arg8[%run_scoped3A_15, %dma_wait3A_283] : memref<4x128xi32, #tpu.memory_space<vmem>> -> memref<1x128xi32, #tpu.memory_space<vmem>>
      %dma_wait3A_285 = tpu.memref_squeeze %dma_wait3A_284 : memref<1x128xi32, #tpu.memory_space<vmem>> -> memref<128xi32, #tpu.memory_space<vmem>>
      %dma_wait3A_286 = tpu.memref_slice %arg3[%add3A_14] : memref<16384xi32, #tpu.memory_space<hbm>> -> memref<128xi32, #tpu.memory_space<hbm>>
      tpu.wait_dma2 semaphore(%run_scoped3A_270 : memref<!tpu.dma_semaphore, #tpu.memory_space<semaphore_mem>>) src(%dma_wait3A_286 : memref<128xi32, #tpu.memory_space<hbm>>) dst(%dma_wait3A_285 : memref<128xi32, #tpu.memory_space<vmem>>)
      tpu.yield
    }) : () -> ()
    "tpu.region"() ({
      %run_scoped3A_270 = tpu.sem_alloc : memref<!tpu.dma_semaphore, #tpu.memory_space<semaphore_mem>>
      %dma_start3A_271 = arith.constant 0 : i32
      %dma_start3A_272 = arith.constant 0 : i32
      %dma_start3A_273 = tpu.memref_slice %arg5[%dma_start3A_271, %dma_start3A_272] : memref<10000x32xf32, #tpu.memory_space<hbm>> -> memref<1x32xf32, #tpu.memory_space<hbm>>
      %dma_start3A_274 = arith.constant 0 : i32
      %dma_start3A_275 = arith.constant 0 : i32
      %dma_start3A_276 = tpu.memref_slice %arg5[%dma_start3A_274, %dma_start3A_275] : memref<10000x32xf32, #tpu.memory_space<hbm>> -> memref<1x32xf32, #tpu.memory_space<hbm>>
      tpu.enqueue_dma source(%dma_start3A_276 : memref<1x32xf32, #tpu.memory_space<hbm>>) target(%arg13 : memref<1x32xf32, #tpu.memory_space<vmem>>) target_semaphore(%run_scoped3A_270 : memref<!tpu.dma_semaphore, #tpu.memory_space<semaphore_mem>>)
      %dma_wait3A_277 = arith.constant 0 : i32
      %dma_wait3A_278 = arith.constant 0 : i32
      %dma_wait3A_279 = tpu.memref_slice %arg5[%dma_wait3A_277, %dma_wait3A_278] : memref<10000x32xf32, #tpu.memory_space<hbm>> -> memref<1x32xf32, #tpu.memory_space<hbm>>
      %dma_wait3A_280 = arith.constant 0 : i32
      %dma_wait3A_281 = arith.constant 0 : i32
      %dma_wait3A_282 = tpu.memref_slice %arg5[%dma_wait3A_280, %dma_wait3A_281] : memref<10000x32xf32, #tpu.memory_space<hbm>> -> memref<1x32xf32, #tpu.memory_space<hbm>>
      tpu.wait_dma2 semaphore(%run_scoped3A_270 : memref<!tpu.dma_semaphore, #tpu.memory_space<semaphore_mem>>) src(%dma_wait3A_282 : memref<1x32xf32, #tpu.memory_space<hbm>>) dst(%arg13 : memref<1x32xf32, #tpu.memory_space<vmem>>)
      tpu.yield
    }) : () -> ()
    %dma_start3A = arith.constant 0 : i32
    %dma_start3A_16 = arith.constant 0 : i32
    %dma_start3A_17 = arith.constant 0 : i32
    %dma_start3A_18 = tpu.memref_slice %arg9[%dma_start3A_16, %dma_start3A_17] : memref<512x32xf32, #tpu.memory_space<vmem>> -> memref<128x32xf32, #tpu.memory_space<vmem>>
    %dma_start3A_19 = arith.constant 0 : i32
    %dma_start3A_20 = tpu.memref_slice %arg8[%dma_start3A, %dma_start3A_19] : memref<4x128xi32, #tpu.memory_space<vmem>> -> memref<1x128xi32, #tpu.memory_space<vmem>>
    %dma_start3A_21 = tpu.memref_squeeze %dma_start3A_20 : memref<1x128xi32, #tpu.memory_space<vmem>> -> memref<128xi32, #tpu.memory_space<vmem>>
    %dma_start3A_22 = arith.constant 0 : i32
    %dma_start3A_23 = arith.constant 0 : i32
    %dma_start3A_24 = tpu.memref_slice %arg4[%dma_start3A_22, %dma_start3A_23] : memref<100000x32xf32, #tpu.memory_space<hbm>> -> memref<100000x32xf32, #tpu.memory_space<hbm>>
    tpu.enqueue_indirect_dma source(%dma_start3A_24 : memref<100000x32xf32, #tpu.memory_space<hbm>>) target(%dma_start3A_18 : memref<128x32xf32, #tpu.memory_space<vmem>>) offsets(%dma_start3A_21 : memref<128xi32, #tpu.memory_space<vmem>>) semaphore(%arg17 : memref<!tpu.dma_semaphore, #tpu.memory_space<semaphore_mem>>)
    %dma_start3A_25 = arith.constant 1 : i32
    %dma_start3A_26 = arith.constant 128 : i32
    %dma_start3A_27 = arith.constant 0 : i32
    %dma_start3A_28 = tpu.memref_slice %arg9[%dma_start3A_26, %dma_start3A_27] : memref<512x32xf32, #tpu.memory_space<vmem>> -> memref<128x32xf32, #tpu.memory_space<vmem>>
    %dma_start3A_29 = arith.constant 0 : i32
    %dma_start3A_30 = tpu.memref_slice %arg8[%dma_start3A_25, %dma_start3A_29] : memref<4x128xi32, #tpu.memory_space<vmem>> -> memref<1x128xi32, #tpu.memory_space<vmem>>
    %dma_start3A_31 = tpu.memref_squeeze %dma_start3A_30 : memref<1x128xi32, #tpu.memory_space<vmem>> -> memref<128xi32, #tpu.memory_space<vmem>>
    %dma_start3A_32 = arith.constant 0 : i32
    %dma_start3A_33 = arith.constant 0 : i32
    %dma_start3A_34 = tpu.memref_slice %arg4[%dma_start3A_32, %dma_start3A_33] : memref<100000x32xf32, #tpu.memory_space<hbm>> -> memref<100000x32xf32, #tpu.memory_space<hbm>>
    tpu.enqueue_indirect_dma source(%dma_start3A_34 : memref<100000x32xf32, #tpu.memory_space<hbm>>) target(%dma_start3A_28 : memref<128x32xf32, #tpu.memory_space<vmem>>) offsets(%dma_start3A_31 : memref<128xi32, #tpu.memory_space<vmem>>) semaphore(%arg17 : memref<!tpu.dma_semaphore, #tpu.memory_space<semaphore_mem>>)
    %dma_start3A_35 = arith.constant 2 : i32
    %dma_start3A_36 = arith.constant 256 : i32
    %dma_start3A_37 = arith.constant 0 : i32
    %dma_start3A_38 = tpu.memref_slice %arg9[%dma_start3A_36, %dma_start3A_37] : memref<512x32xf32, #tpu.memory_space<vmem>> -> memref<128x32xf32, #tpu.memory_space<vmem>>
    %dma_start3A_39 = arith.constant 0 : i32
    %dma_start3A_40 = tpu.memref_slice %arg8[%dma_start3A_35, %dma_start3A_39] : memref<4x128xi32, #tpu.memory_space<vmem>> -> memref<1x128xi32, #tpu.memory_space<vmem>>
    %dma_start3A_41 = tpu.memref_squeeze %dma_start3A_40 : memref<1x128xi32, #tpu.memory_space<vmem>> -> memref<128xi32, #tpu.memory_space<vmem>>
    %dma_start3A_42 = arith.constant 0 : i32
    %dma_start3A_43 = arith.constant 0 : i32
    %dma_start3A_44 = tpu.memref_slice %arg4[%dma_start3A_42, %dma_start3A_43] : memref<100000x32xf32, #tpu.memory_space<hbm>> -> memref<100000x32xf32, #tpu.memory_space<hbm>>
    tpu.enqueue_indirect_dma source(%dma_start3A_44 : memref<100000x32xf32, #tpu.memory_space<hbm>>) target(%dma_start3A_38 : memref<128x32xf32, #tpu.memory_space<vmem>>) offsets(%dma_start3A_41 : memref<128xi32, #tpu.memory_space<vmem>>) semaphore(%arg17 : memref<!tpu.dma_semaphore, #tpu.memory_space<semaphore_mem>>)
    %dma_start3A_45 = arith.constant 3 : i32
    %dma_start3A_46 = arith.constant 384 : i32
    %dma_start3A_47 = arith.constant 0 : i32
    %dma_start3A_48 = tpu.memref_slice %arg9[%dma_start3A_46, %dma_start3A_47] : memref<512x32xf32, #tpu.memory_space<vmem>> -> memref<128x32xf32, #tpu.memory_space<vmem>>
    %dma_start3A_49 = arith.constant 0 : i32
    %dma_start3A_50 = tpu.memref_slice %arg8[%dma_start3A_45, %dma_start3A_49] : memref<4x128xi32, #tpu.memory_space<vmem>> -> memref<1x128xi32, #tpu.memory_space<vmem>>
    %dma_start3A_51 = tpu.memref_squeeze %dma_start3A_50 : memref<1x128xi32, #tpu.memory_space<vmem>> -> memref<128xi32, #tpu.memory_space<vmem>>
    %dma_start3A_52 = arith.constant 0 : i32
    %dma_start3A_53 = arith.constant 0 : i32
    %dma_start3A_54 = tpu.memref_slice %arg4[%dma_start3A_52, %dma_start3A_53] : memref<100000x32xf32, #tpu.memory_space<hbm>> -> memref<100000x32xf32, #tpu.memory_space<hbm>>
    tpu.enqueue_indirect_dma source(%dma_start3A_54 : memref<100000x32xf32, #tpu.memory_space<hbm>>) target(%dma_start3A_48 : memref<128x32xf32, #tpu.memory_space<vmem>>) offsets(%dma_start3A_51 : memref<128xi32, #tpu.memory_space<vmem>>) semaphore(%arg17 : memref<!tpu.dma_semaphore, #tpu.memory_space<semaphore_mem>>)
    %dma_start3A_55 = arith.constant 0 : i32
    %dma_start3A_56 = arith.constant 0 : i32
    %dma_start3A_57 = arith.constant 0 : i32
    %dma_start3A_58 = arith.constant 0 : i32
    %dma_start3A_59 = tpu.memref_slice %arg10[%dma_start3A_56, %dma_start3A_57, %dma_start3A_58] : memref<2x640x32xf32, #tpu.memory_space<vmem>> -> memref<1x128x32xf32, #tpu.memory_space<vmem>>
    %dma_start3A_60 = tpu.memref_squeeze %dma_start3A_59 : memref<1x128x32xf32, #tpu.memory_space<vmem>> -> memref<128x32xf32, #tpu.memory_space<vmem>>
    %dma_start3A_61 = arith.constant 0 : i32
    %dma_start3A_62 = tpu.memref_slice %arg7[%dma_start3A_55, %dma_start3A_61] : memref<80x128xi32, #tpu.memory_space<vmem>> -> memref<1x128xi32, #tpu.memory_space<vmem>>
    %dma_start3A_63 = tpu.memref_squeeze %dma_start3A_62 : memref<1x128xi32, #tpu.memory_space<vmem>> -> memref<128xi32, #tpu.memory_space<vmem>>
    %dma_start3A_64 = arith.constant 0 : i32
    %dma_start3A_65 = arith.constant 0 : i32
    %dma_start3A_66 = tpu.memref_slice %arg5[%dma_start3A_64, %dma_start3A_65] : memref<10000x32xf32, #tpu.memory_space<hbm>> -> memref<10000x32xf32, #tpu.memory_space<hbm>>
    tpu.enqueue_indirect_dma source(%dma_start3A_66 : memref<10000x32xf32, #tpu.memory_space<hbm>>) target(%dma_start3A_60 : memref<128x32xf32, #tpu.memory_space<vmem>>) offsets(%dma_start3A_63 : memref<128xi32, #tpu.memory_space<vmem>>) semaphore(%arg15 : memref<!tpu.dma_semaphore, #tpu.memory_space<semaphore_mem>>)
    %dma_start3A_67 = arith.constant 1 : i32
    %dma_start3A_68 = arith.constant 0 : i32
    %dma_start3A_69 = arith.constant 128 : i32
    %dma_start3A_70 = arith.constant 0 : i32
    %dma_start3A_71 = tpu.memref_slice %arg10[%dma_start3A_68, %dma_start3A_69, %dma_start3A_70] : memref<2x640x32xf32, #tpu.memory_space<vmem>> -> memref<1x128x32xf32, #tpu.memory_space<vmem>>
    %dma_start3A_72 = tpu.memref_squeeze %dma_start3A_71 : memref<1x128x32xf32, #tpu.memory_space<vmem>> -> memref<128x32xf32, #tpu.memory_space<vmem>>
    %dma_start3A_73 = arith.constant 0 : i32
    %dma_start3A_74 = tpu.memref_slice %arg7[%dma_start3A_67, %dma_start3A_73] : memref<80x128xi32, #tpu.memory_space<vmem>> -> memref<1x128xi32, #tpu.memory_space<vmem>>
    %dma_start3A_75 = tpu.memref_squeeze %dma_start3A_74 : memref<1x128xi32, #tpu.memory_space<vmem>> -> memref<128xi32, #tpu.memory_space<vmem>>
    %dma_start3A_76 = arith.constant 0 : i32
    %dma_start3A_77 = arith.constant 0 : i32
    %dma_start3A_78 = tpu.memref_slice %arg5[%dma_start3A_76, %dma_start3A_77] : memref<10000x32xf32, #tpu.memory_space<hbm>> -> memref<10000x32xf32, #tpu.memory_space<hbm>>
    tpu.enqueue_indirect_dma source(%dma_start3A_78 : memref<10000x32xf32, #tpu.memory_space<hbm>>) target(%dma_start3A_72 : memref<128x32xf32, #tpu.memory_space<vmem>>) offsets(%dma_start3A_75 : memref<128xi32, #tpu.memory_space<vmem>>) semaphore(%arg15 : memref<!tpu.dma_semaphore, #tpu.memory_space<semaphore_mem>>)
    %dma_start3A_79 = arith.constant 2 : i32
    %dma_start3A_80 = arith.constant 0 : i32
    %dma_start3A_81 = arith.constant 256 : i32
    %dma_start3A_82 = arith.constant 0 : i32
    %dma_start3A_83 = tpu.memref_slice %arg10[%dma_start3A_80, %dma_start3A_81, %dma_start3A_82] : memref<2x640x32xf32, #tpu.memory_space<vmem>> -> memref<1x128x32xf32, #tpu.memory_space<vmem>>
    %dma_start3A_84 = tpu.memref_squeeze %dma_start3A_83 : memref<1x128x32xf32, #tpu.memory_space<vmem>> -> memref<128x32xf32, #tpu.memory_space<vmem>>
    %dma_start3A_85 = arith.constant 0 : i32
    %dma_start3A_86 = tpu.memref_slice %arg7[%dma_start3A_79, %dma_start3A_85] : memref<80x128xi32, #tpu.memory_space<vmem>> -> memref<1x128xi32, #tpu.memory_space<vmem>>
    %dma_start3A_87 = tpu.memref_squeeze %dma_start3A_86 : memref<1x128xi32, #tpu.memory_space<vmem>> -> memref<128xi32, #tpu.memory_space<vmem>>
    %dma_start3A_88 = arith.constant 0 : i32
    %dma_start3A_89 = arith.constant 0 : i32
    %dma_start3A_90 = tpu.memref_slice %arg5[%dma_start3A_88, %dma_start3A_89] : memref<10000x32xf32, #tpu.memory_space<hbm>> -> memref<10000x32xf32, #tpu.memory_space<hbm>>
    tpu.enqueue_indirect_dma source(%dma_start3A_90 : memref<10000x32xf32, #tpu.memory_space<hbm>>) target(%dma_start3A_84 : memref<128x32xf32, #tpu.memory_space<vmem>>) offsets(%dma_start3A_87 : memref<128xi32, #tpu.memory_space<vmem>>) semaphore(%arg15 : memref<!tpu.dma_semaphore, #tpu.memory_space<semaphore_mem>>)
    %dma_start3A_91 = arith.constant 3 : i32
    %dma_start3A_92 = arith.constant 0 : i32
    %dma_start3A_93 = arith.constant 384 : i32
    %dma_start3A_94 = arith.constant 0 : i32
    %dma_start3A_95 = tpu.memref_slice %arg10[%dma_start3A_92, %dma_start3A_93, %dma_start3A_94] : memref<2x640x32xf32, #tpu.memory_space<vmem>> -> memref<1x128x32xf32, #tpu.memory_space<vmem>>
    %dma_start3A_96 = tpu.memref_squeeze %dma_start3A_95 : memref<1x128x32xf32, #tpu.memory_space<vmem>> -> memref<128x32xf32, #tpu.memory_space<vmem>>
    %dma_start3A_97 = arith.constant 0 : i32
    %dma_start3A_98 = tpu.memref_slice %arg7[%dma_start3A_91, %dma_start3A_97] : memref<80x128xi32, #tpu.memory_space<vmem>> -> memref<1x128xi32, #tpu.memory_space<vmem>>
    %dma_start3A_99 = tpu.memref_squeeze %dma_start3A_98 : memref<1x128xi32, #tpu.memory_space<vmem>> -> memref<128xi32, #tpu.memory_space<vmem>>
    %dma_start3A_100 = arith.constant 0 : i32
    %dma_start3A_101 = arith.constant 0 : i32
    %dma_start3A_102 = tpu.memref_slice %arg5[%dma_start3A_100, %dma_start3A_101] : memref<10000x32xf32, #tpu.memory_space<hbm>> -> memref<10000x32xf32, #tpu.memory_space<hbm>>
    tpu.enqueue_indirect_dma source(%dma_start3A_102 : memref<10000x32xf32, #tpu.memory_space<hbm>>) target(%dma_start3A_96 : memref<128x32xf32, #tpu.memory_space<vmem>>) offsets(%dma_start3A_99 : memref<128xi32, #tpu.memory_space<vmem>>) semaphore(%arg15 : memref<!tpu.dma_semaphore, #tpu.memory_space<semaphore_mem>>)
    %dma_start3A_103 = arith.constant 4 : i32
    %dma_start3A_104 = arith.constant 0 : i32
    %dma_start3A_105 = arith.constant 512 : i32
    %dma_start3A_106 = arith.constant 0 : i32
    %dma_start3A_107 = tpu.memref_slice %arg10[%dma_start3A_104, %dma_start3A_105, %dma_start3A_106] : memref<2x640x32xf32, #tpu.memory_space<vmem>> -> memref<1x128x32xf32, #tpu.memory_space<vmem>>
    %dma_start3A_108 = tpu.memref_squeeze %dma_start3A_107 : memref<1x128x32xf32, #tpu.memory_space<vmem>> -> memref<128x32xf32, #tpu.memory_space<vmem>>
    %dma_start3A_109 = arith.constant 0 : i32
    %dma_start3A_110 = tpu.memref_slice %arg7[%dma_start3A_103, %dma_start3A_109] : memref<80x128xi32, #tpu.memory_space<vmem>> -> memref<1x128xi32, #tpu.memory_space<vmem>>
    %dma_start3A_111 = tpu.memref_squeeze %dma_start3A_110 : memref<1x128xi32, #tpu.memory_space<vmem>> -> memref<128xi32, #tpu.memory_space<vmem>>
    %dma_start3A_112 = arith.constant 0 : i32
    %dma_start3A_113 = arith.constant 0 : i32
    %dma_start3A_114 = tpu.memref_slice %arg5[%dma_start3A_112, %dma_start3A_113] : memref<10000x32xf32, #tpu.memory_space<hbm>> -> memref<10000x32xf32, #tpu.memory_space<hbm>>
    tpu.enqueue_indirect_dma source(%dma_start3A_114 : memref<10000x32xf32, #tpu.memory_space<hbm>>) target(%dma_start3A_108 : memref<128x32xf32, #tpu.memory_space<vmem>>) offsets(%dma_start3A_111 : memref<128xi32, #tpu.memory_space<vmem>>) semaphore(%arg15 : memref<!tpu.dma_semaphore, #tpu.memory_space<semaphore_mem>>)
    %dma_start3A_115 = arith.constant 5 : i32
    %dma_start3A_116 = arith.constant 1 : i32
    %dma_start3A_117 = arith.constant 0 : i32
    %dma_start3A_118 = arith.constant 0 : i32
    %dma_start3A_119 = tpu.memref_slice %arg10[%dma_start3A_116, %dma_start3A_117, %dma_start3A_118] : memref<2x640x32xf32, #tpu.memory_space<vmem>> -> memref<1x128x32xf32, #tpu.memory_space<vmem>>
    %dma_start3A_120 = tpu.memref_squeeze %dma_start3A_119 : memref<1x128x32xf32, #tpu.memory_space<vmem>> -> memref<128x32xf32, #tpu.memory_space<vmem>>
    %dma_start3A_121 = arith.constant 0 : i32
    %dma_start3A_122 = tpu.memref_slice %arg7[%dma_start3A_115, %dma_start3A_121] : memref<80x128xi32, #tpu.memory_space<vmem>> -> memref<1x128xi32, #tpu.memory_space<vmem>>
    %dma_start3A_123 = tpu.memref_squeeze %dma_start3A_122 : memref<1x128xi32, #tpu.memory_space<vmem>> -> memref<128xi32, #tpu.memory_space<vmem>>
    %dma_start3A_124 = arith.constant 0 : i32
    %dma_start3A_125 = arith.constant 0 : i32
    %dma_start3A_126 = tpu.memref_slice %arg5[%dma_start3A_124, %dma_start3A_125] : memref<10000x32xf32, #tpu.memory_space<hbm>> -> memref<10000x32xf32, #tpu.memory_space<hbm>>
    tpu.enqueue_indirect_dma source(%dma_start3A_126 : memref<10000x32xf32, #tpu.memory_space<hbm>>) target(%dma_start3A_120 : memref<128x32xf32, #tpu.memory_space<vmem>>) offsets(%dma_start3A_123 : memref<128xi32, #tpu.memory_space<vmem>>) semaphore(%arg16 : memref<!tpu.dma_semaphore, #tpu.memory_space<semaphore_mem>>)
    %dma_start3A_127 = arith.constant 6 : i32
    %dma_start3A_128 = arith.constant 1 : i32
    %dma_start3A_129 = arith.constant 128 : i32
    %dma_start3A_130 = arith.constant 0 : i32
    %dma_start3A_131 = tpu.memref_slice %arg10[%dma_start3A_128, %dma_start3A_129, %dma_start3A_130] : memref<2x640x32xf32, #tpu.memory_space<vmem>> -> memref<1x128x32xf32, #tpu.memory_space<vmem>>
    %dma_start3A_132 = tpu.memref_squeeze %dma_start3A_131 : memref<1x128x32xf32, #tpu.memory_space<vmem>> -> memref<128x32xf32, #tpu.memory_space<vmem>>
    %dma_start3A_133 = arith.constant 0 : i32
    %dma_start3A_134 = tpu.memref_slice %arg7[%dma_start3A_127, %dma_start3A_133] : memref<80x128xi32, #tpu.memory_space<vmem>> -> memref<1x128xi32, #tpu.memory_space<vmem>>
    %dma_start3A_135 = tpu.memref_squeeze %dma_start3A_134 : memref<1x128xi32, #tpu.memory_space<vmem>> -> memref<128xi32, #tpu.memory_space<vmem>>
    %dma_start3A_136 = arith.constant 0 : i32
    %dma_start3A_137 = arith.constant 0 : i32
    %dma_start3A_138 = tpu.memref_slice %arg5[%dma_start3A_136, %dma_start3A_137] : memref<10000x32xf32, #tpu.memory_space<hbm>> -> memref<10000x32xf32, #tpu.memory_space<hbm>>
    tpu.enqueue_indirect_dma source(%dma_start3A_138 : memref<10000x32xf32, #tpu.memory_space<hbm>>) target(%dma_start3A_132 : memref<128x32xf32, #tpu.memory_space<vmem>>) offsets(%dma_start3A_135 : memref<128xi32, #tpu.memory_space<vmem>>) semaphore(%arg16 : memref<!tpu.dma_semaphore, #tpu.memory_space<semaphore_mem>>)
    %dma_start3A_139 = arith.constant 7 : i32
    %dma_start3A_140 = arith.constant 1 : i32
    %dma_start3A_141 = arith.constant 256 : i32
    %dma_start3A_142 = arith.constant 0 : i32
    %dma_start3A_143 = tpu.memref_slice %arg10[%dma_start3A_140, %dma_start3A_141, %dma_start3A_142] : memref<2x640x32xf32, #tpu.memory_space<vmem>> -> memref<1x128x32xf32, #tpu.memory_space<vmem>>
    %dma_start3A_144 = tpu.memref_squeeze %dma_start3A_143 : memref<1x128x32xf32, #tpu.memory_space<vmem>> -> memref<128x32xf32, #tpu.memory_space<vmem>>
    %dma_start3A_145 = arith.constant 0 : i32
    %dma_start3A_146 = tpu.memref_slice %arg7[%dma_start3A_139, %dma_start3A_145] : memref<80x128xi32, #tpu.memory_space<vmem>> -> memref<1x128xi32, #tpu.memory_space<vmem>>
    %dma_start3A_147 = tpu.memref_squeeze %dma_start3A_146 : memref<1x128xi32, #tpu.memory_space<vmem>> -> memref<128xi32, #tpu.memory_space<vmem>>
    %dma_start3A_148 = arith.constant 0 : i32
    %dma_start3A_149 = arith.constant 0 : i32
    %dma_start3A_150 = tpu.memref_slice %arg5[%dma_start3A_148, %dma_start3A_149] : memref<10000x32xf32, #tpu.memory_space<hbm>> -> memref<10000x32xf32, #tpu.memory_space<hbm>>
    tpu.enqueue_indirect_dma source(%dma_start3A_150 : memref<10000x32xf32, #tpu.memory_space<hbm>>) target(%dma_start3A_144 : memref<128x32xf32, #tpu.memory_space<vmem>>) offsets(%dma_start3A_147 : memref<128xi32, #tpu.memory_space<vmem>>) semaphore(%arg16 : memref<!tpu.dma_semaphore, #tpu.memory_space<semaphore_mem>>)
    %dma_start3A_151 = arith.constant 8 : i32
    %dma_start3A_152 = arith.constant 1 : i32
    %dma_start3A_153 = arith.constant 384 : i32
    %dma_start3A_154 = arith.constant 0 : i32
    %dma_start3A_155 = tpu.memref_slice %arg10[%dma_start3A_152, %dma_start3A_153, %dma_start3A_154] : memref<2x640x32xf32, #tpu.memory_space<vmem>> -> memref<1x128x32xf32, #tpu.memory_space<vmem>>
    %dma_start3A_156 = tpu.memref_squeeze %dma_start3A_155 : memref<1x128x32xf32, #tpu.memory_space<vmem>> -> memref<128x32xf32, #tpu.memory_space<vmem>>
    %dma_start3A_157 = arith.constant 0 : i32
    %dma_start3A_158 = tpu.memref_slice %arg7[%dma_start3A_151, %dma_start3A_157] : memref<80x128xi32, #tpu.memory_space<vmem>> -> memref<1x128xi32, #tpu.memory_space<vmem>>
    %dma_start3A_159 = tpu.memref_squeeze %dma_start3A_158 : memref<1x128xi32, #tpu.memory_space<vmem>> -> memref<128xi32, #tpu.memory_space<vmem>>
    %dma_start3A_160 = arith.constant 0 : i32
    %dma_start3A_161 = arith.constant 0 : i32
    %dma_start3A_162 = tpu.memref_slice %arg5[%dma_start3A_160, %dma_start3A_161] : memref<10000x32xf32, #tpu.memory_space<hbm>> -> memref<10000x32xf32, #tpu.memory_space<hbm>>
    tpu.enqueue_indirect_dma source(%dma_start3A_162 : memref<10000x32xf32, #tpu.memory_space<hbm>>) target(%dma_start3A_156 : memref<128x32xf32, #tpu.memory_space<vmem>>) offsets(%dma_start3A_159 : memref<128xi32, #tpu.memory_space<vmem>>) semaphore(%arg16 : memref<!tpu.dma_semaphore, #tpu.memory_space<semaphore_mem>>)
    %dma_start3A_163 = arith.constant 9 : i32
    %dma_start3A_164 = arith.constant 1 : i32
    %dma_start3A_165 = arith.constant 512 : i32
    %dma_start3A_166 = arith.constant 0 : i32
    %dma_start3A_167 = tpu.memref_slice %arg10[%dma_start3A_164, %dma_start3A_165, %dma_start3A_166] : memref<2x640x32xf32, #tpu.memory_space<vmem>> -> memref<1x128x32xf32, #tpu.memory_space<vmem>>
    %dma_start3A_168 = tpu.memref_squeeze %dma_start3A_167 : memref<1x128x32xf32, #tpu.memory_space<vmem>> -> memref<128x32xf32, #tpu.memory_space<vmem>>
    %dma_start3A_169 = arith.constant 0 : i32
    %dma_start3A_170 = tpu.memref_slice %arg7[%dma_start3A_163, %dma_start3A_169] : memref<80x128xi32, #tpu.memory_space<vmem>> -> memref<1x128xi32, #tpu.memory_space<vmem>>
    %dma_start3A_171 = tpu.memref_squeeze %dma_start3A_170 : memref<1x128xi32, #tpu.memory_space<vmem>> -> memref<128xi32, #tpu.memory_space<vmem>>
    %dma_start3A_172 = arith.constant 0 : i32
    %dma_start3A_173 = arith.constant 0 : i32
    %dma_start3A_174 = tpu.memref_slice %arg5[%dma_start3A_172, %dma_start3A_173] : memref<10000x32xf32, #tpu.memory_space<hbm>> -> memref<10000x32xf32, #tpu.memory_space<hbm>>
    tpu.enqueue_indirect_dma source(%dma_start3A_174 : memref<10000x32xf32, #tpu.memory_space<hbm>>) target(%dma_start3A_168 : memref<128x32xf32, #tpu.memory_space<vmem>>) offsets(%dma_start3A_171 : memref<128xi32, #tpu.memory_space<vmem>>) semaphore(%arg16 : memref<!tpu.dma_semaphore, #tpu.memory_space<semaphore_mem>>)
    %iota3A = tpu.iota {dimensions = array<i32: 0>} : vector<16xi32>
    %scan3A = arith.constant 0 : i32
    %scan3A_175 = arith.constant 0 : i32
    %scan3A_176 = arith.constant 32 : i32
    %scan3A_177 = arith.addi %scan3A_175, %scan3A_176 : i32
    %scan3A_178 = arith.constant 1 : i32
    scf.for %scan3A_270 = %scan3A_175 to %scan3A_177 step %scan3A_178  : i32 {
      %mul3A_271 = arith.constant 16 : i32
      %mul3A_272 = arith.muli %scan3A_270, %mul3A_271 : i32
      %add3A_273 = vector.broadcast %mul3A_272 : i32 to vector<16xi32>
      %add3A_274 = arith.addi %add3A_273, %iota3A : vector<16xi32>
      %mul3A_275 = arith.constant 20 : i32
      %mul3A_276 = vector.broadcast %mul3A_275 : i32 to vector<16xi32>
      %mul3A_277 = arith.muli %add3A_274, %mul3A_276 : vector<16xi32>
      %broadcast_in_dim3A = arith.constant 0.000000e+00 : f32
      %broadcast_in_dim3A_278 = vector.broadcast %broadcast_in_dim3A : f32 to vector<16xf32>
      %add3A_279 = arith.constant 0 : i32
      %add3A_280 = vector.broadcast %add3A_279 : i32 to vector<16xi32>
      %add3A_281 = arith.addi %mul3A_277, %add3A_280 : vector<16xi32>
      %shift_right_arithmetic3A = arith.constant 7 : i32
      %shift_right_arithmetic3A_282 = vector.broadcast %shift_right_arithmetic3A : i32 to vector<16xi32>
      %shift_right_arithmetic3A_283 = arith.shrsi %add3A_281, %shift_right_arithmetic3A_282 : vector<16xi32>
      %and3A = arith.constant 127 : i32
      %and3A_284 = vector.broadcast %and3A : i32 to vector<16xi32>
      %and3A_285 = arith.andi %add3A_281, %and3A_284 : vector<16xi32>
      %gather3A = tpu.vector_load_idx %arg7[%shift_right_arithmetic3A_283, %and3A_285] : memref<80x128xi32, #tpu.memory_space<vmem>>[vector<16xi32>, vector<16xi32>], vector<16xi32>,
      %ne3A = arith.constant 0 : i32
      %ne3A_286 = vector.broadcast %ne3A : i32 to vector<16xi32>
      %ne3A_287 = arith.cmpi ne, %gather3A, %ne3A_286 : vector<16xi32>
      %convert_element_type3A = arith.extui %ne3A_287 : vector<16xi1> to vector<16xi32>
      %convert_element_type3A_288 = arith.sitofp %convert_element_type3A : vector<16xi32> to vector<16xf32>
      %add3A_289 = arith.addf %broadcast_in_dim3A_278, %convert_element_type3A_288 : vector<16xf32>
      %add3A_290 = arith.constant 1 : i32
      %add3A_291 = vector.broadcast %add3A_290 : i32 to vector<16xi32>
      %add3A_292 = arith.addi %mul3A_277, %add3A_291 : vector<16xi32>
      %shift_right_arithmetic3A_293 = arith.constant 7 : i32
      %shift_right_arithmetic3A_294 = vector.broadcast %shift_right_arithmetic3A_293 : i32 to vector<16xi32>
      %shift_right_arithmetic3A_295 = arith.shrsi %add3A_292, %shift_right_arithmetic3A_294 : vector<16xi32>
      %and3A_296 = arith.constant 127 : i32
      %and3A_297 = vector.broadcast %and3A_296 : i32 to vector<16xi32>
      %and3A_298 = arith.andi %add3A_292, %and3A_297 : vector<16xi32>
      %gather3A_299 = tpu.vector_load_idx %arg7[%shift_right_arithmetic3A_295, %and3A_298] : memref<80x128xi32, #tpu.memory_space<vmem>>[vector<16xi32>, vector<16xi32>], vector<16xi32>,
      %ne3A_300 = arith.constant 0 : i32
      %ne3A_301 = vector.broadcast %ne3A_300 : i32 to vector<16xi32>
      %ne3A_302 = arith.cmpi ne, %gather3A_299, %ne3A_301 : vector<16xi32>
      %convert_element_type3A_303 = arith.extui %ne3A_302 : vector<16xi1> to vector<16xi32>
      %convert_element_type3A_304 = arith.sitofp %convert_element_type3A_303 : vector<16xi32> to vector<16xf32>
      %add3A_305 = arith.addf %add3A_289, %convert_element_type3A_304 : vector<16xf32>
      %add3A_306 = arith.constant 2 : i32
      %add3A_307 = vector.broadcast %add3A_306 : i32 to vector<16xi32>
      %add3A_308 = arith.addi %mul3A_277, %add3A_307 : vector<16xi32>
      %shift_right_arithmetic3A_309 = arith.constant 7 : i32
      %shift_right_arithmetic3A_310 = vector.broadcast %shift_right_arithmetic3A_309 : i32 to vector<16xi32>
      %shift_right_arithmetic3A_311 = arith.shrsi %add3A_308, %shift_right_arithmetic3A_310 : vector<16xi32>
      %and3A_312 = arith.constant 127 : i32
      %and3A_313 = vector.broadcast %and3A_312 : i32 to vector<16xi32>
      %and3A_314 = arith.andi %add3A_308, %and3A_313 : vector<16xi32>
      %gather3A_315 = tpu.vector_load_idx %arg7[%shift_right_arithmetic3A_311, %and3A_314] : memref<80x128xi32, #tpu.memory_space<vmem>>[vector<16xi32>, vector<16xi32>], vector<16xi32>,
      %ne3A_316 = arith.constant 0 : i32
      %ne3A_317 = vector.broadcast %ne3A_316 : i32 to vector<16xi32>
      %ne3A_318 = arith.cmpi ne, %gather3A_315, %ne3A_317 : vector<16xi32>
      %convert_element_type3A_319 = arith.extui %ne3A_318 : vector<16xi1> to vector<16xi32>
      %convert_element_type3A_320 = arith.sitofp %convert_element_type3A_319 : vector<16xi32> to vector<16xf32>
      %add3A_321 = arith.addf %add3A_305, %convert_element_type3A_320 : vector<16xf32>
      %add3A_322 = arith.constant 3 : i32
      %add3A_323 = vector.broadcast %add3A_322 : i32 to vector<16xi32>
      %add3A_324 = arith.addi %mul3A_277, %add3A_323 : vector<16xi32>
      %shift_right_arithmetic3A_325 = arith.constant 7 : i32
      %shift_right_arithmetic3A_326 = vector.broadcast %shift_right_arithmetic3A_325 : i32 to vector<16xi32>
      %shift_right_arithmetic3A_327 = arith.shrsi %add3A_324, %shift_right_arithmetic3A_326 : vector<16xi32>
      %and3A_328 = arith.constant 127 : i32
      %and3A_329 = vector.broadcast %and3A_328 : i32 to vector<16xi32>
      %and3A_330 = arith.andi %add3A_324, %and3A_329 : vector<16xi32>
      %gather3A_331 = tpu.vector_load_idx %arg7[%shift_right_arithmetic3A_327, %and3A_330] : memref<80x128xi32, #tpu.memory_space<vmem>>[vector<16xi32>, vector<16xi32>], vector<16xi32>,
      %ne3A_332 = arith.constant 0 : i32
      %ne3A_333 = vector.broadcast %ne3A_332 : i32 to vector<16xi32>
      %ne3A_334 = arith.cmpi ne, %gather3A_331, %ne3A_333 : vector<16xi32>
      %convert_element_type3A_335 = arith.extui %ne3A_334 : vector<16xi1> to vector<16xi32>
      %convert_element_type3A_336 = arith.sitofp %convert_element_type3A_335 : vector<16xi32> to vector<16xf32>
      %add3A_337 = arith.addf %add3A_321, %convert_element_type3A_336 : vector<16xf32>
      %add3A_338 = arith.constant 4 : i32
      %add3A_339 = vector.broadcast %add3A_338 : i32 to vector<16xi32>
      %add3A_340 = arith.addi %mul3A_277, %add3A_339 : vector<16xi32>
      %shift_right_arithmetic3A_341 = arith.constant 7 : i32
      %shift_right_arithmetic3A_342 = vector.broadcast %shift_right_arithmetic3A_341 : i32 to vector<16xi32>
      %shift_right_arithmetic3A_343 = arith.shrsi %add3A_340, %shift_right_arithmetic3A_342 : vector<16xi32>
      %and3A_344 = arith.constant 127 : i32
      %and3A_345 = vector.broadcast %and3A_344 : i32 to vector<16xi32>
      %and3A_346 = arith.andi %add3A_340, %and3A_345 : vector<16xi32>
      %gather3A_347 = tpu.vector_load_idx %arg7[%shift_right_arithmetic3A_343, %and3A_346] : memref<80x128xi32, #tpu.memory_space<vmem>>[vector<16xi32>, vector<16xi32>], vector<16xi32>,
      %ne3A_348 = arith.constant 0 : i32
      %ne3A_349 = vector.broadcast %ne3A_348 : i32 to vector<16xi32>
      %ne3A_350 = arith.cmpi ne, %gather3A_347, %ne3A_349 : vector<16xi32>
      %convert_element_type3A_351 = arith.extui %ne3A_350 : vector<16xi1> to vector<16xi32>
      %convert_element_type3A_352 = arith.sitofp %convert_element_type3A_351 : vector<16xi32> to vector<16xf32>
      %add3A_353 = arith.addf %add3A_337, %convert_element_type3A_352 : vector<16xf32>
      %add3A_354 = arith.constant 5 : i32
      %add3A_355 = vector.broadcast %add3A_354 : i32 to vector<16xi32>
      %add3A_356 = arith.addi %mul3A_277, %add3A_355 : vector<16xi32>
      %shift_right_arithmetic3A_357 = arith.constant 7 : i32
      %shift_right_arithmetic3A_358 = vector.broadcast %shift_right_arithmetic3A_357 : i32 to vector<16xi32>
      %shift_right_arithmetic3A_359 = arith.shrsi %add3A_356, %shift_right_arithmetic3A_358 : vector<16xi32>
      %and3A_360 = arith.constant 127 : i32
      %and3A_361 = vector.broadcast %and3A_360 : i32 to vector<16xi32>
      %and3A_362 = arith.andi %add3A_356, %and3A_361 : vector<16xi32>
      %gather3A_363 = tpu.vector_load_idx %arg7[%shift_right_arithmetic3A_359, %and3A_362] : memref<80x128xi32, #tpu.memory_space<vmem>>[vector<16xi32>, vector<16xi32>], vector<16xi32>,
      %ne3A_364 = arith.constant 0 : i32
      %ne3A_365 = vector.broadcast %ne3A_364 : i32 to vector<16xi32>
      %ne3A_366 = arith.cmpi ne, %gather3A_363, %ne3A_365 : vector<16xi32>
      %convert_element_type3A_367 = arith.extui %ne3A_366 : vector<16xi1> to vector<16xi32>
      %convert_element_type3A_368 = arith.sitofp %convert_element_type3A_367 : vector<16xi32> to vector<16xf32>
      %add3A_369 = arith.addf %add3A_353, %convert_element_type3A_368 : vector<16xf32>
      %add3A_370 = arith.constant 6 : i32
      %add3A_371 = vector.broadcast %add3A_370 : i32 to vector<16xi32>
      %add3A_372 = arith.addi %mul3A_277, %add3A_371 : vector<16xi32>
      %shift_right_arithmetic3A_373 = arith.constant 7 : i32
      %shift_right_arithmetic3A_374 = vector.broadcast %shift_right_arithmetic3A_373 : i32 to vector<16xi32>
      %shift_right_arithmetic3A_375 = arith.shrsi %add3A_372, %shift_right_arithmetic3A_374 : vector<16xi32>
      %and3A_376 = arith.constant 127 : i32
      %and3A_377 = vector.broadcast %and3A_376 : i32 to vector<16xi32>
      %and3A_378 = arith.andi %add3A_372, %and3A_377 : vector<16xi32>
      %gather3A_379 = tpu.vector_load_idx %arg7[%shift_right_arithmetic3A_375, %and3A_378] : memref<80x128xi32, #tpu.memory_space<vmem>>[vector<16xi32>, vector<16xi32>], vector<16xi32>,
      %ne3A_380 = arith.constant 0 : i32
      %ne3A_381 = vector.broadcast %ne3A_380 : i32 to vector<16xi32>
      %ne3A_382 = arith.cmpi ne, %gather3A_379, %ne3A_381 : vector<16xi32>
      %convert_element_type3A_383 = arith.extui %ne3A_382 : vector<16xi1> to vector<16xi32>
      %convert_element_type3A_384 = arith.sitofp %convert_element_type3A_383 : vector<16xi32> to vector<16xf32>
      %add3A_385 = arith.addf %add3A_369, %convert_element_type3A_384 : vector<16xf32>
      %add3A_386 = arith.constant 7 : i32
      %add3A_387 = vector.broadcast %add3A_386 : i32 to vector<16xi32>
      %add3A_388 = arith.addi %mul3A_277, %add3A_387 : vector<16xi32>
      %shift_right_arithmetic3A_389 = arith.constant 7 : i32
      %shift_right_arithmetic3A_390 = vector.broadcast %shift_right_arithmetic3A_389 : i32 to vector<16xi32>
      %shift_right_arithmetic3A_391 = arith.shrsi %add3A_388, %shift_right_arithmetic3A_390 : vector<16xi32>
      %and3A_392 = arith.constant 127 : i32
      %and3A_393 = vector.broadcast %and3A_392 : i32 to vector<16xi32>
      %and3A_394 = arith.andi %add3A_388, %and3A_393 : vector<16xi32>
      %gather3A_395 = tpu.vector_load_idx %arg7[%shift_right_arithmetic3A_391, %and3A_394] : memref<80x128xi32, #tpu.memory_space<vmem>>[vector<16xi32>, vector<16xi32>], vector<16xi32>,
      %ne3A_396 = arith.constant 0 : i32
      %ne3A_397 = vector.broadcast %ne3A_396 : i32 to vector<16xi32>
      %ne3A_398 = arith.cmpi ne, %gather3A_395, %ne3A_397 : vector<16xi32>
      %convert_element_type3A_399 = arith.extui %ne3A_398 : vector<16xi1> to vector<16xi32>
      %convert_element_type3A_400 = arith.sitofp %convert_element_type3A_399 : vector<16xi32> to vector<16xf32>
      %add3A_401 = arith.addf %add3A_385, %convert_element_type3A_400 : vector<16xf32>
      %add3A_402 = arith.constant 8 : i32
      %add3A_403 = vector.broadcast %add3A_402 : i32 to vector<16xi32>
      %add3A_404 = arith.addi %mul3A_277, %add3A_403 : vector<16xi32>
      %shift_right_arithmetic3A_405 = arith.constant 7 : i32
      %shift_right_arithmetic3A_406 = vector.broadcast %shift_right_arithmetic3A_405 : i32 to vector<16xi32>
      %shift_right_arithmetic3A_407 = arith.shrsi %add3A_404, %shift_right_arithmetic3A_406 : vector<16xi32>
      %and3A_408 = arith.constant 127 : i32
      %and3A_409 = vector.broadcast %and3A_408 : i32 to vector<16xi32>
      %and3A_410 = arith.andi %add3A_404, %and3A_409 : vector<16xi32>
      %gather3A_411 = tpu.vector_load_idx %arg7[%shift_right_arithmetic3A_407, %and3A_410] : memref<80x128xi32, #tpu.memory_space<vmem>>[vector<16xi32>, vector<16xi32>], vector<16xi32>,
      %ne3A_412 = arith.constant 0 : i32
      %ne3A_413 = vector.broadcast %ne3A_412 : i32 to vector<16xi32>
      %ne3A_414 = arith.cmpi ne, %gather3A_411, %ne3A_413 : vector<16xi32>
      %convert_element_type3A_415 = arith.extui %ne3A_414 : vector<16xi1> to vector<16xi32>
      %convert_element_type3A_416 = arith.sitofp %convert_element_type3A_415 : vector<16xi32> to vector<16xf32>
      %add3A_417 = arith.addf %add3A_401, %convert_element_type3A_416 : vector<16xf32>
      %add3A_418 = arith.constant 9 : i32
      %add3A_419 = vector.broadcast %add3A_418 : i32 to vector<16xi32>
      %add3A_420 = arith.addi %mul3A_277, %add3A_419 : vector<16xi32>
      %shift_right_arithmetic3A_421 = arith.constant 7 : i32
      %shift_right_arithmetic3A_422 = vector.broadcast %shift_right_arithmetic3A_421 : i32 to vector<16xi32>
      %shift_right_arithmetic3A_423 = arith.shrsi %add3A_420, %shift_right_arithmetic3A_422 : vector<16xi32>
      %and3A_424 = arith.constant 127 : i32
      %and3A_425 = vector.broadcast %and3A_424 : i32 to vector<16xi32>
      %and3A_426 = arith.andi %add3A_420, %and3A_425 : vector<16xi32>
      %gather3A_427 = tpu.vector_load_idx %arg7[%shift_right_arithmetic3A_423, %and3A_426] : memref<80x128xi32, #tpu.memory_space<vmem>>[vector<16xi32>, vector<16xi32>], vector<16xi32>,
      %ne3A_428 = arith.constant 0 : i32
      %ne3A_429 = vector.broadcast %ne3A_428 : i32 to vector<16xi32>
      %ne3A_430 = arith.cmpi ne, %gather3A_427, %ne3A_429 : vector<16xi32>
      %convert_element_type3A_431 = arith.extui %ne3A_430 : vector<16xi1> to vector<16xi32>
      %convert_element_type3A_432 = arith.sitofp %convert_element_type3A_431 : vector<16xi32> to vector<16xf32>
      %add3A_433 = arith.addf %add3A_417, %convert_element_type3A_432 : vector<16xf32>
      %add3A_434 = arith.constant 10 : i32
      %add3A_435 = vector.broadcast %add3A_434 : i32 to vector<16xi32>
      %add3A_436 = arith.addi %mul3A_277, %add3A_435 : vector<16xi32>
      %shift_right_arithmetic3A_437 = arith.constant 7 : i32
      %shift_right_arithmetic3A_438 = vector.broadcast %shift_right_arithmetic3A_437 : i32 to vector<16xi32>
      %shift_right_arithmetic3A_439 = arith.shrsi %add3A_436, %shift_right_arithmetic3A_438 : vector<16xi32>
      %and3A_440 = arith.constant 127 : i32
      %and3A_441 = vector.broadcast %and3A_440 : i32 to vector<16xi32>
      %and3A_442 = arith.andi %add3A_436, %and3A_441 : vector<16xi32>
      %gather3A_443 = tpu.vector_load_idx %arg7[%shift_right_arithmetic3A_439, %and3A_442] : memref<80x128xi32, #tpu.memory_space<vmem>>[vector<16xi32>, vector<16xi32>], vector<16xi32>,
      %ne3A_444 = arith.constant 0 : i32
      %ne3A_445 = vector.broadcast %ne3A_444 : i32 to vector<16xi32>
      %ne3A_446 = arith.cmpi ne, %gather3A_443, %ne3A_445 : vector<16xi32>
      %convert_element_type3A_447 = arith.extui %ne3A_446 : vector<16xi1> to vector<16xi32>
      %convert_element_type3A_448 = arith.sitofp %convert_element_type3A_447 : vector<16xi32> to vector<16xf32>
      %add3A_449 = arith.addf %add3A_433, %convert_element_type3A_448 : vector<16xf32>
      %add3A_450 = arith.constant 11 : i32
      %add3A_451 = vector.broadcast %add3A_450 : i32 to vector<16xi32>
      %add3A_452 = arith.addi %mul3A_277, %add3A_451 : vector<16xi32>
      %shift_right_arithmetic3A_453 = arith.constant 7 : i32
      %shift_right_arithmetic3A_454 = vector.broadcast %shift_right_arithmetic3A_453 : i32 to vector<16xi32>
      %shift_right_arithmetic3A_455 = arith.shrsi %add3A_452, %shift_right_arithmetic3A_454 : vector<16xi32>
      %and3A_456 = arith.constant 127 : i32
      %and3A_457 = vector.broadcast %and3A_456 : i32 to vector<16xi32>
      %and3A_458 = arith.andi %add3A_452, %and3A_457 : vector<16xi32>
      %gather3A_459 = tpu.vector_load_idx %arg7[%shift_right_arithmetic3A_455, %and3A_458] : memref<80x128xi32, #tpu.memory_space<vmem>>[vector<16xi32>, vector<16xi32>], vector<16xi32>,
      %ne3A_460 = arith.constant 0 : i32
      %ne3A_461 = vector.broadcast %ne3A_460 : i32 to vector<16xi32>
      %ne3A_462 = arith.cmpi ne, %gather3A_459, %ne3A_461 : vector<16xi32>
      %convert_element_type3A_463 = arith.extui %ne3A_462 : vector<16xi1> to vector<16xi32>
      %convert_element_type3A_464 = arith.sitofp %convert_element_type3A_463 : vector<16xi32> to vector<16xf32>
      %add3A_465 = arith.addf %add3A_449, %convert_element_type3A_464 : vector<16xf32>
      %add3A_466 = arith.constant 12 : i32
      %add3A_467 = vector.broadcast %add3A_466 : i32 to vector<16xi32>
      %add3A_468 = arith.addi %mul3A_277, %add3A_467 : vector<16xi32>
      %shift_right_arithmetic3A_469 = arith.constant 7 : i32
      %shift_right_arithmetic3A_470 = vector.broadcast %shift_right_arithmetic3A_469 : i32 to vector<16xi32>
      %shift_right_arithmetic3A_471 = arith.shrsi %add3A_468, %shift_right_arithmetic3A_470 : vector<16xi32>
      %and3A_472 = arith.constant 127 : i32
      %and3A_473 = vector.broadcast %and3A_472 : i32 to vector<16xi32>
      %and3A_474 = arith.andi %add3A_468, %and3A_473 : vector<16xi32>
      %gather3A_475 = tpu.vector_load_idx %arg7[%shift_right_arithmetic3A_471, %and3A_474] : memref<80x128xi32, #tpu.memory_space<vmem>>[vector<16xi32>, vector<16xi32>], vector<16xi32>,
      %ne3A_476 = arith.constant 0 : i32
      %ne3A_477 = vector.broadcast %ne3A_476 : i32 to vector<16xi32>
      %ne3A_478 = arith.cmpi ne, %gather3A_475, %ne3A_477 : vector<16xi32>
      %convert_element_type3A_479 = arith.extui %ne3A_478 : vector<16xi1> to vector<16xi32>
      %convert_element_type3A_480 = arith.sitofp %convert_element_type3A_479 : vector<16xi32> to vector<16xf32>
      %add3A_481 = arith.addf %add3A_465, %convert_element_type3A_480 : vector<16xf32>
      %add3A_482 = arith.constant 13 : i32
      %add3A_483 = vector.broadcast %add3A_482 : i32 to vector<16xi32>
      %add3A_484 = arith.addi %mul3A_277, %add3A_483 : vector<16xi32>
      %shift_right_arithmetic3A_485 = arith.constant 7 : i32
      %shift_right_arithmetic3A_486 = vector.broadcast %shift_right_arithmetic3A_485 : i32 to vector<16xi32>
      %shift_right_arithmetic3A_487 = arith.shrsi %add3A_484, %shift_right_arithmetic3A_486 : vector<16xi32>
      %and3A_488 = arith.constant 127 : i32
      %and3A_489 = vector.broadcast %and3A_488 : i32 to vector<16xi32>
      %and3A_490 = arith.andi %add3A_484, %and3A_489 : vector<16xi32>
      %gather3A_491 = tpu.vector_load_idx %arg7[%shift_right_arithmetic3A_487, %and3A_490] : memref<80x128xi32, #tpu.memory_space<vmem>>[vector<16xi32>, vector<16xi32>], vector<16xi32>,
      %ne3A_492 = arith.constant 0 : i32
      %ne3A_493 = vector.broadcast %ne3A_492 : i32 to vector<16xi32>
      %ne3A_494 = arith.cmpi ne, %gather3A_491, %ne3A_493 : vector<16xi32>
      %convert_element_type3A_495 = arith.extui %ne3A_494 : vector<16xi1> to vector<16xi32>
      %convert_element_type3A_496 = arith.sitofp %convert_element_type3A_495 : vector<16xi32> to vector<16xf32>
      %add3A_497 = arith.addf %add3A_481, %convert_element_type3A_496 : vector<16xf32>
      %add3A_498 = arith.constant 14 : i32
      %add3A_499 = vector.broadcast %add3A_498 : i32 to vector<16xi32>
      %add3A_500 = arith.addi %mul3A_277, %add3A_499 : vector<16xi32>
      %shift_right_arithmetic3A_501 = arith.constant 7 : i32
      %shift_right_arithmetic3A_502 = vector.broadcast %shift_right_arithmetic3A_501 : i32 to vector<16xi32>
      %shift_right_arithmetic3A_503 = arith.shrsi %add3A_500, %shift_right_arithmetic3A_502 : vector<16xi32>
      %and3A_504 = arith.constant 127 : i32
      %and3A_505 = vector.broadcast %and3A_504 : i32 to vector<16xi32>
      %and3A_506 = arith.andi %add3A_500, %and3A_505 : vector<16xi32>
      %gather3A_507 = tpu.vector_load_idx %arg7[%shift_right_arithmetic3A_503, %and3A_506] : memref<80x128xi32, #tpu.memory_space<vmem>>[vector<16xi32>, vector<16xi32>], vector<16xi32>,
      %ne3A_508 = arith.constant 0 : i32
      %ne3A_509 = vector.broadcast %ne3A_508 : i32 to vector<16xi32>
      %ne3A_510 = arith.cmpi ne, %gather3A_507, %ne3A_509 : vector<16xi32>
      %convert_element_type3A_511 = arith.extui %ne3A_510 : vector<16xi1> to vector<16xi32>
      %convert_element_type3A_512 = arith.sitofp %convert_element_type3A_511 : vector<16xi32> to vector<16xf32>
      %add3A_513 = arith.addf %add3A_497, %convert_element_type3A_512 : vector<16xf32>
      %add3A_514 = arith.constant 15 : i32
      %add3A_515 = vector.broadcast %add3A_514 : i32 to vector<16xi32>
      %add3A_516 = arith.addi %mul3A_277, %add3A_515 : vector<16xi32>
      %shift_right_arithmetic3A_517 = arith.constant 7 : i32
      %shift_right_arithmetic3A_518 = vector.broadcast %shift_right_arithmetic3A_517 : i32 to vector<16xi32>
      %shift_right_arithmetic3A_519 = arith.shrsi %add3A_516, %shift_right_arithmetic3A_518 : vector<16xi32>
      %and3A_520 = arith.constant 127 : i32
      %and3A_521 = vector.broadcast %and3A_520 : i32 to vector<16xi32>
      %and3A_522 = arith.andi %add3A_516, %and3A_521 : vector<16xi32>
      %gather3A_523 = tpu.vector_load_idx %arg7[%shift_right_arithmetic3A_519, %and3A_522] : memref<80x128xi32, #tpu.memory_space<vmem>>[vector<16xi32>, vector<16xi32>], vector<16xi32>,
      %ne3A_524 = arith.constant 0 : i32
      %ne3A_525 = vector.broadcast %ne3A_524 : i32 to vector<16xi32>
      %ne3A_526 = arith.cmpi ne, %gather3A_523, %ne3A_525 : vector<16xi32>
      %convert_element_type3A_527 = arith.extui %ne3A_526 : vector<16xi1> to vector<16xi32>
      %convert_element_type3A_528 = arith.sitofp %convert_element_type3A_527 : vector<16xi32> to vector<16xf32>
      %add3A_529 = arith.addf %add3A_513, %convert_element_type3A_528 : vector<16xf32>
      %add3A_530 = arith.constant 16 : i32
      %add3A_531 = vector.broadcast %add3A_530 : i32 to vector<16xi32>
      %add3A_532 = arith.addi %mul3A_277, %add3A_531 : vector<16xi32>
      %shift_right_arithmetic3A_533 = arith.constant 7 : i32
      %shift_right_arithmetic3A_534 = vector.broadcast %shift_right_arithmetic3A_533 : i32 to vector<16xi32>
      %shift_right_arithmetic3A_535 = arith.shrsi %add3A_532, %shift_right_arithmetic3A_534 : vector<16xi32>
      %and3A_536 = arith.constant 127 : i32
      %and3A_537 = vector.broadcast %and3A_536 : i32 to vector<16xi32>
      %and3A_538 = arith.andi %add3A_532, %and3A_537 : vector<16xi32>
      %gather3A_539 = tpu.vector_load_idx %arg7[%shift_right_arithmetic3A_535, %and3A_538] : memref<80x128xi32, #tpu.memory_space<vmem>>[vector<16xi32>, vector<16xi32>], vector<16xi32>,
      %ne3A_540 = arith.constant 0 : i32
      %ne3A_541 = vector.broadcast %ne3A_540 : i32 to vector<16xi32>
      %ne3A_542 = arith.cmpi ne, %gather3A_539, %ne3A_541 : vector<16xi32>
      %convert_element_type3A_543 = arith.extui %ne3A_542 : vector<16xi1> to vector<16xi32>
      %convert_element_type3A_544 = arith.sitofp %convert_element_type3A_543 : vector<16xi32> to vector<16xf32>
      %add3A_545 = arith.addf %add3A_529, %convert_element_type3A_544 : vector<16xf32>
      %add3A_546 = arith.constant 17 : i32
      %add3A_547 = vector.broadcast %add3A_546 : i32 to vector<16xi32>
      %add3A_548 = arith.addi %mul3A_277, %add3A_547 : vector<16xi32>
      %shift_right_arithmetic3A_549 = arith.constant 7 : i32
      %shift_right_arithmetic3A_550 = vector.broadcast %shift_right_arithmetic3A_549 : i32 to vector<16xi32>
      %shift_right_arithmetic3A_551 = arith.shrsi %add3A_548, %shift_right_arithmetic3A_550 : vector<16xi32>
      %and3A_552 = arith.constant 127 : i32
      %and3A_553 = vector.broadcast %and3A_552 : i32 to vector<16xi32>
      %and3A_554 = arith.andi %add3A_548, %and3A_553 : vector<16xi32>
      %gather3A_555 = tpu.vector_load_idx %arg7[%shift_right_arithmetic3A_551, %and3A_554] : memref<80x128xi32, #tpu.memory_space<vmem>>[vector<16xi32>, vector<16xi32>], vector<16xi32>,
      %ne3A_556 = arith.constant 0 : i32
      %ne3A_557 = vector.broadcast %ne3A_556 : i32 to vector<16xi32>
      %ne3A_558 = arith.cmpi ne, %gather3A_555, %ne3A_557 : vector<16xi32>
      %convert_element_type3A_559 = arith.extui %ne3A_558 : vector<16xi1> to vector<16xi32>
      %convert_element_type3A_560 = arith.sitofp %convert_element_type3A_559 : vector<16xi32> to vector<16xf32>
      %add3A_561 = arith.addf %add3A_545, %convert_element_type3A_560 : vector<16xf32>
      %add3A_562 = arith.constant 18 : i32
      %add3A_563 = vector.broadcast %add3A_562 : i32 to vector<16xi32>
      %add3A_564 = arith.addi %mul3A_277, %add3A_563 : vector<16xi32>
      %shift_right_arithmetic3A_565 = arith.constant 7 : i32
      %shift_right_arithmetic3A_566 = vector.broadcast %shift_right_arithmetic3A_565 : i32 to vector<16xi32>
      %shift_right_arithmetic3A_567 = arith.shrsi %add3A_564, %shift_right_arithmetic3A_566 : vector<16xi32>
      %and3A_568 = arith.constant 127 : i32
      %and3A_569 = vector.broadcast %and3A_568 : i32 to vector<16xi32>
      %and3A_570 = arith.andi %add3A_564, %and3A_569 : vector<16xi32>
      %gather3A_571 = tpu.vector_load_idx %arg7[%shift_right_arithmetic3A_567, %and3A_570] : memref<80x128xi32, #tpu.memory_space<vmem>>[vector<16xi32>, vector<16xi32>], vector<16xi32>,
      %ne3A_572 = arith.constant 0 : i32
      %ne3A_573 = vector.broadcast %ne3A_572 : i32 to vector<16xi32>
      %ne3A_574 = arith.cmpi ne, %gather3A_571, %ne3A_573 : vector<16xi32>
      %convert_element_type3A_575 = arith.extui %ne3A_574 : vector<16xi1> to vector<16xi32>
      %convert_element_type3A_576 = arith.sitofp %convert_element_type3A_575 : vector<16xi32> to vector<16xf32>
      %add3A_577 = arith.addf %add3A_561, %convert_element_type3A_576 : vector<16xf32>
      %add3A_578 = arith.constant 19 : i32
      %add3A_579 = vector.broadcast %add3A_578 : i32 to vector<16xi32>
      %add3A_580 = arith.addi %mul3A_277, %add3A_579 : vector<16xi32>
      %shift_right_arithmetic3A_581 = arith.constant 7 : i32
      %shift_right_arithmetic3A_582 = vector.broadcast %shift_right_arithmetic3A_581 : i32 to vector<16xi32>
      %shift_right_arithmetic3A_583 = arith.shrsi %add3A_580, %shift_right_arithmetic3A_582 : vector<16xi32>
      %and3A_584 = arith.constant 127 : i32
      %and3A_585 = vector.broadcast %and3A_584 : i32 to vector<16xi32>
      %and3A_586 = arith.andi %add3A_580, %and3A_585 : vector<16xi32>
      %gather3A_587 = tpu.vector_load_idx %arg7[%shift_right_arithmetic3A_583, %and3A_586] : memref<80x128xi32, #tpu.memory_space<vmem>>[vector<16xi32>, vector<16xi32>], vector<16xi32>,
      %ne3A_588 = arith.constant 0 : i32
      %ne3A_589 = vector.broadcast %ne3A_588 : i32 to vector<16xi32>
      %ne3A_590 = arith.cmpi ne, %gather3A_587, %ne3A_589 : vector<16xi32>
      %convert_element_type3A_591 = arith.extui %ne3A_590 : vector<16xi1> to vector<16xi32>
      %convert_element_type3A_592 = arith.sitofp %convert_element_type3A_591 : vector<16xi32> to vector<16xf32>
      %add3A_593 = arith.addf %add3A_577, %convert_element_type3A_592 : vector<16xf32>
      %max3A = arith.constant 1.000000e+00 : f32
      %max3A_594 = vector.broadcast %max3A : f32 to vector<16xf32>
      %max3A_595 = arith.maximumf %add3A_593, %max3A_594 : vector<16xf32>
      %div3A = arith.constant 1.000000e+00 : f32
      %div3A_596 = vector.broadcast %div3A : f32 to vector<16xf32>
      %div3A_597 = arith.divf %div3A_596, %max3A_595 : vector<16xf32>
      %mul3A_598 = arith.constant 16 : i32
      %mul3A_599 = arith.muli %scan3A_270, %mul3A_598 : i32
      %swap3A = arith.index_cast %mul3A_599 : i32 to index
      %swap3A_600 = tpu.vector_load %arg11[%swap3A] {strides = array<i32>} : memref<512xf32, #tpu.memory_space<vmem>>, vector<16xf32>,
      tpu.vector_store %arg11[%swap3A], %div3A_597 {strides = array<i32>} : memref<512xf32, #tpu.memory_space<vmem>>, vector<16xf32>,
      %sub3A = arith.constant 2.000000e+01 : f32
      %sub3A_601 = vector.broadcast %sub3A : f32 to vector<16xf32>
      %sub3A_602 = arith.subf %sub3A_601, %add3A_593 : vector<16xf32>
      %mul3A_603 = arith.constant 16 : i32
      %mul3A_604 = arith.muli %scan3A_270, %mul3A_603 : i32
      %swap3A_605 = arith.index_cast %mul3A_604 : i32 to index
      %swap3A_606 = tpu.vector_load %arg12[%swap3A_605] {strides = array<i32>} : memref<512xf32, #tpu.memory_space<vmem>>, vector<16xf32>,
      tpu.vector_store %arg12[%swap3A_605], %sub3A_602 {strides = array<i32>} : memref<512xf32, #tpu.memory_space<vmem>>, vector<16xf32>,
    }
    %scan3A_179 = arith.constant 32 : i32
    %get3A = arith.constant 0 : i32
    %get3A_180 = arith.index_cast %get3A : i32 to index
    %get3A_181 = arith.constant 0 : index
    %get3A_182 = tpu.vector_load %arg13[%get3A_180, %get3A_181] {strides = array<i32>} : memref<1x32xf32, #tpu.memory_space<vmem>>, vector<16xf32>,
    %get3A_183 = arith.constant 0 : i32
    %get3A_184 = arith.index_cast %get3A_183 : i32 to index
    %get3A_185 = arith.constant 16 : index
    %get3A_186 = tpu.vector_load %arg13[%get3A_184, %get3A_185] {strides = array<i32>} : memref<1x32xf32, #tpu.memory_space<vmem>>, vector<16xf32>,
    %dma_wait3A = arith.constant 0 : i32
    %dma_wait3A_187 = arith.constant 0 : i32
    %dma_wait3A_188 = arith.constant 0 : i32
    %dma_wait3A_189 = tpu.memref_slice %arg9[%dma_wait3A_187, %dma_wait3A_188] : memref<512x32xf32, #tpu.memory_space<vmem>> -> memref<128x32xf32, #tpu.memory_space<vmem>>
    %dma_wait3A_190 = arith.constant 0 : i32
    %dma_wait3A_191 = tpu.memref_slice %arg8[%dma_wait3A, %dma_wait3A_190] : memref<4x128xi32, #tpu.memory_space<vmem>> -> memref<1x128xi32, #tpu.memory_space<vmem>>
    %dma_wait3A_192 = tpu.memref_squeeze %dma_wait3A_191 : memref<1x128xi32, #tpu.memory_space<vmem>> -> memref<128xi32, #tpu.memory_space<vmem>>
    %dma_wait3A_193 = arith.constant 0 : i32
    %dma_wait3A_194 = arith.constant 0 : i32
    %dma_wait3A_195 = tpu.memref_slice %arg4[%dma_wait3A_193, %dma_wait3A_194] : memref<100000x32xf32, #tpu.memory_space<hbm>> -> memref<100000x32xf32, #tpu.memory_space<hbm>>
    tpu.wait_indirect_dma semaphore(%arg17 : memref<!tpu.dma_semaphore, #tpu.memory_space<semaphore_mem>>) src(%dma_wait3A_195 : memref<100000x32xf32, #tpu.memory_space<hbm>>) dst(%dma_wait3A_189 : memref<128x32xf32, #tpu.memory_space<vmem>>)
    %dma_wait3A_196 = arith.constant 1 : i32
    %dma_wait3A_197 = arith.constant 128 : i32
    %dma_wait3A_198 = arith.constant 0 : i32
    %dma_wait3A_199 = tpu.memref_slice %arg9[%dma_wait3A_197, %dma_wait3A_198] : memref<512x32xf32, #tpu.memory_space<vmem>> -> memref<128x32xf32, #tpu.memory_space<vmem>>
    %dma_wait3A_200 = arith.constant 0 : i32
    %dma_wait3A_201 = tpu.memref_slice %arg8[%dma_wait3A_196, %dma_wait3A_200] : memref<4x128xi32, #tpu.memory_space<vmem>> -> memref<1x128xi32, #tpu.memory_space<vmem>>
    %dma_wait3A_202 = tpu.memref_squeeze %dma_wait3A_201 : memref<1x128xi32, #tpu.memory_space<vmem>> -> memref<128xi32, #tpu.memory_space<vmem>>
    %dma_wait3A_203 = arith.constant 0 : i32
    %dma_wait3A_204 = arith.constant 0 : i32
    %dma_wait3A_205 = tpu.memref_slice %arg4[%dma_wait3A_203, %dma_wait3A_204] : memref<100000x32xf32, #tpu.memory_space<hbm>> -> memref<100000x32xf32, #tpu.memory_space<hbm>>
    tpu.wait_indirect_dma semaphore(%arg17 : memref<!tpu.dma_semaphore, #tpu.memory_space<semaphore_mem>>) src(%dma_wait3A_205 : memref<100000x32xf32, #tpu.memory_space<hbm>>) dst(%dma_wait3A_199 : memref<128x32xf32, #tpu.memory_space<vmem>>)
    %dma_wait3A_206 = arith.constant 2 : i32
    %dma_wait3A_207 = arith.constant 256 : i32
    %dma_wait3A_208 = arith.constant 0 : i32
    %dma_wait3A_209 = tpu.memref_slice %arg9[%dma_wait3A_207, %dma_wait3A_208] : memref<512x32xf32, #tpu.memory_space<vmem>> -> memref<128x32xf32, #tpu.memory_space<vmem>>
    %dma_wait3A_210 = arith.constant 0 : i32
    %dma_wait3A_211 = tpu.memref_slice %arg8[%dma_wait3A_206, %dma_wait3A_210] : memref<4x128xi32, #tpu.memory_space<vmem>> -> memref<1x128xi32, #tpu.memory_space<vmem>>
    %dma_wait3A_212 = tpu.memref_squeeze %dma_wait3A_211 : memref<1x128xi32, #tpu.memory_space<vmem>> -> memref<128xi32, #tpu.memory_space<vmem>>
    %dma_wait3A_213 = arith.constant 0 : i32
    %dma_wait3A_214 = arith.constant 0 : i32
    %dma_wait3A_215 = tpu.memref_slice %arg4[%dma_wait3A_213, %dma_wait3A_214] : memref<100000x32xf32, #tpu.memory_space<hbm>> -> memref<100000x32xf32, #tpu.memory_space<hbm>>
    tpu.wait_indirect_dma semaphore(%arg17 : memref<!tpu.dma_semaphore, #tpu.memory_space<semaphore_mem>>) src(%dma_wait3A_215 : memref<100000x32xf32, #tpu.memory_space<hbm>>) dst(%dma_wait3A_209 : memref<128x32xf32, #tpu.memory_space<vmem>>)
    %dma_wait3A_216 = arith.constant 3 : i32
    %dma_wait3A_217 = arith.constant 384 : i32
    %dma_wait3A_218 = arith.constant 0 : i32
    %dma_wait3A_219 = tpu.memref_slice %arg9[%dma_wait3A_217, %dma_wait3A_218] : memref<512x32xf32, #tpu.memory_space<vmem>> -> memref<128x32xf32, #tpu.memory_space<vmem>>
    %dma_wait3A_220 = arith.constant 0 : i32
    %dma_wait3A_221 = tpu.memref_slice %arg8[%dma_wait3A_216, %dma_wait3A_220] : memref<4x128xi32, #tpu.memory_space<vmem>> -> memref<1x128xi32, #tpu.memory_space<vmem>>
    %dma_wait3A_222 = tpu.memref_squeeze %dma_wait3A_221 : memref<1x128xi32, #tpu.memory_space<vmem>> -> memref<128xi32, #tpu.memory_space<vmem>>
    %dma_wait3A_223 = arith.constant 0 : i32
    %dma_wait3A_224 = arith.constant 0 : i32
    %dma_wait3A_225 = tpu.memref_slice %arg4[%dma_wait3A_223, %dma_wait3A_224] : memref<100000x32xf32, #tpu.memory_space<hbm>> -> memref<100000x32xf32, #tpu.memory_space<hbm>>
    tpu.wait_indirect_dma semaphore(%arg17 : memref<!tpu.dma_semaphore, #tpu.memory_space<semaphore_mem>>) src(%dma_wait3A_225 : memref<100000x32xf32, #tpu.memory_space<hbm>>) dst(%dma_wait3A_219 : memref<128x32xf32, #tpu.memory_space<vmem>>)
    %dma_start3A_226 = arith.constant 0 : i32
    %dma_start3A_227 = tpu.memref_slice %arg6[%mul3A_2, %dma_start3A_226] : memref<16384x64xf32, #tpu.memory_space<hbm>> -> memref<512x32xf32, #tpu.memory_space<hbm>>
    %dma_start3A_228 = arith.constant 0 : i32
    %dma_start3A_229 = tpu.memref_slice %arg6[%mul3A_2, %dma_start3A_228] : memref<16384x64xf32, #tpu.memory_space<hbm>> -> memref<512x32xf32, #tpu.memory_space<hbm>>
    tpu.enqueue_dma source(%arg9 : memref<512x32xf32, #tpu.memory_space<vmem>>) target(%dma_start3A_229 : memref<512x32xf32, #tpu.memory_space<hbm>>) target_semaphore(%arg17 : memref<!tpu.dma_semaphore, #tpu.memory_space<semaphore_mem>>)
    %scan3A_230 = arith.constant 0 : i32
    %scan3A_231 = arith.constant 0 : i32
    %scan3A_232 = arith.constant 8 : i32
    %scan3A_233 = arith.addi %scan3A_231, %scan3A_232 : i32
    %scan3A_234 = arith.constant 1 : i32
    scf.for %scan3A_270 = %scan3A_231 to %scan3A_233 step %scan3A_234  : i32 {
      %mul3A_271 = arith.constant 2 : i32
      %mul3A_272 = arith.muli %scan3A_270, %mul3A_271 : i32
      %dma_wait3A_273 = arith.constant 0 : i32
      %dma_wait3A_274 = arith.constant 0 : i32
      %dma_wait3A_275 = arith.constant 0 : i32
      %dma_wait3A_276 = tpu.memref_slice %arg10[%dma_wait3A_273, %dma_wait3A_274, %dma_wait3A_275] : memref<2x640x32xf32, #tpu.memory_space<vmem>> -> memref<1x640x32xf32, #tpu.memory_space<vmem>>
      %dma_wait3A_277 = tpu.memref_squeeze %dma_wait3A_276 : memref<1x640x32xf32, #tpu.memory_space<vmem>> -> memref<640x32xf32, #tpu.memory_space<vmem>>
      %dma_wait3A_278 = arith.constant 0 : i32
      %dma_wait3A_279 = arith.constant 0 : i32
      %dma_wait3A_280 = tpu.memref_slice %arg5[%dma_wait3A_278, %dma_wait3A_279] : memref<10000x32xf32, #tpu.memory_space<hbm>> -> memref<640x32xf32, #tpu.memory_space<hbm>>
      %dma_wait3A_281 = arith.constant 0 : i32
      %dma_wait3A_282 = arith.constant 0 : i32
      %dma_wait3A_283 = tpu.memref_slice %arg10[%dma_wait3A_273, %dma_wait3A_281, %dma_wait3A_282] : memref<2x640x32xf32, #tpu.memory_space<vmem>> -> memref<1x640x32xf32, #tpu.memory_space<vmem>>
      %dma_wait3A_284 = tpu.memref_squeeze %dma_wait3A_283 : memref<1x640x32xf32, #tpu.memory_space<vmem>> -> memref<640x32xf32, #tpu.memory_space<vmem>>
      %dma_wait3A_285 = arith.constant 0 : i32
      %dma_wait3A_286 = arith.constant 0 : i32
      %dma_wait3A_287 = tpu.memref_slice %arg5[%dma_wait3A_285, %dma_wait3A_286] : memref<10000x32xf32, #tpu.memory_space<hbm>> -> memref<640x32xf32, #tpu.memory_space<hbm>>
      tpu.wait_dma2 semaphore(%arg15 : memref<!tpu.dma_semaphore, #tpu.memory_space<semaphore_mem>>) src(%dma_wait3A_287 : memref<640x32xf32, #tpu.memory_space<hbm>>) dst(%dma_wait3A_284 : memref<640x32xf32, #tpu.memory_space<vmem>>)
      %ge3A = arith.constant 1 : i32
      %ge3A_288 = arith.cmpi sge, %scan3A_270, %ge3A : i32
      %convert_element_type3A = arith.extui %ge3A_288 : i1 to i32
      %cond3A = arith.constant 0 : i32
      %cond3A_289 = arith.cmpi ne, %convert_element_type3A, %cond3A : i32
      scf.if %cond3A_289 {
        %dma_wait3A_367 = arith.constant 0 : i32
        %dma_wait3A_368 = arith.constant 0 : i32
        %dma_wait3A_369 = arith.constant 0 : i32
        %dma_wait3A_370 = tpu.memref_slice %arg14[%dma_wait3A_367, %dma_wait3A_368, %dma_wait3A_369] : memref<2x32x32xf32, #tpu.memory_space<vmem>> -> memref<1x32x32xf32, #tpu.memory_space<vmem>>
        %dma_wait3A_371 = tpu.memref_squeeze %dma_wait3A_370 : memref<1x32x32xf32, #tpu.memory_space<vmem>> -> memref<32x32xf32, #tpu.memory_space<vmem>>
        %dma_wait3A_372 = arith.constant 0 : i32
        %dma_wait3A_373 = arith.constant 0 : i32
        %dma_wait3A_374 = tpu.memref_slice %arg5[%dma_wait3A_372, %dma_wait3A_373] : memref<10000x32xf32, #tpu.memory_space<hbm>> -> memref<32x32xf32, #tpu.memory_space<hbm>>
        %dma_wait3A_375 = arith.constant 0 : i32
        %dma_wait3A_376 = arith.constant 0 : i32
        %dma_wait3A_377 = tpu.memref_slice %arg14[%dma_wait3A_367, %dma_wait3A_375, %dma_wait3A_376] : memref<2x32x32xf32, #tpu.memory_space<vmem>> -> memref<1x32x32xf32, #tpu.memory_space<vmem>>
        %dma_wait3A_378 = tpu.memref_squeeze %dma_wait3A_377 : memref<1x32x32xf32, #tpu.memory_space<vmem>> -> memref<32x32xf32, #tpu.memory_space<vmem>>
        %dma_wait3A_379 = arith.constant 0 : i32
        %dma_wait3A_380 = arith.constant 0 : i32
        %dma_wait3A_381 = tpu.memref_slice %arg5[%dma_wait3A_379, %dma_wait3A_380] : memref<10000x32xf32, #tpu.memory_space<hbm>> -> memref<32x32xf32, #tpu.memory_space<hbm>>
        tpu.wait_dma2 semaphore(%arg18 : memref<!tpu.dma_semaphore, #tpu.memory_space<semaphore_mem>>) src(%dma_wait3A_381 : memref<32x32xf32, #tpu.memory_space<hbm>>) dst(%dma_wait3A_378 : memref<32x32xf32, #tpu.memory_space<vmem>>)
      } else {
      }
      %scan3A_290 = arith.constant 0 : i32
      %scan3A_291 = arith.constant 0 : i32
      %scan3A_292 = arith.constant 16 : i32
      %scan3A_293 = arith.addi %scan3A_291, %scan3A_292 : i32
      %scan3A_294 = arith.constant 1 : i32
      scf.for %scan3A_367 = %scan3A_291 to %scan3A_293 step %scan3A_294  : i32 {
        %mul3A_368 = arith.constant 2 : i32
        %mul3A_369 = arith.muli %scan3A_367, %mul3A_368 : i32
        %add3A_370 = arith.constant 0 : i32
        %add3A_371 = arith.addi %mul3A_369, %add3A_370 : i32
        %mul3A_372 = arith.constant 32 : i32
        %mul3A_373 = arith.muli %mul3A_272, %mul3A_372 : i32
        %add3A_374 = arith.addi %mul3A_373, %add3A_371 : i32
        %mul3A_375 = arith.constant 20 : i32
        %mul3A_376 = arith.muli %add3A_371, %mul3A_375 : i32
        %get3A_377 = arith.constant 0 : i32
        %get3A_378 = arith.index_cast %get3A_377 : i32 to index
        %get3A_379 = arith.index_cast %mul3A_376 : i32 to index
        %get3A_380 = arith.constant 0 : index
        %get3A_381 = tpu.vector_load %arg10[%get3A_378, %get3A_379, %get3A_380] {strides = array<i32>} : memref<2x640x32xf32, #tpu.memory_space<vmem>>, vector<16xf32>,
        %mul3A_382 = arith.constant 20 : i32
        %mul3A_383 = arith.muli %add3A_371, %mul3A_382 : i32
        %get3A_384 = arith.constant 0 : i32
        %get3A_385 = arith.index_cast %get3A_384 : i32 to index
        %get3A_386 = arith.index_cast %mul3A_383 : i32 to index
        %get3A_387 = arith.constant 16 : index
        %get3A_388 = tpu.vector_load %arg10[%get3A_385, %get3A_386, %get3A_387] {strides = array<i32>} : memref<2x640x32xf32, #tpu.memory_space<vmem>>, vector<16xf32>,
        %mul3A_389 = arith.constant 20 : i32
        %mul3A_390 = arith.muli %add3A_371, %mul3A_389 : i32
        %add3A_391 = arith.constant 1 : i32
        %add3A_392 = arith.addi %mul3A_390, %add3A_391 : i32
        %get3A_393 = arith.constant 0 : i32
        %get3A_394 = arith.index_cast %get3A_393 : i32 to index
        %get3A_395 = arith.index_cast %add3A_392 : i32 to index
        %get3A_396 = arith.constant 0 : index
        %get3A_397 = tpu.vector_load %arg10[%get3A_394, %get3A_395, %get3A_396] {strides = array<i32>} : memref<2x640x32xf32, #tpu.memory_space<vmem>>, vector<16xf32>,
        %add3A_398 = arith.addf %get3A_381, %get3A_397 : vector<16xf32>
        %mul3A_399 = arith.constant 20 : i32
        %mul3A_400 = arith.muli %add3A_371, %mul3A_399 : i32
        %add3A_401 = arith.constant 1 : i32
        %add3A_402 = arith.addi %mul3A_400, %add3A_401 : i32
        %get3A_403 = arith.constant 0 : i32
        %get3A_404 = arith.index_cast %get3A_403 : i32 to index
        %get3A_405 = arith.index_cast %add3A_402 : i32 to index
        %get3A_406 = arith.constant 16 : index
        %get3A_407 = tpu.vector_load %arg10[%get3A_404, %get3A_405, %get3A_406] {strides = array<i32>} : memref<2x640x32xf32, #tpu.memory_space<vmem>>, vector<16xf32>,
        %add3A_408 = arith.addf %get3A_388, %get3A_407 : vector<16xf32>
        %mul3A_409 = arith.constant 20 : i32
        %mul3A_410 = arith.muli %add3A_371, %mul3A_409 : i32
        %add3A_411 = arith.constant 2 : i32
        %add3A_412 = arith.addi %mul3A_410, %add3A_411 : i32
        %get3A_413 = arith.constant 0 : i32
        %get3A_414 = arith.index_cast %get3A_413 : i32 to index
        %get3A_415 = arith.index_cast %add3A_412 : i32 to index
        %get3A_416 = arith.constant 0 : index
        %get3A_417 = tpu.vector_load %arg10[%get3A_414, %get3A_415, %get3A_416] {strides = array<i32>} : memref<2x640x32xf32, #tpu.memory_space<vmem>>, vector<16xf32>,
        %add3A_418 = arith.addf %add3A_398, %get3A_417 : vector<16xf32>
        %mul3A_419 = arith.constant 20 : i32
        %mul3A_420 = arith.muli %add3A_371, %mul3A_419 : i32
        %add3A_421 = arith.constant 2 : i32
        %add3A_422 = arith.addi %mul3A_420, %add3A_421 : i32
        %get3A_423 = arith.constant 0 : i32
        %get3A_424 = arith.index_cast %get3A_423 : i32 to index
        %get3A_425 = arith.index_cast %add3A_422 : i32 to index
        %get3A_426 = arith.constant 16 : index
        %get3A_427 = tpu.vector_load %arg10[%get3A_424, %get3A_425, %get3A_426] {strides = array<i32>} : memref<2x640x32xf32, #tpu.memory_space<vmem>>, vector<16xf32>,
        %add3A_428 = arith.addf %add3A_408, %get3A_427 : vector<16xf32>
        %mul3A_429 = arith.constant 20 : i32
        %mul3A_430 = arith.muli %add3A_371, %mul3A_429 : i32
        %add3A_431 = arith.constant 3 : i32
        %add3A_432 = arith.addi %mul3A_430, %add3A_431 : i32
        %get3A_433 = arith.constant 0 : i32
        %get3A_434 = arith.index_cast %get3A_433 : i32 to index
        %get3A_435 = arith.index_cast %add3A_432 : i32 to index
        %get3A_436 = arith.constant 0 : index
        %get3A_437 = tpu.vector_load %arg10[%get3A_434, %get3A_435, %get3A_436] {strides = array<i32>} : memref<2x640x32xf32, #tpu.memory_space<vmem>>, vector<16xf32>,
        %add3A_438 = arith.addf %add3A_418, %get3A_437 : vector<16xf32>
        %mul3A_439 = arith.constant 20 : i32
        %mul3A_440 = arith.muli %add3A_371, %mul3A_439 : i32
        %add3A_441 = arith.constant 3 : i32
        %add3A_442 = arith.addi %mul3A_440, %add3A_441 : i32
        %get3A_443 = arith.constant 0 : i32
        %get3A_444 = arith.index_cast %get3A_443 : i32 to index
        %get3A_445 = arith.index_cast %add3A_442 : i32 to index
        %get3A_446 = arith.constant 16 : index
        %get3A_447 = tpu.vector_load %arg10[%get3A_444, %get3A_445, %get3A_446] {strides = array<i32>} : memref<2x640x32xf32, #tpu.memory_space<vmem>>, vector<16xf32>,
        %add3A_448 = arith.addf %add3A_428, %get3A_447 : vector<16xf32>
        %mul3A_449 = arith.constant 20 : i32
        %mul3A_450 = arith.muli %add3A_371, %mul3A_449 : i32
        %add3A_451 = arith.constant 4 : i32
        %add3A_452 = arith.addi %mul3A_450, %add3A_451 : i32
        %get3A_453 = arith.constant 0 : i32
        %get3A_454 = arith.index_cast %get3A_453 : i32 to index
        %get3A_455 = arith.index_cast %add3A_452 : i32 to index
        %get3A_456 = arith.constant 0 : index
        %get3A_457 = tpu.vector_load %arg10[%get3A_454, %get3A_455, %get3A_456] {strides = array<i32>} : memref<2x640x32xf32, #tpu.memory_space<vmem>>, vector<16xf32>,
        %add3A_458 = arith.addf %add3A_438, %get3A_457 : vector<16xf32>
        %mul3A_459 = arith.constant 20 : i32
        %mul3A_460 = arith.muli %add3A_371, %mul3A_459 : i32
        %add3A_461 = arith.constant 4 : i32
        %add3A_462 = arith.addi %mul3A_460, %add3A_461 : i32
        %get3A_463 = arith.constant 0 : i32
        %get3A_464 = arith.index_cast %get3A_463 : i32 to index
        %get3A_465 = arith.index_cast %add3A_462 : i32 to index
        %get3A_466 = arith.constant 16 : index
        %get3A_467 = tpu.vector_load %arg10[%get3A_464, %get3A_465, %get3A_466] {strides = array<i32>} : memref<2x640x32xf32, #tpu.memory_space<vmem>>, vector<16xf32>,
        %add3A_468 = arith.addf %add3A_448, %get3A_467 : vector<16xf32>
        %mul3A_469 = arith.constant 20 : i32
        %mul3A_470 = arith.muli %add3A_371, %mul3A_469 : i32
        %add3A_471 = arith.constant 5 : i32
        %add3A_472 = arith.addi %mul3A_470, %add3A_471 : i32
        %get3A_473 = arith.constant 0 : i32
        %get3A_474 = arith.index_cast %get3A_473 : i32 to index
        %get3A_475 = arith.index_cast %add3A_472 : i32 to index
        %get3A_476 = arith.constant 0 : index
        %get3A_477 = tpu.vector_load %arg10[%get3A_474, %get3A_475, %get3A_476] {strides = array<i32>} : memref<2x640x32xf32, #tpu.memory_space<vmem>>, vector<16xf32>,
        %add3A_478 = arith.addf %add3A_458, %get3A_477 : vector<16xf32>
        %mul3A_479 = arith.constant 20 : i32
        %mul3A_480 = arith.muli %add3A_371, %mul3A_479 : i32
        %add3A_481 = arith.constant 5 : i32
        %add3A_482 = arith.addi %mul3A_480, %add3A_481 : i32
        %get3A_483 = arith.constant 0 : i32
        %get3A_484 = arith.index_cast %get3A_483 : i32 to index
        %get3A_485 = arith.index_cast %add3A_482 : i32 to index
        %get3A_486 = arith.constant 16 : index
        %get3A_487 = tpu.vector_load %arg10[%get3A_484, %get3A_485, %get3A_486] {strides = array<i32>} : memref<2x640x32xf32, #tpu.memory_space<vmem>>, vector<16xf32>,
        %add3A_488 = arith.addf %add3A_468, %get3A_487 : vector<16xf32>
        %mul3A_489 = arith.constant 20 : i32
        %mul3A_490 = arith.muli %add3A_371, %mul3A_489 : i32
        %add3A_491 = arith.constant 6 : i32
        %add3A_492 = arith.addi %mul3A_490, %add3A_491 : i32
        %get3A_493 = arith.constant 0 : i32
        %get3A_494 = arith.index_cast %get3A_493 : i32 to index
        %get3A_495 = arith.index_cast %add3A_492 : i32 to index
        %get3A_496 = arith.constant 0 : index
        %get3A_497 = tpu.vector_load %arg10[%get3A_494, %get3A_495, %get3A_496] {strides = array<i32>} : memref<2x640x32xf32, #tpu.memory_space<vmem>>, vector<16xf32>,
        %add3A_498 = arith.addf %add3A_478, %get3A_497 : vector<16xf32>
        %mul3A_499 = arith.constant 20 : i32
        %mul3A_500 = arith.muli %add3A_371, %mul3A_499 : i32
        %add3A_501 = arith.constant 6 : i32
        %add3A_502 = arith.addi %mul3A_500, %add3A_501 : i32
        %get3A_503 = arith.constant 0 : i32
        %get3A_504 = arith.index_cast %get3A_503 : i32 to index
        %get3A_505 = arith.index_cast %add3A_502 : i32 to index
        %get3A_506 = arith.constant 16 : index
        %get3A_507 = tpu.vector_load %arg10[%get3A_504, %get3A_505, %get3A_506] {strides = array<i32>} : memref<2x640x32xf32, #tpu.memory_space<vmem>>, vector<16xf32>,
        %add3A_508 = arith.addf %add3A_488, %get3A_507 : vector<16xf32>
        %mul3A_509 = arith.constant 20 : i32
        %mul3A_510 = arith.muli %add3A_371, %mul3A_509 : i32
        %add3A_511 = arith.constant 7 : i32
        %add3A_512 = arith.addi %mul3A_510, %add3A_511 : i32
        %get3A_513 = arith.constant 0 : i32
        %get3A_514 = arith.index_cast %get3A_513 : i32 to index
        %get3A_515 = arith.index_cast %add3A_512 : i32 to index
        %get3A_516 = arith.constant 0 : index
        %get3A_517 = tpu.vector_load %arg10[%get3A_514, %get3A_515, %get3A_516] {strides = array<i32>} : memref<2x640x32xf32, #tpu.memory_space<vmem>>, vector<16xf32>,
        %add3A_518 = arith.addf %add3A_498, %get3A_517 : vector<16xf32>
        %mul3A_519 = arith.constant 20 : i32
        %mul3A_520 = arith.muli %add3A_371, %mul3A_519 : i32
        %add3A_521 = arith.constant 7 : i32
        %add3A_522 = arith.addi %mul3A_520, %add3A_521 : i32
        %get3A_523 = arith.constant 0 : i32
        %get3A_524 = arith.index_cast %get3A_523 : i32 to index
        %get3A_525 = arith.index_cast %add3A_522 : i32 to index
        %get3A_526 = arith.constant 16 : index
        %get3A_527 = tpu.vector_load %arg10[%get3A_524, %get3A_525, %get3A_526] {strides = array<i32>} : memref<2x640x32xf32, #tpu.memory_space<vmem>>, vector<16xf32>,
        %add3A_528 = arith.addf %add3A_508, %get3A_527 : vector<16xf32>
        %mul3A_529 = arith.constant 20 : i32
        %mul3A_530 = arith.muli %add3A_371, %mul3A_529 : i32
        %add3A_531 = arith.constant 8 : i32
        %add3A_532 = arith.addi %mul3A_530, %add3A_531 : i32
        %get3A_533 = arith.constant 0 : i32
        %get3A_534 = arith.index_cast %get3A_533 : i32 to index
        %get3A_535 = arith.index_cast %add3A_532 : i32 to index
        %get3A_536 = arith.constant 0 : index
        %get3A_537 = tpu.vector_load %arg10[%get3A_534, %get3A_535, %get3A_536] {strides = array<i32>} : memref<2x640x32xf32, #tpu.memory_space<vmem>>, vector<16xf32>,
        %add3A_538 = arith.addf %add3A_518, %get3A_537 : vector<16xf32>
        %mul3A_539 = arith.constant 20 : i32
        %mul3A_540 = arith.muli %add3A_371, %mul3A_539 : i32
        %add3A_541 = arith.constant 8 : i32
        %add3A_542 = arith.addi %mul3A_540, %add3A_541 : i32
        %get3A_543 = arith.constant 0 : i32
        %get3A_544 = arith.index_cast %get3A_543 : i32 to index
        %get3A_545 = arith.index_cast %add3A_542 : i32 to index
        %get3A_546 = arith.constant 16 : index
        %get3A_547 = tpu.vector_load %arg10[%get3A_544, %get3A_545, %get3A_546] {strides = array<i32>} : memref<2x640x32xf32, #tpu.memory_space<vmem>>, vector<16xf32>,
        %add3A_548 = arith.addf %add3A_528, %get3A_547 : vector<16xf32>
        %mul3A_549 = arith.constant 20 : i32
        %mul3A_550 = arith.muli %add3A_371, %mul3A_549 : i32
        %add3A_551 = arith.constant 9 : i32
        %add3A_552 = arith.addi %mul3A_550, %add3A_551 : i32
        %get3A_553 = arith.constant 0 : i32
        %get3A_554 = arith.index_cast %get3A_553 : i32 to index
        %get3A_555 = arith.index_cast %add3A_552 : i32 to index
        %get3A_556 = arith.constant 0 : index
        %get3A_557 = tpu.vector_load %arg10[%get3A_554, %get3A_555, %get3A_556] {strides = array<i32>} : memref<2x640x32xf32, #tpu.memory_space<vmem>>, vector<16xf32>,
        %add3A_558 = arith.addf %add3A_538, %get3A_557 : vector<16xf32>
        %mul3A_559 = arith.constant 20 : i32
        %mul3A_560 = arith.muli %add3A_371, %mul3A_559 : i32
        %add3A_561 = arith.constant 9 : i32
        %add3A_562 = arith.addi %mul3A_560, %add3A_561 : i32
        %get3A_563 = arith.constant 0 : i32
        %get3A_564 = arith.index_cast %get3A_563 : i32 to index
        %get3A_565 = arith.index_cast %add3A_562 : i32 to index
        %get3A_566 = arith.constant 16 : index
        %get3A_567 = tpu.vector_load %arg10[%get3A_564, %get3A_565, %get3A_566] {strides = array<i32>} : memref<2x640x32xf32, #tpu.memory_space<vmem>>, vector<16xf32>,
        %add3A_568 = arith.addf %add3A_548, %get3A_567 : vector<16xf32>
        %mul3A_569 = arith.constant 20 : i32
        %mul3A_570 = arith.muli %add3A_371, %mul3A_569 : i32
        %add3A_571 = arith.constant 10 : i32
        %add3A_572 = arith.addi %mul3A_570, %add3A_571 : i32
        %get3A_573 = arith.constant 0 : i32
        %get3A_574 = arith.index_cast %get3A_573 : i32 to index
        %get3A_575 = arith.index_cast %add3A_572 : i32 to index
        %get3A_576 = arith.constant 0 : index
        %get3A_577 = tpu.vector_load %arg10[%get3A_574, %get3A_575, %get3A_576] {strides = array<i32>} : memref<2x640x32xf32, #tpu.memory_space<vmem>>, vector<16xf32>,
        %add3A_578 = arith.addf %add3A_558, %get3A_577 : vector<16xf32>
        %mul3A_579 = arith.constant 20 : i32
        %mul3A_580 = arith.muli %add3A_371, %mul3A_579 : i32
        %add3A_581 = arith.constant 10 : i32
        %add3A_582 = arith.addi %mul3A_580, %add3A_581 : i32
        %get3A_583 = arith.constant 0 : i32
        %get3A_584 = arith.index_cast %get3A_583 : i32 to index
        %get3A_585 = arith.index_cast %add3A_582 : i32 to index
        %get3A_586 = arith.constant 16 : index
        %get3A_587 = tpu.vector_load %arg10[%get3A_584, %get3A_585, %get3A_586] {strides = array<i32>} : memref<2x640x32xf32, #tpu.memory_space<vmem>>, vector<16xf32>,
        %add3A_588 = arith.addf %add3A_568, %get3A_587 : vector<16xf32>
        %mul3A_589 = arith.constant 20 : i32
        %mul3A_590 = arith.muli %add3A_371, %mul3A_589 : i32
        %add3A_591 = arith.constant 11 : i32
        %add3A_592 = arith.addi %mul3A_590, %add3A_591 : i32
        %get3A_593 = arith.constant 0 : i32
        %get3A_594 = arith.index_cast %get3A_593 : i32 to index
        %get3A_595 = arith.index_cast %add3A_592 : i32 to index
        %get3A_596 = arith.constant 0 : index
        %get3A_597 = tpu.vector_load %arg10[%get3A_594, %get3A_595, %get3A_596] {strides = array<i32>} : memref<2x640x32xf32, #tpu.memory_space<vmem>>, vector<16xf32>,
        %add3A_598 = arith.addf %add3A_578, %get3A_597 : vector<16xf32>
        %mul3A_599 = arith.constant 20 : i32
        %mul3A_600 = arith.muli %add3A_371, %mul3A_599 : i32
        %add3A_601 = arith.constant 11 : i32
        %add3A_602 = arith.addi %mul3A_600, %add3A_601 : i32
        %get3A_603 = arith.constant 0 : i32
        %get3A_604 = arith.index_cast %get3A_603 : i32 to index
        %get3A_605 = arith.index_cast %add3A_602 : i32 to index
        %get3A_606 = arith.constant 16 : index
        %get3A_607 = tpu.vector_load %arg10[%get3A_604, %get3A_605, %get3A_606] {strides = array<i32>} : memref<2x640x32xf32, #tpu.memory_space<vmem>>, vector<16xf32>,
        %add3A_608 = arith.addf %add3A_588, %get3A_607 : vector<16xf32>
        %mul3A_609 = arith.constant 20 : i32
        %mul3A_610 = arith.muli %add3A_371, %mul3A_609 : i32
        %add3A_611 = arith.constant 12 : i32
        %add3A_612 = arith.addi %mul3A_610, %add3A_611 : i32
        %get3A_613 = arith.constant 0 : i32
        %get3A_614 = arith.index_cast %get3A_613 : i32 to index
        %get3A_615 = arith.index_cast %add3A_612 : i32 to index
        %get3A_616 = arith.constant 0 : index
        %get3A_617 = tpu.vector_load %arg10[%get3A_614, %get3A_615, %get3A_616] {strides = array<i32>} : memref<2x640x32xf32, #tpu.memory_space<vmem>>, vector<16xf32>,
        %add3A_618 = arith.addf %add3A_598, %get3A_617 : vector<16xf32>
        %mul3A_619 = arith.constant 20 : i32
        %mul3A_620 = arith.muli %add3A_371, %mul3A_619 : i32
        %add3A_621 = arith.constant 12 : i32
        %add3A_622 = arith.addi %mul3A_620, %add3A_621 : i32
        %get3A_623 = arith.constant 0 : i32
        %get3A_624 = arith.index_cast %get3A_623 : i32 to index
        %get3A_625 = arith.index_cast %add3A_622 : i32 to index
        %get3A_626 = arith.constant 16 : index
        %get3A_627 = tpu.vector_load %arg10[%get3A_624, %get3A_625, %get3A_626] {strides = array<i32>} : memref<2x640x32xf32, #tpu.memory_space<vmem>>, vector<16xf32>,
        %add3A_628 = arith.addf %add3A_608, %get3A_627 : vector<16xf32>
        %mul3A_629 = arith.constant 20 : i32
        %mul3A_630 = arith.muli %add3A_371, %mul3A_629 : i32
        %add3A_631 = arith.constant 13 : i32
        %add3A_632 = arith.addi %mul3A_630, %add3A_631 : i32
        %get3A_633 = arith.constant 0 : i32
        %get3A_634 = arith.index_cast %get3A_633 : i32 to index
        %get3A_635 = arith.index_cast %add3A_632 : i32 to index
        %get3A_636 = arith.constant 0 : index
        %get3A_637 = tpu.vector_load %arg10[%get3A_634, %get3A_635, %get3A_636] {strides = array<i32>} : memref<2x640x32xf32, #tpu.memory_space<vmem>>, vector<16xf32>,
        %add3A_638 = arith.addf %add3A_618, %get3A_637 : vector<16xf32>
        %mul3A_639 = arith.constant 20 : i32
        %mul3A_640 = arith.muli %add3A_371, %mul3A_639 : i32
        %add3A_641 = arith.constant 13 : i32
        %add3A_642 = arith.addi %mul3A_640, %add3A_641 : i32
        %get3A_643 = arith.constant 0 : i32
        %get3A_644 = arith.index_cast %get3A_643 : i32 to index
        %get3A_645 = arith.index_cast %add3A_642 : i32 to index
        %get3A_646 = arith.constant 16 : index
        %get3A_647 = tpu.vector_load %arg10[%get3A_644, %get3A_645, %get3A_646] {strides = array<i32>} : memref<2x640x32xf32, #tpu.memory_space<vmem>>, vector<16xf32>,
        %add3A_648 = arith.addf %add3A_628, %get3A_647 : vector<16xf32>
        %mul3A_649 = arith.constant 20 : i32
        %mul3A_650 = arith.muli %add3A_371, %mul3A_649 : i32
        %add3A_651 = arith.constant 14 : i32
        %add3A_652 = arith.addi %mul3A_650, %add3A_651 : i32
        %get3A_653 = arith.constant 0 : i32
        %get3A_654 = arith.index_cast %get3A_653 : i32 to index
        %get3A_655 = arith.index_cast %add3A_652 : i32 to index
        %get3A_656 = arith.constant 0 : index
        %get3A_657 = tpu.vector_load %arg10[%get3A_654, %get3A_655, %get3A_656] {strides = array<i32>} : memref<2x640x32xf32, #tpu.memory_space<vmem>>, vector<16xf32>,
        %add3A_658 = arith.addf %add3A_638, %get3A_657 : vector<16xf32>
        %mul3A_659 = arith.constant 20 : i32
        %mul3A_660 = arith.muli %add3A_371, %mul3A_659 : i32
        %add3A_661 = arith.constant 14 : i32
        %add3A_662 = arith.addi %mul3A_660, %add3A_661 : i32
        %get3A_663 = arith.constant 0 : i32
        %get3A_664 = arith.index_cast %get3A_663 : i32 to index
        %get3A_665 = arith.index_cast %add3A_662 : i32 to index
        %get3A_666 = arith.constant 16 : index
        %get3A_667 = tpu.vector_load %arg10[%get3A_664, %get3A_665, %get3A_666] {strides = array<i32>} : memref<2x640x32xf32, #tpu.memory_space<vmem>>, vector<16xf32>,
        %add3A_668 = arith.addf %add3A_648, %get3A_667 : vector<16xf32>
        %mul3A_669 = arith.constant 20 : i32
        %mul3A_670 = arith.muli %add3A_371, %mul3A_669 : i32
        %add3A_671 = arith.constant 15 : i32
        %add3A_672 = arith.addi %mul3A_670, %add3A_671 : i32
        %get3A_673 = arith.constant 0 : i32
        %get3A_674 = arith.index_cast %get3A_673 : i32 to index
        %get3A_675 = arith.index_cast %add3A_672 : i32 to index
        %get3A_676 = arith.constant 0 : index
        %get3A_677 = tpu.vector_load %arg10[%get3A_674, %get3A_675, %get3A_676] {strides = array<i32>} : memref<2x640x32xf32, #tpu.memory_space<vmem>>, vector<16xf32>,
        %add3A_678 = arith.addf %add3A_658, %get3A_677 : vector<16xf32>
        %mul3A_679 = arith.constant 20 : i32
        %mul3A_680 = arith.muli %add3A_371, %mul3A_679 : i32
        %add3A_681 = arith.constant 15 : i32
        %add3A_682 = arith.addi %mul3A_680, %add3A_681 : i32
        %get3A_683 = arith.constant 0 : i32
        %get3A_684 = arith.index_cast %get3A_683 : i32 to index
        %get3A_685 = arith.index_cast %add3A_682 : i32 to index
        %get3A_686 = arith.constant 16 : index
        %get3A_687 = tpu.vector_load %arg10[%get3A_684, %get3A_685, %get3A_686] {strides = array<i32>} : memref<2x640x32xf32, #tpu.memory_space<vmem>>, vector<16xf32>,
        %add3A_688 = arith.addf %add3A_668, %get3A_687 : vector<16xf32>
        %mul3A_689 = arith.constant 20 : i32
        %mul3A_690 = arith.muli %add3A_371, %mul3A_689 : i32
        %add3A_691 = arith.constant 16 : i32
        %add3A_692 = arith.addi %mul3A_690, %add3A_691 : i32
        %get3A_693 = arith.constant 0 : i32
        %get3A_694 = arith.index_cast %get3A_693 : i32 to index
        %get3A_695 = arith.index_cast %add3A_692 : i32 to index
        %get3A_696 = arith.constant 0 : index
        %get3A_697 = tpu.vector_load %arg10[%get3A_694, %get3A_695, %get3A_696] {strides = array<i32>} : memref<2x640x32xf32, #tpu.memory_space<vmem>>, vector<16xf32>,
        %add3A_698 = arith.addf %add3A_678, %get3A_697 : vector<16xf32>
        %mul3A_699 = arith.constant 20 : i32
        %mul3A_700 = arith.muli %add3A_371, %mul3A_699 : i32
        %add3A_701 = arith.constant 16 : i32
        %add3A_702 = arith.addi %mul3A_700, %add3A_701 : i32
        %get3A_703 = arith.constant 0 : i32
        %get3A_704 = arith.index_cast %get3A_703 : i32 to index
        %get3A_705 = arith.index_cast %add3A_702 : i32 to index
        %get3A_706 = arith.constant 16 : index
        %get3A_707 = tpu.vector_load %arg10[%get3A_704, %get3A_705, %get3A_706] {strides = array<i32>} : memref<2x640x32xf32, #tpu.memory_space<vmem>>, vector<16xf32>,
        %add3A_708 = arith.addf %add3A_688, %get3A_707 : vector<16xf32>
        %mul3A_709 = arith.constant 20 : i32
        %mul3A_710 = arith.muli %add3A_371, %mul3A_709 : i32
        %add3A_711 = arith.constant 17 : i32
        %add3A_712 = arith.addi %mul3A_710, %add3A_711 : i32
        %get3A_713 = arith.constant 0 : i32
        %get3A_714 = arith.index_cast %get3A_713 : i32 to index
        %get3A_715 = arith.index_cast %add3A_712 : i32 to index
        %get3A_716 = arith.constant 0 : index
        %get3A_717 = tpu.vector_load %arg10[%get3A_714, %get3A_715, %get3A_716] {strides = array<i32>} : memref<2x640x32xf32, #tpu.memory_space<vmem>>, vector<16xf32>,
        %add3A_718 = arith.addf %add3A_698, %get3A_717 : vector<16xf32>
        %mul3A_719 = arith.constant 20 : i32
        %mul3A_720 = arith.muli %add3A_371, %mul3A_719 : i32
        %add3A_721 = arith.constant 17 : i32
        %add3A_722 = arith.addi %mul3A_720, %add3A_721 : i32
        %get3A_723 = arith.constant 0 : i32
        %get3A_724 = arith.index_cast %get3A_723 : i32 to index
        %get3A_725 = arith.index_cast %add3A_722 : i32 to index
        %get3A_726 = arith.constant 16 : index
        %get3A_727 = tpu.vector_load %arg10[%get3A_724, %get3A_725, %get3A_726] {strides = array<i32>} : memref<2x640x32xf32, #tpu.memory_space<vmem>>, vector<16xf32>,
        %add3A_728 = arith.addf %add3A_708, %get3A_727 : vector<16xf32>
        %mul3A_729 = arith.constant 20 : i32
        %mul3A_730 = arith.muli %add3A_371, %mul3A_729 : i32
        %add3A_731 = arith.constant 18 : i32
        %add3A_732 = arith.addi %mul3A_730, %add3A_731 : i32
        %get3A_733 = arith.constant 0 : i32
        %get3A_734 = arith.index_cast %get3A_733 : i32 to index
        %get3A_735 = arith.index_cast %add3A_732 : i32 to index
        %get3A_736 = arith.constant 0 : index
        %get3A_737 = tpu.vector_load %arg10[%get3A_734, %get3A_735, %get3A_736] {strides = array<i32>} : memref<2x640x32xf32, #tpu.memory_space<vmem>>, vector<16xf32>,
        %add3A_738 = arith.addf %add3A_718, %get3A_737 : vector<16xf32>
        %mul3A_739 = arith.constant 20 : i32
        %mul3A_740 = arith.muli %add3A_371, %mul3A_739 : i32
        %add3A_741 = arith.constant 18 : i32
        %add3A_742 = arith.addi %mul3A_740, %add3A_741 : i32
        %get3A_743 = arith.constant 0 : i32
        %get3A_744 = arith.index_cast %get3A_743 : i32 to index
        %get3A_745 = arith.index_cast %add3A_742 : i32 to index
        %get3A_746 = arith.constant 16 : index
        %get3A_747 = tpu.vector_load %arg10[%get3A_744, %get3A_745, %get3A_746] {strides = array<i32>} : memref<2x640x32xf32, #tpu.memory_space<vmem>>, vector<16xf32>,
        %add3A_748 = arith.addf %add3A_728, %get3A_747 : vector<16xf32>
        %mul3A_749 = arith.constant 20 : i32
        %mul3A_750 = arith.muli %add3A_371, %mul3A_749 : i32
        %add3A_751 = arith.constant 19 : i32
        %add3A_752 = arith.addi %mul3A_750, %add3A_751 : i32
        %get3A_753 = arith.constant 0 : i32
        %get3A_754 = arith.index_cast %get3A_753 : i32 to index
        %get3A_755 = arith.index_cast %add3A_752 : i32 to index
        %get3A_756 = arith.constant 0 : index
        %get3A_757 = tpu.vector_load %arg10[%get3A_754, %get3A_755, %get3A_756] {strides = array<i32>} : memref<2x640x32xf32, #tpu.memory_space<vmem>>, vector<16xf32>,
        %add3A_758 = arith.addf %add3A_738, %get3A_757 : vector<16xf32>
        %mul3A_759 = arith.constant 20 : i32
        %mul3A_760 = arith.muli %add3A_371, %mul3A_759 : i32
        %add3A_761 = arith.constant 19 : i32
        %add3A_762 = arith.addi %mul3A_760, %add3A_761 : i32
        %get3A_763 = arith.constant 0 : i32
        %get3A_764 = arith.index_cast %get3A_763 : i32 to index
        %get3A_765 = arith.index_cast %add3A_762 : i32 to index
        %get3A_766 = arith.constant 16 : index
        %get3A_767 = tpu.vector_load %arg10[%get3A_764, %get3A_765, %get3A_766] {strides = array<i32>} : memref<2x640x32xf32, #tpu.memory_space<vmem>>, vector<16xf32>,
        %add3A_768 = arith.addf %add3A_748, %get3A_767 : vector<16xf32>
        %broadcast_in_dim3A = arith.constant 0 : i32
        %broadcast_in_dim3A_769 = vector.broadcast %broadcast_in_dim3A : i32 to vector<16xi32>
        %add3A_770 = vector.broadcast %add3A_374 : i32 to vector<16xi32>
        %add3A_771 = arith.addi %broadcast_in_dim3A_769, %add3A_770 : vector<16xi32>
        %gather3A = tpu.vector_load_idx %arg11[%add3A_771] : memref<512xf32, #tpu.memory_space<vmem>>[vector<16xi32>], vector<16xf32>,
        %gather3A_772 = tpu.vector_load_idx %arg12[%add3A_771] : memref<512xf32, #tpu.memory_space<vmem>>[vector<16xi32>], vector<16xf32>,
        %mul3A_773 = arith.mulf %gather3A_772, %get3A_182 : vector<16xf32>
        %sub3A = arith.subf %add3A_758, %mul3A_773 : vector<16xf32>
        %mul3A_774 = arith.mulf %sub3A, %gather3A : vector<16xf32>
        %swap3A = arith.constant 0 : i32
        %swap3A_775 = arith.index_cast %swap3A : i32 to index
        %swap3A_776 = arith.index_cast %add3A_371 : i32 to index
        %swap3A_777 = arith.constant 0 : index
        %swap3A_778 = tpu.vector_load %arg14[%swap3A_775, %swap3A_776, %swap3A_777] {strides = array<i32>} : memref<2x32x32xf32, #tpu.memory_space<vmem>>, vector<16xf32>,
        tpu.vector_store %arg14[%swap3A_775, %swap3A_776, %swap3A_777], %mul3A_774 {strides = array<i32>} : memref<2x32x32xf32, #tpu.memory_space<vmem>>, vector<16xf32>,
        %mul3A_779 = arith.mulf %gather3A_772, %get3A_186 : vector<16xf32>
        %sub3A_780 = arith.subf %add3A_768, %mul3A_779 : vector<16xf32>
        %mul3A_781 = arith.mulf %sub3A_780, %gather3A : vector<16xf32>
        %swap3A_782 = arith.constant 0 : i32
        %swap3A_783 = arith.index_cast %swap3A_782 : i32 to index
        %swap3A_784 = arith.index_cast %add3A_371 : i32 to index
        %swap3A_785 = arith.constant 16 : index
        %swap3A_786 = tpu.vector_load %arg14[%swap3A_783, %swap3A_784, %swap3A_785] {strides = array<i32>} : memref<2x32x32xf32, #tpu.memory_space<vmem>>, vector<16xf32>,
        tpu.vector_store %arg14[%swap3A_783, %swap3A_784, %swap3A_785], %mul3A_781 {strides = array<i32>} : memref<2x32x32xf32, #tpu.memory_space<vmem>>, vector<16xf32>,
        %mul3A_787 = arith.constant 2 : i32
        %mul3A_788 = arith.muli %scan3A_367, %mul3A_787 : i32
        %add3A_789 = arith.constant 1 : i32
        %add3A_790 = arith.addi %mul3A_788, %add3A_789 : i32
        %mul3A_791 = arith.constant 32 : i32
        %mul3A_792 = arith.muli %mul3A_272, %mul3A_791 : i32
        %add3A_793 = arith.addi %mul3A_792, %add3A_790 : i32
        %mul3A_794 = arith.constant 20 : i32
        %mul3A_795 = arith.muli %add3A_790, %mul3A_794 : i32
        %get3A_796 = arith.constant 0 : i32
        %get3A_797 = arith.index_cast %get3A_796 : i32 to index
        %get3A_798 = arith.index_cast %mul3A_795 : i32 to index
        %get3A_799 = arith.constant 0 : index
        %get3A_800 = tpu.vector_load %arg10[%get3A_797, %get3A_798, %get3A_799] {strides = array<i32>} : memref<2x640x32xf32, #tpu.memory_space<vmem>>, vector<16xf32>,
        %mul3A_801 = arith.constant 20 : i32
        %mul3A_802 = arith.muli %add3A_790, %mul3A_801 : i32
        %get3A_803 = arith.constant 0 : i32
        %get3A_804 = arith.index_cast %get3A_803 : i32 to index
        %get3A_805 = arith.index_cast %mul3A_802 : i32 to index
        %get3A_806 = arith.constant 16 : index
        %get3A_807 = tpu.vector_load %arg10[%get3A_804, %get3A_805, %get3A_806] {strides = array<i32>} : memref<2x640x32xf32, #tpu.memory_space<vmem>>, vector<16xf32>,
        %mul3A_808 = arith.constant 20 : i32
        %mul3A_809 = arith.muli %add3A_790, %mul3A_808 : i32
        %add3A_810 = arith.constant 1 : i32
        %add3A_811 = arith.addi %mul3A_809, %add3A_810 : i32
        %get3A_812 = arith.constant 0 : i32
        %get3A_813 = arith.index_cast %get3A_812 : i32 to index
        %get3A_814 = arith.index_cast %add3A_811 : i32 to index
        %get3A_815 = arith.constant 0 : index
        %get3A_816 = tpu.vector_load %arg10[%get3A_813, %get3A_814, %get3A_815] {strides = array<i32>} : memref<2x640x32xf32, #tpu.memory_space<vmem>>, vector<16xf32>,
        %add3A_817 = arith.addf %get3A_800, %get3A_816 : vector<16xf32>
        %mul3A_818 = arith.constant 20 : i32
        %mul3A_819 = arith.muli %add3A_790, %mul3A_818 : i32
        %add3A_820 = arith.constant 1 : i32
        %add3A_821 = arith.addi %mul3A_819, %add3A_820 : i32
        %get3A_822 = arith.constant 0 : i32
        %get3A_823 = arith.index_cast %get3A_822 : i32 to index
        %get3A_824 = arith.index_cast %add3A_821 : i32 to index
        %get3A_825 = arith.constant 16 : index
        %get3A_826 = tpu.vector_load %arg10[%get3A_823, %get3A_824, %get3A_825] {strides = array<i32>} : memref<2x640x32xf32, #tpu.memory_space<vmem>>, vector<16xf32>,
        %add3A_827 = arith.addf %get3A_807, %get3A_826 : vector<16xf32>
        %mul3A_828 = arith.constant 20 : i32
        %mul3A_829 = arith.muli %add3A_790, %mul3A_828 : i32
        %add3A_830 = arith.constant 2 : i32
        %add3A_831 = arith.addi %mul3A_829, %add3A_830 : i32
        %get3A_832 = arith.constant 0 : i32
        %get3A_833 = arith.index_cast %get3A_832 : i32 to index
        %get3A_834 = arith.index_cast %add3A_831 : i32 to index
        %get3A_835 = arith.constant 0 : index
        %get3A_836 = tpu.vector_load %arg10[%get3A_833, %get3A_834, %get3A_835] {strides = array<i32>} : memref<2x640x32xf32, #tpu.memory_space<vmem>>, vector<16xf32>,
        %add3A_837 = arith.addf %add3A_817, %get3A_836 : vector<16xf32>
        %mul3A_838 = arith.constant 20 : i32
        %mul3A_839 = arith.muli %add3A_790, %mul3A_838 : i32
        %add3A_840 = arith.constant 2 : i32
        %add3A_841 = arith.addi %mul3A_839, %add3A_840 : i32
        %get3A_842 = arith.constant 0 : i32
        %get3A_843 = arith.index_cast %get3A_842 : i32 to index
        %get3A_844 = arith.index_cast %add3A_841 : i32 to index
        %get3A_845 = arith.constant 16 : index
        %get3A_846 = tpu.vector_load %arg10[%get3A_843, %get3A_844, %get3A_845] {strides = array<i32>} : memref<2x640x32xf32, #tpu.memory_space<vmem>>, vector<16xf32>,
        %add3A_847 = arith.addf %add3A_827, %get3A_846 : vector<16xf32>
        %mul3A_848 = arith.constant 20 : i32
        %mul3A_849 = arith.muli %add3A_790, %mul3A_848 : i32
        %add3A_850 = arith.constant 3 : i32
        %add3A_851 = arith.addi %mul3A_849, %add3A_850 : i32
        %get3A_852 = arith.constant 0 : i32
        %get3A_853 = arith.index_cast %get3A_852 : i32 to index
        %get3A_854 = arith.index_cast %add3A_851 : i32 to index
        %get3A_855 = arith.constant 0 : index
        %get3A_856 = tpu.vector_load %arg10[%get3A_853, %get3A_854, %get3A_855] {strides = array<i32>} : memref<2x640x32xf32, #tpu.memory_space<vmem>>, vector<16xf32>,
        %add3A_857 = arith.addf %add3A_837, %get3A_856 : vector<16xf32>
        %mul3A_858 = arith.constant 20 : i32
        %mul3A_859 = arith.muli %add3A_790, %mul3A_858 : i32
        %add3A_860 = arith.constant 3 : i32
        %add3A_861 = arith.addi %mul3A_859, %add3A_860 : i32
        %get3A_862 = arith.constant 0 : i32
        %get3A_863 = arith.index_cast %get3A_862 : i32 to index
        %get3A_864 = arith.index_cast %add3A_861 : i32 to index
        %get3A_865 = arith.constant 16 : index
        %get3A_866 = tpu.vector_load %arg10[%get3A_863, %get3A_864, %get3A_865] {strides = array<i32>} : memref<2x640x32xf32, #tpu.memory_space<vmem>>, vector<16xf32>,
        %add3A_867 = arith.addf %add3A_847, %get3A_866 : vector<16xf32>
        %mul3A_868 = arith.constant 20 : i32
        %mul3A_869 = arith.muli %add3A_790, %mul3A_868 : i32
        %add3A_870 = arith.constant 4 : i32
        %add3A_871 = arith.addi %mul3A_869, %add3A_870 : i32
        %get3A_872 = arith.constant 0 : i32
        %get3A_873 = arith.index_cast %get3A_872 : i32 to index
        %get3A_874 = arith.index_cast %add3A_871 : i32 to index
        %get3A_875 = arith.constant 0 : index
        %get3A_876 = tpu.vector_load %arg10[%get3A_873, %get3A_874, %get3A_875] {strides = array<i32>} : memref<2x640x32xf32, #tpu.memory_space<vmem>>, vector<16xf32>,
        %add3A_877 = arith.addf %add3A_857, %get3A_876 : vector<16xf32>
        %mul3A_878 = arith.constant 20 : i32
        %mul3A_879 = arith.muli %add3A_790, %mul3A_878 : i32
        %add3A_880 = arith.constant 4 : i32
        %add3A_881 = arith.addi %mul3A_879, %add3A_880 : i32
        %get3A_882 = arith.constant 0 : i32
        %get3A_883 = arith.index_cast %get3A_882 : i32 to index
        %get3A_884 = arith.index_cast %add3A_881 : i32 to index
        %get3A_885 = arith.constant 16 : index
        %get3A_886 = tpu.vector_load %arg10[%get3A_883, %get3A_884, %get3A_885] {strides = array<i32>} : memref<2x640x32xf32, #tpu.memory_space<vmem>>, vector<16xf32>,
        %add3A_887 = arith.addf %add3A_867, %get3A_886 : vector<16xf32>
        %mul3A_888 = arith.constant 20 : i32
        %mul3A_889 = arith.muli %add3A_790, %mul3A_888 : i32
        %add3A_890 = arith.constant 5 : i32
        %add3A_891 = arith.addi %mul3A_889, %add3A_890 : i32
        %get3A_892 = arith.constant 0 : i32
        %get3A_893 = arith.index_cast %get3A_892 : i32 to index
        %get3A_894 = arith.index_cast %add3A_891 : i32 to index
        %get3A_895 = arith.constant 0 : index
        %get3A_896 = tpu.vector_load %arg10[%get3A_893, %get3A_894, %get3A_895] {strides = array<i32>} : memref<2x640x32xf32, #tpu.memory_space<vmem>>, vector<16xf32>,
        %add3A_897 = arith.addf %add3A_877, %get3A_896 : vector<16xf32>
        %mul3A_898 = arith.constant 20 : i32
        %mul3A_899 = arith.muli %add3A_790, %mul3A_898 : i32
        %add3A_900 = arith.constant 5 : i32
        %add3A_901 = arith.addi %mul3A_899, %add3A_900 : i32
        %get3A_902 = arith.constant 0 : i32
        %get3A_903 = arith.index_cast %get3A_902 : i32 to index
        %get3A_904 = arith.index_cast %add3A_901 : i32 to index
        %get3A_905 = arith.constant 16 : index
        %get3A_906 = tpu.vector_load %arg10[%get3A_903, %get3A_904, %get3A_905] {strides = array<i32>} : memref<2x640x32xf32, #tpu.memory_space<vmem>>, vector<16xf32>,
        %add3A_907 = arith.addf %add3A_887, %get3A_906 : vector<16xf32>
        %mul3A_908 = arith.constant 20 : i32
        %mul3A_909 = arith.muli %add3A_790, %mul3A_908 : i32
        %add3A_910 = arith.constant 6 : i32
        %add3A_911 = arith.addi %mul3A_909, %add3A_910 : i32
        %get3A_912 = arith.constant 0 : i32
        %get3A_913 = arith.index_cast %get3A_912 : i32 to index
        %get3A_914 = arith.index_cast %add3A_911 : i32 to index
        %get3A_915 = arith.constant 0 : index
        %get3A_916 = tpu.vector_load %arg10[%get3A_913, %get3A_914, %get3A_915] {strides = array<i32>} : memref<2x640x32xf32, #tpu.memory_space<vmem>>, vector<16xf32>,
        %add3A_917 = arith.addf %add3A_897, %get3A_916 : vector<16xf32>
        %mul3A_918 = arith.constant 20 : i32
        %mul3A_919 = arith.muli %add3A_790, %mul3A_918 : i32
        %add3A_920 = arith.constant 6 : i32
        %add3A_921 = arith.addi %mul3A_919, %add3A_920 : i32
        %get3A_922 = arith.constant 0 : i32
        %get3A_923 = arith.index_cast %get3A_922 : i32 to index
        %get3A_924 = arith.index_cast %add3A_921 : i32 to index
        %get3A_925 = arith.constant 16 : index
        %get3A_926 = tpu.vector_load %arg10[%get3A_923, %get3A_924, %get3A_925] {strides = array<i32>} : memref<2x640x32xf32, #tpu.memory_space<vmem>>, vector<16xf32>,
        %add3A_927 = arith.addf %add3A_907, %get3A_926 : vector<16xf32>
        %mul3A_928 = arith.constant 20 : i32
        %mul3A_929 = arith.muli %add3A_790, %mul3A_928 : i32
        %add3A_930 = arith.constant 7 : i32
        %add3A_931 = arith.addi %mul3A_929, %add3A_930 : i32
        %get3A_932 = arith.constant 0 : i32
        %get3A_933 = arith.index_cast %get3A_932 : i32 to index
        %get3A_934 = arith.index_cast %add3A_931 : i32 to index
        %get3A_935 = arith.constant 0 : index
        %get3A_936 = tpu.vector_load %arg10[%get3A_933, %get3A_934, %get3A_935] {strides = array<i32>} : memref<2x640x32xf32, #tpu.memory_space<vmem>>, vector<16xf32>,
        %add3A_937 = arith.addf %add3A_917, %get3A_936 : vector<16xf32>
        %mul3A_938 = arith.constant 20 : i32
        %mul3A_939 = arith.muli %add3A_790, %mul3A_938 : i32
        %add3A_940 = arith.constant 7 : i32
        %add3A_941 = arith.addi %mul3A_939, %add3A_940 : i32
        %get3A_942 = arith.constant 0 : i32
        %get3A_943 = arith.index_cast %get3A_942 : i32 to index
        %get3A_944 = arith.index_cast %add3A_941 : i32 to index
        %get3A_945 = arith.constant 16 : index
        %get3A_946 = tpu.vector_load %arg10[%get3A_943, %get3A_944, %get3A_945] {strides = array<i32>} : memref<2x640x32xf32, #tpu.memory_space<vmem>>, vector<16xf32>,
        %add3A_947 = arith.addf %add3A_927, %get3A_946 : vector<16xf32>
        %mul3A_948 = arith.constant 20 : i32
        %mul3A_949 = arith.muli %add3A_790, %mul3A_948 : i32
        %add3A_950 = arith.constant 8 : i32
        %add3A_951 = arith.addi %mul3A_949, %add3A_950 : i32
        %get3A_952 = arith.constant 0 : i32
        %get3A_953 = arith.index_cast %get3A_952 : i32 to index
        %get3A_954 = arith.index_cast %add3A_951 : i32 to index
        %get3A_955 = arith.constant 0 : index
        %get3A_956 = tpu.vector_load %arg10[%get3A_953, %get3A_954, %get3A_955] {strides = array<i32>} : memref<2x640x32xf32, #tpu.memory_space<vmem>>, vector<16xf32>,
        %add3A_957 = arith.addf %add3A_937, %get3A_956 : vector<16xf32>
        %mul3A_958 = arith.constant 20 : i32
        %mul3A_959 = arith.muli %add3A_790, %mul3A_958 : i32
        %add3A_960 = arith.constant 8 : i32
        %add3A_961 = arith.addi %mul3A_959, %add3A_960 : i32
        %get3A_962 = arith.constant 0 : i32
        %get3A_963 = arith.index_cast %get3A_962 : i32 to index
        %get3A_964 = arith.index_cast %add3A_961 : i32 to index
        %get3A_965 = arith.constant 16 : index
        %get3A_966 = tpu.vector_load %arg10[%get3A_963, %get3A_964, %get3A_965] {strides = array<i32>} : memref<2x640x32xf32, #tpu.memory_space<vmem>>, vector<16xf32>,
        %add3A_967 = arith.addf %add3A_947, %get3A_966 : vector<16xf32>
        %mul3A_968 = arith.constant 20 : i32
        %mul3A_969 = arith.muli %add3A_790, %mul3A_968 : i32
        %add3A_970 = arith.constant 9 : i32
        %add3A_971 = arith.addi %mul3A_969, %add3A_970 : i32
        %get3A_972 = arith.constant 0 : i32
        %get3A_973 = arith.index_cast %get3A_972 : i32 to index
        %get3A_974 = arith.index_cast %add3A_971 : i32 to index
        %get3A_975 = arith.constant 0 : index
        %get3A_976 = tpu.vector_load %arg10[%get3A_973, %get3A_974, %get3A_975] {strides = array<i32>} : memref<2x640x32xf32, #tpu.memory_space<vmem>>, vector<16xf32>,
        %add3A_977 = arith.addf %add3A_957, %get3A_976 : vector<16xf32>
        %mul3A_978 = arith.constant 20 : i32
        %mul3A_979 = arith.muli %add3A_790, %mul3A_978 : i32
        %add3A_980 = arith.constant 9 : i32
        %add3A_981 = arith.addi %mul3A_979, %add3A_980 : i32
        %get3A_982 = arith.constant 0 : i32
        %get3A_983 = arith.index_cast %get3A_982 : i32 to index
        %get3A_984 = arith.index_cast %add3A_981 : i32 to index
        %get3A_985 = arith.constant 16 : index
        %get3A_986 = tpu.vector_load %arg10[%get3A_983, %get3A_984, %get3A_985] {strides = array<i32>} : memref<2x640x32xf32, #tpu.memory_space<vmem>>, vector<16xf32>,
        %add3A_987 = arith.addf %add3A_967, %get3A_986 : vector<16xf32>
        %mul3A_988 = arith.constant 20 : i32
        %mul3A_989 = arith.muli %add3A_790, %mul3A_988 : i32
        %add3A_990 = arith.constant 10 : i32
        %add3A_991 = arith.addi %mul3A_989, %add3A_990 : i32
        %get3A_992 = arith.constant 0 : i32
        %get3A_993 = arith.index_cast %get3A_992 : i32 to index
        %get3A_994 = arith.index_cast %add3A_991 : i32 to index
        %get3A_995 = arith.constant 0 : index
        %get3A_996 = tpu.vector_load %arg10[%get3A_993, %get3A_994, %get3A_995] {strides = array<i32>} : memref<2x640x32xf32, #tpu.memory_space<vmem>>, vector<16xf32>,
        %add3A_997 = arith.addf %add3A_977, %get3A_996 : vector<16xf32>
        %mul3A_998 = arith.constant 20 : i32
        %mul3A_999 = arith.muli %add3A_790, %mul3A_998 : i32
        %add3A_1000 = arith.constant 10 : i32
        %add3A_1001 = arith.addi %mul3A_999, %add3A_1000 : i32
        %get3A_1002 = arith.constant 0 : i32
        %get3A_1003 = arith.index_cast %get3A_1002 : i32 to index
        %get3A_1004 = arith.index_cast %add3A_1001 : i32 to index
        %get3A_1005 = arith.constant 16 : index
        %get3A_1006 = tpu.vector_load %arg10[%get3A_1003, %get3A_1004, %get3A_1005] {strides = array<i32>} : memref<2x640x32xf32, #tpu.memory_space<vmem>>, vector<16xf32>,
        %add3A_1007 = arith.addf %add3A_987, %get3A_1006 : vector<16xf32>
        %mul3A_1008 = arith.constant 20 : i32
        %mul3A_1009 = arith.muli %add3A_790, %mul3A_1008 : i32
        %add3A_1010 = arith.constant 11 : i32
        %add3A_1011 = arith.addi %mul3A_1009, %add3A_1010 : i32
        %get3A_1012 = arith.constant 0 : i32
        %get3A_1013 = arith.index_cast %get3A_1012 : i32 to index
        %get3A_1014 = arith.index_cast %add3A_1011 : i32 to index
        %get3A_1015 = arith.constant 0 : index
        %get3A_1016 = tpu.vector_load %arg10[%get3A_1013, %get3A_1014, %get3A_1015] {strides = array<i32>} : memref<2x640x32xf32, #tpu.memory_space<vmem>>, vector<16xf32>,
        %add3A_1017 = arith.addf %add3A_997, %get3A_1016 : vector<16xf32>
        %mul3A_1018 = arith.constant 20 : i32
        %mul3A_1019 = arith.muli %add3A_790, %mul3A_1018 : i32
        %add3A_1020 = arith.constant 11 : i32
        %add3A_1021 = arith.addi %mul3A_1019, %add3A_1020 : i32
        %get3A_1022 = arith.constant 0 : i32
        %get3A_1023 = arith.index_cast %get3A_1022 : i32 to index
        %get3A_1024 = arith.index_cast %add3A_1021 : i32 to index
        %get3A_1025 = arith.constant 16 : index
        %get3A_1026 = tpu.vector_load %arg10[%get3A_1023, %get3A_1024, %get3A_1025] {strides = array<i32>} : memref<2x640x32xf32, #tpu.memory_space<vmem>>, vector<16xf32>,
        %add3A_1027 = arith.addf %add3A_1007, %get3A_1026 : vector<16xf32>
        %mul3A_1028 = arith.constant 20 : i32
        %mul3A_1029 = arith.muli %add3A_790, %mul3A_1028 : i32
        %add3A_1030 = arith.constant 12 : i32
        %add3A_1031 = arith.addi %mul3A_1029, %add3A_1030 : i32
        %get3A_1032 = arith.constant 0 : i32
        %get3A_1033 = arith.index_cast %get3A_1032 : i32 to index
        %get3A_1034 = arith.index_cast %add3A_1031 : i32 to index
        %get3A_1035 = arith.constant 0 : index
        %get3A_1036 = tpu.vector_load %arg10[%get3A_1033, %get3A_1034, %get3A_1035] {strides = array<i32>} : memref<2x640x32xf32, #tpu.memory_space<vmem>>, vector<16xf32>,
        %add3A_1037 = arith.addf %add3A_1017, %get3A_1036 : vector<16xf32>
        %mul3A_1038 = arith.constant 20 : i32
        %mul3A_1039 = arith.muli %add3A_790, %mul3A_1038 : i32
        %add3A_1040 = arith.constant 12 : i32
        %add3A_1041 = arith.addi %mul3A_1039, %add3A_1040 : i32
        %get3A_1042 = arith.constant 0 : i32
        %get3A_1043 = arith.index_cast %get3A_1042 : i32 to index
        %get3A_1044 = arith.index_cast %add3A_1041 : i32 to index
        %get3A_1045 = arith.constant 16 : index
        %get3A_1046 = tpu.vector_load %arg10[%get3A_1043, %get3A_1044, %get3A_1045] {strides = array<i32>} : memref<2x640x32xf32, #tpu.memory_space<vmem>>, vector<16xf32>,
        %add3A_1047 = arith.addf %add3A_1027, %get3A_1046 : vector<16xf32>
        %mul3A_1048 = arith.constant 20 : i32
        %mul3A_1049 = arith.muli %add3A_790, %mul3A_1048 : i32
        %add3A_1050 = arith.constant 13 : i32
        %add3A_1051 = arith.addi %mul3A_1049, %add3A_1050 : i32
        %get3A_1052 = arith.constant 0 : i32
        %get3A_1053 = arith.index_cast %get3A_1052 : i32 to index
        %get3A_1054 = arith.index_cast %add3A_1051 : i32 to index
        %get3A_1055 = arith.constant 0 : index
        %get3A_1056 = tpu.vector_load %arg10[%get3A_1053, %get3A_1054, %get3A_1055] {strides = array<i32>} : memref<2x640x32xf32, #tpu.memory_space<vmem>>, vector<16xf32>,
        %add3A_1057 = arith.addf %add3A_1037, %get3A_1056 : vector<16xf32>
        %mul3A_1058 = arith.constant 20 : i32
        %mul3A_1059 = arith.muli %add3A_790, %mul3A_1058 : i32
        %add3A_1060 = arith.constant 13 : i32
        %add3A_1061 = arith.addi %mul3A_1059, %add3A_1060 : i32
        %get3A_1062 = arith.constant 0 : i32
        %get3A_1063 = arith.index_cast %get3A_1062 : i32 to index
        %get3A_1064 = arith.index_cast %add3A_1061 : i32 to index
        %get3A_1065 = arith.constant 16 : index
        %get3A_1066 = tpu.vector_load %arg10[%get3A_1063, %get3A_1064, %get3A_1065] {strides = array<i32>} : memref<2x640x32xf32, #tpu.memory_space<vmem>>, vector<16xf32>,
        %add3A_1067 = arith.addf %add3A_1047, %get3A_1066 : vector<16xf32>
        %mul3A_1068 = arith.constant 20 : i32
        %mul3A_1069 = arith.muli %add3A_790, %mul3A_1068 : i32
        %add3A_1070 = arith.constant 14 : i32
        %add3A_1071 = arith.addi %mul3A_1069, %add3A_1070 : i32
        %get3A_1072 = arith.constant 0 : i32
        %get3A_1073 = arith.index_cast %get3A_1072 : i32 to index
        %get3A_1074 = arith.index_cast %add3A_1071 : i32 to index
        %get3A_1075 = arith.constant 0 : index
        %get3A_1076 = tpu.vector_load %arg10[%get3A_1073, %get3A_1074, %get3A_1075] {strides = array<i32>} : memref<2x640x32xf32, #tpu.memory_space<vmem>>, vector<16xf32>,
        %add3A_1077 = arith.addf %add3A_1057, %get3A_1076 : vector<16xf32>
        %mul3A_1078 = arith.constant 20 : i32
        %mul3A_1079 = arith.muli %add3A_790, %mul3A_1078 : i32
        %add3A_1080 = arith.constant 14 : i32
        %add3A_1081 = arith.addi %mul3A_1079, %add3A_1080 : i32
        %get3A_1082 = arith.constant 0 : i32
        %get3A_1083 = arith.index_cast %get3A_1082 : i32 to index
        %get3A_1084 = arith.index_cast %add3A_1081 : i32 to index
        %get3A_1085 = arith.constant 16 : index
        %get3A_1086 = tpu.vector_load %arg10[%get3A_1083, %get3A_1084, %get3A_1085] {strides = array<i32>} : memref<2x640x32xf32, #tpu.memory_space<vmem>>, vector<16xf32>,
        %add3A_1087 = arith.addf %add3A_1067, %get3A_1086 : vector<16xf32>
        %mul3A_1088 = arith.constant 20 : i32
        %mul3A_1089 = arith.muli %add3A_790, %mul3A_1088 : i32
        %add3A_1090 = arith.constant 15 : i32
        %add3A_1091 = arith.addi %mul3A_1089, %add3A_1090 : i32
        %get3A_1092 = arith.constant 0 : i32
        %get3A_1093 = arith.index_cast %get3A_1092 : i32 to index
        %get3A_1094 = arith.index_cast %add3A_1091 : i32 to index
        %get3A_1095 = arith.constant 0 : index
        %get3A_1096 = tpu.vector_load %arg10[%get3A_1093, %get3A_1094, %get3A_1095] {strides = array<i32>} : memref<2x640x32xf32, #tpu.memory_space<vmem>>, vector<16xf32>,
        %add3A_1097 = arith.addf %add3A_1077, %get3A_1096 : vector<16xf32>
        %mul3A_1098 = arith.constant 20 : i32
        %mul3A_1099 = arith.muli %add3A_790, %mul3A_1098 : i32
        %add3A_1100 = arith.constant 15 : i32
        %add3A_1101 = arith.addi %mul3A_1099, %add3A_1100 : i32
        %get3A_1102 = arith.constant 0 : i32
        %get3A_1103 = arith.index_cast %get3A_1102 : i32 to index
        %get3A_1104 = arith.index_cast %add3A_1101 : i32 to index
        %get3A_1105 = arith.constant 16 : index
        %get3A_1106 = tpu.vector_load %arg10[%get3A_1103, %get3A_1104, %get3A_1105] {strides = array<i32>} : memref<2x640x32xf32, #tpu.memory_space<vmem>>, vector<16xf32>,
        %add3A_1107 = arith.addf %add3A_1087, %get3A_1106 : vector<16xf32>
        %mul3A_1108 = arith.constant 20 : i32
        %mul3A_1109 = arith.muli %add3A_790, %mul3A_1108 : i32
        %add3A_1110 = arith.constant 16 : i32
        %add3A_1111 = arith.addi %mul3A_1109, %add3A_1110 : i32
        %get3A_1112 = arith.constant 0 : i32
        %get3A_1113 = arith.index_cast %get3A_1112 : i32 to index
        %get3A_1114 = arith.index_cast %add3A_1111 : i32 to index
        %get3A_1115 = arith.constant 0 : index
        %get3A_1116 = tpu.vector_load %arg10[%get3A_1113, %get3A_1114, %get3A_1115] {strides = array<i32>} : memref<2x640x32xf32, #tpu.memory_space<vmem>>, vector<16xf32>,
        %add3A_1117 = arith.addf %add3A_1097, %get3A_1116 : vector<16xf32>
        %mul3A_1118 = arith.constant 20 : i32
        %mul3A_1119 = arith.muli %add3A_790, %mul3A_1118 : i32
        %add3A_1120 = arith.constant 16 : i32
        %add3A_1121 = arith.addi %mul3A_1119, %add3A_1120 : i32
        %get3A_1122 = arith.constant 0 : i32
        %get3A_1123 = arith.index_cast %get3A_1122 : i32 to index
        %get3A_1124 = arith.index_cast %add3A_1121 : i32 to index
        %get3A_1125 = arith.constant 16 : index
        %get3A_1126 = tpu.vector_load %arg10[%get3A_1123, %get3A_1124, %get3A_1125] {strides = array<i32>} : memref<2x640x32xf32, #tpu.memory_space<vmem>>, vector<16xf32>,
        %add3A_1127 = arith.addf %add3A_1107, %get3A_1126 : vector<16xf32>
        %mul3A_1128 = arith.constant 20 : i32
        %mul3A_1129 = arith.muli %add3A_790, %mul3A_1128 : i32
        %add3A_1130 = arith.constant 17 : i32
        %add3A_1131 = arith.addi %mul3A_1129, %add3A_1130 : i32
        %get3A_1132 = arith.constant 0 : i32
        %get3A_1133 = arith.index_cast %get3A_1132 : i32 to index
        %get3A_1134 = arith.index_cast %add3A_1131 : i32 to index
        %get3A_1135 = arith.constant 0 : index
        %get3A_1136 = tpu.vector_load %arg10[%get3A_1133, %get3A_1134, %get3A_1135] {strides = array<i32>} : memref<2x640x32xf32, #tpu.memory_space<vmem>>, vector<16xf32>,
        %add3A_1137 = arith.addf %add3A_1117, %get3A_1136 : vector<16xf32>
        %mul3A_1138 = arith.constant 20 : i32
        %mul3A_1139 = arith.muli %add3A_790, %mul3A_1138 : i32
        %add3A_1140 = arith.constant 17 : i32
        %add3A_1141 = arith.addi %mul3A_1139, %add3A_1140 : i32
        %get3A_1142 = arith.constant 0 : i32
        %get3A_1143 = arith.index_cast %get3A_1142 : i32 to index
        %get3A_1144 = arith.index_cast %add3A_1141 : i32 to index
        %get3A_1145 = arith.constant 16 : index
        %get3A_1146 = tpu.vector_load %arg10[%get3A_1143, %get3A_1144, %get3A_1145] {strides = array<i32>} : memref<2x640x32xf32, #tpu.memory_space<vmem>>, vector<16xf32>,
        %add3A_1147 = arith.addf %add3A_1127, %get3A_1146 : vector<16xf32>
        %mul3A_1148 = arith.constant 20 : i32
        %mul3A_1149 = arith.muli %add3A_790, %mul3A_1148 : i32
        %add3A_1150 = arith.constant 18 : i32
        %add3A_1151 = arith.addi %mul3A_1149, %add3A_1150 : i32
        %get3A_1152 = arith.constant 0 : i32
        %get3A_1153 = arith.index_cast %get3A_1152 : i32 to index
        %get3A_1154 = arith.index_cast %add3A_1151 : i32 to index
        %get3A_1155 = arith.constant 0 : index
        %get3A_1156 = tpu.vector_load %arg10[%get3A_1153, %get3A_1154, %get3A_1155] {strides = array<i32>} : memref<2x640x32xf32, #tpu.memory_space<vmem>>, vector<16xf32>,
        %add3A_1157 = arith.addf %add3A_1137, %get3A_1156 : vector<16xf32>
        %mul3A_1158 = arith.constant 20 : i32
        %mul3A_1159 = arith.muli %add3A_790, %mul3A_1158 : i32
        %add3A_1160 = arith.constant 18 : i32
        %add3A_1161 = arith.addi %mul3A_1159, %add3A_1160 : i32
        %get3A_1162 = arith.constant 0 : i32
        %get3A_1163 = arith.index_cast %get3A_1162 : i32 to index
        %get3A_1164 = arith.index_cast %add3A_1161 : i32 to index
        %get3A_1165 = arith.constant 16 : index
        %get3A_1166 = tpu.vector_load %arg10[%get3A_1163, %get3A_1164, %get3A_1165] {strides = array<i32>} : memref<2x640x32xf32, #tpu.memory_space<vmem>>, vector<16xf32>,
        %add3A_1167 = arith.addf %add3A_1147, %get3A_1166 : vector<16xf32>
        %mul3A_1168 = arith.constant 20 : i32
        %mul3A_1169 = arith.muli %add3A_790, %mul3A_1168 : i32
        %add3A_1170 = arith.constant 19 : i32
        %add3A_1171 = arith.addi %mul3A_1169, %add3A_1170 : i32
        %get3A_1172 = arith.constant 0 : i32
        %get3A_1173 = arith.index_cast %get3A_1172 : i32 to index
        %get3A_1174 = arith.index_cast %add3A_1171 : i32 to index
        %get3A_1175 = arith.constant 0 : index
        %get3A_1176 = tpu.vector_load %arg10[%get3A_1173, %get3A_1174, %get3A_1175] {strides = array<i32>} : memref<2x640x32xf32, #tpu.memory_space<vmem>>, vector<16xf32>,
        %add3A_1177 = arith.addf %add3A_1157, %get3A_1176 : vector<16xf32>
        %mul3A_1178 = arith.constant 20 : i32
        %mul3A_1179 = arith.muli %add3A_790, %mul3A_1178 : i32
        %add3A_1180 = arith.constant 19 : i32
        %add3A_1181 = arith.addi %mul3A_1179, %add3A_1180 : i32
        %get3A_1182 = arith.constant 0 : i32
        %get3A_1183 = arith.index_cast %get3A_1182 : i32 to index
        %get3A_1184 = arith.index_cast %add3A_1181 : i32 to index
        %get3A_1185 = arith.constant 16 : index
        %get3A_1186 = tpu.vector_load %arg10[%get3A_1183, %get3A_1184, %get3A_1185] {strides = array<i32>} : memref<2x640x32xf32, #tpu.memory_space<vmem>>, vector<16xf32>,
        %add3A_1187 = arith.addf %add3A_1167, %get3A_1186 : vector<16xf32>
        %broadcast_in_dim3A_1188 = arith.constant 0 : i32
        %broadcast_in_dim3A_1189 = vector.broadcast %broadcast_in_dim3A_1188 : i32 to vector<16xi32>
        %add3A_1190 = vector.broadcast %add3A_793 : i32 to vector<16xi32>
        %add3A_1191 = arith.addi %broadcast_in_dim3A_1189, %add3A_1190 : vector<16xi32>
        %gather3A_1192 = tpu.vector_load_idx %arg11[%add3A_1191] : memref<512xf32, #tpu.memory_space<vmem>>[vector<16xi32>], vector<16xf32>,
        %gather3A_1193 = tpu.vector_load_idx %arg12[%add3A_1191] : memref<512xf32, #tpu.memory_space<vmem>>[vector<16xi32>], vector<16xf32>,
        %mul3A_1194 = arith.mulf %gather3A_1193, %get3A_182 : vector<16xf32>
        %sub3A_1195 = arith.subf %add3A_1177, %mul3A_1194 : vector<16xf32>
        %mul3A_1196 = arith.mulf %sub3A_1195, %gather3A_1192 : vector<16xf32>
        %swap3A_1197 = arith.constant 0 : i32
        %swap3A_1198 = arith.index_cast %swap3A_1197 : i32 to index
        %swap3A_1199 = arith.index_cast %add3A_790 : i32 to index
        %swap3A_1200 = arith.constant 0 : index
        %swap3A_1201 = tpu.vector_load %arg14[%swap3A_1198, %swap3A_1199, %swap3A_1200] {strides = array<i32>} : memref<2x32x32xf32, #tpu.memory_space<vmem>>, vector<16xf32>,
        tpu.vector_store %arg14[%swap3A_1198, %swap3A_1199, %swap3A_1200], %mul3A_1196 {strides = array<i32>} : memref<2x32x32xf32, #tpu.memory_space<vmem>>, vector<16xf32>,
        %mul3A_1202 = arith.mulf %gather3A_1193, %get3A_186 : vector<16xf32>
        %sub3A_1203 = arith.subf %add3A_1187, %mul3A_1202 : vector<16xf32>
        %mul3A_1204 = arith.mulf %sub3A_1203, %gather3A_1192 : vector<16xf32>
        %swap3A_1205 = arith.constant 0 : i32
        %swap3A_1206 = arith.index_cast %swap3A_1205 : i32 to index
        %swap3A_1207 = arith.index_cast %add3A_790 : i32 to index
        %swap3A_1208 = arith.constant 16 : index
        %swap3A_1209 = tpu.vector_load %arg14[%swap3A_1206, %swap3A_1207, %swap3A_1208] {strides = array<i32>} : memref<2x32x32xf32, #tpu.memory_space<vmem>>, vector<16xf32>,
        tpu.vector_store %arg14[%swap3A_1206, %swap3A_1207, %swap3A_1208], %mul3A_1204 {strides = array<i32>} : memref<2x32x32xf32, #tpu.memory_space<vmem>>, vector<16xf32>,
      }
      %scan3A_295 = arith.constant 16 : i32
      %mul3A_296 = arith.constant 32 : i32
      %mul3A_297 = arith.muli %mul3A_272, %mul3A_296 : i32
      %add3A_298 = arith.addi %mul3A_2, %mul3A_297 : i32
      %dma_start3A_299 = arith.constant 0 : i32
      %dma_start3A_300 = arith.constant 0 : i32
      %dma_start3A_301 = arith.constant 0 : i32
      %dma_start3A_302 = tpu.memref_slice %arg14[%dma_start3A_299, %dma_start3A_300, %dma_start3A_301] : memref<2x32x32xf32, #tpu.memory_space<vmem>> -> memref<1x32x32xf32, #tpu.memory_space<vmem>>
      %dma_start3A_303 = tpu.memref_squeeze %dma_start3A_302 : memref<1x32x32xf32, #tpu.memory_space<vmem>> -> memref<32x32xf32, #tpu.memory_space<vmem>>
      %dma_start3A_304 = arith.constant 32 : i32
      %dma_start3A_305 = tpu.memref_slice %arg6[%add3A_298, %dma_start3A_304] : memref<16384x64xf32, #tpu.memory_space<hbm>> -> memref<32x32xf32, #tpu.memory_space<hbm>>
      %dma_start3A_306 = arith.constant 32 : i32
      %dma_start3A_307 = tpu.memref_slice %arg6[%add3A_298, %dma_start3A_306] : memref<16384x64xf32, #tpu.memory_space<hbm>> -> memref<32x32xf32, #tpu.memory_space<hbm>>
      %dma_start3A_308 = arith.constant 0 : i32
      %dma_start3A_309 = arith.constant 0 : i32
      %dma_start3A_310 = tpu.memref_slice %arg14[%dma_start3A_299, %dma_start3A_308, %dma_start3A_309] : memref<2x32x32xf32, #tpu.memory_space<vmem>> -> memref<1x32x32xf32, #tpu.memory_space<vmem>>
      %dma_start3A_311 = tpu.memref_squeeze %dma_start3A_310 : memref<1x32x32xf32, #tpu.memory_space<vmem>> -> memref<32x32xf32, #tpu.memory_space<vmem>>
      tpu.enqueue_dma source(%dma_start3A_311 : memref<32x32xf32, #tpu.memory_space<vmem>>) target(%dma_start3A_307 : memref<32x32xf32, #tpu.memory_space<hbm>>) target_semaphore(%arg18 : memref<!tpu.dma_semaphore, #tpu.memory_space<semaphore_mem>>)
      %lt3A = arith.constant 7 : i32
      %lt3A_312 = arith.cmpi slt, %scan3A_270, %lt3A : i32
      %convert_element_type3A_313 = arith.extui %lt3A_312 : i1 to i32
      %cond3A_314 = arith.constant 0 : i32
      %cond3A_315 = arith.cmpi ne, %convert_element_type3A_313, %cond3A_314 : i32
      scf.if %cond3A_315 {
        %add3A_367 = arith.constant 2 : i32
        %add3A_368 = arith.addi %mul3A_272, %add3A_367 : i32
        %mul3A_369 = arith.constant 5 : i32
        %mul3A_370 = arith.muli %add3A_368, %mul3A_369 : i32
        %add3A_371 = arith.constant 0 : i32
        %add3A_372 = arith.addi %mul3A_370, %add3A_371 : i32
        %dma_start3A_373 = arith.constant 0 : i32
        %dma_start3A_374 = arith.constant 0 : i32
        %dma_start3A_375 = arith.constant 0 : i32
        %dma_start3A_376 = tpu.memref_slice %arg10[%dma_start3A_373, %dma_start3A_374, %dma_start3A_375] : memref<2x640x32xf32, #tpu.memory_space<vmem>> -> memref<1x128x32xf32, #tpu.memory_space<vmem>>
        %dma_start3A_377 = tpu.memref_squeeze %dma_start3A_376 : memref<1x128x32xf32, #tpu.memory_space<vmem>> -> memref<128x32xf32, #tpu.memory_space<vmem>>
        %dma_start3A_378 = arith.constant 0 : i32
        %dma_start3A_379 = tpu.memref_slice %arg7[%add3A_372, %dma_start3A_378] : memref<80x128xi32, #tpu.memory_space<vmem>> -> memref<1x128xi32, #tpu.memory_space<vmem>>
        %dma_start3A_380 = tpu.memref_squeeze %dma_start3A_379 : memref<1x128xi32, #tpu.memory_space<vmem>> -> memref<128xi32, #tpu.memory_space<vmem>>
        %dma_start3A_381 = arith.constant 0 : i32
        %dma_start3A_382 = arith.constant 0 : i32
        %dma_start3A_383 = tpu.memref_slice %arg5[%dma_start3A_381, %dma_start3A_382] : memref<10000x32xf32, #tpu.memory_space<hbm>> -> memref<10000x32xf32, #tpu.memory_space<hbm>>
        tpu.enqueue_indirect_dma source(%dma_start3A_383 : memref<10000x32xf32, #tpu.memory_space<hbm>>) target(%dma_start3A_377 : memref<128x32xf32, #tpu.memory_space<vmem>>) offsets(%dma_start3A_380 : memref<128xi32, #tpu.memory_space<vmem>>) semaphore(%arg15 : memref<!tpu.dma_semaphore, #tpu.memory_space<semaphore_mem>>)
        %mul3A_384 = arith.constant 5 : i32
        %mul3A_385 = arith.muli %add3A_368, %mul3A_384 : i32
        %add3A_386 = arith.constant 1 : i32
        %add3A_387 = arith.addi %mul3A_385, %add3A_386 : i32
        %dma_start3A_388 = arith.constant 0 : i32
        %dma_start3A_389 = arith.constant 128 : i32
        %dma_start3A_390 = arith.constant 0 : i32
        %dma_start3A_391 = tpu.memref_slice %arg10[%dma_start3A_388, %dma_start3A_389, %dma_start3A_390] : memref<2x640x32xf32, #tpu.memory_space<vmem>> -> memref<1x128x32xf32, #tpu.memory_space<vmem>>
        %dma_start3A_392 = tpu.memref_squeeze %dma_start3A_391 : memref<1x128x32xf32, #tpu.memory_space<vmem>> -> memref<128x32xf32, #tpu.memory_space<vmem>>
        %dma_start3A_393 = arith.constant 0 : i32
        %dma_start3A_394 = tpu.memref_slice %arg7[%add3A_387, %dma_start3A_393] : memref<80x128xi32, #tpu.memory_space<vmem>> -> memref<1x128xi32, #tpu.memory_space<vmem>>
        %dma_start3A_395 = tpu.memref_squeeze %dma_start3A_394 : memref<1x128xi32, #tpu.memory_space<vmem>> -> memref<128xi32, #tpu.memory_space<vmem>>
        %dma_start3A_396 = arith.constant 0 : i32
        %dma_start3A_397 = arith.constant 0 : i32
        %dma_start3A_398 = tpu.memref_slice %arg5[%dma_start3A_396, %dma_start3A_397] : memref<10000x32xf32, #tpu.memory_space<hbm>> -> memref<10000x32xf32, #tpu.memory_space<hbm>>
        tpu.enqueue_indirect_dma source(%dma_start3A_398 : memref<10000x32xf32, #tpu.memory_space<hbm>>) target(%dma_start3A_392 : memref<128x32xf32, #tpu.memory_space<vmem>>) offsets(%dma_start3A_395 : memref<128xi32, #tpu.memory_space<vmem>>) semaphore(%arg15 : memref<!tpu.dma_semaphore, #tpu.memory_space<semaphore_mem>>)
        %mul3A_399 = arith.constant 5 : i32
        %mul3A_400 = arith.muli %add3A_368, %mul3A_399 : i32
        %add3A_401 = arith.constant 2 : i32
        %add3A_402 = arith.addi %mul3A_400, %add3A_401 : i32
        %dma_start3A_403 = arith.constant 0 : i32
        %dma_start3A_404 = arith.constant 256 : i32
        %dma_start3A_405 = arith.constant 0 : i32
        %dma_start3A_406 = tpu.memref_slice %arg10[%dma_start3A_403, %dma_start3A_404, %dma_start3A_405] : memref<2x640x32xf32, #tpu.memory_space<vmem>> -> memref<1x128x32xf32, #tpu.memory_space<vmem>>
        %dma_start3A_407 = tpu.memref_squeeze %dma_start3A_406 : memref<1x128x32xf32, #tpu.memory_space<vmem>> -> memref<128x32xf32, #tpu.memory_space<vmem>>
        %dma_start3A_408 = arith.constant 0 : i32
        %dma_start3A_409 = tpu.memref_slice %arg7[%add3A_402, %dma_start3A_408] : memref<80x128xi32, #tpu.memory_space<vmem>> -> memref<1x128xi32, #tpu.memory_space<vmem>>
        %dma_start3A_410 = tpu.memref_squeeze %dma_start3A_409 : memref<1x128xi32, #tpu.memory_space<vmem>> -> memref<128xi32, #tpu.memory_space<vmem>>
        %dma_start3A_411 = arith.constant 0 : i32
        %dma_start3A_412 = arith.constant 0 : i32
        %dma_start3A_413 = tpu.memref_slice %arg5[%dma_start3A_411, %dma_start3A_412] : memref<10000x32xf32, #tpu.memory_space<hbm>> -> memref<10000x32xf32, #tpu.memory_space<hbm>>
        tpu.enqueue_indirect_dma source(%dma_start3A_413 : memref<10000x32xf32, #tpu.memory_space<hbm>>) target(%dma_start3A_407 : memref<128x32xf32, #tpu.memory_space<vmem>>) offsets(%dma_start3A_410 : memref<128xi32, #tpu.memory_space<vmem>>) semaphore(%arg15 : memref<!tpu.dma_semaphore, #tpu.memory_space<semaphore_mem>>)
        %mul3A_414 = arith.constant 5 : i32
        %mul3A_415 = arith.muli %add3A_368, %mul3A_414 : i32
        %add3A_416 = arith.constant 3 : i32
        %add3A_417 = arith.addi %mul3A_415, %add3A_416 : i32
        %dma_start3A_418 = arith.constant 0 : i32
        %dma_start3A_419 = arith.constant 384 : i32
        %dma_start3A_420 = arith.constant 0 : i32
        %dma_start3A_421 = tpu.memref_slice %arg10[%dma_start3A_418, %dma_start3A_419, %dma_start3A_420] : memref<2x640x32xf32, #tpu.memory_space<vmem>> -> memref<1x128x32xf32, #tpu.memory_space<vmem>>
        %dma_start3A_422 = tpu.memref_squeeze %dma_start3A_421 : memref<1x128x32xf32, #tpu.memory_space<vmem>> -> memref<128x32xf32, #tpu.memory_space<vmem>>
        %dma_start3A_423 = arith.constant 0 : i32
        %dma_start3A_424 = tpu.memref_slice %arg7[%add3A_417, %dma_start3A_423] : memref<80x128xi32, #tpu.memory_space<vmem>> -> memref<1x128xi32, #tpu.memory_space<vmem>>
        %dma_start3A_425 = tpu.memref_squeeze %dma_start3A_424 : memref<1x128xi32, #tpu.memory_space<vmem>> -> memref<128xi32, #tpu.memory_space<vmem>>
        %dma_start3A_426 = arith.constant 0 : i32
        %dma_start3A_427 = arith.constant 0 : i32
        %dma_start3A_428 = tpu.memref_slice %arg5[%dma_start3A_426, %dma_start3A_427] : memref<10000x32xf32, #tpu.memory_space<hbm>> -> memref<10000x32xf32, #tpu.memory_space<hbm>>
        tpu.enqueue_indirect_dma source(%dma_start3A_428 : memref<10000x32xf32, #tpu.memory_space<hbm>>) target(%dma_start3A_422 : memref<128x32xf32, #tpu.memory_space<vmem>>) offsets(%dma_start3A_425 : memref<128xi32, #tpu.memory_space<vmem>>) semaphore(%arg15 : memref<!tpu.dma_semaphore, #tpu.memory_space<semaphore_mem>>)
        %mul3A_429 = arith.constant 5 : i32
        %mul3A_430 = arith.muli %add3A_368, %mul3A_429 : i32
        %add3A_431 = arith.constant 4 : i32
        %add3A_432 = arith.addi %mul3A_430, %add3A_431 : i32
        %dma_start3A_433 = arith.constant 0 : i32
        %dma_start3A_434 = arith.constant 512 : i32
        %dma_start3A_435 = arith.constant 0 : i32
        %dma_start3A_436 = tpu.memref_slice %arg10[%dma_start3A_433, %dma_start3A_434, %dma_start3A_435] : memref<2x640x32xf32, #tpu.memory_space<vmem>> -> memref<1x128x32xf32, #tpu.memory_space<vmem>>
        %dma_start3A_437 = tpu.memref_squeeze %dma_start3A_436 : memref<1x128x32xf32, #tpu.memory_space<vmem>> -> memref<128x32xf32, #tpu.memory_space<vmem>>
        %dma_start3A_438 = arith.constant 0 : i32
        %dma_start3A_439 = tpu.memref_slice %arg7[%add3A_432, %dma_start3A_438] : memref<80x128xi32, #tpu.memory_space<vmem>> -> memref<1x128xi32, #tpu.memory_space<vmem>>
        %dma_start3A_440 = tpu.memref_squeeze %dma_start3A_439 : memref<1x128xi32, #tpu.memory_space<vmem>> -> memref<128xi32, #tpu.memory_space<vmem>>
        %dma_start3A_441 = arith.constant 0 : i32
        %dma_start3A_442 = arith.constant 0 : i32
        %dma_start3A_443 = tpu.memref_slice %arg5[%dma_start3A_441, %dma_start3A_442] : memref<10000x32xf32, #tpu.memory_space<hbm>> -> memref<10000x32xf32, #tpu.memory_space<hbm>>
        tpu.enqueue_indirect_dma source(%dma_start3A_443 : memref<10000x32xf32, #tpu.memory_space<hbm>>) target(%dma_start3A_437 : memref<128x32xf32, #tpu.memory_space<vmem>>) offsets(%dma_start3A_440 : memref<128xi32, #tpu.memory_space<vmem>>) semaphore(%arg15 : memref<!tpu.dma_semaphore, #tpu.memory_space<semaphore_mem>>)
      } else {
      }
      %dma_wait3A_316 = arith.constant 1 : i32
      %dma_wait3A_317 = arith.constant 0 : i32
      %dma_wait3A_318 = arith.constant 0 : i32
      %dma_wait3A_319 = tpu.memref_slice %arg10[%dma_wait3A_316, %dma_wait3A_317, %dma_wait3A_318] : memref<2x640x32xf32, #tpu.memory_space<vmem>> -> memref<1x640x32xf32, #tpu.memory_space<vmem>>
      %dma_wait3A_320 = tpu.memref_squeeze %dma_wait3A_319 : memref<1x640x32xf32, #tpu.memory_space<vmem>> -> memref<640x32xf32, #tpu.memory_space<vmem>>
      %dma_wait3A_321 = arith.constant 0 : i32
      %dma_wait3A_322 = arith.constant 0 : i32
      %dma_wait3A_323 = tpu.memref_slice %arg5[%dma_wait3A_321, %dma_wait3A_322] : memref<10000x32xf32, #tpu.memory_space<hbm>> -> memref<640x32xf32, #tpu.memory_space<hbm>>
      %dma_wait3A_324 = arith.constant 0 : i32
      %dma_wait3A_325 = arith.constant 0 : i32
      %dma_wait3A_326 = tpu.memref_slice %arg10[%dma_wait3A_316, %dma_wait3A_324, %dma_wait3A_325] : memref<2x640x32xf32, #tpu.memory_space<vmem>> -> memref<1x640x32xf32, #tpu.memory_space<vmem>>
      %dma_wait3A_327 = tpu.memref_squeeze %dma_wait3A_326 : memref<1x640x32xf32, #tpu.memory_space<vmem>> -> memref<640x32xf32, #tpu.memory_space<vmem>>
      %dma_wait3A_328 = arith.constant 0 : i32
      %dma_wait3A_329 = arith.constant 0 : i32
      %dma_wait3A_330 = tpu.memref_slice %arg5[%dma_wait3A_328, %dma_wait3A_329] : memref<10000x32xf32, #tpu.memory_space<hbm>> -> memref<640x32xf32, #tpu.memory_space<hbm>>
      tpu.wait_dma2 semaphore(%arg16 : memref<!tpu.dma_semaphore, #tpu.memory_space<semaphore_mem>>) src(%dma_wait3A_330 : memref<640x32xf32, #tpu.memory_space<hbm>>) dst(%dma_wait3A_327 : memref<640x32xf32, #tpu.memory_space<vmem>>)
      %ge3A_331 = arith.constant 1 : i32
      %ge3A_332 = arith.cmpi sge, %scan3A_270, %ge3A_331 : i32
      %convert_element_type3A_333 = arith.extui %ge3A_332 : i1 to i32
      %cond3A_334 = arith.constant 0 : i32
      %cond3A_335 = arith.cmpi ne, %convert_element_type3A_333, %cond3A_334 : i32
      scf.if %cond3A_335 {
        %dma_wait3A_367 = arith.constant 1 : i32
        %dma_wait3A_368 = arith.constant 0 : i32
        %dma_wait3A_369 = arith.constant 0 : i32
        %dma_wait3A_370 = tpu.memref_slice %arg14[%dma_wait3A_367, %dma_wait3A_368, %dma_wait3A_369] : memref<2x32x32xf32, #tpu.memory_space<vmem>> -> memref<1x32x32xf32, #tpu.memory_space<vmem>>
        %dma_wait3A_371 = tpu.memref_squeeze %dma_wait3A_370 : memref<1x32x32xf32, #tpu.memory_space<vmem>> -> memref<32x32xf32, #tpu.memory_space<vmem>>
        %dma_wait3A_372 = arith.constant 0 : i32
        %dma_wait3A_373 = arith.constant 0 : i32
        %dma_wait3A_374 = tpu.memref_slice %arg5[%dma_wait3A_372, %dma_wait3A_373] : memref<10000x32xf32, #tpu.memory_space<hbm>> -> memref<32x32xf32, #tpu.memory_space<hbm>>
        %dma_wait3A_375 = arith.constant 0 : i32
        %dma_wait3A_376 = arith.constant 0 : i32
        %dma_wait3A_377 = tpu.memref_slice %arg14[%dma_wait3A_367, %dma_wait3A_375, %dma_wait3A_376] : memref<2x32x32xf32, #tpu.memory_space<vmem>> -> memref<1x32x32xf32, #tpu.memory_space<vmem>>
        %dma_wait3A_378 = tpu.memref_squeeze %dma_wait3A_377 : memref<1x32x32xf32, #tpu.memory_space<vmem>> -> memref<32x32xf32, #tpu.memory_space<vmem>>
        %dma_wait3A_379 = arith.constant 0 : i32
        %dma_wait3A_380 = arith.constant 0 : i32
        %dma_wait3A_381 = tpu.memref_slice %arg5[%dma_wait3A_379, %dma_wait3A_380] : memref<10000x32xf32, #tpu.memory_space<hbm>> -> memref<32x32xf32, #tpu.memory_space<hbm>>
        tpu.wait_dma2 semaphore(%arg19 : memref<!tpu.dma_semaphore, #tpu.memory_space<semaphore_mem>>) src(%dma_wait3A_381 : memref<32x32xf32, #tpu.memory_space<hbm>>) dst(%dma_wait3A_378 : memref<32x32xf32, #tpu.memory_space<vmem>>)
      } else {
      }
      %add3A_336 = arith.constant 1 : i32
      %add3A_337 = arith.addi %mul3A_272, %add3A_336 : i32
      %scan3A_338 = arith.constant 0 : i32
      %scan3A_339 = arith.constant 0 : i32
      %scan3A_340 = arith.constant 16 : i32
      %scan3A_341 = arith.addi %scan3A_339, %scan3A_340 : i32
      %scan3A_342 = arith.constant 1 : i32
      scf.for %scan3A_367 = %scan3A_339 to %scan3A_341 step %scan3A_342  : i32 {
        %mul3A_368 = arith.constant 2 : i32
        %mul3A_369 = arith.muli %scan3A_367, %mul3A_368 : i32
        %add3A_370 = arith.constant 0 : i32
        %add3A_371 = arith.addi %mul3A_369, %add3A_370 : i32
        %mul3A_372 = arith.constant 32 : i32
        %mul3A_373 = arith.muli %add3A_337, %mul3A_372 : i32
        %add3A_374 = arith.addi %mul3A_373, %add3A_371 : i32
        %mul3A_375 = arith.constant 20 : i32
        %mul3A_376 = arith.muli %add3A_371, %mul3A_375 : i32
        %get3A_377 = arith.constant 1 : i32
        %get3A_378 = arith.index_cast %get3A_377 : i32 to index
        %get3A_379 = arith.index_cast %mul3A_376 : i32 to index
        %get3A_380 = arith.constant 0 : index
        %get3A_381 = tpu.vector_load %arg10[%get3A_378, %get3A_379, %get3A_380] {strides = array<i32>} : memref<2x640x32xf32, #tpu.memory_space<vmem>>, vector<16xf32>,
        %mul3A_382 = arith.constant 20 : i32
        %mul3A_383 = arith.muli %add3A_371, %mul3A_382 : i32
        %get3A_384 = arith.constant 1 : i32
        %get3A_385 = arith.index_cast %get3A_384 : i32 to index
        %get3A_386 = arith.index_cast %mul3A_383 : i32 to index
        %get3A_387 = arith.constant 16 : index
        %get3A_388 = tpu.vector_load %arg10[%get3A_385, %get3A_386, %get3A_387] {strides = array<i32>} : memref<2x640x32xf32, #tpu.memory_space<vmem>>, vector<16xf32>,
        %mul3A_389 = arith.constant 20 : i32
        %mul3A_390 = arith.muli %add3A_371, %mul3A_389 : i32
        %add3A_391 = arith.constant 1 : i32
        %add3A_392 = arith.addi %mul3A_390, %add3A_391 : i32
        %get3A_393 = arith.constant 1 : i32
        %get3A_394 = arith.index_cast %get3A_393 : i32 to index
        %get3A_395 = arith.index_cast %add3A_392 : i32 to index
        %get3A_396 = arith.constant 0 : index
        %get3A_397 = tpu.vector_load %arg10[%get3A_394, %get3A_395, %get3A_396] {strides = array<i32>} : memref<2x640x32xf32, #tpu.memory_space<vmem>>, vector<16xf32>,
        %add3A_398 = arith.addf %get3A_381, %get3A_397 : vector<16xf32>
        %mul3A_399 = arith.constant 20 : i32
        %mul3A_400 = arith.muli %add3A_371, %mul3A_399 : i32
        %add3A_401 = arith.constant 1 : i32
        %add3A_402 = arith.addi %mul3A_400, %add3A_401 : i32
        %get3A_403 = arith.constant 1 : i32
        %get3A_404 = arith.index_cast %get3A_403 : i32 to index
        %get3A_405 = arith.index_cast %add3A_402 : i32 to index
        %get3A_406 = arith.constant 16 : index
        %get3A_407 = tpu.vector_load %arg10[%get3A_404, %get3A_405, %get3A_406] {strides = array<i32>} : memref<2x640x32xf32, #tpu.memory_space<vmem>>, vector<16xf32>,
        %add3A_408 = arith.addf %get3A_388, %get3A_407 : vector<16xf32>
        %mul3A_409 = arith.constant 20 : i32
        %mul3A_410 = arith.muli %add3A_371, %mul3A_409 : i32
        %add3A_411 = arith.constant 2 : i32
        %add3A_412 = arith.addi %mul3A_410, %add3A_411 : i32
        %get3A_413 = arith.constant 1 : i32
        %get3A_414 = arith.index_cast %get3A_413 : i32 to index
        %get3A_415 = arith.index_cast %add3A_412 : i32 to index
        %get3A_416 = arith.constant 0 : index
        %get3A_417 = tpu.vector_load %arg10[%get3A_414, %get3A_415, %get3A_416] {strides = array<i32>} : memref<2x640x32xf32, #tpu.memory_space<vmem>>, vector<16xf32>,
        %add3A_418 = arith.addf %add3A_398, %get3A_417 : vector<16xf32>
        %mul3A_419 = arith.constant 20 : i32
        %mul3A_420 = arith.muli %add3A_371, %mul3A_419 : i32
        %add3A_421 = arith.constant 2 : i32
        %add3A_422 = arith.addi %mul3A_420, %add3A_421 : i32
        %get3A_423 = arith.constant 1 : i32
        %get3A_424 = arith.index_cast %get3A_423 : i32 to index
        %get3A_425 = arith.index_cast %add3A_422 : i32 to index
        %get3A_426 = arith.constant 16 : index
        %get3A_427 = tpu.vector_load %arg10[%get3A_424, %get3A_425, %get3A_426] {strides = array<i32>} : memref<2x640x32xf32, #tpu.memory_space<vmem>>, vector<16xf32>,
        %add3A_428 = arith.addf %add3A_408, %get3A_427 : vector<16xf32>
        %mul3A_429 = arith.constant 20 : i32
        %mul3A_430 = arith.muli %add3A_371, %mul3A_429 : i32
        %add3A_431 = arith.constant 3 : i32
        %add3A_432 = arith.addi %mul3A_430, %add3A_431 : i32
        %get3A_433 = arith.constant 1 : i32
        %get3A_434 = arith.index_cast %get3A_433 : i32 to index
        %get3A_435 = arith.index_cast %add3A_432 : i32 to index
        %get3A_436 = arith.constant 0 : index
        %get3A_437 = tpu.vector_load %arg10[%get3A_434, %get3A_435, %get3A_436] {strides = array<i32>} : memref<2x640x32xf32, #tpu.memory_space<vmem>>, vector<16xf32>,
        %add3A_438 = arith.addf %add3A_418, %get3A_437 : vector<16xf32>
        %mul3A_439 = arith.constant 20 : i32
        %mul3A_440 = arith.muli %add3A_371, %mul3A_439 : i32
        %add3A_441 = arith.constant 3 : i32
        %add3A_442 = arith.addi %mul3A_440, %add3A_441 : i32
        %get3A_443 = arith.constant 1 : i32
        %get3A_444 = arith.index_cast %get3A_443 : i32 to index
        %get3A_445 = arith.index_cast %add3A_442 : i32 to index
        %get3A_446 = arith.constant 16 : index
        %get3A_447 = tpu.vector_load %arg10[%get3A_444, %get3A_445, %get3A_446] {strides = array<i32>} : memref<2x640x32xf32, #tpu.memory_space<vmem>>, vector<16xf32>,
        %add3A_448 = arith.addf %add3A_428, %get3A_447 : vector<16xf32>
        %mul3A_449 = arith.constant 20 : i32
        %mul3A_450 = arith.muli %add3A_371, %mul3A_449 : i32
        %add3A_451 = arith.constant 4 : i32
        %add3A_452 = arith.addi %mul3A_450, %add3A_451 : i32
        %get3A_453 = arith.constant 1 : i32
        %get3A_454 = arith.index_cast %get3A_453 : i32 to index
        %get3A_455 = arith.index_cast %add3A_452 : i32 to index
        %get3A_456 = arith.constant 0 : index
        %get3A_457 = tpu.vector_load %arg10[%get3A_454, %get3A_455, %get3A_456] {strides = array<i32>} : memref<2x640x32xf32, #tpu.memory_space<vmem>>, vector<16xf32>,
        %add3A_458 = arith.addf %add3A_438, %get3A_457 : vector<16xf32>
        %mul3A_459 = arith.constant 20 : i32
        %mul3A_460 = arith.muli %add3A_371, %mul3A_459 : i32
        %add3A_461 = arith.constant 4 : i32
        %add3A_462 = arith.addi %mul3A_460, %add3A_461 : i32
        %get3A_463 = arith.constant 1 : i32
        %get3A_464 = arith.index_cast %get3A_463 : i32 to index
        %get3A_465 = arith.index_cast %add3A_462 : i32 to index
        %get3A_466 = arith.constant 16 : index
        %get3A_467 = tpu.vector_load %arg10[%get3A_464, %get3A_465, %get3A_466] {strides = array<i32>} : memref<2x640x32xf32, #tpu.memory_space<vmem>>, vector<16xf32>,
        %add3A_468 = arith.addf %add3A_448, %get3A_467 : vector<16xf32>
        %mul3A_469 = arith.constant 20 : i32
        %mul3A_470 = arith.muli %add3A_371, %mul3A_469 : i32
        %add3A_471 = arith.constant 5 : i32
        %add3A_472 = arith.addi %mul3A_470, %add3A_471 : i32
        %get3A_473 = arith.constant 1 : i32
        %get3A_474 = arith.index_cast %get3A_473 : i32 to index
        %get3A_475 = arith.index_cast %add3A_472 : i32 to index
        %get3A_476 = arith.constant 0 : index
        %get3A_477 = tpu.vector_load %arg10[%get3A_474, %get3A_475, %get3A_476] {strides = array<i32>} : memref<2x640x32xf32, #tpu.memory_space<vmem>>, vector<16xf32>,
        %add3A_478 = arith.addf %add3A_458, %get3A_477 : vector<16xf32>
        %mul3A_479 = arith.constant 20 : i32
        %mul3A_480 = arith.muli %add3A_371, %mul3A_479 : i32
        %add3A_481 = arith.constant 5 : i32
        %add3A_482 = arith.addi %mul3A_480, %add3A_481 : i32
        %get3A_483 = arith.constant 1 : i32
        %get3A_484 = arith.index_cast %get3A_483 : i32 to index
        %get3A_485 = arith.index_cast %add3A_482 : i32 to index
        %get3A_486 = arith.constant 16 : index
        %get3A_487 = tpu.vector_load %arg10[%get3A_484, %get3A_485, %get3A_486] {strides = array<i32>} : memref<2x640x32xf32, #tpu.memory_space<vmem>>, vector<16xf32>,
        %add3A_488 = arith.addf %add3A_468, %get3A_487 : vector<16xf32>
        %mul3A_489 = arith.constant 20 : i32
        %mul3A_490 = arith.muli %add3A_371, %mul3A_489 : i32
        %add3A_491 = arith.constant 6 : i32
        %add3A_492 = arith.addi %mul3A_490, %add3A_491 : i32
        %get3A_493 = arith.constant 1 : i32
        %get3A_494 = arith.index_cast %get3A_493 : i32 to index
        %get3A_495 = arith.index_cast %add3A_492 : i32 to index
        %get3A_496 = arith.constant 0 : index
        %get3A_497 = tpu.vector_load %arg10[%get3A_494, %get3A_495, %get3A_496] {strides = array<i32>} : memref<2x640x32xf32, #tpu.memory_space<vmem>>, vector<16xf32>,
        %add3A_498 = arith.addf %add3A_478, %get3A_497 : vector<16xf32>
        %mul3A_499 = arith.constant 20 : i32
        %mul3A_500 = arith.muli %add3A_371, %mul3A_499 : i32
        %add3A_501 = arith.constant 6 : i32
        %add3A_502 = arith.addi %mul3A_500, %add3A_501 : i32
        %get3A_503 = arith.constant 1 : i32
        %get3A_504 = arith.index_cast %get3A_503 : i32 to index
        %get3A_505 = arith.index_cast %add3A_502 : i32 to index
        %get3A_506 = arith.constant 16 : index
        %get3A_507 = tpu.vector_load %arg10[%get3A_504, %get3A_505, %get3A_506] {strides = array<i32>} : memref<2x640x32xf32, #tpu.memory_space<vmem>>, vector<16xf32>,
        %add3A_508 = arith.addf %add3A_488, %get3A_507 : vector<16xf32>
        %mul3A_509 = arith.constant 20 : i32
        %mul3A_510 = arith.muli %add3A_371, %mul3A_509 : i32
        %add3A_511 = arith.constant 7 : i32
        %add3A_512 = arith.addi %mul3A_510, %add3A_511 : i32
        %get3A_513 = arith.constant 1 : i32
        %get3A_514 = arith.index_cast %get3A_513 : i32 to index
        %get3A_515 = arith.index_cast %add3A_512 : i32 to index
        %get3A_516 = arith.constant 0 : index
        %get3A_517 = tpu.vector_load %arg10[%get3A_514, %get3A_515, %get3A_516] {strides = array<i32>} : memref<2x640x32xf32, #tpu.memory_space<vmem>>, vector<16xf32>,
        %add3A_518 = arith.addf %add3A_498, %get3A_517 : vector<16xf32>
        %mul3A_519 = arith.constant 20 : i32
        %mul3A_520 = arith.muli %add3A_371, %mul3A_519 : i32
        %add3A_521 = arith.constant 7 : i32
        %add3A_522 = arith.addi %mul3A_520, %add3A_521 : i32
        %get3A_523 = arith.constant 1 : i32
        %get3A_524 = arith.index_cast %get3A_523 : i32 to index
        %get3A_525 = arith.index_cast %add3A_522 : i32 to index
        %get3A_526 = arith.constant 16 : index
        %get3A_527 = tpu.vector_load %arg10[%get3A_524, %get3A_525, %get3A_526] {strides = array<i32>} : memref<2x640x32xf32, #tpu.memory_space<vmem>>, vector<16xf32>,
        %add3A_528 = arith.addf %add3A_508, %get3A_527 : vector<16xf32>
        %mul3A_529 = arith.constant 20 : i32
        %mul3A_530 = arith.muli %add3A_371, %mul3A_529 : i32
        %add3A_531 = arith.constant 8 : i32
        %add3A_532 = arith.addi %mul3A_530, %add3A_531 : i32
        %get3A_533 = arith.constant 1 : i32
        %get3A_534 = arith.index_cast %get3A_533 : i32 to index
        %get3A_535 = arith.index_cast %add3A_532 : i32 to index
        %get3A_536 = arith.constant 0 : index
        %get3A_537 = tpu.vector_load %arg10[%get3A_534, %get3A_535, %get3A_536] {strides = array<i32>} : memref<2x640x32xf32, #tpu.memory_space<vmem>>, vector<16xf32>,
        %add3A_538 = arith.addf %add3A_518, %get3A_537 : vector<16xf32>
        %mul3A_539 = arith.constant 20 : i32
        %mul3A_540 = arith.muli %add3A_371, %mul3A_539 : i32
        %add3A_541 = arith.constant 8 : i32
        %add3A_542 = arith.addi %mul3A_540, %add3A_541 : i32
        %get3A_543 = arith.constant 1 : i32
        %get3A_544 = arith.index_cast %get3A_543 : i32 to index
        %get3A_545 = arith.index_cast %add3A_542 : i32 to index
        %get3A_546 = arith.constant 16 : index
        %get3A_547 = tpu.vector_load %arg10[%get3A_544, %get3A_545, %get3A_546] {strides = array<i32>} : memref<2x640x32xf32, #tpu.memory_space<vmem>>, vector<16xf32>,
        %add3A_548 = arith.addf %add3A_528, %get3A_547 : vector<16xf32>
        %mul3A_549 = arith.constant 20 : i32
        %mul3A_550 = arith.muli %add3A_371, %mul3A_549 : i32
        %add3A_551 = arith.constant 9 : i32
        %add3A_552 = arith.addi %mul3A_550, %add3A_551 : i32
        %get3A_553 = arith.constant 1 : i32
        %get3A_554 = arith.index_cast %get3A_553 : i32 to index
        %get3A_555 = arith.index_cast %add3A_552 : i32 to index
        %get3A_556 = arith.constant 0 : index
        %get3A_557 = tpu.vector_load %arg10[%get3A_554, %get3A_555, %get3A_556] {strides = array<i32>} : memref<2x640x32xf32, #tpu.memory_space<vmem>>, vector<16xf32>,
        %add3A_558 = arith.addf %add3A_538, %get3A_557 : vector<16xf32>
        %mul3A_559 = arith.constant 20 : i32
        %mul3A_560 = arith.muli %add3A_371, %mul3A_559 : i32
        %add3A_561 = arith.constant 9 : i32
        %add3A_562 = arith.addi %mul3A_560, %add3A_561 : i32
        %get3A_563 = arith.constant 1 : i32
        %get3A_564 = arith.index_cast %get3A_563 : i32 to index
        %get3A_565 = arith.index_cast %add3A_562 : i32 to index
        %get3A_566 = arith.constant 16 : index
        %get3A_567 = tpu.vector_load %arg10[%get3A_564, %get3A_565, %get3A_566] {strides = array<i32>} : memref<2x640x32xf32, #tpu.memory_space<vmem>>, vector<16xf32>,
        %add3A_568 = arith.addf %add3A_548, %get3A_567 : vector<16xf32>
        %mul3A_569 = arith.constant 20 : i32
        %mul3A_570 = arith.muli %add3A_371, %mul3A_569 : i32
        %add3A_571 = arith.constant 10 : i32
        %add3A_572 = arith.addi %mul3A_570, %add3A_571 : i32
        %get3A_573 = arith.constant 1 : i32
        %get3A_574 = arith.index_cast %get3A_573 : i32 to index
        %get3A_575 = arith.index_cast %add3A_572 : i32 to index
        %get3A_576 = arith.constant 0 : index
        %get3A_577 = tpu.vector_load %arg10[%get3A_574, %get3A_575, %get3A_576] {strides = array<i32>} : memref<2x640x32xf32, #tpu.memory_space<vmem>>, vector<16xf32>,
        %add3A_578 = arith.addf %add3A_558, %get3A_577 : vector<16xf32>
        %mul3A_579 = arith.constant 20 : i32
        %mul3A_580 = arith.muli %add3A_371, %mul3A_579 : i32
        %add3A_581 = arith.constant 10 : i32
        %add3A_582 = arith.addi %mul3A_580, %add3A_581 : i32
        %get3A_583 = arith.constant 1 : i32
        %get3A_584 = arith.index_cast %get3A_583 : i32 to index
        %get3A_585 = arith.index_cast %add3A_582 : i32 to index
        %get3A_586 = arith.constant 16 : index
        %get3A_587 = tpu.vector_load %arg10[%get3A_584, %get3A_585, %get3A_586] {strides = array<i32>} : memref<2x640x32xf32, #tpu.memory_space<vmem>>, vector<16xf32>,
        %add3A_588 = arith.addf %add3A_568, %get3A_587 : vector<16xf32>
        %mul3A_589 = arith.constant 20 : i32
        %mul3A_590 = arith.muli %add3A_371, %mul3A_589 : i32
        %add3A_591 = arith.constant 11 : i32
        %add3A_592 = arith.addi %mul3A_590, %add3A_591 : i32
        %get3A_593 = arith.constant 1 : i32
        %get3A_594 = arith.index_cast %get3A_593 : i32 to index
        %get3A_595 = arith.index_cast %add3A_592 : i32 to index
        %get3A_596 = arith.constant 0 : index
        %get3A_597 = tpu.vector_load %arg10[%get3A_594, %get3A_595, %get3A_596] {strides = array<i32>} : memref<2x640x32xf32, #tpu.memory_space<vmem>>, vector<16xf32>,
        %add3A_598 = arith.addf %add3A_578, %get3A_597 : vector<16xf32>
        %mul3A_599 = arith.constant 20 : i32
        %mul3A_600 = arith.muli %add3A_371, %mul3A_599 : i32
        %add3A_601 = arith.constant 11 : i32
        %add3A_602 = arith.addi %mul3A_600, %add3A_601 : i32
        %get3A_603 = arith.constant 1 : i32
        %get3A_604 = arith.index_cast %get3A_603 : i32 to index
        %get3A_605 = arith.index_cast %add3A_602 : i32 to index
        %get3A_606 = arith.constant 16 : index
        %get3A_607 = tpu.vector_load %arg10[%get3A_604, %get3A_605, %get3A_606] {strides = array<i32>} : memref<2x640x32xf32, #tpu.memory_space<vmem>>, vector<16xf32>,
        %add3A_608 = arith.addf %add3A_588, %get3A_607 : vector<16xf32>
        %mul3A_609 = arith.constant 20 : i32
        %mul3A_610 = arith.muli %add3A_371, %mul3A_609 : i32
        %add3A_611 = arith.constant 12 : i32
        %add3A_612 = arith.addi %mul3A_610, %add3A_611 : i32
        %get3A_613 = arith.constant 1 : i32
        %get3A_614 = arith.index_cast %get3A_613 : i32 to index
        %get3A_615 = arith.index_cast %add3A_612 : i32 to index
        %get3A_616 = arith.constant 0 : index
        %get3A_617 = tpu.vector_load %arg10[%get3A_614, %get3A_615, %get3A_616] {strides = array<i32>} : memref<2x640x32xf32, #tpu.memory_space<vmem>>, vector<16xf32>,
        %add3A_618 = arith.addf %add3A_598, %get3A_617 : vector<16xf32>
        %mul3A_619 = arith.constant 20 : i32
        %mul3A_620 = arith.muli %add3A_371, %mul3A_619 : i32
        %add3A_621 = arith.constant 12 : i32
        %add3A_622 = arith.addi %mul3A_620, %add3A_621 : i32
        %get3A_623 = arith.constant 1 : i32
        %get3A_624 = arith.index_cast %get3A_623 : i32 to index
        %get3A_625 = arith.index_cast %add3A_622 : i32 to index
        %get3A_626 = arith.constant 16 : index
        %get3A_627 = tpu.vector_load %arg10[%get3A_624, %get3A_625, %get3A_626] {strides = array<i32>} : memref<2x640x32xf32, #tpu.memory_space<vmem>>, vector<16xf32>,
        %add3A_628 = arith.addf %add3A_608, %get3A_627 : vector<16xf32>
        %mul3A_629 = arith.constant 20 : i32
        %mul3A_630 = arith.muli %add3A_371, %mul3A_629 : i32
        %add3A_631 = arith.constant 13 : i32
        %add3A_632 = arith.addi %mul3A_630, %add3A_631 : i32
        %get3A_633 = arith.constant 1 : i32
        %get3A_634 = arith.index_cast %get3A_633 : i32 to index
        %get3A_635 = arith.index_cast %add3A_632 : i32 to index
        %get3A_636 = arith.constant 0 : index
        %get3A_637 = tpu.vector_load %arg10[%get3A_634, %get3A_635, %get3A_636] {strides = array<i32>} : memref<2x640x32xf32, #tpu.memory_space<vmem>>, vector<16xf32>,
        %add3A_638 = arith.addf %add3A_618, %get3A_637 : vector<16xf32>
        %mul3A_639 = arith.constant 20 : i32
        %mul3A_640 = arith.muli %add3A_371, %mul3A_639 : i32
        %add3A_641 = arith.constant 13 : i32
        %add3A_642 = arith.addi %mul3A_640, %add3A_641 : i32
        %get3A_643 = arith.constant 1 : i32
        %get3A_644 = arith.index_cast %get3A_643 : i32 to index
        %get3A_645 = arith.index_cast %add3A_642 : i32 to index
        %get3A_646 = arith.constant 16 : index
        %get3A_647 = tpu.vector_load %arg10[%get3A_644, %get3A_645, %get3A_646] {strides = array<i32>} : memref<2x640x32xf32, #tpu.memory_space<vmem>>, vector<16xf32>,
        %add3A_648 = arith.addf %add3A_628, %get3A_647 : vector<16xf32>
        %mul3A_649 = arith.constant 20 : i32
        %mul3A_650 = arith.muli %add3A_371, %mul3A_649 : i32
        %add3A_651 = arith.constant 14 : i32
        %add3A_652 = arith.addi %mul3A_650, %add3A_651 : i32
        %get3A_653 = arith.constant 1 : i32
        %get3A_654 = arith.index_cast %get3A_653 : i32 to index
        %get3A_655 = arith.index_cast %add3A_652 : i32 to index
        %get3A_656 = arith.constant 0 : index
        %get3A_657 = tpu.vector_load %arg10[%get3A_654, %get3A_655, %get3A_656] {strides = array<i32>} : memref<2x640x32xf32, #tpu.memory_space<vmem>>, vector<16xf32>,
        %add3A_658 = arith.addf %add3A_638, %get3A_657 : vector<16xf32>
        %mul3A_659 = arith.constant 20 : i32
        %mul3A_660 = arith.muli %add3A_371, %mul3A_659 : i32
        %add3A_661 = arith.constant 14 : i32
        %add3A_662 = arith.addi %mul3A_660, %add3A_661 : i32
        %get3A_663 = arith.constant 1 : i32
        %get3A_664 = arith.index_cast %get3A_663 : i32 to index
        %get3A_665 = arith.index_cast %add3A_662 : i32 to index
        %get3A_666 = arith.constant 16 : index
        %get3A_667 = tpu.vector_load %arg10[%get3A_664, %get3A_665, %get3A_666] {strides = array<i32>} : memref<2x640x32xf32, #tpu.memory_space<vmem>>, vector<16xf32>,
        %add3A_668 = arith.addf %add3A_648, %get3A_667 : vector<16xf32>
        %mul3A_669 = arith.constant 20 : i32
        %mul3A_670 = arith.muli %add3A_371, %mul3A_669 : i32
        %add3A_671 = arith.constant 15 : i32
        %add3A_672 = arith.addi %mul3A_670, %add3A_671 : i32
        %get3A_673 = arith.constant 1 : i32
        %get3A_674 = arith.index_cast %get3A_673 : i32 to index
        %get3A_675 = arith.index_cast %add3A_672 : i32 to index
        %get3A_676 = arith.constant 0 : index
        %get3A_677 = tpu.vector_load %arg10[%get3A_674, %get3A_675, %get3A_676] {strides = array<i32>} : memref<2x640x32xf32, #tpu.memory_space<vmem>>, vector<16xf32>,
        %add3A_678 = arith.addf %add3A_658, %get3A_677 : vector<16xf32>
        %mul3A_679 = arith.constant 20 : i32
        %mul3A_680 = arith.muli %add3A_371, %mul3A_679 : i32
        %add3A_681 = arith.constant 15 : i32
        %add3A_682 = arith.addi %mul3A_680, %add3A_681 : i32
        %get3A_683 = arith.constant 1 : i32
        %get3A_684 = arith.index_cast %get3A_683 : i32 to index
        %get3A_685 = arith.index_cast %add3A_682 : i32 to index
        %get3A_686 = arith.constant 16 : index
        %get3A_687 = tpu.vector_load %arg10[%get3A_684, %get3A_685, %get3A_686] {strides = array<i32>} : memref<2x640x32xf32, #tpu.memory_space<vmem>>, vector<16xf32>,
        %add3A_688 = arith.addf %add3A_668, %get3A_687 : vector<16xf32>
        %mul3A_689 = arith.constant 20 : i32
        %mul3A_690 = arith.muli %add3A_371, %mul3A_689 : i32
        %add3A_691 = arith.constant 16 : i32
        %add3A_692 = arith.addi %mul3A_690, %add3A_691 : i32
        %get3A_693 = arith.constant 1 : i32
        %get3A_694 = arith.index_cast %get3A_693 : i32 to index
        %get3A_695 = arith.index_cast %add3A_692 : i32 to index
        %get3A_696 = arith.constant 0 : index
        %get3A_697 = tpu.vector_load %arg10[%get3A_694, %get3A_695, %get3A_696] {strides = array<i32>} : memref<2x640x32xf32, #tpu.memory_space<vmem>>, vector<16xf32>,
        %add3A_698 = arith.addf %add3A_678, %get3A_697 : vector<16xf32>
        %mul3A_699 = arith.constant 20 : i32
        %mul3A_700 = arith.muli %add3A_371, %mul3A_699 : i32
        %add3A_701 = arith.constant 16 : i32
        %add3A_702 = arith.addi %mul3A_700, %add3A_701 : i32
        %get3A_703 = arith.constant 1 : i32
        %get3A_704 = arith.index_cast %get3A_703 : i32 to index
        %get3A_705 = arith.index_cast %add3A_702 : i32 to index
        %get3A_706 = arith.constant 16 : index
        %get3A_707 = tpu.vector_load %arg10[%get3A_704, %get3A_705, %get3A_706] {strides = array<i32>} : memref<2x640x32xf32, #tpu.memory_space<vmem>>, vector<16xf32>,
        %add3A_708 = arith.addf %add3A_688, %get3A_707 : vector<16xf32>
        %mul3A_709 = arith.constant 20 : i32
        %mul3A_710 = arith.muli %add3A_371, %mul3A_709 : i32
        %add3A_711 = arith.constant 17 : i32
        %add3A_712 = arith.addi %mul3A_710, %add3A_711 : i32
        %get3A_713 = arith.constant 1 : i32
        %get3A_714 = arith.index_cast %get3A_713 : i32 to index
        %get3A_715 = arith.index_cast %add3A_712 : i32 to index
        %get3A_716 = arith.constant 0 : index
        %get3A_717 = tpu.vector_load %arg10[%get3A_714, %get3A_715, %get3A_716] {strides = array<i32>} : memref<2x640x32xf32, #tpu.memory_space<vmem>>, vector<16xf32>,
        %add3A_718 = arith.addf %add3A_698, %get3A_717 : vector<16xf32>
        %mul3A_719 = arith.constant 20 : i32
        %mul3A_720 = arith.muli %add3A_371, %mul3A_719 : i32
        %add3A_721 = arith.constant 17 : i32
        %add3A_722 = arith.addi %mul3A_720, %add3A_721 : i32
        %get3A_723 = arith.constant 1 : i32
        %get3A_724 = arith.index_cast %get3A_723 : i32 to index
        %get3A_725 = arith.index_cast %add3A_722 : i32 to index
        %get3A_726 = arith.constant 16 : index
        %get3A_727 = tpu.vector_load %arg10[%get3A_724, %get3A_725, %get3A_726] {strides = array<i32>} : memref<2x640x32xf32, #tpu.memory_space<vmem>>, vector<16xf32>,
        %add3A_728 = arith.addf %add3A_708, %get3A_727 : vector<16xf32>
        %mul3A_729 = arith.constant 20 : i32
        %mul3A_730 = arith.muli %add3A_371, %mul3A_729 : i32
        %add3A_731 = arith.constant 18 : i32
        %add3A_732 = arith.addi %mul3A_730, %add3A_731 : i32
        %get3A_733 = arith.constant 1 : i32
        %get3A_734 = arith.index_cast %get3A_733 : i32 to index
        %get3A_735 = arith.index_cast %add3A_732 : i32 to index
        %get3A_736 = arith.constant 0 : index
        %get3A_737 = tpu.vector_load %arg10[%get3A_734, %get3A_735, %get3A_736] {strides = array<i32>} : memref<2x640x32xf32, #tpu.memory_space<vmem>>, vector<16xf32>,
        %add3A_738 = arith.addf %add3A_718, %get3A_737 : vector<16xf32>
        %mul3A_739 = arith.constant 20 : i32
        %mul3A_740 = arith.muli %add3A_371, %mul3A_739 : i32
        %add3A_741 = arith.constant 18 : i32
        %add3A_742 = arith.addi %mul3A_740, %add3A_741 : i32
        %get3A_743 = arith.constant 1 : i32
        %get3A_744 = arith.index_cast %get3A_743 : i32 to index
        %get3A_745 = arith.index_cast %add3A_742 : i32 to index
        %get3A_746 = arith.constant 16 : index
        %get3A_747 = tpu.vector_load %arg10[%get3A_744, %get3A_745, %get3A_746] {strides = array<i32>} : memref<2x640x32xf32, #tpu.memory_space<vmem>>, vector<16xf32>,
        %add3A_748 = arith.addf %add3A_728, %get3A_747 : vector<16xf32>
        %mul3A_749 = arith.constant 20 : i32
        %mul3A_750 = arith.muli %add3A_371, %mul3A_749 : i32
        %add3A_751 = arith.constant 19 : i32
        %add3A_752 = arith.addi %mul3A_750, %add3A_751 : i32
        %get3A_753 = arith.constant 1 : i32
        %get3A_754 = arith.index_cast %get3A_753 : i32 to index
        %get3A_755 = arith.index_cast %add3A_752 : i32 to index
        %get3A_756 = arith.constant 0 : index
        %get3A_757 = tpu.vector_load %arg10[%get3A_754, %get3A_755, %get3A_756] {strides = array<i32>} : memref<2x640x32xf32, #tpu.memory_space<vmem>>, vector<16xf32>,
        %add3A_758 = arith.addf %add3A_738, %get3A_757 : vector<16xf32>
        %mul3A_759 = arith.constant 20 : i32
        %mul3A_760 = arith.muli %add3A_371, %mul3A_759 : i32
        %add3A_761 = arith.constant 19 : i32
        %add3A_762 = arith.addi %mul3A_760, %add3A_761 : i32
        %get3A_763 = arith.constant 1 : i32
        %get3A_764 = arith.index_cast %get3A_763 : i32 to index
        %get3A_765 = arith.index_cast %add3A_762 : i32 to index
        %get3A_766 = arith.constant 16 : index
        %get3A_767 = tpu.vector_load %arg10[%get3A_764, %get3A_765, %get3A_766] {strides = array<i32>} : memref<2x640x32xf32, #tpu.memory_space<vmem>>, vector<16xf32>,
        %add3A_768 = arith.addf %add3A_748, %get3A_767 : vector<16xf32>
        %broadcast_in_dim3A = arith.constant 0 : i32
        %broadcast_in_dim3A_769 = vector.broadcast %broadcast_in_dim3A : i32 to vector<16xi32>
        %add3A_770 = vector.broadcast %add3A_374 : i32 to vector<16xi32>
        %add3A_771 = arith.addi %broadcast_in_dim3A_769, %add3A_770 : vector<16xi32>
        %gather3A = tpu.vector_load_idx %arg11[%add3A_771] : memref<512xf32, #tpu.memory_space<vmem>>[vector<16xi32>], vector<16xf32>,
        %gather3A_772 = tpu.vector_load_idx %arg12[%add3A_771] : memref<512xf32, #tpu.memory_space<vmem>>[vector<16xi32>], vector<16xf32>,
        %mul3A_773 = arith.mulf %gather3A_772, %get3A_182 : vector<16xf32>
        %sub3A = arith.subf %add3A_758, %mul3A_773 : vector<16xf32>
        %mul3A_774 = arith.mulf %sub3A, %gather3A : vector<16xf32>
        %swap3A = arith.constant 1 : i32
        %swap3A_775 = arith.index_cast %swap3A : i32 to index
        %swap3A_776 = arith.index_cast %add3A_371 : i32 to index
        %swap3A_777 = arith.constant 0 : index
        %swap3A_778 = tpu.vector_load %arg14[%swap3A_775, %swap3A_776, %swap3A_777] {strides = array<i32>} : memref<2x32x32xf32, #tpu.memory_space<vmem>>, vector<16xf32>,
        tpu.vector_store %arg14[%swap3A_775, %swap3A_776, %swap3A_777], %mul3A_774 {strides = array<i32>} : memref<2x32x32xf32, #tpu.memory_space<vmem>>, vector<16xf32>,
        %mul3A_779 = arith.mulf %gather3A_772, %get3A_186 : vector<16xf32>
        %sub3A_780 = arith.subf %add3A_768, %mul3A_779 : vector<16xf32>
        %mul3A_781 = arith.mulf %sub3A_780, %gather3A : vector<16xf32>
        %swap3A_782 = arith.constant 1 : i32
        %swap3A_783 = arith.index_cast %swap3A_782 : i32 to index
        %swap3A_784 = arith.index_cast %add3A_371 : i32 to index
        %swap3A_785 = arith.constant 16 : index
        %swap3A_786 = tpu.vector_load %arg14[%swap3A_783, %swap3A_784, %swap3A_785] {strides = array<i32>} : memref<2x32x32xf32, #tpu.memory_space<vmem>>, vector<16xf32>,
        tpu.vector_store %arg14[%swap3A_783, %swap3A_784, %swap3A_785], %mul3A_781 {strides = array<i32>} : memref<2x32x32xf32, #tpu.memory_space<vmem>>, vector<16xf32>,
        %mul3A_787 = arith.constant 2 : i32
        %mul3A_788 = arith.muli %scan3A_367, %mul3A_787 : i32
        %add3A_789 = arith.constant 1 : i32
        %add3A_790 = arith.addi %mul3A_788, %add3A_789 : i32
        %mul3A_791 = arith.constant 32 : i32
        %mul3A_792 = arith.muli %add3A_337, %mul3A_791 : i32
        %add3A_793 = arith.addi %mul3A_792, %add3A_790 : i32
        %mul3A_794 = arith.constant 20 : i32
        %mul3A_795 = arith.muli %add3A_790, %mul3A_794 : i32
        %get3A_796 = arith.constant 1 : i32
        %get3A_797 = arith.index_cast %get3A_796 : i32 to index
        %get3A_798 = arith.index_cast %mul3A_795 : i32 to index
        %get3A_799 = arith.constant 0 : index
        %get3A_800 = tpu.vector_load %arg10[%get3A_797, %get3A_798, %get3A_799] {strides = array<i32>} : memref<2x640x32xf32, #tpu.memory_space<vmem>>, vector<16xf32>,
        %mul3A_801 = arith.constant 20 : i32
        %mul3A_802 = arith.muli %add3A_790, %mul3A_801 : i32
        %get3A_803 = arith.constant 1 : i32
        %get3A_804 = arith.index_cast %get3A_803 : i32 to index
        %get3A_805 = arith.index_cast %mul3A_802 : i32 to index
        %get3A_806 = arith.constant 16 : index
        %get3A_807 = tpu.vector_load %arg10[%get3A_804, %get3A_805, %get3A_806] {strides = array<i32>} : memref<2x640x32xf32, #tpu.memory_space<vmem>>, vector<16xf32>,
        %mul3A_808 = arith.constant 20 : i32
        %mul3A_809 = arith.muli %add3A_790, %mul3A_808 : i32
        %add3A_810 = arith.constant 1 : i32
        %add3A_811 = arith.addi %mul3A_809, %add3A_810 : i32
        %get3A_812 = arith.constant 1 : i32
        %get3A_813 = arith.index_cast %get3A_812 : i32 to index
        %get3A_814 = arith.index_cast %add3A_811 : i32 to index
        %get3A_815 = arith.constant 0 : index
        %get3A_816 = tpu.vector_load %arg10[%get3A_813, %get3A_814, %get3A_815] {strides = array<i32>} : memref<2x640x32xf32, #tpu.memory_space<vmem>>, vector<16xf32>,
        %add3A_817 = arith.addf %get3A_800, %get3A_816 : vector<16xf32>
        %mul3A_818 = arith.constant 20 : i32
        %mul3A_819 = arith.muli %add3A_790, %mul3A_818 : i32
        %add3A_820 = arith.constant 1 : i32
        %add3A_821 = arith.addi %mul3A_819, %add3A_820 : i32
        %get3A_822 = arith.constant 1 : i32
        %get3A_823 = arith.index_cast %get3A_822 : i32 to index
        %get3A_824 = arith.index_cast %add3A_821 : i32 to index
        %get3A_825 = arith.constant 16 : index
        %get3A_826 = tpu.vector_load %arg10[%get3A_823, %get3A_824, %get3A_825] {strides = array<i32>} : memref<2x640x32xf32, #tpu.memory_space<vmem>>, vector<16xf32>,
        %add3A_827 = arith.addf %get3A_807, %get3A_826 : vector<16xf32>
        %mul3A_828 = arith.constant 20 : i32
        %mul3A_829 = arith.muli %add3A_790, %mul3A_828 : i32
        %add3A_830 = arith.constant 2 : i32
        %add3A_831 = arith.addi %mul3A_829, %add3A_830 : i32
        %get3A_832 = arith.constant 1 : i32
        %get3A_833 = arith.index_cast %get3A_832 : i32 to index
        %get3A_834 = arith.index_cast %add3A_831 : i32 to index
        %get3A_835 = arith.constant 0 : index
        %get3A_836 = tpu.vector_load %arg10[%get3A_833, %get3A_834, %get3A_835] {strides = array<i32>} : memref<2x640x32xf32, #tpu.memory_space<vmem>>, vector<16xf32>,
        %add3A_837 = arith.addf %add3A_817, %get3A_836 : vector<16xf32>
        %mul3A_838 = arith.constant 20 : i32
        %mul3A_839 = arith.muli %add3A_790, %mul3A_838 : i32
        %add3A_840 = arith.constant 2 : i32
        %add3A_841 = arith.addi %mul3A_839, %add3A_840 : i32
        %get3A_842 = arith.constant 1 : i32
        %get3A_843 = arith.index_cast %get3A_842 : i32 to index
        %get3A_844 = arith.index_cast %add3A_841 : i32 to index
        %get3A_845 = arith.constant 16 : index
        %get3A_846 = tpu.vector_load %arg10[%get3A_843, %get3A_844, %get3A_845] {strides = array<i32>} : memref<2x640x32xf32, #tpu.memory_space<vmem>>, vector<16xf32>,
        %add3A_847 = arith.addf %add3A_827, %get3A_846 : vector<16xf32>
        %mul3A_848 = arith.constant 20 : i32
        %mul3A_849 = arith.muli %add3A_790, %mul3A_848 : i32
        %add3A_850 = arith.constant 3 : i32
        %add3A_851 = arith.addi %mul3A_849, %add3A_850 : i32
        %get3A_852 = arith.constant 1 : i32
        %get3A_853 = arith.index_cast %get3A_852 : i32 to index
        %get3A_854 = arith.index_cast %add3A_851 : i32 to index
        %get3A_855 = arith.constant 0 : index
        %get3A_856 = tpu.vector_load %arg10[%get3A_853, %get3A_854, %get3A_855] {strides = array<i32>} : memref<2x640x32xf32, #tpu.memory_space<vmem>>, vector<16xf32>,
        %add3A_857 = arith.addf %add3A_837, %get3A_856 : vector<16xf32>
        %mul3A_858 = arith.constant 20 : i32
        %mul3A_859 = arith.muli %add3A_790, %mul3A_858 : i32
        %add3A_860 = arith.constant 3 : i32
        %add3A_861 = arith.addi %mul3A_859, %add3A_860 : i32
        %get3A_862 = arith.constant 1 : i32
        %get3A_863 = arith.index_cast %get3A_862 : i32 to index
        %get3A_864 = arith.index_cast %add3A_861 : i32 to index
        %get3A_865 = arith.constant 16 : index
        %get3A_866 = tpu.vector_load %arg10[%get3A_863, %get3A_864, %get3A_865] {strides = array<i32>} : memref<2x640x32xf32, #tpu.memory_space<vmem>>, vector<16xf32>,
        %add3A_867 = arith.addf %add3A_847, %get3A_866 : vector<16xf32>
        %mul3A_868 = arith.constant 20 : i32
        %mul3A_869 = arith.muli %add3A_790, %mul3A_868 : i32
        %add3A_870 = arith.constant 4 : i32
        %add3A_871 = arith.addi %mul3A_869, %add3A_870 : i32
        %get3A_872 = arith.constant 1 : i32
        %get3A_873 = arith.index_cast %get3A_872 : i32 to index
        %get3A_874 = arith.index_cast %add3A_871 : i32 to index
        %get3A_875 = arith.constant 0 : index
        %get3A_876 = tpu.vector_load %arg10[%get3A_873, %get3A_874, %get3A_875] {strides = array<i32>} : memref<2x640x32xf32, #tpu.memory_space<vmem>>, vector<16xf32>,
        %add3A_877 = arith.addf %add3A_857, %get3A_876 : vector<16xf32>
        %mul3A_878 = arith.constant 20 : i32
        %mul3A_879 = arith.muli %add3A_790, %mul3A_878 : i32
        %add3A_880 = arith.constant 4 : i32
        %add3A_881 = arith.addi %mul3A_879, %add3A_880 : i32
        %get3A_882 = arith.constant 1 : i32
        %get3A_883 = arith.index_cast %get3A_882 : i32 to index
        %get3A_884 = arith.index_cast %add3A_881 : i32 to index
        %get3A_885 = arith.constant 16 : index
        %get3A_886 = tpu.vector_load %arg10[%get3A_883, %get3A_884, %get3A_885] {strides = array<i32>} : memref<2x640x32xf32, #tpu.memory_space<vmem>>, vector<16xf32>,
        %add3A_887 = arith.addf %add3A_867, %get3A_886 : vector<16xf32>
        %mul3A_888 = arith.constant 20 : i32
        %mul3A_889 = arith.muli %add3A_790, %mul3A_888 : i32
        %add3A_890 = arith.constant 5 : i32
        %add3A_891 = arith.addi %mul3A_889, %add3A_890 : i32
        %get3A_892 = arith.constant 1 : i32
        %get3A_893 = arith.index_cast %get3A_892 : i32 to index
        %get3A_894 = arith.index_cast %add3A_891 : i32 to index
        %get3A_895 = arith.constant 0 : index
        %get3A_896 = tpu.vector_load %arg10[%get3A_893, %get3A_894, %get3A_895] {strides = array<i32>} : memref<2x640x32xf32, #tpu.memory_space<vmem>>, vector<16xf32>,
        %add3A_897 = arith.addf %add3A_877, %get3A_896 : vector<16xf32>
        %mul3A_898 = arith.constant 20 : i32
        %mul3A_899 = arith.muli %add3A_790, %mul3A_898 : i32
        %add3A_900 = arith.constant 5 : i32
        %add3A_901 = arith.addi %mul3A_899, %add3A_900 : i32
        %get3A_902 = arith.constant 1 : i32
        %get3A_903 = arith.index_cast %get3A_902 : i32 to index
        %get3A_904 = arith.index_cast %add3A_901 : i32 to index
        %get3A_905 = arith.constant 16 : index
        %get3A_906 = tpu.vector_load %arg10[%get3A_903, %get3A_904, %get3A_905] {strides = array<i32>} : memref<2x640x32xf32, #tpu.memory_space<vmem>>, vector<16xf32>,
        %add3A_907 = arith.addf %add3A_887, %get3A_906 : vector<16xf32>
        %mul3A_908 = arith.constant 20 : i32
        %mul3A_909 = arith.muli %add3A_790, %mul3A_908 : i32
        %add3A_910 = arith.constant 6 : i32
        %add3A_911 = arith.addi %mul3A_909, %add3A_910 : i32
        %get3A_912 = arith.constant 1 : i32
        %get3A_913 = arith.index_cast %get3A_912 : i32 to index
        %get3A_914 = arith.index_cast %add3A_911 : i32 to index
        %get3A_915 = arith.constant 0 : index
        %get3A_916 = tpu.vector_load %arg10[%get3A_913, %get3A_914, %get3A_915] {strides = array<i32>} : memref<2x640x32xf32, #tpu.memory_space<vmem>>, vector<16xf32>,
        %add3A_917 = arith.addf %add3A_897, %get3A_916 : vector<16xf32>
        %mul3A_918 = arith.constant 20 : i32
        %mul3A_919 = arith.muli %add3A_790, %mul3A_918 : i32
        %add3A_920 = arith.constant 6 : i32
        %add3A_921 = arith.addi %mul3A_919, %add3A_920 : i32
        %get3A_922 = arith.constant 1 : i32
        %get3A_923 = arith.index_cast %get3A_922 : i32 to index
        %get3A_924 = arith.index_cast %add3A_921 : i32 to index
        %get3A_925 = arith.constant 16 : index
        %get3A_926 = tpu.vector_load %arg10[%get3A_923, %get3A_924, %get3A_925] {strides = array<i32>} : memref<2x640x32xf32, #tpu.memory_space<vmem>>, vector<16xf32>,
        %add3A_927 = arith.addf %add3A_907, %get3A_926 : vector<16xf32>
        %mul3A_928 = arith.constant 20 : i32
        %mul3A_929 = arith.muli %add3A_790, %mul3A_928 : i32
        %add3A_930 = arith.constant 7 : i32
        %add3A_931 = arith.addi %mul3A_929, %add3A_930 : i32
        %get3A_932 = arith.constant 1 : i32
        %get3A_933 = arith.index_cast %get3A_932 : i32 to index
        %get3A_934 = arith.index_cast %add3A_931 : i32 to index
        %get3A_935 = arith.constant 0 : index
        %get3A_936 = tpu.vector_load %arg10[%get3A_933, %get3A_934, %get3A_935] {strides = array<i32>} : memref<2x640x32xf32, #tpu.memory_space<vmem>>, vector<16xf32>,
        %add3A_937 = arith.addf %add3A_917, %get3A_936 : vector<16xf32>
        %mul3A_938 = arith.constant 20 : i32
        %mul3A_939 = arith.muli %add3A_790, %mul3A_938 : i32
        %add3A_940 = arith.constant 7 : i32
        %add3A_941 = arith.addi %mul3A_939, %add3A_940 : i32
        %get3A_942 = arith.constant 1 : i32
        %get3A_943 = arith.index_cast %get3A_942 : i32 to index
        %get3A_944 = arith.index_cast %add3A_941 : i32 to index
        %get3A_945 = arith.constant 16 : index
        %get3A_946 = tpu.vector_load %arg10[%get3A_943, %get3A_944, %get3A_945] {strides = array<i32>} : memref<2x640x32xf32, #tpu.memory_space<vmem>>, vector<16xf32>,
        %add3A_947 = arith.addf %add3A_927, %get3A_946 : vector<16xf32>
        %mul3A_948 = arith.constant 20 : i32
        %mul3A_949 = arith.muli %add3A_790, %mul3A_948 : i32
        %add3A_950 = arith.constant 8 : i32
        %add3A_951 = arith.addi %mul3A_949, %add3A_950 : i32
        %get3A_952 = arith.constant 1 : i32
        %get3A_953 = arith.index_cast %get3A_952 : i32 to index
        %get3A_954 = arith.index_cast %add3A_951 : i32 to index
        %get3A_955 = arith.constant 0 : index
        %get3A_956 = tpu.vector_load %arg10[%get3A_953, %get3A_954, %get3A_955] {strides = array<i32>} : memref<2x640x32xf32, #tpu.memory_space<vmem>>, vector<16xf32>,
        %add3A_957 = arith.addf %add3A_937, %get3A_956 : vector<16xf32>
        %mul3A_958 = arith.constant 20 : i32
        %mul3A_959 = arith.muli %add3A_790, %mul3A_958 : i32
        %add3A_960 = arith.constant 8 : i32
        %add3A_961 = arith.addi %mul3A_959, %add3A_960 : i32
        %get3A_962 = arith.constant 1 : i32
        %get3A_963 = arith.index_cast %get3A_962 : i32 to index
        %get3A_964 = arith.index_cast %add3A_961 : i32 to index
        %get3A_965 = arith.constant 16 : index
        %get3A_966 = tpu.vector_load %arg10[%get3A_963, %get3A_964, %get3A_965] {strides = array<i32>} : memref<2x640x32xf32, #tpu.memory_space<vmem>>, vector<16xf32>,
        %add3A_967 = arith.addf %add3A_947, %get3A_966 : vector<16xf32>
        %mul3A_968 = arith.constant 20 : i32
        %mul3A_969 = arith.muli %add3A_790, %mul3A_968 : i32
        %add3A_970 = arith.constant 9 : i32
        %add3A_971 = arith.addi %mul3A_969, %add3A_970 : i32
        %get3A_972 = arith.constant 1 : i32
        %get3A_973 = arith.index_cast %get3A_972 : i32 to index
        %get3A_974 = arith.index_cast %add3A_971 : i32 to index
        %get3A_975 = arith.constant 0 : index
        %get3A_976 = tpu.vector_load %arg10[%get3A_973, %get3A_974, %get3A_975] {strides = array<i32>} : memref<2x640x32xf32, #tpu.memory_space<vmem>>, vector<16xf32>,
        %add3A_977 = arith.addf %add3A_957, %get3A_976 : vector<16xf32>
        %mul3A_978 = arith.constant 20 : i32
        %mul3A_979 = arith.muli %add3A_790, %mul3A_978 : i32
        %add3A_980 = arith.constant 9 : i32
        %add3A_981 = arith.addi %mul3A_979, %add3A_980 : i32
        %get3A_982 = arith.constant 1 : i32
        %get3A_983 = arith.index_cast %get3A_982 : i32 to index
        %get3A_984 = arith.index_cast %add3A_981 : i32 to index
        %get3A_985 = arith.constant 16 : index
        %get3A_986 = tpu.vector_load %arg10[%get3A_983, %get3A_984, %get3A_985] {strides = array<i32>} : memref<2x640x32xf32, #tpu.memory_space<vmem>>, vector<16xf32>,
        %add3A_987 = arith.addf %add3A_967, %get3A_986 : vector<16xf32>
        %mul3A_988 = arith.constant 20 : i32
        %mul3A_989 = arith.muli %add3A_790, %mul3A_988 : i32
        %add3A_990 = arith.constant 10 : i32
        %add3A_991 = arith.addi %mul3A_989, %add3A_990 : i32
        %get3A_992 = arith.constant 1 : i32
        %get3A_993 = arith.index_cast %get3A_992 : i32 to index
        %get3A_994 = arith.index_cast %add3A_991 : i32 to index
        %get3A_995 = arith.constant 0 : index
        %get3A_996 = tpu.vector_load %arg10[%get3A_993, %get3A_994, %get3A_995] {strides = array<i32>} : memref<2x640x32xf32, #tpu.memory_space<vmem>>, vector<16xf32>,
        %add3A_997 = arith.addf %add3A_977, %get3A_996 : vector<16xf32>
        %mul3A_998 = arith.constant 20 : i32
        %mul3A_999 = arith.muli %add3A_790, %mul3A_998 : i32
        %add3A_1000 = arith.constant 10 : i32
        %add3A_1001 = arith.addi %mul3A_999, %add3A_1000 : i32
        %get3A_1002 = arith.constant 1 : i32
        %get3A_1003 = arith.index_cast %get3A_1002 : i32 to index
        %get3A_1004 = arith.index_cast %add3A_1001 : i32 to index
        %get3A_1005 = arith.constant 16 : index
        %get3A_1006 = tpu.vector_load %arg10[%get3A_1003, %get3A_1004, %get3A_1005] {strides = array<i32>} : memref<2x640x32xf32, #tpu.memory_space<vmem>>, vector<16xf32>,
        %add3A_1007 = arith.addf %add3A_987, %get3A_1006 : vector<16xf32>
        %mul3A_1008 = arith.constant 20 : i32
        %mul3A_1009 = arith.muli %add3A_790, %mul3A_1008 : i32
        %add3A_1010 = arith.constant 11 : i32
        %add3A_1011 = arith.addi %mul3A_1009, %add3A_1010 : i32
        %get3A_1012 = arith.constant 1 : i32
        %get3A_1013 = arith.index_cast %get3A_1012 : i32 to index
        %get3A_1014 = arith.index_cast %add3A_1011 : i32 to index
        %get3A_1015 = arith.constant 0 : index
        %get3A_1016 = tpu.vector_load %arg10[%get3A_1013, %get3A_1014, %get3A_1015] {strides = array<i32>} : memref<2x640x32xf32, #tpu.memory_space<vmem>>, vector<16xf32>,
        %add3A_1017 = arith.addf %add3A_997, %get3A_1016 : vector<16xf32>
        %mul3A_1018 = arith.constant 20 : i32
        %mul3A_1019 = arith.muli %add3A_790, %mul3A_1018 : i32
        %add3A_1020 = arith.constant 11 : i32
        %add3A_1021 = arith.addi %mul3A_1019, %add3A_1020 : i32
        %get3A_1022 = arith.constant 1 : i32
        %get3A_1023 = arith.index_cast %get3A_1022 : i32 to index
        %get3A_1024 = arith.index_cast %add3A_1021 : i32 to index
        %get3A_1025 = arith.constant 16 : index
        %get3A_1026 = tpu.vector_load %arg10[%get3A_1023, %get3A_1024, %get3A_1025] {strides = array<i32>} : memref<2x640x32xf32, #tpu.memory_space<vmem>>, vector<16xf32>,
        %add3A_1027 = arith.addf %add3A_1007, %get3A_1026 : vector<16xf32>
        %mul3A_1028 = arith.constant 20 : i32
        %mul3A_1029 = arith.muli %add3A_790, %mul3A_1028 : i32
        %add3A_1030 = arith.constant 12 : i32
        %add3A_1031 = arith.addi %mul3A_1029, %add3A_1030 : i32
        %get3A_1032 = arith.constant 1 : i32
        %get3A_1033 = arith.index_cast %get3A_1032 : i32 to index
        %get3A_1034 = arith.index_cast %add3A_1031 : i32 to index
        %get3A_1035 = arith.constant 0 : index
        %get3A_1036 = tpu.vector_load %arg10[%get3A_1033, %get3A_1034, %get3A_1035] {strides = array<i32>} : memref<2x640x32xf32, #tpu.memory_space<vmem>>, vector<16xf32>,
        %add3A_1037 = arith.addf %add3A_1017, %get3A_1036 : vector<16xf32>
        %mul3A_1038 = arith.constant 20 : i32
        %mul3A_1039 = arith.muli %add3A_790, %mul3A_1038 : i32
        %add3A_1040 = arith.constant 12 : i32
        %add3A_1041 = arith.addi %mul3A_1039, %add3A_1040 : i32
        %get3A_1042 = arith.constant 1 : i32
        %get3A_1043 = arith.index_cast %get3A_1042 : i32 to index
        %get3A_1044 = arith.index_cast %add3A_1041 : i32 to index
        %get3A_1045 = arith.constant 16 : index
        %get3A_1046 = tpu.vector_load %arg10[%get3A_1043, %get3A_1044, %get3A_1045] {strides = array<i32>} : memref<2x640x32xf32, #tpu.memory_space<vmem>>, vector<16xf32>,
        %add3A_1047 = arith.addf %add3A_1027, %get3A_1046 : vector<16xf32>
        %mul3A_1048 = arith.constant 20 : i32
        %mul3A_1049 = arith.muli %add3A_790, %mul3A_1048 : i32
        %add3A_1050 = arith.constant 13 : i32
        %add3A_1051 = arith.addi %mul3A_1049, %add3A_1050 : i32
        %get3A_1052 = arith.constant 1 : i32
        %get3A_1053 = arith.index_cast %get3A_1052 : i32 to index
        %get3A_1054 = arith.index_cast %add3A_1051 : i32 to index
        %get3A_1055 = arith.constant 0 : index
        %get3A_1056 = tpu.vector_load %arg10[%get3A_1053, %get3A_1054, %get3A_1055] {strides = array<i32>} : memref<2x640x32xf32, #tpu.memory_space<vmem>>, vector<16xf32>,
        %add3A_1057 = arith.addf %add3A_1037, %get3A_1056 : vector<16xf32>
        %mul3A_1058 = arith.constant 20 : i32
        %mul3A_1059 = arith.muli %add3A_790, %mul3A_1058 : i32
        %add3A_1060 = arith.constant 13 : i32
        %add3A_1061 = arith.addi %mul3A_1059, %add3A_1060 : i32
        %get3A_1062 = arith.constant 1 : i32
        %get3A_1063 = arith.index_cast %get3A_1062 : i32 to index
        %get3A_1064 = arith.index_cast %add3A_1061 : i32 to index
        %get3A_1065 = arith.constant 16 : index
        %get3A_1066 = tpu.vector_load %arg10[%get3A_1063, %get3A_1064, %get3A_1065] {strides = array<i32>} : memref<2x640x32xf32, #tpu.memory_space<vmem>>, vector<16xf32>,
        %add3A_1067 = arith.addf %add3A_1047, %get3A_1066 : vector<16xf32>
        %mul3A_1068 = arith.constant 20 : i32
        %mul3A_1069 = arith.muli %add3A_790, %mul3A_1068 : i32
        %add3A_1070 = arith.constant 14 : i32
        %add3A_1071 = arith.addi %mul3A_1069, %add3A_1070 : i32
        %get3A_1072 = arith.constant 1 : i32
        %get3A_1073 = arith.index_cast %get3A_1072 : i32 to index
        %get3A_1074 = arith.index_cast %add3A_1071 : i32 to index
        %get3A_1075 = arith.constant 0 : index
        %get3A_1076 = tpu.vector_load %arg10[%get3A_1073, %get3A_1074, %get3A_1075] {strides = array<i32>} : memref<2x640x32xf32, #tpu.memory_space<vmem>>, vector<16xf32>,
        %add3A_1077 = arith.addf %add3A_1057, %get3A_1076 : vector<16xf32>
        %mul3A_1078 = arith.constant 20 : i32
        %mul3A_1079 = arith.muli %add3A_790, %mul3A_1078 : i32
        %add3A_1080 = arith.constant 14 : i32
        %add3A_1081 = arith.addi %mul3A_1079, %add3A_1080 : i32
        %get3A_1082 = arith.constant 1 : i32
        %get3A_1083 = arith.index_cast %get3A_1082 : i32 to index
        %get3A_1084 = arith.index_cast %add3A_1081 : i32 to index
        %get3A_1085 = arith.constant 16 : index
        %get3A_1086 = tpu.vector_load %arg10[%get3A_1083, %get3A_1084, %get3A_1085] {strides = array<i32>} : memref<2x640x32xf32, #tpu.memory_space<vmem>>, vector<16xf32>,
        %add3A_1087 = arith.addf %add3A_1067, %get3A_1086 : vector<16xf32>
        %mul3A_1088 = arith.constant 20 : i32
        %mul3A_1089 = arith.muli %add3A_790, %mul3A_1088 : i32
        %add3A_1090 = arith.constant 15 : i32
        %add3A_1091 = arith.addi %mul3A_1089, %add3A_1090 : i32
        %get3A_1092 = arith.constant 1 : i32
        %get3A_1093 = arith.index_cast %get3A_1092 : i32 to index
        %get3A_1094 = arith.index_cast %add3A_1091 : i32 to index
        %get3A_1095 = arith.constant 0 : index
        %get3A_1096 = tpu.vector_load %arg10[%get3A_1093, %get3A_1094, %get3A_1095] {strides = array<i32>} : memref<2x640x32xf32, #tpu.memory_space<vmem>>, vector<16xf32>,
        %add3A_1097 = arith.addf %add3A_1077, %get3A_1096 : vector<16xf32>
        %mul3A_1098 = arith.constant 20 : i32
        %mul3A_1099 = arith.muli %add3A_790, %mul3A_1098 : i32
        %add3A_1100 = arith.constant 15 : i32
        %add3A_1101 = arith.addi %mul3A_1099, %add3A_1100 : i32
        %get3A_1102 = arith.constant 1 : i32
        %get3A_1103 = arith.index_cast %get3A_1102 : i32 to index
        %get3A_1104 = arith.index_cast %add3A_1101 : i32 to index
        %get3A_1105 = arith.constant 16 : index
        %get3A_1106 = tpu.vector_load %arg10[%get3A_1103, %get3A_1104, %get3A_1105] {strides = array<i32>} : memref<2x640x32xf32, #tpu.memory_space<vmem>>, vector<16xf32>,
        %add3A_1107 = arith.addf %add3A_1087, %get3A_1106 : vector<16xf32>
        %mul3A_1108 = arith.constant 20 : i32
        %mul3A_1109 = arith.muli %add3A_790, %mul3A_1108 : i32
        %add3A_1110 = arith.constant 16 : i32
        %add3A_1111 = arith.addi %mul3A_1109, %add3A_1110 : i32
        %get3A_1112 = arith.constant 1 : i32
        %get3A_1113 = arith.index_cast %get3A_1112 : i32 to index
        %get3A_1114 = arith.index_cast %add3A_1111 : i32 to index
        %get3A_1115 = arith.constant 0 : index
        %get3A_1116 = tpu.vector_load %arg10[%get3A_1113, %get3A_1114, %get3A_1115] {strides = array<i32>} : memref<2x640x32xf32, #tpu.memory_space<vmem>>, vector<16xf32>,
        %add3A_1117 = arith.addf %add3A_1097, %get3A_1116 : vector<16xf32>
        %mul3A_1118 = arith.constant 20 : i32
        %mul3A_1119 = arith.muli %add3A_790, %mul3A_1118 : i32
        %add3A_1120 = arith.constant 16 : i32
        %add3A_1121 = arith.addi %mul3A_1119, %add3A_1120 : i32
        %get3A_1122 = arith.constant 1 : i32
        %get3A_1123 = arith.index_cast %get3A_1122 : i32 to index
        %get3A_1124 = arith.index_cast %add3A_1121 : i32 to index
        %get3A_1125 = arith.constant 16 : index
        %get3A_1126 = tpu.vector_load %arg10[%get3A_1123, %get3A_1124, %get3A_1125] {strides = array<i32>} : memref<2x640x32xf32, #tpu.memory_space<vmem>>, vector<16xf32>,
        %add3A_1127 = arith.addf %add3A_1107, %get3A_1126 : vector<16xf32>
        %mul3A_1128 = arith.constant 20 : i32
        %mul3A_1129 = arith.muli %add3A_790, %mul3A_1128 : i32
        %add3A_1130 = arith.constant 17 : i32
        %add3A_1131 = arith.addi %mul3A_1129, %add3A_1130 : i32
        %get3A_1132 = arith.constant 1 : i32
        %get3A_1133 = arith.index_cast %get3A_1132 : i32 to index
        %get3A_1134 = arith.index_cast %add3A_1131 : i32 to index
        %get3A_1135 = arith.constant 0 : index
        %get3A_1136 = tpu.vector_load %arg10[%get3A_1133, %get3A_1134, %get3A_1135] {strides = array<i32>} : memref<2x640x32xf32, #tpu.memory_space<vmem>>, vector<16xf32>,
        %add3A_1137 = arith.addf %add3A_1117, %get3A_1136 : vector<16xf32>
        %mul3A_1138 = arith.constant 20 : i32
        %mul3A_1139 = arith.muli %add3A_790, %mul3A_1138 : i32
        %add3A_1140 = arith.constant 17 : i32
        %add3A_1141 = arith.addi %mul3A_1139, %add3A_1140 : i32
        %get3A_1142 = arith.constant 1 : i32
        %get3A_1143 = arith.index_cast %get3A_1142 : i32 to index
        %get3A_1144 = arith.index_cast %add3A_1141 : i32 to index
        %get3A_1145 = arith.constant 16 : index
        %get3A_1146 = tpu.vector_load %arg10[%get3A_1143, %get3A_1144, %get3A_1145] {strides = array<i32>} : memref<2x640x32xf32, #tpu.memory_space<vmem>>, vector<16xf32>,
        %add3A_1147 = arith.addf %add3A_1127, %get3A_1146 : vector<16xf32>
        %mul3A_1148 = arith.constant 20 : i32
        %mul3A_1149 = arith.muli %add3A_790, %mul3A_1148 : i32
        %add3A_1150 = arith.constant 18 : i32
        %add3A_1151 = arith.addi %mul3A_1149, %add3A_1150 : i32
        %get3A_1152 = arith.constant 1 : i32
        %get3A_1153 = arith.index_cast %get3A_1152 : i32 to index
        %get3A_1154 = arith.index_cast %add3A_1151 : i32 to index
        %get3A_1155 = arith.constant 0 : index
        %get3A_1156 = tpu.vector_load %arg10[%get3A_1153, %get3A_1154, %get3A_1155] {strides = array<i32>} : memref<2x640x32xf32, #tpu.memory_space<vmem>>, vector<16xf32>,
        %add3A_1157 = arith.addf %add3A_1137, %get3A_1156 : vector<16xf32>
        %mul3A_1158 = arith.constant 20 : i32
        %mul3A_1159 = arith.muli %add3A_790, %mul3A_1158 : i32
        %add3A_1160 = arith.constant 18 : i32
        %add3A_1161 = arith.addi %mul3A_1159, %add3A_1160 : i32
        %get3A_1162 = arith.constant 1 : i32
        %get3A_1163 = arith.index_cast %get3A_1162 : i32 to index
        %get3A_1164 = arith.index_cast %add3A_1161 : i32 to index
        %get3A_1165 = arith.constant 16 : index
        %get3A_1166 = tpu.vector_load %arg10[%get3A_1163, %get3A_1164, %get3A_1165] {strides = array<i32>} : memref<2x640x32xf32, #tpu.memory_space<vmem>>, vector<16xf32>,
        %add3A_1167 = arith.addf %add3A_1147, %get3A_1166 : vector<16xf32>
        %mul3A_1168 = arith.constant 20 : i32
        %mul3A_1169 = arith.muli %add3A_790, %mul3A_1168 : i32
        %add3A_1170 = arith.constant 19 : i32
        %add3A_1171 = arith.addi %mul3A_1169, %add3A_1170 : i32
        %get3A_1172 = arith.constant 1 : i32
        %get3A_1173 = arith.index_cast %get3A_1172 : i32 to index
        %get3A_1174 = arith.index_cast %add3A_1171 : i32 to index
        %get3A_1175 = arith.constant 0 : index
        %get3A_1176 = tpu.vector_load %arg10[%get3A_1173, %get3A_1174, %get3A_1175] {strides = array<i32>} : memref<2x640x32xf32, #tpu.memory_space<vmem>>, vector<16xf32>,
        %add3A_1177 = arith.addf %add3A_1157, %get3A_1176 : vector<16xf32>
        %mul3A_1178 = arith.constant 20 : i32
        %mul3A_1179 = arith.muli %add3A_790, %mul3A_1178 : i32
        %add3A_1180 = arith.constant 19 : i32
        %add3A_1181 = arith.addi %mul3A_1179, %add3A_1180 : i32
        %get3A_1182 = arith.constant 1 : i32
        %get3A_1183 = arith.index_cast %get3A_1182 : i32 to index
        %get3A_1184 = arith.index_cast %add3A_1181 : i32 to index
        %get3A_1185 = arith.constant 16 : index
        %get3A_1186 = tpu.vector_load %arg10[%get3A_1183, %get3A_1184, %get3A_1185] {strides = array<i32>} : memref<2x640x32xf32, #tpu.memory_space<vmem>>, vector<16xf32>,
        %add3A_1187 = arith.addf %add3A_1167, %get3A_1186 : vector<16xf32>
        %broadcast_in_dim3A_1188 = arith.constant 0 : i32
        %broadcast_in_dim3A_1189 = vector.broadcast %broadcast_in_dim3A_1188 : i32 to vector<16xi32>
        %add3A_1190 = vector.broadcast %add3A_793 : i32 to vector<16xi32>
        %add3A_1191 = arith.addi %broadcast_in_dim3A_1189, %add3A_1190 : vector<16xi32>
        %gather3A_1192 = tpu.vector_load_idx %arg11[%add3A_1191] : memref<512xf32, #tpu.memory_space<vmem>>[vector<16xi32>], vector<16xf32>,
        %gather3A_1193 = tpu.vector_load_idx %arg12[%add3A_1191] : memref<512xf32, #tpu.memory_space<vmem>>[vector<16xi32>], vector<16xf32>,
        %mul3A_1194 = arith.mulf %gather3A_1193, %get3A_182 : vector<16xf32>
        %sub3A_1195 = arith.subf %add3A_1177, %mul3A_1194 : vector<16xf32>
        %mul3A_1196 = arith.mulf %sub3A_1195, %gather3A_1192 : vector<16xf32>
        %swap3A_1197 = arith.constant 1 : i32
        %swap3A_1198 = arith.index_cast %swap3A_1197 : i32 to index
        %swap3A_1199 = arith.index_cast %add3A_790 : i32 to index
        %swap3A_1200 = arith.constant 0 : index
        %swap3A_1201 = tpu.vector_load %arg14[%swap3A_1198, %swap3A_1199, %swap3A_1200] {strides = array<i32>} : memref<2x32x32xf32, #tpu.memory_space<vmem>>, vector<16xf32>,
        tpu.vector_store %arg14[%swap3A_1198, %swap3A_1199, %swap3A_1200], %mul3A_1196 {strides = array<i32>} : memref<2x32x32xf32, #tpu.memory_space<vmem>>, vector<16xf32>,
        %mul3A_1202 = arith.mulf %gather3A_1193, %get3A_186 : vector<16xf32>
        %sub3A_1203 = arith.subf %add3A_1187, %mul3A_1202 : vector<16xf32>
        %mul3A_1204 = arith.mulf %sub3A_1203, %gather3A_1192 : vector<16xf32>
        %swap3A_1205 = arith.constant 1 : i32
        %swap3A_1206 = arith.index_cast %swap3A_1205 : i32 to index
        %swap3A_1207 = arith.index_cast %add3A_790 : i32 to index
        %swap3A_1208 = arith.constant 16 : index
        %swap3A_1209 = tpu.vector_load %arg14[%swap3A_1206, %swap3A_1207, %swap3A_1208] {strides = array<i32>} : memref<2x32x32xf32, #tpu.memory_space<vmem>>, vector<16xf32>,
        tpu.vector_store %arg14[%swap3A_1206, %swap3A_1207, %swap3A_1208], %mul3A_1204 {strides = array<i32>} : memref<2x32x32xf32, #tpu.memory_space<vmem>>, vector<16xf32>,
      }
      %scan3A_343 = arith.constant 16 : i32
      %add3A_344 = arith.constant 1 : i32
      %add3A_345 = arith.addi %mul3A_272, %add3A_344 : i32
      %mul3A_346 = arith.constant 32 : i32
      %mul3A_347 = arith.muli %add3A_345, %mul3A_346 : i32
      %add3A_348 = arith.addi %mul3A_2, %mul3A_347 : i32
      %dma_start3A_349 = arith.constant 1 : i32
      %dma_start3A_350 = arith.constant 0 : i32
      %dma_start3A_351 = arith.constant 0 : i32
      %dma_start3A_352 = tpu.memref_slice %arg14[%dma_start3A_349, %dma_start3A_350, %dma_start3A_351] : memref<2x32x32xf32, #tpu.memory_space<vmem>> -> memref<1x32x32xf32, #tpu.memory_space<vmem>>
      %dma_start3A_353 = tpu.memref_squeeze %dma_start3A_352 : memref<1x32x32xf32, #tpu.memory_space<vmem>> -> memref<32x32xf32, #tpu.memory_space<vmem>>
      %dma_start3A_354 = arith.constant 32 : i32
      %dma_start3A_355 = tpu.memref_slice %arg6[%add3A_348, %dma_start3A_354] : memref<16384x64xf32, #tpu.memory_space<hbm>> -> memref<32x32xf32, #tpu.memory_space<hbm>>
      %dma_start3A_356 = arith.constant 32 : i32
      %dma_start3A_357 = tpu.memref_slice %arg6[%add3A_348, %dma_start3A_356] : memref<16384x64xf32, #tpu.memory_space<hbm>> -> memref<32x32xf32, #tpu.memory_space<hbm>>
      %dma_start3A_358 = arith.constant 0 : i32
      %dma_start3A_359 = arith.constant 0 : i32
      %dma_start3A_360 = tpu.memref_slice %arg14[%dma_start3A_349, %dma_start3A_358, %dma_start3A_359] : memref<2x32x32xf32, #tpu.memory_space<vmem>> -> memref<1x32x32xf32, #tpu.memory_space<vmem>>
      %dma_start3A_361 = tpu.memref_squeeze %dma_start3A_360 : memref<1x32x32xf32, #tpu.memory_space<vmem>> -> memref<32x32xf32, #tpu.memory_space<vmem>>
      tpu.enqueue_dma source(%dma_start3A_361 : memref<32x32xf32, #tpu.memory_space<vmem>>) target(%dma_start3A_357 : memref<32x32xf32, #tpu.memory_space<hbm>>) target_semaphore(%arg19 : memref<!tpu.dma_semaphore, #tpu.memory_space<semaphore_mem>>)
      %lt3A_362 = arith.constant 7 : i32
      %lt3A_363 = arith.cmpi slt, %scan3A_270, %lt3A_362 : i32
      %convert_element_type3A_364 = arith.extui %lt3A_363 : i1 to i32
      %cond3A_365 = arith.constant 0 : i32
      %cond3A_366 = arith.cmpi ne, %convert_element_type3A_364, %cond3A_365 : i32
      scf.if %cond3A_366 {
        %add3A_367 = arith.constant 3 : i32
        %add3A_368 = arith.addi %mul3A_272, %add3A_367 : i32
        %mul3A_369 = arith.constant 5 : i32
        %mul3A_370 = arith.muli %add3A_368, %mul3A_369 : i32
        %add3A_371 = arith.constant 0 : i32
        %add3A_372 = arith.addi %mul3A_370, %add3A_371 : i32
        %dma_start3A_373 = arith.constant 1 : i32
        %dma_start3A_374 = arith.constant 0 : i32
        %dma_start3A_375 = arith.constant 0 : i32
        %dma_start3A_376 = tpu.memref_slice %arg10[%dma_start3A_373, %dma_start3A_374, %dma_start3A_375] : memref<2x640x32xf32, #tpu.memory_space<vmem>> -> memref<1x128x32xf32, #tpu.memory_space<vmem>>
        %dma_start3A_377 = tpu.memref_squeeze %dma_start3A_376 : memref<1x128x32xf32, #tpu.memory_space<vmem>> -> memref<128x32xf32, #tpu.memory_space<vmem>>
        %dma_start3A_378 = arith.constant 0 : i32
        %dma_start3A_379 = tpu.memref_slice %arg7[%add3A_372, %dma_start3A_378] : memref<80x128xi32, #tpu.memory_space<vmem>> -> memref<1x128xi32, #tpu.memory_space<vmem>>
        %dma_start3A_380 = tpu.memref_squeeze %dma_start3A_379 : memref<1x128xi32, #tpu.memory_space<vmem>> -> memref<128xi32, #tpu.memory_space<vmem>>
        %dma_start3A_381 = arith.constant 0 : i32
        %dma_start3A_382 = arith.constant 0 : i32
        %dma_start3A_383 = tpu.memref_slice %arg5[%dma_start3A_381, %dma_start3A_382] : memref<10000x32xf32, #tpu.memory_space<hbm>> -> memref<10000x32xf32, #tpu.memory_space<hbm>>
        tpu.enqueue_indirect_dma source(%dma_start3A_383 : memref<10000x32xf32, #tpu.memory_space<hbm>>) target(%dma_start3A_377 : memref<128x32xf32, #tpu.memory_space<vmem>>) offsets(%dma_start3A_380 : memref<128xi32, #tpu.memory_space<vmem>>) semaphore(%arg16 : memref<!tpu.dma_semaphore, #tpu.memory_space<semaphore_mem>>)
        %mul3A_384 = arith.constant 5 : i32
        %mul3A_385 = arith.muli %add3A_368, %mul3A_384 : i32
        %add3A_386 = arith.constant 1 : i32
        %add3A_387 = arith.addi %mul3A_385, %add3A_386 : i32
        %dma_start3A_388 = arith.constant 1 : i32
        %dma_start3A_389 = arith.constant 128 : i32
        %dma_start3A_390 = arith.constant 0 : i32
        %dma_start3A_391 = tpu.memref_slice %arg10[%dma_start3A_388, %dma_start3A_389, %dma_start3A_390] : memref<2x640x32xf32, #tpu.memory_space<vmem>> -> memref<1x128x32xf32, #tpu.memory_space<vmem>>
        %dma_start3A_392 = tpu.memref_squeeze %dma_start3A_391 : memref<1x128x32xf32, #tpu.memory_space<vmem>> -> memref<128x32xf32, #tpu.memory_space<vmem>>
        %dma_start3A_393 = arith.constant 0 : i32
        %dma_start3A_394 = tpu.memref_slice %arg7[%add3A_387, %dma_start3A_393] : memref<80x128xi32, #tpu.memory_space<vmem>> -> memref<1x128xi32, #tpu.memory_space<vmem>>
        %dma_start3A_395 = tpu.memref_squeeze %dma_start3A_394 : memref<1x128xi32, #tpu.memory_space<vmem>> -> memref<128xi32, #tpu.memory_space<vmem>>
        %dma_start3A_396 = arith.constant 0 : i32
        %dma_start3A_397 = arith.constant 0 : i32
        %dma_start3A_398 = tpu.memref_slice %arg5[%dma_start3A_396, %dma_start3A_397] : memref<10000x32xf32, #tpu.memory_space<hbm>> -> memref<10000x32xf32, #tpu.memory_space<hbm>>
        tpu.enqueue_indirect_dma source(%dma_start3A_398 : memref<10000x32xf32, #tpu.memory_space<hbm>>) target(%dma_start3A_392 : memref<128x32xf32, #tpu.memory_space<vmem>>) offsets(%dma_start3A_395 : memref<128xi32, #tpu.memory_space<vmem>>) semaphore(%arg16 : memref<!tpu.dma_semaphore, #tpu.memory_space<semaphore_mem>>)
        %mul3A_399 = arith.constant 5 : i32
        %mul3A_400 = arith.muli %add3A_368, %mul3A_399 : i32
        %add3A_401 = arith.constant 2 : i32
        %add3A_402 = arith.addi %mul3A_400, %add3A_401 : i32
        %dma_start3A_403 = arith.constant 1 : i32
        %dma_start3A_404 = arith.constant 256 : i32
        %dma_start3A_405 = arith.constant 0 : i32
        %dma_start3A_406 = tpu.memref_slice %arg10[%dma_start3A_403, %dma_start3A_404, %dma_start3A_405] : memref<2x640x32xf32, #tpu.memory_space<vmem>> -> memref<1x128x32xf32, #tpu.memory_space<vmem>>
        %dma_start3A_407 = tpu.memref_squeeze %dma_start3A_406 : memref<1x128x32xf32, #tpu.memory_space<vmem>> -> memref<128x32xf32, #tpu.memory_space<vmem>>
        %dma_start3A_408 = arith.constant 0 : i32
        %dma_start3A_409 = tpu.memref_slice %arg7[%add3A_402, %dma_start3A_408] : memref<80x128xi32, #tpu.memory_space<vmem>> -> memref<1x128xi32, #tpu.memory_space<vmem>>
        %dma_start3A_410 = tpu.memref_squeeze %dma_start3A_409 : memref<1x128xi32, #tpu.memory_space<vmem>> -> memref<128xi32, #tpu.memory_space<vmem>>
        %dma_start3A_411 = arith.constant 0 : i32
        %dma_start3A_412 = arith.constant 0 : i32
        %dma_start3A_413 = tpu.memref_slice %arg5[%dma_start3A_411, %dma_start3A_412] : memref<10000x32xf32, #tpu.memory_space<hbm>> -> memref<10000x32xf32, #tpu.memory_space<hbm>>
        tpu.enqueue_indirect_dma source(%dma_start3A_413 : memref<10000x32xf32, #tpu.memory_space<hbm>>) target(%dma_start3A_407 : memref<128x32xf32, #tpu.memory_space<vmem>>) offsets(%dma_start3A_410 : memref<128xi32, #tpu.memory_space<vmem>>) semaphore(%arg16 : memref<!tpu.dma_semaphore, #tpu.memory_space<semaphore_mem>>)
        %mul3A_414 = arith.constant 5 : i32
        %mul3A_415 = arith.muli %add3A_368, %mul3A_414 : i32
        %add3A_416 = arith.constant 3 : i32
        %add3A_417 = arith.addi %mul3A_415, %add3A_416 : i32
        %dma_start3A_418 = arith.constant 1 : i32
        %dma_start3A_419 = arith.constant 384 : i32
        %dma_start3A_420 = arith.constant 0 : i32
        %dma_start3A_421 = tpu.memref_slice %arg10[%dma_start3A_418, %dma_start3A_419, %dma_start3A_420] : memref<2x640x32xf32, #tpu.memory_space<vmem>> -> memref<1x128x32xf32, #tpu.memory_space<vmem>>
        %dma_start3A_422 = tpu.memref_squeeze %dma_start3A_421 : memref<1x128x32xf32, #tpu.memory_space<vmem>> -> memref<128x32xf32, #tpu.memory_space<vmem>>
        %dma_start3A_423 = arith.constant 0 : i32
        %dma_start3A_424 = tpu.memref_slice %arg7[%add3A_417, %dma_start3A_423] : memref<80x128xi32, #tpu.memory_space<vmem>> -> memref<1x128xi32, #tpu.memory_space<vmem>>
        %dma_start3A_425 = tpu.memref_squeeze %dma_start3A_424 : memref<1x128xi32, #tpu.memory_space<vmem>> -> memref<128xi32, #tpu.memory_space<vmem>>
        %dma_start3A_426 = arith.constant 0 : i32
        %dma_start3A_427 = arith.constant 0 : i32
        %dma_start3A_428 = tpu.memref_slice %arg5[%dma_start3A_426, %dma_start3A_427] : memref<10000x32xf32, #tpu.memory_space<hbm>> -> memref<10000x32xf32, #tpu.memory_space<hbm>>
        tpu.enqueue_indirect_dma source(%dma_start3A_428 : memref<10000x32xf32, #tpu.memory_space<hbm>>) target(%dma_start3A_422 : memref<128x32xf32, #tpu.memory_space<vmem>>) offsets(%dma_start3A_425 : memref<128xi32, #tpu.memory_space<vmem>>) semaphore(%arg16 : memref<!tpu.dma_semaphore, #tpu.memory_space<semaphore_mem>>)
        %mul3A_429 = arith.constant 5 : i32
        %mul3A_430 = arith.muli %add3A_368, %mul3A_429 : i32
        %add3A_431 = arith.constant 4 : i32
        %add3A_432 = arith.addi %mul3A_430, %add3A_431 : i32
        %dma_start3A_433 = arith.constant 1 : i32
        %dma_start3A_434 = arith.constant 512 : i32
        %dma_start3A_435 = arith.constant 0 : i32
        %dma_start3A_436 = tpu.memref_slice %arg10[%dma_start3A_433, %dma_start3A_434, %dma_start3A_435] : memref<2x640x32xf32, #tpu.memory_space<vmem>> -> memref<1x128x32xf32, #tpu.memory_space<vmem>>
        %dma_start3A_437 = tpu.memref_squeeze %dma_start3A_436 : memref<1x128x32xf32, #tpu.memory_space<vmem>> -> memref<128x32xf32, #tpu.memory_space<vmem>>
        %dma_start3A_438 = arith.constant 0 : i32
        %dma_start3A_439 = tpu.memref_slice %arg7[%add3A_432, %dma_start3A_438] : memref<80x128xi32, #tpu.memory_space<vmem>> -> memref<1x128xi32, #tpu.memory_space<vmem>>
        %dma_start3A_440 = tpu.memref_squeeze %dma_start3A_439 : memref<1x128xi32, #tpu.memory_space<vmem>> -> memref<128xi32, #tpu.memory_space<vmem>>
        %dma_start3A_441 = arith.constant 0 : i32
        %dma_start3A_442 = arith.constant 0 : i32
        %dma_start3A_443 = tpu.memref_slice %arg5[%dma_start3A_441, %dma_start3A_442] : memref<10000x32xf32, #tpu.memory_space<hbm>> -> memref<10000x32xf32, #tpu.memory_space<hbm>>
        tpu.enqueue_indirect_dma source(%dma_start3A_443 : memref<10000x32xf32, #tpu.memory_space<hbm>>) target(%dma_start3A_437 : memref<128x32xf32, #tpu.memory_space<vmem>>) offsets(%dma_start3A_440 : memref<128xi32, #tpu.memory_space<vmem>>) semaphore(%arg16 : memref<!tpu.dma_semaphore, #tpu.memory_space<semaphore_mem>>)
      } else {
      }
    }
    %scan3A_235 = arith.constant 8 : i32
    %dma_wait3A_236 = arith.constant 0 : i32
    %dma_wait3A_237 = arith.constant 0 : i32
    %dma_wait3A_238 = arith.constant 0 : i32
    %dma_wait3A_239 = tpu.memref_slice %arg14[%dma_wait3A_236, %dma_wait3A_237, %dma_wait3A_238] : memref<2x32x32xf32, #tpu.memory_space<vmem>> -> memref<1x32x32xf32, #tpu.memory_space<vmem>>
    %dma_wait3A_240 = tpu.memref_squeeze %dma_wait3A_239 : memref<1x32x32xf32, #tpu.memory_space<vmem>> -> memref<32x32xf32, #tpu.memory_space<vmem>>
    %dma_wait3A_241 = arith.constant 0 : i32
    %dma_wait3A_242 = arith.constant 0 : i32
    %dma_wait3A_243 = tpu.memref_slice %arg5[%dma_wait3A_241, %dma_wait3A_242] : memref<10000x32xf32, #tpu.memory_space<hbm>> -> memref<32x32xf32, #tpu.memory_space<hbm>>
    %dma_wait3A_244 = arith.constant 0 : i32
    %dma_wait3A_245 = arith.constant 0 : i32
    %dma_wait3A_246 = tpu.memref_slice %arg14[%dma_wait3A_236, %dma_wait3A_244, %dma_wait3A_245] : memref<2x32x32xf32, #tpu.memory_space<vmem>> -> memref<1x32x32xf32, #tpu.memory_space<vmem>>
    %dma_wait3A_247 = tpu.memref_squeeze %dma_wait3A_246 : memref<1x32x32xf32, #tpu.memory_space<vmem>> -> memref<32x32xf32, #tpu.memory_space<vmem>>
    %dma_wait3A_248 = arith.constant 0 : i32
    %dma_wait3A_249 = arith.constant 0 : i32
    %dma_wait3A_250 = tpu.memref_slice %arg5[%dma_wait3A_248, %dma_wait3A_249] : memref<10000x32xf32, #tpu.memory_space<hbm>> -> memref<32x32xf32, #tpu.memory_space<hbm>>
    tpu.wait_dma2 semaphore(%arg18 : memref<!tpu.dma_semaphore, #tpu.memory_space<semaphore_mem>>) src(%dma_wait3A_250 : memref<32x32xf32, #tpu.memory_space<hbm>>) dst(%dma_wait3A_247 : memref<32x32xf32, #tpu.memory_space<vmem>>)
    %dma_wait3A_251 = arith.constant 1 : i32
    %dma_wait3A_252 = arith.constant 0 : i32
    %dma_wait3A_253 = arith.constant 0 : i32
    %dma_wait3A_254 = tpu.memref_slice %arg14[%dma_wait3A_251, %dma_wait3A_252, %dma_wait3A_253] : memref<2x32x32xf32, #tpu.memory_space<vmem>> -> memref<1x32x32xf32, #tpu.memory_space<vmem>>
    %dma_wait3A_255 = tpu.memref_squeeze %dma_wait3A_254 : memref<1x32x32xf32, #tpu.memory_space<vmem>> -> memref<32x32xf32, #tpu.memory_space<vmem>>
    %dma_wait3A_256 = arith.constant 0 : i32
    %dma_wait3A_257 = arith.constant 0 : i32
    %dma_wait3A_258 = tpu.memref_slice %arg5[%dma_wait3A_256, %dma_wait3A_257] : memref<10000x32xf32, #tpu.memory_space<hbm>> -> memref<32x32xf32, #tpu.memory_space<hbm>>
    %dma_wait3A_259 = arith.constant 0 : i32
    %dma_wait3A_260 = arith.constant 0 : i32
    %dma_wait3A_261 = tpu.memref_slice %arg14[%dma_wait3A_251, %dma_wait3A_259, %dma_wait3A_260] : memref<2x32x32xf32, #tpu.memory_space<vmem>> -> memref<1x32x32xf32, #tpu.memory_space<vmem>>
    %dma_wait3A_262 = tpu.memref_squeeze %dma_wait3A_261 : memref<1x32x32xf32, #tpu.memory_space<vmem>> -> memref<32x32xf32, #tpu.memory_space<vmem>>
    %dma_wait3A_263 = arith.constant 0 : i32
    %dma_wait3A_264 = arith.constant 0 : i32
    %dma_wait3A_265 = tpu.memref_slice %arg5[%dma_wait3A_263, %dma_wait3A_264] : memref<10000x32xf32, #tpu.memory_space<hbm>> -> memref<32x32xf32, #tpu.memory_space<hbm>>
    tpu.wait_dma2 semaphore(%arg19 : memref<!tpu.dma_semaphore, #tpu.memory_space<semaphore_mem>>) src(%dma_wait3A_265 : memref<32x32xf32, #tpu.memory_space<hbm>>) dst(%dma_wait3A_262 : memref<32x32xf32, #tpu.memory_space<vmem>>)
    %dma_wait3A_266 = arith.constant 0 : i32
    %dma_wait3A_267 = tpu.memref_slice %arg6[%mul3A_2, %dma_wait3A_266] : memref<16384x64xf32, #tpu.memory_space<hbm>> -> memref<512x32xf32, #tpu.memory_space<hbm>>
    %dma_wait3A_268 = arith.constant 0 : i32
    %dma_wait3A_269 = tpu.memref_slice %arg6[%mul3A_2, %dma_wait3A_268] : memref<16384x64xf32, #tpu.memory_space<hbm>> -> memref<512x32xf32, #tpu.memory_space<hbm>>
    tpu.wait_dma2 semaphore(%arg17 : memref<!tpu.dma_semaphore, #tpu.memory_space<semaphore_mem>>) src(%arg9 : memref<512x32xf32, #tpu.memory_space<vmem>>) dst(%dma_wait3A_269 : memref<512x32xf32, #tpu.memory_space<hbm>>)
    return
  }
}

</mosaic_0001>

<sc_bundles>
// kernel: kernel.4.cloned.1.call-start
scs
__scs_entry_jumppad:
0x0: {  	(pc) =	sbr.rel $0x88, $3  }
0x1: {  	(tag) =	ssettag $0x0;
	lr =	simm.s32 $0x1  }
0x2: {  	[smem:$0x3F9D] =	sst lr;
	_ =	strace $0xD0000000  }
0x3: {  	_ = 	snop  }
0x4: {  	_ = 	snop  }
0x5: {  	_ = 	snop  }
0x6: {  	_ = 	snop  }
0x7: {  	_ = 	snop  }
__scs_overlays_trampoline_lowered:
0x8: {  	[smem:$0x3FAC] =	sst s0  }
0x9: {  	[smem:$0x3FAD] =	sst s1  }
0xa: {  	[smem:$0x3FAE] =	sst s2  }
0xb: {  	[smem:$0x3FAF] =	sst s3  }
0xc: {  	[smem:$0x3FB0] =	sst s4  }
0xd: {  	[smem:$0x3FB1] =	sst s5  }
0xe: {  	[smem:$0x3FB2] =	sst s6  }
0xf: {  	[smem:$0x3FB3] =	sst s7  }
0x10: {  	[smem:$0x3FB4] =	sst s8  }
0x11: {  	[smem:$0x3FB5] =	sst s9;
	s0 =	simm.s32 @!p0 $0x0  }
0x12: {  	s1 =	sld [smem:$0x3F9B];
	s0 =	simm.s32 @p0 $0x1  }
0x13: {  	[smem:$0x3FB6] =	sst s0;
	s0 =	simm.s32 @!p1 $0x0  }
0x14: {  	s2 =	sld [smem:$0x3F9A];
	s0 =	simm.s32 @p1 $0x1  }
0x15: {  	[smem:$0x3FB7] =	sst s0;
	s0 =	simm.s32 @!p2 $0x0  }
0x16: {  	s3 =	sld [smem:$0x3FDB];
	s0 =	simm.s32 @p2 $0x1  }
0x17: {  	s4 =	simm.s32 $0x1BF5;
	[smem:$0x3FB9] =	sst s0  }
0x18: {  	s0 =	sld [smem:$0x3F9C];
	_ =	swait.ge [sflag:s4], $0x0  }
0x19: {  	s7 =	sld [smem:$0x3F9D]  }
0x1a: {  	s8 =	sadd.s32 $0xFFFFE003, lr  }
0x1b: {  	s9 =	sadd.s32 $0xFFFFFEF7, lr;
	s5 =	simm.s32 $0xFFFFFFFF;
	p2 =	slt.u32 s8, $0xFFFFF086  }
0x1c: {  	p1 =	slt.u32 s9, $0xF7A;
	s5 =	simm.s32 @!p2 $0x0  }
0x1d: {  	s5 =	simm.s32 @p1 $0x1;
	p0 =	seq.s32 s7, s2  }
0x1e: {  	s7 =	smul.u32 @!p0 $0xF7A, s2;
	p2 =	seq.s32 @!p0 s5, $0x0  }
0x1f: {  	s9 =	smul.u32 $0xF7A, s1;
	s8 =	simm.s32 @!p0 $0x1BF5;
	p2 =	por !p2, p0  }
0x20: {  	[sflag:s8] =	ssyncset.s32 @!p0 $0xFFFFF086;
	s6 =	sadd.s32 @!p0 s3, s7;
	s7 =	simm.s32 @!p0 $0x108  }
0x21: {  	s3 =	sadd.s32 s3, s9;
	s6 =	sadd.s32 @!p0 $0x88, s6;
	s7 =	simm.s32 @p2 $0x1082  }
0x22: {  	[simem:s7], [sflag:s8] =	dma.local @!p0 [hbm:s6], $0xF7A  }
0x23: {  	s9 =	sor.u32 $0xD0000000, s2;
	s6 =	simm.s32 $0x108;
	_ =	swait.ge @!p0 [sflag:s8], $0x0  }
0x24: {  	s3 =	sadd.s32 $0x88, s3;
	s6 =	simm.s32 @!p1 $0x1082;
	[sflag:s4] =	ssyncset.s32 $0xFFFFF086  }
0x25: {  	[simem:s6], [sflag:s4] =	dma.local [hbm:s3], $0xF7A  }
0x26: {  	[smem:$0x3F9D] =	sst s1;
	(tag) =	ssettag s2;
	_ =	strace s9  }
0x27: {  	s1 =	sld [smem:$0x3FAD]  }
0x28: {  	s2 =	sld [smem:$0x3FAE]  }
0x29: {  	s4 =	sld [smem:$0x3FB0]  }
0x2a: {  	p0 =	seq.s32 s5, $0x0;
	s5 =	sld [smem:$0x3FB1]  }
0x2b: {  	s6 =	sld [smem:$0x3FB2]  }
0x2c: {  	s7 =	sld [smem:$0x3FB3]  }
0x2d: {  	s3 =	simm.s32 $0x108;
	s8 =	sld [smem:$0x3FB4]  }
0x2e: {  	s3 =	simm.s32 @!p0 $0x1082;
	s9 =	sld [smem:$0x3FB5]  }
0x2f: {  	lr =	sadd.s32 s0, s3;
	s0 =	sld [smem:$0x3FAC]  }
0x30: {  	s3 =	sld [smem:$0x3FAF]  }
0x31: {  	[smem:$0x3FB8] =	sst s10  }
0x32: {  	s10 =	sld [smem:$0x3FB6];
	_ =	sdelay $0x3  }
0x33: {  	p0 =	seq.s32 s10, $0x1;
	s10 =	sld [smem:$0x3FB8];
	_ =	sdelay $0x3  }
0x34: {  	[smem:$0x3FB8] =	sst s10  }
0x35: {  	s10 =	sld [smem:$0x3FB7];
	_ =	sdelay $0x3  }
0x36: {  	p1 =	seq.s32 s10, $0x1;
	s10 =	sld [smem:$0x3FB8];
	_ =	sdelay $0x3  }
0x37: {  	[smem:$0x3FB8] =	sst s10  }
0x38: {  	s10 =	sld [smem:$0x3FB9]  }
0x39: {  	_ = 	snop;
	(pc) =	sbr.ind lr, $3  }
0x3a: {  	_ = 	snop  }
0x3b: {  	_ = 	snop  }
0x3c: {  	p2 =	seq.s32 s10, $0x1;
	s10 =	sld [smem:$0x3FB8]  }
0x3d: {  	_ =	shalt  }
0x3e: {  	_ =	shalt  }
0x3f: {  	_ =	shalt  }
0x40: {  	_ =	shalt  }
0x41: {  	_ =	shalt  }
0x42: {  	_ =	shalt  }
0x43: {  	_ =	shalt  }
0x44: {  	_ =	shalt  }
0x45: {  	_ =	shalt  }
0x46: {  	_ =	shalt  }
0x47: {  	_ =	shalt  }
0x48: {  	_ =	shalt  }
0x49: {  	_ =	shalt  }
0x4a: {  	_ =	shalt  }
0x4b: {  	_ =	shalt  }
0x4c: {  	_ =	shalt  }
0x4d: {  	_ =	shalt  }
0x4e: {  	_ =	shalt  }
0x4f: {  	_ =	shalt  }
0x50: {  	_ =	shalt  }
0x51: {  	_ =	shalt  }
0x52: {  	_ =	shalt  }
0x53: {  	_ =	shalt  }
0x54: {  	_ =	shalt  }
0x55: {  	_ =	shalt  }
0x56: {  	_ =	shalt  }
0x57: {  	_ =	shalt  }
0x58: {  	_ =	shalt  }
0x59: {  	_ =	shalt  }
0x5a: {  	_ =	shalt  }
0x5b: {  	_ =	shalt  }
0x5c: {  	_ =	shalt  }
0x5d: {  	_ =	shalt  }
0x5e: {  	_ =	shalt  }
0x5f: {  	_ =	shalt  }
0x60: {  	_ =	shalt  }
0x61: {  	_ =	shalt  }
0x62: {  	_ =	shalt  }
0x63: {  	_ =	shalt  }
0x64: {  	_ =	shalt  }
0x65: {  	_ =	shalt  }
0x66: {  	_ =	shalt  }
0x67: {  	_ =	shalt  }
0x68: {  	_ =	shalt  }
0x69: {  	_ =	shalt  }
0x6a: {  	_ =	shalt  }
0x6b: {  	_ =	shalt  }
0x6c: {  	_ =	shalt  }
0x6d: {  	_ =	shalt  }
0x6e: {  	_ =	shalt  }
0x6f: {  	_ =	shalt  }
0x70: {  	_ =	shalt  }
0x71: {  	_ =	shalt  }
0x72: {  	_ =	shalt  }
0x73: {  	_ =	shalt  }
0x74: {  	_ =	shalt  }
0x75: {  	_ =	shalt  }
0x76: {  	_ =	shalt  }
0x77: {  	_ =	shalt  }
0x78: {  	_ =	shalt  }
0x79: {  	_ =	shalt  }
0x7a: {  	_ =	shalt  }
0x7b: {  	_ =	shalt  }
0x7c: {  	_ =	shalt  }
0x7d: {  	_ =	shalt  }
0x7e: {  	_ =	shalt  }
0x7f: {  	_ =	shalt  }
0x80: {  	_ =	shalt  }
0x81: {  	_ =	shalt  }
0x82: {  	_ =	shalt  }
0x83: {  	_ =	shalt  }
0x84: {  	_ =	shalt  }
0x85: {  	_ =	shalt  }
0x86: {  	_ =	shalt  }
0x87: {  	_ =	shalt  }
.Lfunc_end0:
.L_simem_size_0:
called_computation_lowered:
.L_overlay_start_0:
0x88: {  	s2 =	sld [smem:$0x3FD9]  }
0x89: {  	s3 =	sld [smem:$0x3FFE];
	_ =	sdelay $0x1  }
0x8a: {  	s1 =	srdreg.scid  }
0x8b: {  	s0 =	sand.u32 $0x1, s1  }
0x8c: {  	s16 =	sshll.u32 s0, $0xA;
	s2 =	sadd.s32 s3, s2  }
0x8d: {  	s2 =	sadd.s32 s2, s16  }
0x8e: {  	[smem:$0x3FC4] =	sst s2  }
0x8f: {  	_ = 	snop  }
0x90: {  	(tm) =	ssettm $0x1  }
0x91: {  	s17 =	sld [smem:$0x3FFB];
	_ =	sdelay $0x3  }
0x92: {  	_ =	strace s17  }
0x93: {  	s2 =	sld [smem:$0x3FFC];
	_ =	sdelay $0x3  }
0x94: {  	_ =	strace s2  }
0x95: {  	s2 =	sld [smem:$0x3FFD];
	_ =	sdelay $0x3  }
0x96: {  	_ =	strace s2  }
0x97: {  	_ =	strace $0x8FFFFFFF  }
0x98: {  	s18 =	sld [smem:$0x3FDB];
	_ =	sdelay $0x1  }
0x99: {  	s19 =	simm.s32 $_scs_section_size  }
0x9a: {  	s4 =	simm.s32 $_size__tile_overlayer_lowered;
	s5 =	simm.s32 $_tile_overlayer_lowered  }
0x9b: {  	s22 =	simm.s32 $0x1BFF;
	s21 =	sshll.u32 s5, $0x1;
	s2 =	sadd.s32 s19, s18  }
0x9c: {  	s6 =	simm.s32 $0x0;
	s20 =	sshll.u32 s4, $0x1;
	s4 =	sadd.s32 s21, s2  }
0x9d: {  	[timem:s6], [sflag:s22] =	dma.local [hbm:s4], s20  }
0x9e: {  	_ =	swait.ge [sflag:s22], s20  }
0x9f: {  	s3 =	ssub.s32 $0x0, s20;
	[sflag:s22] =	ssyncset.done $0x0  }
0xa0: {  	[sflag:s22] =	ssyncadd.s32 s3;
	_ =	sdelay $0x1  }
0xa1: {  	s23 =	simm.s32 $0x1B8B  }
0xa2: {  	_ =	swait.ge [sflag:s23], $0x1  }
0xa3: {  	[sflag:s23] =	ssyncset.done $0x0  }
0xa4: {  	s25 =	simm.s32 $0x1B8E;
	s24 =	sld [smem:$0x3FFE];
	[sflag:s23] =	ssyncadd.s32 $0xFFFFFFFF  }
0xa5: {  	s26 =	simm.s32 $execute0_lowered;
	[smem:$0x3FD2] =	sst s25  }
0xa6: {  	s4 =	sshll.u32 s26, $0x1;
	_ =	strace $0x80000046;
	[dreg:$0x1] =	wrdreg $0xFFFFFFFF  }
0xa7: {  	s28 =	simm.s32 $_size_execute0_lowered;
	s2 =	sadd.s32 s2, s4;
	[dreg:$0x0] =	wrdreg $0x0  }
0xa8: {  	s4 =	sshll.u32 s28, $0x1;
	[dreg:$0x2] =	wrdreg s2  }
0xa9: {  	[dreg:$0x3] =	wrdreg s4  }
0xaa: {  	[dreg:$0x4] =	wrdreg $0xC0  }
0xab: {  	_ =	task [dreg:s6], $0x5FFFF  }
0xac: {  	[dreg:$0x1] =	wrdreg $0xFFFFFFFF  }
0xad: {  	[dreg:$0x0] =	wrdreg $0x60  }
0xae: {  	[dreg:$0x2] =	wrdreg s24  }
0xaf: {  	[dreg:$0x3] =	wrdreg $0x9  }
0xb0: {  	_ =	task.clear_ibuf [dreg:s6], $0x4FFFF;
	_ =	strace $0x90000046  }
0xb1: {  	s29 =	simm.s32 $0x9;
	_ =	strace $0x80000048  }
0xb2: {  	_ =	swait.ge [sflag:s29], $0x1  }
0xb3: {  	[sflag:s29] =	ssyncadd.s32 $0xFFFFFFFF  }
0xb4: {  	_ =	strace $0x90000048  }
0xb5: {  	_ =	sfence  }
0xb6: {  	s30 =	sld [smem:$0x0];
	_ =	sdelay $0x2  }
0xb7: {  	s31 =	sshll.u32 s1, $0xD;
	s1 =	sshrl.u32 s1, $0x2  }
0xb8: {  	s3 =	sand.u32 $0x4000, s31;
	s1 =	sadd.s32 s1, s30  }
0xb9: {  	s0 =	sor.u32 s3, s0;
	s1 =	sshll.u32 s1, $0x11  }
0xba: {  	s0 =	sor.u32 s1, s0  }
0xbb: {  	s0 =	sadd.s32 $0x8F2B, s0  }
0xbc: {  	[sflag:s0] =	ssyncadd.remote.s32 $0x1  }
0xbd: {  	_ =	sfence.sel $0xFFFF  }
0xbe: {  	[dreg:$0x0] =	wrdreg $0xFFFFFFFF;
	(pc) =	sbr.abs _section_cstart, $3  }
0xbf: {  	[dreg:$0x1] =	wrdreg $0xFFFFFFFF  }
0xc0: {  	_ =	task.clear_ibuf [dreg:s6], $0x2FFFF;
	_ =	strace $0x9FFFFFFF  }
0xc1: {  	(tm) =	ssettm $0x7FFFFFFF  }
tec
execute0_lowered:
.L_overlay_start_1:
0x0: {  	(tag) =	ssettag $0x1  }
0x1: {  	s1 =	srdreg.scid;
	s0 =	stileid.u32  }
0x2: {  	s3 =	rddreg [dreg:$0x0];
	s2 =	simm.s32 $0x0;
	s8 =	simm.s32 $0x0  }
0x3: {  	s4 =	sand.u32 $0x1, s1;
	s5 =	sshll.u32 s0, $0x1;
	s1 =	rddreg [dreg:$0x1]  }
0x4: {  	[smem:$0x7FF] =	sst s2;
	s5 =	sor.u32 s4, s5;
	s4 =	ssub.s32 $0x2, s4  }
0x5: {  	s6 =	smul.u32 $0x500, s5;
	s5 =	sshll.u32 s5, $0xD;
	s7 =	sshrl.u32 s4, $0x1  }
0x6: {  	_ =	strace $0x80000047;
	s5 =	sadd.s32 s5, s3;
	s7 =	ssub.s32 s4, s7  }
0x7: {  	s6 =	sadd.s32 s6, s3;
	s3 =	sadd.s32 $0x1A00, s5;
	s5 =	smax.u32 s7, $0x1  }
0x8: {  	v0 =	vlaneseq.u32;
	s7 =	simm.s32 $0x10000;
	s4 =	sadd.s32 $0x41A00, s6;
	s6 =	simm.s32 $0x1  }
.LBB2_1:
0x9: {  	v1 =	vor.u32 s2, v0  }
0xa: {  	v2 =	vshll.u32 v1, $0x7  }
0xb: {  	[tilespmem:s2], [sflag:$0x1] =	stream.linear.gather [hbm4b:s3+s2], $0x10000, $0x38;
	[tilespmem:$0x12800] =	vst v63  }
0xc: {  	_ =	swait.ge [sflag:s6], $0x10000  }
0xd: {  	[sflag:s6] =	ssyncset.done $0x0  }
0xe: {  	v1 =	vmul.u32 $0x14, v1;
	[sflag:s6] =	ssyncadd.s32 $0xFFFF0000  }
0xf: {  	v3 =	vld.idx.msk [tilespmem:v2+s2+$0x0], $0xffff  }
0x10: {  	v4 =	vor.u32 $0x1, v2;
	_ =	sdelay $0x3  }
0x11: {  	[tilespmem:v1+s7+$0x0] =	vst.idx.msk $0xffff, v3  }
0x12: {  	v3 =	vld.idx.msk [tilespmem:v4+s2+$0x0], $0xffff;
	v4 =	vor.u32 $0x1, v1  }
0x13: {  	v5 =	vor.u32 $0x2, v2;
	_ =	sdelay $0x3  }
0x14: {  	[tilespmem:v4+s7+$0x0] =	vst.idx.msk $0xffff, v3  }
0x15: {  	v4 =	vor.u32 $0x2, v1;
	v3 =	vld.idx.msk [tilespmem:v5+s2+$0x0], $0xffff  }
0x16: {  	v5 =	vor.u32 $0x3, v2;
	_ =	sdelay $0x3  }
0x17: {  	[tilespmem:v4+s7+$0x0] =	vst.idx.msk $0xffff, v3  }
0x18: {  	v4 =	vor.u32 $0x3, v1;
	v3 =	vld.idx.msk [tilespmem:v5+s2+$0x0], $0xffff  }
0x19: {  	v5 =	vor.u32 $0x4, v2;
	_ =	sdelay $0x3  }
0x1a: {  	[tilespmem:v4+s7+$0x0] =	vst.idx.msk $0xffff, v3  }
0x1b: {  	v4 =	vadd.s32 $0x4, v1;
	v3 =	vld.idx.msk [tilespmem:v5+s2+$0x0], $0xffff  }
0x1c: {  	v5 =	vor.u32 $0x5, v2;
	_ =	sdelay $0x3  }
0x1d: {  	[tilespmem:v4+s7+$0x0] =	vst.idx.msk $0xffff, v3  }
0x1e: {  	v4 =	vadd.s32 $0x5, v1;
	v3 =	vld.idx.msk [tilespmem:v5+s2+$0x0], $0xffff  }
0x1f: {  	v5 =	vor.u32 $0x6, v2;
	_ =	sdelay $0x3  }
0x20: {  	[tilespmem:v4+s7+$0x0] =	vst.idx.msk $0xffff, v3  }
0x21: {  	v4 =	vadd.s32 $0x6, v1;
	v3 =	vld.idx.msk [tilespmem:v5+s2+$0x0], $0xffff  }
0x22: {  	v5 =	vor.u32 $0x7, v2;
	_ =	sdelay $0x3  }
0x23: {  	[tilespmem:v4+s7+$0x0] =	vst.idx.msk $0xffff, v3  }
0x24: {  	v4 =	vadd.s32 $0x7, v1;
	v3 =	vld.idx.msk [tilespmem:v5+s2+$0x0], $0xffff  }
0x25: {  	v5 =	vor.u32 $0x8, v2;
	_ =	sdelay $0x3  }
0x26: {  	[tilespmem:v4+s7+$0x0] =	vst.idx.msk $0xffff, v3  }
0x27: {  	v4 =	vadd.s32 $0x8, v1;
	v3 =	vld.idx.msk [tilespmem:v5+s2+$0x0], $0xffff  }
0x28: {  	v5 =	vor.u32 $0x9, v2;
	_ =	sdelay $0x3  }
0x29: {  	[tilespmem:v4+s7+$0x0] =	vst.idx.msk $0xffff, v3  }
0x2a: {  	v4 =	vadd.s32 $0x9, v1;
	v3 =	vld.idx.msk [tilespmem:v5+s2+$0x0], $0xffff  }
0x2b: {  	v5 =	vor.u32 $0xA, v2;
	_ =	sdelay $0x3  }
0x2c: {  	[tilespmem:v4+s7+$0x0] =	vst.idx.msk $0xffff, v3  }
0x2d: {  	v4 =	vadd.s32 $0xA, v1;
	v3 =	vld.idx.msk [tilespmem:v5+s2+$0x0], $0xffff  }
0x2e: {  	v5 =	vor.u32 $0xB, v2;
	_ =	sdelay $0x3  }
0x2f: {  	[tilespmem:v4+s7+$0x0] =	vst.idx.msk $0xffff, v3  }
0x30: {  	v4 =	vadd.s32 $0xB, v1;
	v3 =	vld.idx.msk [tilespmem:v5+s2+$0x0], $0xffff  }
0x31: {  	v5 =	vor.u32 $0xC, v2;
	_ =	sdelay $0x3  }
0x32: {  	[tilespmem:v4+s7+$0x0] =	vst.idx.msk $0xffff, v3  }
0x33: {  	v4 =	vadd.s32 $0xC, v1;
	v3 =	vld.idx.msk [tilespmem:v5+s2+$0x0], $0xffff  }
0x34: {  	v5 =	vor.u32 $0xD, v2;
	_ =	sdelay $0x3  }
0x35: {  	[tilespmem:v4+s7+$0x0] =	vst.idx.msk $0xffff, v3  }
0x36: {  	v4 =	vadd.s32 $0xD, v1;
	v3 =	vld.idx.msk [tilespmem:v5+s2+$0x0], $0xffff  }
0x37: {  	v5 =	vor.u32 $0xE, v2;
	_ =	sdelay $0x3  }
0x38: {  	[tilespmem:v4+s7+$0x0] =	vst.idx.msk $0xffff, v3  }
0x39: {  	v4 =	vadd.s32 $0xE, v1;
	v3 =	vld.idx.msk [tilespmem:v5+s2+$0x0], $0xffff  }
0x3a: {  	v5 =	vor.u32 $0xF, v2;
	_ =	sdelay $0x3  }
0x3b: {  	[tilespmem:v4+s7+$0x0] =	vst.idx.msk $0xffff, v3  }
0x3c: {  	v4 =	vadd.s32 $0xF, v1;
	v3 =	vld.idx.msk [tilespmem:v5+s2+$0x0], $0xffff  }
0x3d: {  	v5 =	vor.u32 $0x10, v2;
	_ =	sdelay $0x3  }
0x3e: {  	[tilespmem:v4+s7+$0x0] =	vst.idx.msk $0xffff, v3  }
0x3f: {  	v4 =	vadd.s32 $0x10, v1;
	v3 =	vld.idx.msk [tilespmem:v5+s2+$0x0], $0xffff  }
0x40: {  	v5 =	vor.u32 $0x11, v2;
	_ =	sdelay $0x3  }
0x41: {  	[tilespmem:v4+s7+$0x0] =	vst.idx.msk $0xffff, v3  }
0x42: {  	v4 =	vadd.s32 $0x11, v1;
	v3 =	vld.idx.msk [tilespmem:v5+s2+$0x0], $0xffff  }
0x43: {  	v5 =	vor.u32 $0x12, v2;
	_ =	sdelay $0x3  }
0x44: {  	[tilespmem:v4+s7+$0x0] =	vst.idx.msk $0xffff, v3  }
0x45: {  	v4 =	vadd.s32 $0x12, v1;
	v3 =	vld.idx.msk [tilespmem:v5+s2+$0x0], $0xffff  }
0x46: {  	v2 =	vor.u32 $0x13, v2;
	_ =	sdelay $0x3  }
0x47: {  	s9 =	simm.s32 $0x10;
	[tilespmem:v4+s7+$0x0] =	vst.idx.msk $0xffff, v3  }
0x48: {  	v1 =	vadd.s32 $0x13, v1;
	v3 =	vor.u32 s9, v0;
	s9 =	simm.s32 $0x20;
	v4 =	vld.idx.msk [tilespmem:v2+s2+$0x0], $0xffff  }
.LBB2_2:
0x49: {  	p0 =	sne.s32 s9, $0x1F0;
	v2 =	vshll.u32 v3, $0x7;
	_ =	sdelay $0x3  }
0x4a: {  	[tilespmem:v1+s7+$0x0] =	vst.idx.msk $0xffff, v4  }
0x4b: {  	v1 =	vmul.u32 $0x14, v3;
	v3 =	vld.idx.msk [tilespmem:v2+s2+$0x0], $0xffff;
	_ =	sdelay $0x1  }
0x4c: {  	v4 =	vor.u32 $0x1, v2;
	_ =	sdelay $0x3  }
0x4d: {  	[tilespmem:v1+s7+$0x0] =	vst.idx.msk $0xffff, v3  }
0x4e: {  	v3 =	vld.idx.msk [tilespmem:v4+s2+$0x0], $0xffff  }
0x4f: {  	v4 =	vor.u32 $0x1, v1  }
0x50: {  	v5 =	vor.u32 $0x2, v2;
	_ =	sdelay $0x3  }
0x51: {  	[tilespmem:v4+s7+$0x0] =	vst.idx.msk $0xffff, v3  }
0x52: {  	v3 =	vld.idx.msk [tilespmem:v5+s2+$0x0], $0xffff  }
0x53: {  	v4 =	vor.u32 $0x2, v1  }
0x54: {  	v5 =	vor.u32 $0x3, v2;
	_ =	sdelay $0x3  }
0x55: {  	[tilespmem:v4+s7+$0x0] =	vst.idx.msk $0xffff, v3  }
0x56: {  	v3 =	vld.idx.msk [tilespmem:v5+s2+$0x0], $0xffff  }
0x57: {  	v4 =	vor.u32 $0x3, v1  }
0x58: {  	v5 =	vor.u32 $0x4, v2;
	_ =	sdelay $0x3  }
0x59: {  	[tilespmem:v4+s7+$0x0] =	vst.idx.msk $0xffff, v3  }
0x5a: {  	v3 =	vld.idx.msk [tilespmem:v5+s2+$0x0], $0xffff  }
0x5b: {  	v4 =	vadd.s32 $0x4, v1  }
0x5c: {  	v5 =	vor.u32 $0x5, v2;
	_ =	sdelay $0x3  }
0x5d: {  	[tilespmem:v4+s7+$0x0] =	vst.idx.msk $0xffff, v3  }
0x5e: {  	v3 =	vld.idx.msk [tilespmem:v5+s2+$0x0], $0xffff  }
0x5f: {  	v4 =	vadd.s32 $0x5, v1  }
0x60: {  	v5 =	vor.u32 $0x6, v2;
	_ =	sdelay $0x3  }
0x61: {  	[tilespmem:v4+s7+$0x0] =	vst.idx.msk $0xffff, v3  }
0x62: {  	v3 =	vld.idx.msk [tilespmem:v5+s2+$0x0], $0xffff  }
0x63: {  	v4 =	vadd.s32 $0x6, v1  }
0x64: {  	v5 =	vor.u32 $0x7, v2;
	_ =	sdelay $0x3  }
0x65: {  	[tilespmem:v4+s7+$0x0] =	vst.idx.msk $0xffff, v3  }
0x66: {  	v3 =	vld.idx.msk [tilespmem:v5+s2+$0x0], $0xffff  }
0x67: {  	v4 =	vadd.s32 $0x7, v1  }
0x68: {  	v5 =	vor.u32 $0x8, v2;
	_ =	sdelay $0x3  }
0x69: {  	[tilespmem:v4+s7+$0x0] =	vst.idx.msk $0xffff, v3  }
0x6a: {  	v3 =	vld.idx.msk [tilespmem:v5+s2+$0x0], $0xffff  }
0x6b: {  	v4 =	vadd.s32 $0x8, v1  }
0x6c: {  	v5 =	vor.u32 $0x9, v2;
	_ =	sdelay $0x3  }
0x6d: {  	[tilespmem:v4+s7+$0x0] =	vst.idx.msk $0xffff, v3  }
0x6e: {  	v3 =	vld.idx.msk [tilespmem:v5+s2+$0x0], $0xffff  }
0x6f: {  	v4 =	vadd.s32 $0x9, v1  }
0x70: {  	v5 =	vor.u32 $0xA, v2;
	_ =	sdelay $0x3  }
0x71: {  	[tilespmem:v4+s7+$0x0] =	vst.idx.msk $0xffff, v3  }
0x72: {  	v3 =	vld.idx.msk [tilespmem:v5+s2+$0x0], $0xffff  }
0x73: {  	v4 =	vadd.s32 $0xA, v1  }
0x74: {  	v5 =	vor.u32 $0xB, v2;
	_ =	sdelay $0x3  }
0x75: {  	[tilespmem:v4+s7+$0x0] =	vst.idx.msk $0xffff, v3  }
0x76: {  	v3 =	vld.idx.msk [tilespmem:v5+s2+$0x0], $0xffff  }
0x77: {  	v4 =	vadd.s32 $0xB, v1  }
0x78: {  	v5 =	vor.u32 $0xC, v2;
	_ =	sdelay $0x3  }
0x79: {  	[tilespmem:v4+s7+$0x0] =	vst.idx.msk $0xffff, v3  }
0x7a: {  	v3 =	vld.idx.msk [tilespmem:v5+s2+$0x0], $0xffff  }
0x7b: {  	v4 =	vadd.s32 $0xC, v1  }
0x7c: {  	v5 =	vor.u32 $0xD, v2;
	_ =	sdelay $0x3  }
0x7d: {  	[tilespmem:v4+s7+$0x0] =	vst.idx.msk $0xffff, v3  }
0x7e: {  	v3 =	vld.idx.msk [tilespmem:v5+s2+$0x0], $0xffff  }
0x7f: {  	v4 =	vadd.s32 $0xD, v1  }
0x80: {  	v5 =	vor.u32 $0xE, v2;
	_ =	sdelay $0x3  }
0x81: {  	[tilespmem:v4+s7+$0x0] =	vst.idx.msk $0xffff, v3  }
0x82: {  	v3 =	vld.idx.msk [tilespmem:v5+s2+$0x0], $0xffff  }
0x83: {  	v4 =	vadd.s32 $0xE, v1  }
0x84: {  	v5 =	vor.u32 $0xF, v2;
	_ =	sdelay $0x3  }
0x85: {  	[tilespmem:v4+s7+$0x0] =	vst.idx.msk $0xffff, v3  }
0x86: {  	v3 =	vld.idx.msk [tilespmem:v5+s2+$0x0], $0xffff  }
0x87: {  	v4 =	vadd.s32 $0xF, v1  }
0x88: {  	v5 =	vor.u32 $0x10, v2;
	_ =	sdelay $0x3  }
0x89: {  	[tilespmem:v4+s7+$0x0] =	vst.idx.msk $0xffff, v3  }
0x8a: {  	v3 =	vld.idx.msk [tilespmem:v5+s2+$0x0], $0xffff  }
0x8b: {  	v4 =	vadd.s32 $0x10, v1  }
0x8c: {  	v5 =	vor.u32 $0x11, v2;
	_ =	sdelay $0x3  }
0x8d: {  	[tilespmem:v4+s7+$0x0] =	vst.idx.msk $0xffff, v3  }
0x8e: {  	v3 =	vld.idx.msk [tilespmem:v5+s2+$0x0], $0xffff  }
0x8f: {  	v4 =	vadd.s32 $0x11, v1  }
0x90: {  	v5 =	vor.u32 $0x12, v2;
	_ =	sdelay $0x3  }
0x91: {  	[tilespmem:v4+s7+$0x0] =	vst.idx.msk $0xffff, v3  }
0x92: {  	v3 =	vld.idx.msk [tilespmem:v5+s2+$0x0], $0xffff  }
0x93: {  	v4 =	vadd.s32 $0x12, v1  }
0x94: {  	v2 =	vor.u32 $0x13, v2;
	_ =	sdelay $0x1  }
.Ltmp0:
0x95: {  	(pc) =	sbr.rel @p0 .LBB2_2-.Ltmp0, $4  }
0x96: {  	_ = 	snop  }
0x97: {  	[tilespmem:v4+s7+$0x0] =	vst.idx.msk $0xffff, v3  }
0x98: {  	v4 =	vld.idx.msk [tilespmem:v2+s2+$0x0], $0xffff  }
0x99: {  	v1 =	vadd.s32 $0x13, v1;
	v3 =	vor.u32 s9, v0;
	s9 =	sadd.s32 $0x10, s9  }
0x9a: {  	v2 =	vshll.u32 v3, $0x7;
	_ =	sdelay $0x3  }
0x9b: {  	[tilespmem:v1+s7+$0x0] =	vst.idx.msk $0xffff, v4;
	v1 =	vmul.u32 $0x14, v3  }
0x9c: {  	v3 =	vld.idx.msk [tilespmem:v2+s2+$0x0], $0xffff  }
0x9d: {  	v29 =	vor.u32 $0x1, v2;
	_ =	sdelay $0x3  }
0x9e: {  	[tilespmem:v1+s7+$0x0] =	vst.idx.msk $0xffff, v3  }
0x9f: {  	v30 =	vor.u32 $0x1, v1;
	v3 =	vld.idx.msk [tilespmem:v29+s2+$0x0], $0xffff  }
0xa0: {  	v5 =	vor.u32 $0x2, v2;
	_ =	sdelay $0x3  }
0xa1: {  	[tilespmem:v30+s7+$0x0] =	vst.idx.msk $0xffff, v3  }
0xa2: {  	v31 =	vor.u32 $0x2, v1;
	v3 =	vld.idx.msk [tilespmem:v5+s2+$0x0], $0xffff  }
0xa3: {  	v32 =	vor.u32 $0x3, v2;
	_ =	sdelay $0x3  }
0xa4: {  	[tilespmem:v31+s7+$0x0] =	vst.idx.msk $0xffff, v3  }
0xa5: {  	v33 =	vor.u32 $0x3, v1;
	v3 =	vld.idx.msk [tilespmem:v32+s2+$0x0], $0xffff  }
0xa6: {  	v34 =	vor.u32 $0x4, v2;
	_ =	sdelay $0x3  }
0xa7: {  	[tilespmem:v33+s7+$0x0] =	vst.idx.msk $0xffff, v3  }
0xa8: {  	v35 =	vadd.s32 $0x4, v1;
	v3 =	vld.idx.msk [tilespmem:v34+s2+$0x0], $0xffff  }
0xa9: {  	v36 =	vor.u32 $0x5, v2;
	_ =	sdelay $0x3  }
0xaa: {  	[tilespmem:v35+s7+$0x0] =	vst.idx.msk $0xffff, v3  }
0xab: {  	v37 =	vadd.s32 $0x5, v1;
	v3 =	vld.idx.msk [tilespmem:v36+s2+$0x0], $0xffff  }
0xac: {  	v38 =	vor.u32 $0x6, v2;
	_ =	sdelay $0x3  }
0xad: {  	[tilespmem:v37+s7+$0x0] =	vst.idx.msk $0xffff, v3  }
0xae: {  	v39 =	vadd.s32 $0x6, v1;
	v3 =	vld.idx.msk [tilespmem:v38+s2+$0x0], $0xffff  }
0xaf: {  	v40 =	vor.u32 $0x7, v2;
	_ =	sdelay $0x3  }
0xb0: {  	[tilespmem:v39+s7+$0x0] =	vst.idx.msk $0xffff, v3  }
0xb1: {  	v41 =	vadd.s32 $0x7, v1;
	v3 =	vld.idx.msk [tilespmem:v40+s2+$0x0], $0xffff  }
0xb2: {  	v42 =	vor.u32 $0x8, v2;
	_ =	sdelay $0x3  }
0xb3: {  	[tilespmem:v41+s7+$0x0] =	vst.idx.msk $0xffff, v3  }
0xb4: {  	v43 =	vadd.s32 $0x8, v1;
	v3 =	vld.idx.msk [tilespmem:v42+s2+$0x0], $0xffff  }
0xb5: {  	v44 =	vor.u32 $0x9, v2;
	_ =	sdelay $0x3  }
0xb6: {  	[tilespmem:v43+s7+$0x0] =	vst.idx.msk $0xffff, v3  }
0xb7: {  	v45 =	vadd.s32 $0x9, v1;
	v3 =	vld.idx.msk [tilespmem:v44+s2+$0x0], $0xffff  }
0xb8: {  	v46 =	vor.u32 $0xA, v2;
	_ =	sdelay $0x3  }
0xb9: {  	[tilespmem:v45+s7+$0x0] =	vst.idx.msk $0xffff, v3  }
0xba: {  	v47 =	vadd.s32 $0xA, v1;
	v3 =	vld.idx.msk [tilespmem:v46+s2+$0x0], $0xffff  }
0xbb: {  	v48 =	vor.u32 $0xB, v2;
	_ =	sdelay $0x3  }
0xbc: {  	[tilespmem:v47+s7+$0x0] =	vst.idx.msk $0xffff, v3  }
0xbd: {  	v49 =	vadd.s32 $0xB, v1;
	v3 =	vld.idx.msk [tilespmem:v48+s2+$0x0], $0xffff  }
0xbe: {  	v50 =	vor.u32 $0xC, v2;
	_ =	sdelay $0x3  }
0xbf: {  	[tilespmem:v49+s7+$0x0] =	vst.idx.msk $0xffff, v3  }
0xc0: {  	v51 =	vadd.s32 $0xC, v1;
	v3 =	vld.idx.msk [tilespmem:v50+s2+$0x0], $0xffff  }
0xc1: {  	v52 =	vor.u32 $0xD, v2;
	_ =	sdelay $0x3  }
0xc2: {  	[tilespmem:v51+s7+$0x0] =	vst.idx.msk $0xffff, v3  }
0xc3: {  	v53 =	vadd.s32 $0xD, v1;
	v3 =	vld.idx.msk [tilespmem:v52+s2+$0x0], $0xffff  }
0xc4: {  	v54 =	vor.u32 $0xE, v2;
	_ =	sdelay $0x3  }
0xc5: {  	[tilespmem:v53+s7+$0x0] =	vst.idx.msk $0xffff, v3  }
0xc6: {  	v55 =	vadd.s32 $0xE, v1;
	v3 =	vld.idx.msk [tilespmem:v54+s2+$0x0], $0xffff  }
0xc7: {  	v56 =	vor.u32 $0xF, v2;
	_ =	sdelay $0x3  }
0xc8: {  	[tilespmem:v55+s7+$0x0] =	vst.idx.msk $0xffff, v3  }
0xc9: {  	v57 =	vadd.s32 $0xF, v1;
	v3 =	vld.idx.msk [tilespmem:v56+s2+$0x0], $0xffff  }
0xca: {  	v58 =	vor.u32 $0x10, v2;
	_ =	sdelay $0x3  }
0xcb: {  	[tilespmem:v57+s7+$0x0] =	vst.idx.msk $0xffff, v3  }
0xcc: {  	v59 =	vadd.s32 $0x10, v1;
	v3 =	vld.idx.msk [tilespmem:v58+s2+$0x0], $0xffff  }
0xcd: {  	v60 =	vor.u32 $0x11, v2;
	_ =	sdelay $0x3  }
0xce: {  	[tilespmem:v59+s7+$0x0] =	vst.idx.msk $0xffff, v3  }
0xcf: {  	v61 =	vadd.s32 $0x11, v1;
	v3 =	vld.idx.msk [tilespmem:v60+s2+$0x0], $0xffff  }
0xd0: {  	v62 =	vor.u32 $0x12, v2;
	_ =	sdelay $0x3  }
0xd1: {  	[tilespmem:v61+s7+$0x0] =	vst.idx.msk $0xffff, v3  }
0xd2: {  	v63 =	vadd.s32 $0x12, v1;
	v3 =	vld.idx.msk [tilespmem:v62+s2+$0x0], $0xffff  }
0xd3: {  	v2 =	vor.u32 $0x13, v2;
	_ =	sdelay $0x3  }
0xd4: {  	[tilespmem:v63+s7+$0x0] =	vst.idx.msk $0xffff, v3  }
0xd5: {  	v1 =	vadd.s32 $0x13, v1;
	v2 =	vld.idx.msk [tilespmem:v2+s2+$0x0], $0xffff;
	_ =	sdelay $0x2  }
0xd6: {  	s8 =	sadd.s32 $0x1, s8  }
0xd7: {  	p0 =	sne.s32 s8, s5  }
.Ltmp1:
0xd8: {  	[tilespmem:v1+s7+$0x0] =	vst.idx.msk $0xffff, v2;
	(pc) =	sbr.rel @p0 .LBB2_1-.Ltmp1, $4  }
0xd9: {  	[hbm4b:s4+s2] =	stream.linear.scatter [tilespmem:s7], [sflag:$0x1], $0x2800, $0x38;
	[tilespmem:$0x12800] =	vst v63  }
0xda: {  	_ =	swait.ge [sflag:s6], $0x2800  }
0xdb: {  	[sflag:s6] =	ssyncset.done $0x0  }
0xdc: {  	[sflag:s6] =	ssyncadd.s32 $0xFFFFD800  }
0xdd: {  	_ =	sfence.sel $0x180000  }
0xde: {  	[bflag:$0x0] =	sbarrier.arrive $0xFFFF  }
0xdf: {  	p0 =	sne.s32 s0, $0x0;
	_ =	strace $0x90000047  }
0xe0: {  	s0 =	sadd.s32 @!p0 $0x100000, s1;
	[bflag:$0x2] =	sbarrier.arrive $0xFFFF  }
0xe1: {  	[sflag:s0] =	ssyncadd.tile.s32 @!p0 $0x1;
	_ =	shalt  }
.Lfunc_end2:
_tile_overlayer_lowered:
.L_overlay_start_2:
0xe2: {  	(tag) =	ssettag $0x2  }
0xe3: {  	s0 =	rddreg [dreg:$0x0];
	s2 =	stileid.u32  }
0xe4: {  	s1 =	rddreg [dreg:$0x1];
	p0 =	sne.s32 s2, $0x0  }
0xe5: {  	s3 =	rddreg [dreg:$0x2];
	[bflag:$0x3] =	sbarrier.arrive $0xFFFF;
	s2 =	simm.s32 @!p0 $0x1C01  }
0xe6: {  	[timem:s3], [sflag:s2] =	dma.local @!p0 [hbm:s0], s1  }
0xe7: {  	s0 =	simm.s32 @!p0 $0x1  }
0xe8: {  	_ =	swait.ge @!p0 [sflag:s0], s1  }
0xe9: {  	s1 =	ssub.s32 @!p0 $0x0, s1;
	[sflag:s0] =	ssyncset.done @!p0 $0x0  }
0xea: {  	[sflag:s0] =	ssyncadd.s32 @!p0 s1  }
0xeb: {  	[bflag:$0x3] =	sbarrier.arrive $0xFFFF  }
0xec: {  	_ =	shalt  }

// kernel: kernel.7.cloned.1.call-start
scs
__scs_entry_jumppad:
0x0: {  	(pc) =	sbr.rel $0x88, $3  }
0x1: {  	(tag) =	ssettag $0x0;
	lr =	simm.s32 $0x1  }
0x2: {  	[smem:$0x3F9D] =	sst lr;
	_ =	strace $0xD0000000  }
0x3: {  	_ = 	snop  }
0x4: {  	_ = 	snop  }
0x5: {  	_ = 	snop  }
0x6: {  	_ = 	snop  }
0x7: {  	_ = 	snop  }
__scs_overlays_trampoline_lowered:
0x8: {  	[smem:$0x3FAC] =	sst s0  }
0x9: {  	[smem:$0x3FAD] =	sst s1  }
0xa: {  	[smem:$0x3FAE] =	sst s2  }
0xb: {  	[smem:$0x3FAF] =	sst s3  }
0xc: {  	[smem:$0x3FB0] =	sst s4  }
0xd: {  	[smem:$0x3FB1] =	sst s5  }
0xe: {  	[smem:$0x3FB2] =	sst s6  }
0xf: {  	[smem:$0x3FB3] =	sst s7  }
0x10: {  	[smem:$0x3FB4] =	sst s8  }
0x11: {  	[smem:$0x3FB5] =	sst s9;
	s0 =	simm.s32 @!p0 $0x0  }
0x12: {  	s1 =	sld [smem:$0x3F9B];
	s0 =	simm.s32 @p0 $0x1  }
0x13: {  	[smem:$0x3FB6] =	sst s0;
	s0 =	simm.s32 @!p1 $0x0  }
0x14: {  	s2 =	sld [smem:$0x3F9A];
	s0 =	simm.s32 @p1 $0x1  }
0x15: {  	[smem:$0x3FB7] =	sst s0;
	s0 =	simm.s32 @!p2 $0x0  }
0x16: {  	s3 =	sld [smem:$0x3FDB];
	s0 =	simm.s32 @p2 $0x1  }
0x17: {  	s4 =	simm.s32 $0x1BF5;
	[smem:$0x3FB9] =	sst s0  }
0x18: {  	s0 =	sld [smem:$0x3F9C];
	_ =	swait.ge [sflag:s4], $0x0  }
0x19: {  	s7 =	sld [smem:$0x3F9D]  }
0x1a: {  	s8 =	sadd.s32 $0xFFFFE003, lr  }
0x1b: {  	s9 =	sadd.s32 $0xFFFFFEF7, lr;
	s5 =	simm.s32 $0xFFFFFFFF;
	p2 =	slt.u32 s8, $0xFFFFF086  }
0x1c: {  	p1 =	slt.u32 s9, $0xF7A;
	s5 =	simm.s32 @!p2 $0x0  }
0x1d: {  	s5 =	simm.s32 @p1 $0x1;
	p0 =	seq.s32 s7, s2  }
0x1e: {  	s7 =	smul.u32 @!p0 $0xF7A, s2;
	p2 =	seq.s32 @!p0 s5, $0x0  }
0x1f: {  	s9 =	smul.u32 $0xF7A, s1;
	s8 =	simm.s32 @!p0 $0x1BF5;
	p2 =	por !p2, p0  }
0x20: {  	[sflag:s8] =	ssyncset.s32 @!p0 $0xFFFFF086;
	s6 =	sadd.s32 @!p0 s3, s7;
	s7 =	simm.s32 @!p0 $0x108  }
0x21: {  	s3 =	sadd.s32 s3, s9;
	s6 =	sadd.s32 @!p0 $0x88, s6;
	s7 =	simm.s32 @p2 $0x1082  }
0x22: {  	[simem:s7], [sflag:s8] =	dma.local @!p0 [hbm:s6], $0xF7A  }
0x23: {  	s9 =	sor.u32 $0xD0000000, s2;
	s6 =	simm.s32 $0x108;
	_ =	swait.ge @!p0 [sflag:s8], $0x0  }
0x24: {  	s3 =	sadd.s32 $0x88, s3;
	s6 =	simm.s32 @!p1 $0x1082;
	[sflag:s4] =	ssyncset.s32 $0xFFFFF086  }
0x25: {  	[simem:s6], [sflag:s4] =	dma.local [hbm:s3], $0xF7A  }
0x26: {  	[smem:$0x3F9D] =	sst s1;
	(tag) =	ssettag s2;
	_ =	strace s9  }
0x27: {  	s1 =	sld [smem:$0x3FAD]  }
0x28: {  	s2 =	sld [smem:$0x3FAE]  }
0x29: {  	s4 =	sld [smem:$0x3FB0]  }
0x2a: {  	p0 =	seq.s32 s5, $0x0;
	s5 =	sld [smem:$0x3FB1]  }
0x2b: {  	s6 =	sld [smem:$0x3FB2]  }
0x2c: {  	s7 =	sld [smem:$0x3FB3]  }
0x2d: {  	s3 =	simm.s32 $0x108;
	s8 =	sld [smem:$0x3FB4]  }
0x2e: {  	s3 =	simm.s32 @!p0 $0x1082;
	s9 =	sld [smem:$0x3FB5]  }
0x2f: {  	lr =	sadd.s32 s0, s3;
	s0 =	sld [smem:$0x3FAC]  }
0x30: {  	s3 =	sld [smem:$0x3FAF]  }
0x31: {  	[smem:$0x3FB8] =	sst s10  }
0x32: {  	s10 =	sld [smem:$0x3FB6];
	_ =	sdelay $0x3  }
0x33: {  	p0 =	seq.s32 s10, $0x1;
	s10 =	sld [smem:$0x3FB8];
	_ =	sdelay $0x3  }
0x34: {  	[smem:$0x3FB8] =	sst s10  }
0x35: {  	s10 =	sld [smem:$0x3FB7];
	_ =	sdelay $0x3  }
0x36: {  	p1 =	seq.s32 s10, $0x1;
	s10 =	sld [smem:$0x3FB8];
	_ =	sdelay $0x3  }
0x37: {  	[smem:$0x3FB8] =	sst s10  }
0x38: {  	s10 =	sld [smem:$0x3FB9]  }
0x39: {  	_ = 	snop;
	(pc) =	sbr.ind lr, $3  }
0x3a: {  	_ = 	snop  }
0x3b: {  	_ = 	snop  }
0x3c: {  	p2 =	seq.s32 s10, $0x1;
	s10 =	sld [smem:$0x3FB8]  }
0x3d: {  	_ =	shalt  }
0x3e: {  	_ =	shalt  }
0x3f: {  	_ =	shalt  }
0x40: {  	_ =	shalt  }
0x41: {  	_ =	shalt  }
0x42: {  	_ =	shalt  }
0x43: {  	_ =	shalt  }
0x44: {  	_ =	shalt  }
0x45: {  	_ =	shalt  }
0x46: {  	_ =	shalt  }
0x47: {  	_ =	shalt  }
0x48: {  	_ =	shalt  }
0x49: {  	_ =	shalt  }
0x4a: {  	_ =	shalt  }
0x4b: {  	_ =	shalt  }
0x4c: {  	_ =	shalt  }
0x4d: {  	_ =	shalt  }
0x4e: {  	_ =	shalt  }
0x4f: {  	_ =	shalt  }
0x50: {  	_ =	shalt  }
0x51: {  	_ =	shalt  }
0x52: {  	_ =	shalt  }
0x53: {  	_ =	shalt  }
0x54: {  	_ =	shalt  }
0x55: {  	_ =	shalt  }
0x56: {  	_ =	shalt  }
0x57: {  	_ =	shalt  }
0x58: {  	_ =	shalt  }
0x59: {  	_ =	shalt  }
0x5a: {  	_ =	shalt  }
0x5b: {  	_ =	shalt  }
0x5c: {  	_ =	shalt  }
0x5d: {  	_ =	shalt  }
0x5e: {  	_ =	shalt  }
0x5f: {  	_ =	shalt  }
0x60: {  	_ =	shalt  }
0x61: {  	_ =	shalt  }
0x62: {  	_ =	shalt  }
0x63: {  	_ =	shalt  }
0x64: {  	_ =	shalt  }
0x65: {  	_ =	shalt  }
0x66: {  	_ =	shalt  }
0x67: {  	_ =	shalt  }
0x68: {  	_ =	shalt  }
0x69: {  	_ =	shalt  }
0x6a: {  	_ =	shalt  }
0x6b: {  	_ =	shalt  }
0x6c: {  	_ =	shalt  }
0x6d: {  	_ =	shalt  }
0x6e: {  	_ =	shalt  }
0x6f: {  	_ =	shalt  }
0x70: {  	_ =	shalt  }
0x71: {  	_ =	shalt  }
0x72: {  	_ =	shalt  }
0x73: {  	_ =	shalt  }
0x74: {  	_ =	shalt  }
0x75: {  	_ =	shalt  }
0x76: {  	_ =	shalt  }
0x77: {  	_ =	shalt  }
0x78: {  	_ =	shalt  }
0x79: {  	_ =	shalt  }
0x7a: {  	_ =	shalt  }
0x7b: {  	_ =	shalt  }
0x7c: {  	_ =	shalt  }
0x7d: {  	_ =	shalt  }
0x7e: {  	_ =	shalt  }
0x7f: {  	_ =	shalt  }
0x80: {  	_ =	shalt  }
0x81: {  	_ =	shalt  }
0x82: {  	_ =	shalt  }
0x83: {  	_ =	shalt  }
0x84: {  	_ =	shalt  }
0x85: {  	_ =	shalt  }
0x86: {  	_ =	shalt  }
0x87: {  	_ =	shalt  }
.Lfunc_end0:
.L_simem_size_0:
called_computation.1_lowered:
.L_overlay_start_0:
0x88: {  	s2 =	sld [smem:$0x3FD9]  }
0x89: {  	s3 =	sld [smem:$0x3FFE];
	_ =	sdelay $0x1  }
0x8a: {  	s1 =	srdreg.scid  }
0x8b: {  	s0 =	sand.u32 $0x1, s1  }
0x8c: {  	s17 =	sshll.u32 s0, $0xA;
	s2 =	sadd.s32 s3, s2  }
0x8d: {  	s2 =	sadd.s32 s2, s17  }
0x8e: {  	[smem:$0x3FC4] =	sst s2  }
0x8f: {  	_ = 	snop  }
0x90: {  	s2 =	sld [smem:$0x3FC9]  }
0x91: {  	s18 =	sld [smem:$0x3FD0];
	(tm) =	ssettm $0x1  }
0x92: {  	s4 =	sld [smem:$0x3FFB];
	_ =	sdelay $0x3  }
0x93: {  	_ =	strace s4  }
0x94: {  	s4 =	sld [smem:$0x3FFC];
	_ =	sdelay $0x3  }
0x95: {  	_ =	strace s4  }
0x96: {  	s4 =	sld [smem:$0x3FFD];
	_ =	sdelay $0x3  }
0x97: {  	_ =	strace s4  }
0x98: {  	_ =	strace $0x8FFFFFFF  }
0x99: {  	s19 =	sld [smem:$0x3FDB];
	_ =	sdelay $0x1  }
0x9a: {  	s5 =	simm.s32 $_scs_section_size  }
0x9b: {  	s6 =	simm.s32 $_size__tile_overlayer_lowered;
	s7 =	simm.s32 $_tile_overlayer_lowered  }
0x9c: {  	s22 =	simm.s32 $0x1BFF;
	s21 =	sshll.u32 s7, $0x1;
	s4 =	sadd.s32 s5, s19  }
0x9d: {  	s8 =	simm.s32 $0x0;
	s20 =	sshll.u32 s6, $0x1;
	s6 =	sadd.s32 s21, s4  }
0x9e: {  	[timem:s8], [sflag:s22] =	dma.local [hbm:s6], s20  }
0x9f: {  	_ =	swait.ge [sflag:s22], s20  }
0xa0: {  	s5 =	ssub.s32 $0x0, s20;
	[sflag:s22] =	ssyncset.done $0x0  }
0xa1: {  	[sflag:s22] =	ssyncadd.s32 s5;
	_ =	sdelay $0x1  }
0xa2: {  	s23 =	simm.s32 $0x1B8B  }
0xa3: {  	_ =	swait.ge [sflag:s23], $0x1  }
0xa4: {  	[sflag:s23] =	ssyncset.done $0x0  }
0xa5: {  	s25 =	simm.s32 $0x1B8E;
	s24 =	sld [smem:$0x3FFE];
	[sflag:s23] =	ssyncadd.s32 $0xFFFFFFFF  }
0xa6: {  	s26 =	simm.s32 $execute0_lowered;
	[smem:$0x3FD2] =	sst s25  }
0xa7: {  	s6 =	sshll.u32 s26, $0x1;
	_ =	strace $0x80000049;
	[dreg:$0x1] =	wrdreg $0xFFFFFFFF  }
0xa8: {  	s28 =	simm.s32 $_size_execute0_lowered;
	s4 =	sadd.s32 s4, s6;
	[dreg:$0x0] =	wrdreg $0x0  }
0xa9: {  	s6 =	sshll.u32 s28, $0x1;
	[dreg:$0x2] =	wrdreg s4  }
0xaa: {  	[dreg:$0x3] =	wrdreg s6  }
0xab: {  	[dreg:$0x4] =	wrdreg $0xC0  }
0xac: {  	_ =	task [dreg:s8], $0x5FFFF  }
0xad: {  	[dreg:$0x1] =	wrdreg $0xFFFFFFFF  }
0xae: {  	[dreg:$0x0] =	wrdreg $0x60  }
0xaf: {  	[dreg:$0x2] =	wrdreg s24  }
0xb0: {  	[dreg:$0x3] =	wrdreg s2  }
0xb1: {  	[dreg:$0x4] =	wrdreg s18  }
0xb2: {  	[dreg:$0x5] =	wrdreg $0x9  }
0xb3: {  	_ =	task.clear_ibuf [dreg:s8], $0x6FFFF;
	_ =	strace $0x90000049  }
0xb4: {  	s29 =	simm.s32 $0x9;
	_ =	strace $0x8000004B  }
0xb5: {  	_ =	swait.ge [sflag:s29], $0x1  }
0xb6: {  	[sflag:s29] =	ssyncadd.s32 $0xFFFFFFFF  }
0xb7: {  	_ =	strace $0x9000004B  }
0xb8: {  	_ =	sfence  }
0xb9: {  	s30 =	sld [smem:$0x0];
	_ =	sdelay $0x2  }
0xba: {  	s31 =	sshll.u32 s1, $0xD;
	s1 =	sshrl.u32 s1, $0x2  }
0xbb: {  	s3 =	sand.u32 $0x4000, s31;
	s1 =	sadd.s32 s1, s30  }
0xbc: {  	s0 =	sor.u32 s3, s0;
	s1 =	sshll.u32 s1, $0x11  }
0xbd: {  	s0 =	sor.u32 s1, s0  }
0xbe: {  	s0 =	sadd.s32 $0x8F2B, s0  }
0xbf: {  	[sflag:s0] =	ssyncadd.remote.s32 $0x1  }
0xc0: {  	_ =	sfence.sel $0xFFFF  }
0xc1: {  	[dreg:$0x0] =	wrdreg $0xFFFFFFFF;
	(pc) =	sbr.abs _section_cstart, $3  }
0xc2: {  	[dreg:$0x1] =	wrdreg $0xFFFFFFFF  }
0xc3: {  	_ =	task.clear_ibuf [dreg:s8], $0x2FFFF;
	_ =	strace $0x9FFFFFFF  }
0xc4: {  	(tm) =	ssettm $0x7FFFFFFF  }
0xc5: {  	_ =	shalt  }
tec
execute0_lowered:
.L_overlay_start_1:
0x0: {  	(tag) =	ssettag $0x1  }
0x1: {  	s0 =	rddreg [dreg:$0x0]  }
0x2: {  	s1 =	rddreg [dreg:$0x1];
	s2 =	srdreg.scid  }
0x3: {  	s5 =	stileid.u32;
	s3 =	rddreg [dreg:$0x2]  }
0x4: {  	s13 =	simm.s32 $0x6;
	s19 =	simm.s32 $0x80;
	s10 =	simm.s32 $0x2A00  }
0x5: {  	s18 =	simm.s32 $0xBA00;
	s31 =	simm.s32 $0xEA00;
	s12 =	simm.s32 $0x3  }
0x6: {  	s29 =	simm.s32 $0x40;
	s14 =	simm.s32 $0x10A00;
	s15 =	simm.s32 $0x10C00  }
0x7: {  	s16 =	simm.s32 $0x20;
	s17 =	simm.s32 $0x10E20;
	s20 =	simm.s32 $0x2  }
0x8: {  	s4 =	sand.u32 $0x1, s2;
	s5 =	sshll.u32 s5, $0x1;
	s2 =	simm.s32 $0x0  }
0x9: {  	v0 =	vlaneseq.u32;
	s7 =	sadd.s32 $0x1D2400, s0;
	s5 =	sor.u32 s4, s5;
	[smem:$0x7FF] =	sst s2  }
0xa: {  	v5 =	vand.u32 $0x1, v0;
	v0 =	vmul.u32 $0x14, v0;
	s21 =	ssub.s32 $0x2, s4;
	s4 =	sadd.s32 $0x4BA00, s0;
	s6 =	smul.u32 $0x500, s5  }
0xb: {  	v2 =	vimm.s32 $0x0;
	v1 =	vmul.u32 $0x4, v5;
	_ =	strace $0x8000004A;
	[dreg:$0x4] =	wrdreg s7;
	s22 =	sshrl.u32 s21, $0x1  }
0xc: {  	v16 =	vmul.u32 $0xFFFFFFFC, v5;
	s8 =	sshll.u32 s5, $0x6;
	s24 =	sshll.u32 s5, $0xC;
	v3 =	vor.u32 $0x1, v0;
	v5 =	vor.u32 $0x2, v0;
	s7 =	simm.s32 $0x11220  }
0xd: {  	v7 =	vor.u32 $0x3, v0;
	v9 =	vadd.s32 $0x4, v0;
	v11 =	vadd.s32 $0x5, v0;
	s23 =	sadd.s32 s1, s8;
	s1 =	sadd.s32 s3, s24;
	s3 =	simm.s32 $0x0  }
0xe: {  	v13 =	vadd.s32 $0x6, v0;
	v15 =	vadd.s32 $0x7, v0;
	v17 =	vadd.s32 $0x8, v0;
	s6 =	sadd.s32 s6, s0;
	s0 =	ssub.s32 s21, s22;
	[dreg:$0x5] =	wrdreg s23  }
0xf: {  	v18 =	vadd.s32 $0x9, v0;
	v19 =	vadd.s32 $0xA, v0;
	v20 =	vadd.s32 $0xB, v0;
	s26 =	sadd.s32 $0x10, s23;
	s28 =	sadd.s32 $0x20, s23;
	[dreg:$0x8] =	wrdreg s1  }
.Ltmp0:
0x10: {  	v21 =	vadd.s32 $0xC, v0;
	v22 =	vadd.s32 $0xD, v0;
	v23 =	vadd.s32 $0xE, v0;
	s30 =	sadd.s32 $0x30, s23;
	[dreg:$0x7] =	wrdreg s26;
	(pc) =	sbr.rel .LBB2_1-.Ltmp0, $4  }
0x11: {  	v24 =	vadd.s32 $0xF, v0;
	v25 =	vadd.s32 $0x10, v0;
	v26 =	vadd.s32 $0x11, v0;
	s11 =	sadd.s32 $0x4, s1;
	s22 =	simm.s32 $0xCA00;
	[dreg:$0x9] =	wrdreg s28  }
0x12: {  	v27 =	vadd.s32 $0x12, v0;
	v28 =	vadd.s32 $0x13, v0;
	v4 =	vor.u32 $0x1, v1;
	s21 =	simm.s32 $0xFA00;
	s25 =	sadd.s32 $0x41A00, s6;
	[dreg:$0xa] =	wrdreg s30  }
0x13: {  	v6 =	vor.u32 $0x2, v1;
	v8 =	vor.u32 $0x3, v1;
	v10 =	vadd.s32 $0x4, v16;
	s0 =	smax.u32 s0, $0x1;
	s26 =	simm.s32 $0xDA00;
	[dreg:$0x6] =	wrdreg s25  }
0x14: {  	v12 =	vadd.s32 $0x5, v16;
	v14 =	vadd.s32 $0x6, v16;
	v16 =	vadd.s32 $0x7, v16;
	s6 =	simm.s32 $0x5;
	[dreg:$0xb] =	wrdreg s0;
	s0 =	simm.s32 $0x1  }
.LBB2_14:
0x15: {  	s1 =	simm.s32 $0x4  }
0x16: {  	_ =	swait.ge [sflag:s1], $0x400  }
0x17: {  	[sflag:s1] =	ssyncset.done $0x0  }
0x18: {  	[sflag:s1] =	ssyncadd.s32 $0xFFFFFC00  }
0x19: {  	_ =	swait.ge [sflag:s6], $0x400  }
0x1a: {  	[sflag:s6] =	ssyncset.done $0x0  }
0x1b: {  	s12 =	simm.s32 $0x3;
	[sflag:s6] =	ssyncadd.s32 $0xFFFFFC00  }
0x1c: {  	_ =	swait.ge [sflag:s12], $0x4000  }
0x1d: {  	s3 =	rddreg [dreg:$0xc]  }
0x1e: {  	s30 =	rddreg [dreg:$0xb];
	s3 =	sadd.s32 $0x1, s3  }
0x1f: {  	p0 =	sne.s32 s3, s30  }
.Ltmp1:
0x20: {  	_ = 	snop;
	(pc) =	sbr.rel @!p0 .LBB2_15-.Ltmp1, $3  }
0x21: {  	_ =	sdelay $0x1  }
0x22: {  	[sflag:s12] =	ssyncset.done $0x0  }
0x23: {  	s10 =	simm.s32 $0x2A00;
	[sflag:s12] =	ssyncadd.s32 $0xFFFFC000  }
.LBB2_1:
0x24: {  	[dreg:$0xc] =	wrdreg s3  }
0x25: {  	s1 =	rddreg [dreg:$0x6]  }
0x26: {  	[tilespmem:s2], [sflag:$0x6] =	stream.linear.gather [hbm4b:s1+s2], $0x2800, $0x38;
	[tilespmem:$0x11620] =	vst v63  }
0x27: {  	_ =	swait.ge [sflag:s13], $0x2800  }
0x28: {  	[sflag:s13] =	ssyncset.done $0x0  }
0x29: {  	s30 =	simm.s32 $0x2800;
	s28 =	rddreg [dreg:$0x5];
	[sflag:s13] =	ssyncadd.s32 $0xFFFFD800  }
0x2a: {  	[tilespmem:s30], [sflag:$0x6] =	stream.linear.gather [hbm4b:s28+s2], $0x80, $0x38;
	[tilespmem:$0x11620] =	vst v63  }
0x2b: {  	_ =	swait.ge [sflag:s13], $0x80  }
0x2c: {  	[sflag:s13] =	ssyncset.done $0x0  }
0x2d: {  	s5 =	simm.s32 $0x2880;
	s9 =	rddreg [dreg:$0x7];
	[sflag:s13] =	ssyncadd.s32 $0xFFFFFF80  }
0x2e: {  	[tilespmem:s5], [sflag:$0x6] =	stream.linear.gather [hbm4b:s9+s2], $0x80, $0x38;
	[tilespmem:$0x11620] =	vst v63  }
0x2f: {  	_ =	swait.ge [sflag:s13], $0x80  }
0x30: {  	[sflag:s13] =	ssyncset.done $0x0  }
0x31: {  	s8 =	simm.s32 $0x2900;
	s23 =	rddreg [dreg:$0x9];
	[sflag:s13] =	ssyncadd.s32 $0xFFFFFF80  }
0x32: {  	[tilespmem:s8], [sflag:$0x6] =	stream.linear.gather [hbm4b:s23+s2], $0x80, $0x38;
	[tilespmem:$0x11620] =	vst v63  }
0x33: {  	_ =	swait.ge [sflag:s13], $0x80  }
0x34: {  	[sflag:s13] =	ssyncset.done $0x0  }
0x35: {  	s9 =	simm.s32 $0x2980;
	s24 =	rddreg [dreg:$0xa];
	[sflag:s13] =	ssyncadd.s32 $0xFFFFFF80  }
0x36: {  	[tilespmem:s9], [sflag:$0x6] =	stream.linear.gather [hbm4b:s24+s2], $0x80, $0x38;
	[tilespmem:$0x11620] =	vst v63  }
0x37: {  	_ =	swait.ge [sflag:s13], $0x80  }
0x38: {  	[sflag:s13] =	ssyncset.done $0x0  }
0x39: {  	s25 =	simm.s32 $0x10E00;
	[sflag:s13] =	ssyncadd.s32 $0xFFFFFF80  }
0x3a: {  	[tilespmem:s25], [sflag:$0x6] =	stream.linear.gather [hbm4b:s4+s2], $0x20, $0x38;
	[tilespmem:$0x11620] =	vst v63  }
0x3b: {  	_ =	swait.ge [sflag:s13], $0x20  }
0x3c: {  	[sflag:s13] =	ssyncset.done $0x0  }
0x3d: {  	s28 =	rddreg [dreg:$0x4];
	[sflag:s13] =	ssyncadd.s32 $0xFFFFFFE0  }
0x3e: {  	[tilespmem:s10], [sflag:$0x3] =	stream.indirect.gather [hbm4b:s28+s19], $0x20, s30, s19, $0xb8;
	[tilespmem:$0x11620] =	vst v63  }
0x3f: {  	s30 =	simm.s32 $0x3A00  }
0x40: {  	[tilespmem:s30], [sflag:$0x3] =	stream.indirect.gather [hbm4b:s28+s19], $0x20, s5, s19, $0xb8;
	[tilespmem:$0x11620] =	vst v63  }
0x41: {  	s5 =	simm.s32 $0x4A00  }
0x42: {  	[tilespmem:s5], [sflag:$0x3] =	stream.indirect.gather [hbm4b:s28+s19], $0x20, s8, s19, $0xb8;
	[tilespmem:$0x11620] =	vst v63  }
0x43: {  	s8 =	simm.s32 $0x5A00  }
0x44: {  	[tilespmem:s8], [sflag:$0x3] =	stream.indirect.gather [hbm4b:s28+s19], $0x20, s9, s19, $0xb8;
	[tilespmem:$0x11620] =	vst v63  }
0x45: {  	s9 =	simm.s32 $0x6A00  }
0x46: {  	[tilespmem:s9], [sflag:$0x1] =	stream.indirect.gather [hbm4b:s4+s19], $0x20, s2, s19, $0xb8;
	[tilespmem:$0x11620] =	vst v63  }
0x47: {  	s23 =	simm.s32 $0x7A00  }
0x48: {  	[tilespmem:s23], [sflag:$0x1] =	stream.indirect.gather [hbm4b:s4+s19], $0x20, s19, s19, $0xb8;
	[tilespmem:$0x11620] =	vst v63  }
0x49: {  	s24 =	simm.s32 $0x100;
	s25 =	simm.s32 $0x8A00  }
0x4a: {  	[tilespmem:s25], [sflag:$0x1] =	stream.indirect.gather [hbm4b:s4+s19], $0x20, s24, s19, $0xb8;
	[tilespmem:$0x11620] =	vst v63  }
0x4b: {  	s30 =	simm.s32 $0x9A00;
	s28 =	simm.s32 $0x180  }
0x4c: {  	[tilespmem:s30], [sflag:$0x1] =	stream.indirect.gather [hbm4b:s4+s19], $0x20, s28, s19, $0xb8;
	[tilespmem:$0x11620] =	vst v63  }
0x4d: {  	v29 =	vmov s2;
	s3 =	simm.s32 $0x200;
	s5 =	simm.s32 $0xAA00  }
0x4e: {  	v29 =	vmul.u32 $0x14, v29;
	[tilespmem:s5], [sflag:$0x1] =	stream.indirect.gather [hbm4b:s4+s19], $0x20, s3, s19, $0xb8;
	[tilespmem:$0x11620] =	vst v63  }
0x4f: {  	s8 =	simm.s32 $0x280  }
0x50: {  	v29 =	vbroadcast v29, $0x0;
	[tilespmem:s18], [sflag:$0x2] =	stream.indirect.gather [hbm4b:s4+s19], $0x20, s8, s19, $0xb8;
	[tilespmem:$0x11620] =	vst v63  }
0x51: {  	s9 =	simm.s32 $0x300  }
0x52: {  	v30 =	vadd.s32 v3, v29;
	[tilespmem:s22], [sflag:$0x2] =	stream.indirect.gather [hbm4b:s4+s19], $0x20, s9, s19, $0xb8;
	[tilespmem:$0x11620] =	vst v63  }
0x53: {  	v31 =	vadd.s32 v0, v29;
	v30 =	vand.u32 $0xFFFFFFF8, v30;
	s23 =	simm.s32 $0x380  }
0x54: {  	v31 =	vand.u32 $0xFFFFFFF8, v31;
	v30 =	vor.u32 v4, v30;
	[tilespmem:s26], [sflag:$0x2] =	stream.indirect.gather [hbm4b:s4+s19], $0x20, s23, s19, $0xb8;
	[tilespmem:$0x11620] =	vst v63  }
0x55: {  	v32 =	vadd.s32 v5, v29;
	v31 =	vor.u32 v1, v31;
	s24 =	simm.s32 $0x400  }
0x56: {  	v32 =	vand.u32 $0xFFFFFFF8, v32;
	[tilespmem:s31], [sflag:$0x2] =	stream.indirect.gather [hbm4b:s4+s19], $0x20, s24, s19, $0xb8;
	[tilespmem:$0x11620] =	vst v63  }
0x57: {  	v33 =	vadd.s32 v7, v29;
	v32 =	vor.u32 v6, v32;
	s25 =	simm.s32 $0x480  }
0x58: {  	v33 =	vand.u32 $0xFFFFFFF8, v33;
	[tilespmem:s21], [sflag:$0x2] =	stream.indirect.gather [hbm4b:s4+s19], $0x20, s25, s19, $0xb8;
	[tilespmem:$0x11620] =	vst v63  }
0x59: {  	v34 =	vadd.s32 v9, v29;
	v33 =	vor.u32 v8, v33;
	v30 =	vld.idx.msk [tilespmem:v30+s2+$0x0], $0xffff  }
0x5a: {  	v34 =	vand.u32 $0xFFFFFFF8, v34;
	v31 =	vld.idx.msk [tilespmem:v31+s2+$0x0], $0xffff  }
0x5b: {  	v35 =	vadd.s32 v11, v29;
	v34 =	vor.u32 v10, v34  }
0x5c: {  	v35 =	vand.u32 $0xFFFFFFF8, v35;
	v32 =	vld.idx.msk [tilespmem:v32+s2+$0x0], $0xffff  }
0x5d: {  	v36 =	vadd.s32 v13, v29;
	v35 =	vor.u32 v12, v35  }
0x5e: {  	v37 =	vadd.s32 v15, v29;
	v38 =	vadd.s32 v17, v29;
	v36 =	vand.u32 $0xFFFFFFF8, v36;
	v33 =	vld.idx.msk [tilespmem:v33+s2+$0x0], $0xffff  }
0x5f: {  	v36 =	vor.u32 v14, v36;
	vm0 =	vne.s32 v31, $0x0;
	vm1 =	vne.s32 v30, $0x0  }
0x60: {  	v30 =	vand.u32 $0xFFFFFFF8, v37;
	v31 =	vld.idx.msk [tilespmem:v34+s2+$0x0], $0xffff;
	v56 =	vsel vm0, $0x3F800000, v2;
	v57 =	vsel vm1, $0x3F800000, v2  }
0x61: {  	vm14 =	vne.s32 v32, $0x0;
	v30 =	vor.u32 v16, v30;
	v34 =	vadd.f32 v57, v56  }
0x62: {  	v60 =	vadd.s32 v18, v29;
	v58 =	vand.u32 $0xFFFFFFF8, v38;
	v35 =	vld.idx.msk [tilespmem:v35+s2+$0x0], $0xffff;
	v59 =	vsel vm14, $0x3F800000, v2  }
0x63: {  	v32 =	vor.u32 v1, v58;
	vm15 =	vne.s32 v33, $0x0;
	v34 =	vadd.f32 v59, v34  }
0x64: {  	v63 =	vadd.s32 v19, v29;
	v61 =	vand.u32 $0xFFFFFFF8, v60;
	v36 =	vld.idx.msk [tilespmem:v36+s2+$0x0], $0xffff;
	v62 =	vsel vm15, $0x3F800000, v2  }
0x65: {  	v33 =	vor.u32 v4, v61;
	vm4 =	vne.s32 v31, $0x0;
	v34 =	vadd.f32 v62, v34  }
0x66: {  	v41 =	vadd.s32 v20, v29;
	v31 =	vand.u32 $0xFFFFFFF8, v63;
	v30 =	vld.idx.msk [tilespmem:v30+s2+$0x0], $0xffff;
	v40 =	vsel vm4, $0x3F800000, v2  }
0x67: {  	vm5 =	vne.s32 v35, $0x0;
	v31 =	vor.u32 v6, v31;
	v34 =	vadd.f32 v40, v34  }
0x68: {  	v44 =	vadd.s32 v21, v29;
	v42 =	vand.u32 $0xFFFFFFF8, v41;
	v43 =	vsel vm5, $0x3F800000, v2;
	v32 =	vld.idx.msk [tilespmem:v32+s2+$0x0], $0xffff  }
0x69: {  	v35 =	vor.u32 v8, v42;
	vm6 =	vne.s32 v36, $0x0;
	v34 =	vadd.f32 v43, v34  }
0x6a: {  	v47 =	vadd.s32 v22, v29;
	v45 =	vand.u32 $0xFFFFFFF8, v44;
	v46 =	vsel vm6, $0x3F800000, v2;
	v33 =	vld.idx.msk [tilespmem:v33+s2+$0x0], $0xffff  }
0x6b: {  	v36 =	vor.u32 v10, v45;
	vm7 =	vne.s32 v30, $0x0;
	v34 =	vadd.f32 v46, v34  }
0x6c: {  	v49 =	vadd.s32 v23, v29;
	v30 =	vand.u32 $0xFFFFFFF8, v47;
	v31 =	vld.idx.msk [tilespmem:v31+s2+$0x0], $0xffff;
	v48 =	vsel vm7, $0x3F800000, v2  }
0x6d: {  	vm8 =	vne.s32 v32, $0x0;
	v30 =	vor.u32 v12, v30;
	v34 =	vadd.f32 v48, v34  }
0x6e: {  	v52 =	vadd.s32 v24, v29;
	v50 =	vand.u32 $0xFFFFFFF8, v49;
	v35 =	vld.idx.msk [tilespmem:v35+s2+$0x0], $0xffff;
	v51 =	vsel vm8, $0x3F800000, v2  }
0x6f: {  	v32 =	vor.u32 v14, v50;
	vm9 =	vne.s32 v33, $0x0;
	v34 =	vadd.f32 v51, v34  }
0x70: {  	v55 =	vadd.s32 v25, v29;
	v53 =	vand.u32 $0xFFFFFFF8, v52;
	v36 =	vld.idx.msk [tilespmem:v36+s2+$0x0], $0xffff;
	v54 =	vsel vm9, $0x3F800000, v2  }
0x71: {  	v33 =	vor.u32 v16, v53;
	vm10 =	vne.s32 v31, $0x0;
	v34 =	vadd.f32 v54, v34  }
0x72: {  	v57 =	vadd.s32 v26, v29;
	v31 =	vand.u32 $0xFFFFFFF8, v55;
	v30 =	vld.idx.msk [tilespmem:v30+s2+$0x0], $0xffff;
	v56 =	vsel vm10, $0x3F800000, v2  }
0x73: {  	vm11 =	vne.s32 v35, $0x0;
	v31 =	vor.u32 v1, v31;
	v34 =	vadd.f32 v56, v34  }
0x74: {  	v60 =	vadd.s32 v27, v29;
	v58 =	vand.u32 $0xFFFFFFF8, v57;
	v59 =	vsel vm11, $0x3F800000, v2;
	v32 =	vld.idx.msk [tilespmem:v32+s2+$0x0], $0xffff  }
0x75: {  	v35 =	vor.u32 v4, v58;
	vm12 =	vne.s32 v36, $0x0;
	v34 =	vadd.f32 v59, v34  }
0x76: {  	v61 =	vand.u32 $0xFFFFFFF8, v60;
	v29 =	vadd.s32 v28, v29;
	v62 =	vsel vm12, $0x3F800000, v2;
	v33 =	vld.idx.msk [tilespmem:v33+s2+$0x0], $0xffff  }
0x77: {  	v36 =	vor.u32 v6, v61;
	vm13 =	vne.s32 v30, $0x0;
	v34 =	vadd.f32 v62, v34  }
0x78: {  	v29 =	vand.u32 $0xFFFFFFF8, v29;
	v30 =	vld.idx.msk [tilespmem:v31+s2+$0x0], $0xffff;
	v31 =	vsel vm13, $0x3F800000, v2  }
0x79: {  	v29 =	vor.u32 v8, v29;
	vm14 =	vne.s32 v32, $0x0;
	v31 =	vadd.f32 v31, v34  }
0x7a: {  	v63 =	vld.idx.msk [tilespmem:v35+s2+$0x0], $0xffff;
	v37 =	vsel vm14, $0x3F800000, v2  }
0x7b: {  	vm15 =	vne.s32 v33, $0x0;
	v31 =	vadd.f32 v37, v31  }
0x7c: {  	v38 =	vld.idx.msk [tilespmem:v36+s2+$0x0], $0xffff;
	v39 =	vsel vm15, $0x3F800000, v2  }
0x7d: {  	vm4 =	vne.s32 v30, $0x0;
	v31 =	vadd.f32 v39, v31  }
0x7e: {  	v29 =	vld.idx.msk [tilespmem:v29+s2+$0x0], $0xffff;
	v30 =	vsel vm4, $0x3F800000, v2  }
0x7f: {  	vm5 =	vne.s32 v63, $0x0;
	v30 =	vadd.f32 v30, v31  }
0x80: {  	v31 =	vsel vm5, $0x3F800000, v2  }
0x81: {  	vm6 =	vne.s32 v38, $0x0;
	v30 =	vadd.f32 v31, v30  }
0x82: {  	v31 =	vsel vm6, $0x3F800000, v2  }
0x83: {  	vm7 =	vne.s32 v29, $0x0;
	v30 =	vadd.f32 v31, v30  }
0x84: {  	v29 =	vsel vm7, $0x3F800000, v2  }
0x85: {  	v29 =	vadd.f32 v29, v30;
	_ =	sdelay $0x1  }
0x86: {  	s28 =	simm.s32 $0x10;
	v30 =	vmax.f32 v29, $1.000000000e+00  }
0x87: {  	v31 =	vmov s28;
	(erf) = vrcp.f32 v30  }
0x88: {  	v30 =	vmul.u32 $0x14, v31;
	_ =	sdelay $0x1  }
0x89: {  	v30 =	vbroadcast v30, $0x0;
	_ =	sdelay $0x1  }
0x8a: {  	v31 =	vadd.s32 v3, v30  }
0x8b: {  	v40 =	vadd.s32 v0, v30;
	v31 =	vand.u32 $0xFFFFFFF8, v31  }
0x8c: {  	v32 =	vand.u32 $0xFFFFFFF8, v40;
	v31 =	vor.u32 v4, v31  }
0x8d: {  	v41 =	vadd.s32 v5, v30;
	v32 =	vor.u32 v1, v32  }
0x8e: {  	v29 =	vsub.f32 $2.000000000e+01, v29;
	v33 =	vand.u32 $0xFFFFFFF8, v41;
	v42 =	vpop (erf)  }
0x8f: {  	v43 =	vadd.s32 v7, v30;
	v33 =	vor.u32 v6, v33;
	[tilespmem:s14+$0x0] =	vst v42  }
0x90: {  	v44 =	vand.u32 $0xFFFFFFF8, v43;
	[tilespmem:s15+$0x0] =	vst v29  }
0x91: {  	v45 =	vadd.s32 v9, v30;
	v29 =	vld.idx.msk [tilespmem:v31+s2+$0x0], $0xffff;
	v31 =	vor.u32 v8, v44  }
0x92: {  	v34 =	vand.u32 $0xFFFFFFF8, v45;
	v32 =	vld.idx.msk [tilespmem:v32+s2+$0x0], $0xffff  }
0x93: {  	v46 =	vadd.s32 v11, v30;
	v34 =	vor.u32 v10, v34  }
0x94: {  	v35 =	vand.u32 $0xFFFFFFF8, v46;
	v33 =	vld.idx.msk [tilespmem:v33+s2+$0x0], $0xffff  }
0x95: {  	v47 =	vadd.s32 v13, v30;
	v35 =	vor.u32 v12, v35  }
0x96: {  	v48 =	vadd.s32 v15, v30;
	v49 =	vadd.s32 v17, v30;
	v36 =	vand.u32 $0xFFFFFFF8, v47;
	v31 =	vld.idx.msk [tilespmem:v31+s2+$0x0], $0xffff  }
0x97: {  	v36 =	vor.u32 v14, v36;
	vm8 =	vne.s32 v32, $0x0;
	vm9 =	vne.s32 v29, $0x0  }
0x98: {  	v50 =	vld.idx.msk [tilespmem:v34+s2+$0x0], $0xffff;
	v29 =	vand.u32 $0xFFFFFFF8, v48;
	v51 =	vsel vm8, $0x3F800000, v2;
	v52 =	vsel vm9, $0x3F800000, v2  }
0x99: {  	vm10 =	vne.s32 v33, $0x0;
	v29 =	vor.u32 v16, v29;
	v34 =	vadd.f32 v52, v51  }
0x9a: {  	v55 =	vadd.s32 v18, v30;
	v53 =	vand.u32 $0xFFFFFFF8, v49;
	v35 =	vld.idx.msk [tilespmem:v35+s2+$0x0], $0xffff;
	v54 =	vsel vm10, $0x3F800000, v2  }
0x9b: {  	v33 =	vor.u32 v1, v53;
	v34 =	vadd.f32 v54, v34;
	vm11 =	vne.s32 v31, $0x0  }
0x9c: {  	v57 =	vadd.s32 v19, v30;
	v36 =	vld.idx.msk [tilespmem:v36+s2+$0x0], $0xffff;
	v31 =	vand.u32 $0xFFFFFFF8, v55;
	v56 =	vsel vm11, $0x3F800000, v2  }
0x9d: {  	vm12 =	vne.s32 v50, $0x0;
	v31 =	vor.u32 v4, v31;
	v34 =	vadd.f32 v56, v34  }
0x9e: {  	v60 =	vadd.s32 v20, v30;
	v58 =	vand.u32 $0xFFFFFFF8, v57;
	v59 =	vsel vm12, $0x3F800000, v2;
	v29 =	vld.idx.msk [tilespmem:v29+s2+$0x0], $0xffff  }
0x9f: {  	v32 =	vor.u32 v6, v58;
	vm13 =	vne.s32 v35, $0x0;
	v34 =	vadd.f32 v59, v34  }
0xa0: {  	v63 =	vadd.s32 v21, v30;
	v61 =	vand.u32 $0xFFFFFFF8, v60;
	v62 =	vsel vm13, $0x3F800000, v2;
	v33 =	vld.idx.msk [tilespmem:v33+s2+$0x0], $0xffff  }
0xa1: {  	v35 =	vor.u32 v8, v61;
	vm14 =	vne.s32 v36, $0x0;
	v34 =	vadd.f32 v62, v34  }
0xa2: {  	v40 =	vand.u32 $0xFFFFFFF8, v63;
	v42 =	vadd.s32 v22, v30;
	v41 =	vsel vm14, $0x3F800000, v2;
	v31 =	vld.idx.msk [tilespmem:v31+s2+$0x0], $0xffff  }
0xa3: {  	v36 =	vor.u32 v10, v40;
	vm15 =	vne.s32 v29, $0x0;
	v34 =	vadd.f32 v41, v34  }
0xa4: {  	v44 =	vadd.s32 v23, v30;
	v32 =	vld.idx.msk [tilespmem:v32+s2+$0x0], $0xffff;
	v29 =	vand.u32 $0xFFFFFFF8, v42;
	v43 =	vsel vm15, $0x3F800000, v2  }
0xa5: {  	vm4 =	vne.s32 v33, $0x0;
	v29 =	vor.u32 v12, v29;
	v34 =	vadd.f32 v43, v34  }
0xa6: {  	v47 =	vadd.s32 v24, v30;
	v45 =	vand.u32 $0xFFFFFFF8, v44;
	v35 =	vld.idx.msk [tilespmem:v35+s2+$0x0], $0xffff;
	v46 =	vsel vm4, $0x3F800000, v2  }
0xa7: {  	v33 =	vor.u32 v14, v45;
	vm5 =	vne.s32 v31, $0x0;
	v34 =	vadd.f32 v46, v34  }
0xa8: {  	v49 =	vadd.s32 v25, v30;
	v36 =	vld.idx.msk [tilespmem:v36+s2+$0x0], $0xffff;
	v31 =	vand.u32 $0xFFFFFFF8, v47;
	v48 =	vsel vm5, $0x3F800000, v2  }
0xa9: {  	vm6 =	vne.s32 v32, $0x0;
	v31 =	vor.u32 v16, v31;
	v34 =	vadd.f32 v48, v34  }
0xaa: {  	v50 =	vand.u32 $0xFFFFFFF8, v49;
	v52 =	vadd.s32 v26, v30;
	v51 =	vsel vm6, $0x3F800000, v2;
	v29 =	vld.idx.msk [tilespmem:v29+s2+$0x0], $0xffff  }
0xab: {  	v32 =	vor.u32 v1, v50;
	vm7 =	vne.s32 v35, $0x0;
	v34 =	vadd.f32 v51, v34  }
0xac: {  	v53 =	vand.u32 $0xFFFFFFF8, v52;
	v55 =	vadd.s32 v27, v30;
	v54 =	vsel vm7, $0x3F800000, v2;
	v33 =	vld.idx.msk [tilespmem:v33+s2+$0x0], $0xffff  }
0xad: {  	v35 =	vor.u32 v4, v53;
	vm8 =	vne.s32 v36, $0x0;
	v34 =	vadd.f32 v54, v34  }
0xae: {  	v30 =	vadd.s32 v28, v30;
	v56 =	vand.u32 $0xFFFFFFF8, v55;
	v57 =	vsel vm8, $0x3F800000, v2;
	v31 =	vld.idx.msk [tilespmem:v31+s2+$0x0], $0xffff  }
0xaf: {  	v36 =	vor.u32 v6, v56;
	vm9 =	vne.s32 v29, $0x0;
	v34 =	vadd.f32 v57, v34  }
0xb0: {  	v30 =	vand.u32 $0xFFFFFFF8, v30;
	v29 =	vld.idx.msk [tilespmem:v32+s2+$0x0], $0xffff;
	v58 =	vsel vm9, $0x3F800000, v2  }
0xb1: {  	v30 =	vor.u32 v8, v30;
	vm10 =	vne.s32 v33, $0x0;
	v32 =	vadd.f32 v58, v34  }
0xb2: {  	v59 =	vld.idx.msk [tilespmem:v35+s2+$0x0], $0xffff;
	v60 =	vsel vm10, $0x3F800000, v2  }
0xb3: {  	vm11 =	vne.s32 v31, $0x0;
	v32 =	vadd.f32 v60, v32  }
0xb4: {  	v31 =	vld.idx.msk [tilespmem:v36+s2+$0x0], $0xffff;
	v61 =	vsel vm11, $0x3F800000, v2  }
0xb5: {  	vm12 =	vne.s32 v29, $0x0;
	v32 =	vadd.f32 v61, v32  }
0xb6: {  	v29 =	vld.idx.msk [tilespmem:v30+s2+$0x0], $0xffff;
	v30 =	vsel vm12, $0x3F800000, v2  }
0xb7: {  	vm13 =	vne.s32 v59, $0x0;
	v30 =	vadd.f32 v30, v32  }
0xb8: {  	v62 =	vsel vm13, $0x3F800000, v2  }
0xb9: {  	vm14 =	vne.s32 v31, $0x0;
	v30 =	vadd.f32 v62, v30  }
0xba: {  	v31 =	vsel vm14, $0x3F800000, v2  }
0xbb: {  	vm15 =	vne.s32 v29, $0x0;
	v30 =	vadd.f32 v31, v30  }
0xbc: {  	v29 =	vsel vm15, $0x3F800000, v2  }
0xbd: {  	v29 =	vadd.f32 v29, v30;
	_ =	sdelay $0x1  }
0xbe: {  	s30 =	simm.s32 $0x20;
	v31 =	vmax.f32 v29, $1.000000000e+00  }
0xbf: {  	v63 =	vmov s30;
	(erf) = vrcp.f32 v31  }
0xc0: {  	v30 =	vsub.f32 $2.000000000e+01, v29;
	v29 =	vmul.u32 $0x14, v63  }
0xc1: {  	s5 =	simm.s32 $0x10A00;
	s3 =	simm.s32 $0x10C00;
	s8 =	simm.s32 $0x30  }
.LBB2_2:
0xc2: {  	p0 =	sne.s32 s8, $0x1F0;
	v29 =	vbroadcast v29, $0x0;
	_ =	sdelay $0x1  }
0xc3: {  	v31 =	vadd.s32 v3, v29  }
0xc4: {  	v32 =	vadd.s32 v0, v29;
	v31 =	vand.u32 $0xFFFFFFF8, v31  }
0xc5: {  	v32 =	vand.u32 $0xFFFFFFF8, v32;
	v31 =	vor.u32 v4, v31  }
0xc6: {  	v33 =	vadd.s32 v5, v29;
	v32 =	vor.u32 v1, v32  }
0xc7: {  	s5 =	sadd.s32 $0x10, s5;
	v33 =	vand.u32 $0xFFFFFFF8, v33;
	v34 =	vpop (erf)  }
0xc8: {  	s3 =	sadd.s32 $0x10, s3;
	v35 =	vadd.s32 v7, v29;
	v33 =	vor.u32 v6, v33;
	[tilespmem:s5+$0x0] =	vst v34  }
0xc9: {  	v34 =	vand.u32 $0xFFFFFFF8, v35;
	[tilespmem:s3+$0x0] =	vst v30  }
0xca: {  	v30 =	vld.idx.msk [tilespmem:v31+s2+$0x0], $0xffff;
	v31 =	vor.u32 v8, v34;
	v34 =	vadd.s32 v9, v29  }
0xcb: {  	v32 =	vld.idx.msk [tilespmem:v32+s2+$0x0], $0xffff;
	v34 =	vand.u32 $0xFFFFFFF8, v34  }
0xcc: {  	v35 =	vadd.s32 v11, v29;
	v34 =	vor.u32 v10, v34  }
0xcd: {  	v35 =	vand.u32 $0xFFFFFFF8, v35;
	v33 =	vld.idx.msk [tilespmem:v33+s2+$0x0], $0xffff  }
0xce: {  	v36 =	vadd.s32 v13, v29;
	v35 =	vor.u32 v12, v35  }
0xcf: {  	v36 =	vand.u32 $0xFFFFFFF8, v36;
	v31 =	vld.idx.msk [tilespmem:v31+s2+$0x0], $0xffff  }
0xd0: {  	v37 =	vadd.s32 v15, v29;
	v38 =	vadd.s32 v17, v29;
	v36 =	vor.u32 v14, v36  }
0xd1: {  	vm1 =	vne.s32 v30, $0x0;
	vm0 =	vne.s32 v32, $0x0;
	v32 =	vand.u32 $0xFFFFFFF8, v37;
	v30 =	vld.idx.msk [tilespmem:v34+s2+$0x0], $0xffff  }
0xd2: {  	v37 =	vsel vm1, $0x3F800000, v2;
	v34 =	vsel vm0, $0x3F800000, v2;
	v32 =	vor.u32 v16, v32  }
0xd3: {  	v34 =	vadd.f32 v37, v34;
	vm0 =	vne.s32 v33, $0x0;
	v33 =	vld.idx.msk [tilespmem:v35+s2+$0x0], $0xffff;
	v35 =	vand.u32 $0xFFFFFFF8, v38  }
0xd4: {  	v37 =	vsel vm0, $0x3F800000, v2;
	v38 =	vadd.s32 v18, v29;
	v35 =	vor.u32 v1, v35  }
0xd5: {  	v34 =	vadd.f32 v37, v34;
	vm0 =	vne.s32 v31, $0x0;
	v31 =	vld.idx.msk [tilespmem:v36+s2+$0x0], $0xffff;
	v36 =	vand.u32 $0xFFFFFFF8, v38  }
0xd6: {  	v37 =	vsel vm0, $0x3F800000, v2;
	v38 =	vadd.s32 v19, v29;
	v36 =	vor.u32 v4, v36  }
0xd7: {  	v34 =	vadd.f32 v37, v34;
	vm0 =	vne.s32 v30, $0x0;
	v30 =	vld.idx.msk [tilespmem:v32+s2+$0x0], $0xffff;
	v32 =	vand.u32 $0xFFFFFFF8, v38  }
0xd8: {  	v37 =	vsel vm0, $0x3F800000, v2;
	v38 =	vadd.s32 v20, v29;
	v32 =	vor.u32 v6, v32  }
0xd9: {  	v34 =	vadd.f32 v37, v34;
	vm0 =	vne.s32 v33, $0x0;
	v33 =	vld.idx.msk [tilespmem:v35+s2+$0x0], $0xffff;
	v35 =	vand.u32 $0xFFFFFFF8, v38  }
0xda: {  	v37 =	vsel vm0, $0x3F800000, v2;
	v38 =	vadd.s32 v21, v29;
	v35 =	vor.u32 v8, v35  }
0xdb: {  	v34 =	vadd.f32 v37, v34;
	vm0 =	vne.s32 v31, $0x0;
	v31 =	vld.idx.msk [tilespmem:v36+s2+$0x0], $0xffff;
	v36 =	vand.u32 $0xFFFFFFF8, v38  }
0xdc: {  	v37 =	vsel vm0, $0x3F800000, v2;
	v38 =	vadd.s32 v22, v29;
	v36 =	vor.u32 v10, v36  }
0xdd: {  	v34 =	vadd.f32 v37, v34;
	vm0 =	vne.s32 v30, $0x0;
	v30 =	vld.idx.msk [tilespmem:v32+s2+$0x0], $0xffff;
	v32 =	vand.u32 $0xFFFFFFF8, v38  }
0xde: {  	v37 =	vsel vm0, $0x3F800000, v2;
	v38 =	vadd.s32 v23, v29;
	v32 =	vor.u32 v12, v32  }
0xdf: {  	v34 =	vadd.f32 v37, v34;
	vm0 =	vne.s32 v33, $0x0;
	v33 =	vld.idx.msk [tilespmem:v35+s2+$0x0], $0xffff;
	v35 =	vand.u32 $0xFFFFFFF8, v38  }
0xe0: {  	v37 =	vsel vm0, $0x3F800000, v2;
	v38 =	vadd.s32 v24, v29;
	v35 =	vor.u32 v14, v35  }
0xe1: {  	v34 =	vadd.f32 v37, v34;
	vm0 =	vne.s32 v31, $0x0;
	v31 =	vld.idx.msk [tilespmem:v36+s2+$0x0], $0xffff;
	v36 =	vand.u32 $0xFFFFFFF8, v38  }
0xe2: {  	v37 =	vsel vm0, $0x3F800000, v2;
	v38 =	vadd.s32 v25, v29;
	v36 =	vor.u32 v16, v36  }
0xe3: {  	v34 =	vadd.f32 v37, v34;
	vm0 =	vne.s32 v30, $0x0;
	v30 =	vld.idx.msk [tilespmem:v32+s2+$0x0], $0xffff;
	v32 =	vand.u32 $0xFFFFFFF8, v38  }
0xe4: {  	v37 =	vsel vm0, $0x3F800000, v2;
	v38 =	vadd.s32 v26, v29;
	v32 =	vor.u32 v1, v32  }
0xe5: {  	v34 =	vadd.f32 v37, v34;
	vm0 =	vne.s32 v33, $0x0;
	v33 =	vld.idx.msk [tilespmem:v35+s2+$0x0], $0xffff;
	v35 =	vand.u32 $0xFFFFFFF8, v38  }
0xe6: {  	v37 =	vsel vm0, $0x3F800000, v2;
	v38 =	vadd.s32 v27, v29;
	v35 =	vor.u32 v4, v35  }
0xe7: {  	v34 =	vadd.f32 v37, v34;
	vm0 =	vne.s32 v31, $0x0;
	v31 =	vld.idx.msk [tilespmem:v36+s2+$0x0], $0xffff;
	v36 =	vand.u32 $0xFFFFFFF8, v38  }
0xe8: {  	v29 =	vadd.s32 v28, v29;
	v37 =	vsel vm0, $0x3F800000, v2;
	v36 =	vor.u32 v6, v36  }
0xe9: {  	v29 =	vand.u32 $0xFFFFFFF8, v29;
	v34 =	vadd.f32 v37, v34;
	vm0 =	vne.s32 v30, $0x0;
	v30 =	vld.idx.msk [tilespmem:v32+s2+$0x0], $0xffff  }
0xea: {  	v29 =	vor.u32 v8, v29;
	v32 =	vsel vm0, $0x3F800000, v2  }
0xeb: {  	v32 =	vadd.f32 v32, v34;
	vm0 =	vne.s32 v33, $0x0;
	v33 =	vld.idx.msk [tilespmem:v35+s2+$0x0], $0xffff  }
0xec: {  	v34 =	vsel vm0, $0x3F800000, v2  }
0xed: {  	v32 =	vadd.f32 v34, v32;
	vm0 =	vne.s32 v31, $0x0;
	v31 =	vld.idx.msk [tilespmem:v36+s2+$0x0], $0xffff  }
0xee: {  	v34 =	vsel vm0, $0x3F800000, v2  }
0xef: {  	v32 =	vadd.f32 v34, v32;
	vm0 =	vne.s32 v30, $0x0;
	v29 =	vld.idx.msk [tilespmem:v29+s2+$0x0], $0xffff  }
0xf0: {  	v30 =	vsel vm0, $0x3F800000, v2  }
0xf1: {  	v30 =	vadd.f32 v30, v32;
	vm0 =	vne.s32 v33, $0x0  }
0xf2: {  	v32 =	vsel vm0, $0x3F800000, v2  }
0xf3: {  	v30 =	vadd.f32 v32, v30;
	vm0 =	vne.s32 v31, $0x0  }
0xf4: {  	v31 =	vsel vm0, $0x3F800000, v2  }
0xf5: {  	v30 =	vadd.f32 v31, v30;
	vm0 =	vne.s32 v29, $0x0  }
0xf6: {  	v29 =	vsel vm0, $0x3F800000, v2  }
0xf7: {  	v29 =	vadd.f32 v29, v30  }
.Ltmp2:
0xf8: {  	(pc) =	sbr.rel @p0 .LBB2_2-.Ltmp2, $4  }
0xf9: {  	v31 =	vmax.f32 v29, $1.000000000e+00;
	v30 =	vsub.f32 $2.000000000e+01, v29  }
0xfa: {  	v29 =	vmov s8;
	(erf) = vrcp.f32 v31  }
0xfb: {  	v29 =	vmul.u32 $0x14, v29  }
0xfc: {  	s8 =	sadd.s32 $0x10, s8  }
0xfd: {  	v29 =	vbroadcast v29, $0x0;
	_ =	sdelay $0x1  }
0xfe: {  	v31 =	vadd.s32 v3, v29  }
0xff: {  	v32 =	vadd.s32 v0, v29;
	v31 =	vand.u32 $0xFFFFFFF8, v31  }
0x100: {  	v32 =	vand.u32 $0xFFFFFFF8, v32;
	v31 =	vor.u32 v4, v31  }
0x101: {  	v33 =	vadd.s32 v5, v29;
	v32 =	vor.u32 v1, v32  }
0x102: {  	s5 =	sadd.s32 $0x10, s5;
	v33 =	vand.u32 $0xFFFFFFF8, v33;
	v34 =	vpop (erf)  }
0x103: {  	s3 =	sadd.s32 $0x10, s3;
	v35 =	vadd.s32 v7, v29;
	v33 =	vor.u32 v6, v33;
	[tilespmem:s5+$0x0] =	vst v34  }
0x104: {  	v48 =	vand.u32 $0xFFFFFFF8, v35;
	[tilespmem:s3+$0x0] =	vst v30  }
0x105: {  	v49 =	vadd.s32 v9, v29;
	v30 =	vld.idx.msk [tilespmem:v31+s2+$0x0], $0xffff;
	v31 =	vor.u32 v8, v48  }
0x106: {  	v34 =	vand.u32 $0xFFFFFFF8, v49;
	v32 =	vld.idx.msk [tilespmem:v32+s2+$0x0], $0xffff  }
0x107: {  	v50 =	vadd.s32 v11, v29;
	v34 =	vor.u32 v10, v34  }
0x108: {  	v35 =	vand.u32 $0xFFFFFFF8, v50;
	v33 =	vld.idx.msk [tilespmem:v33+s2+$0x0], $0xffff  }
0x109: {  	v36 =	vadd.s32 v13, v29;
	v35 =	vor.u32 v12, v35  }
0x10a: {  	v37 =	vadd.s32 v15, v29;
	v38 =	vadd.s32 v17, v29;
	v36 =	vand.u32 $0xFFFFFFF8, v36;
	v31 =	vld.idx.msk [tilespmem:v31+s2+$0x0], $0xffff  }
0x10b: {  	v36 =	vor.u32 v14, v36;
	vm0 =	vne.s32 v32, $0x0;
	vm1 =	vne.s32 v30, $0x0  }
0x10c: {  	v51 =	vld.idx.msk [tilespmem:v34+s2+$0x0], $0xffff;
	v30 =	vand.u32 $0xFFFFFFF8, v37;
	v52 =	vsel vm0, $0x3F800000, v2;
	v53 =	vsel vm1, $0x3F800000, v2  }
0x10d: {  	vm10 =	vne.s32 v33, $0x0;
	v30 =	vor.u32 v16, v30;
	v34 =	vadd.f32 v53, v52  }
0x10e: {  	v56 =	vadd.s32 v18, v29;
	v54 =	vand.u32 $0xFFFFFFF8, v38;
	v35 =	vld.idx.msk [tilespmem:v35+s2+$0x0], $0xffff;
	v55 =	vsel vm10, $0x3F800000, v2  }
0x10f: {  	v33 =	vor.u32 v1, v54;
	v34 =	vadd.f32 v55, v34;
	vm11 =	vne.s32 v31, $0x0  }
0x110: {  	v58 =	vadd.s32 v19, v29;
	v36 =	vld.idx.msk [tilespmem:v36+s2+$0x0], $0xffff;
	v31 =	vand.u32 $0xFFFFFFF8, v56;
	v57 =	vsel vm11, $0x3F800000, v2  }
0x111: {  	vm12 =	vne.s32 v51, $0x0;
	v31 =	vor.u32 v4, v31;
	v34 =	vadd.f32 v57, v34  }
0x112: {  	v61 =	vadd.s32 v20, v29;
	v59 =	vand.u32 $0xFFFFFFF8, v58;
	v60 =	vsel vm12, $0x3F800000, v2;
	v30 =	vld.idx.msk [tilespmem:v30+s2+$0x0], $0xffff  }
0x113: {  	v32 =	vor.u32 v6, v59;
	vm13 =	vne.s32 v35, $0x0;
	v34 =	vadd.f32 v60, v34  }
0x114: {  	v40 =	vadd.s32 v21, v29;
	v62 =	vand.u32 $0xFFFFFFF8, v61;
	v63 =	vsel vm13, $0x3F800000, v2;
	v33 =	vld.idx.msk [tilespmem:v33+s2+$0x0], $0xffff  }
0x115: {  	v35 =	vor.u32 v8, v62;
	vm14 =	vne.s32 v36, $0x0;
	v34 =	vadd.f32 v63, v34  }
0x116: {  	v43 =	vadd.s32 v22, v29;
	v41 =	vand.u32 $0xFFFFFFF8, v40;
	v42 =	vsel vm14, $0x3F800000, v2;
	v31 =	vld.idx.msk [tilespmem:v31+s2+$0x0], $0xffff  }
0x117: {  	v36 =	vor.u32 v10, v41;
	vm15 =	vne.s32 v30, $0x0;
	v34 =	vadd.f32 v42, v34  }
0x118: {  	v45 =	vadd.s32 v23, v29;
	v32 =	vld.idx.msk [tilespmem:v32+s2+$0x0], $0xffff;
	v30 =	vand.u32 $0xFFFFFFF8, v43;
	v44 =	vsel vm15, $0x3F800000, v2  }
0x119: {  	vm4 =	vne.s32 v33, $0x0;
	v30 =	vor.u32 v12, v30;
	v34 =	vadd.f32 v44, v34  }
0x11a: {  	v46 =	vand.u32 $0xFFFFFFF8, v45;
	v48 =	vadd.s32 v24, v29;
	v35 =	vld.idx.msk [tilespmem:v35+s2+$0x0], $0xffff;
	v47 =	vsel vm4, $0x3F800000, v2  }
0x11b: {  	v33 =	vor.u32 v14, v46;
	vm5 =	vne.s32 v31, $0x0;
	v34 =	vadd.f32 v47, v34  }
0x11c: {  	v50 =	vadd.s32 v25, v29;
	v36 =	vld.idx.msk [tilespmem:v36+s2+$0x0], $0xffff;
	v31 =	vand.u32 $0xFFFFFFF8, v48;
	v49 =	vsel vm5, $0x3F800000, v2  }
0x11d: {  	vm6 =	vne.s32 v32, $0x0;
	v31 =	vor.u32 v16, v31;
	v34 =	vadd.f32 v49, v34  }
0x11e: {  	v53 =	vadd.s32 v26, v29;
	v51 =	vand.u32 $0xFFFFFFF8, v50;
	v52 =	vsel vm6, $0x3F800000, v2;
	v30 =	vld.idx.msk [tilespmem:v30+s2+$0x0], $0xffff  }
0x11f: {  	v32 =	vor.u32 v1, v51;
	vm7 =	vne.s32 v35, $0x0;
	v34 =	vadd.f32 v52, v34  }
0x120: {  	v54 =	vand.u32 $0xFFFFFFF8, v53;
	v56 =	vadd.s32 v27, v29;
	v55 =	vsel vm7, $0x3F800000, v2;
	v33 =	vld.idx.msk [tilespmem:v33+s2+$0x0], $0xffff  }
0x121: {  	v35 =	vor.u32 v4, v54;
	vm8 =	vne.s32 v36, $0x0;
	v34 =	vadd.f32 v55, v34  }
0x122: {  	v29 =	vadd.s32 v28, v29;
	v57 =	vand.u32 $0xFFFFFFF8, v56;
	v58 =	vsel vm8, $0x3F800000, v2;
	v31 =	vld.idx.msk [tilespmem:v31+s2+$0x0], $0xffff  }
0x123: {  	v36 =	vor.u32 v6, v57;
	vm9 =	vne.s32 v30, $0x0;
	v34 =	vadd.f32 v58, v34  }
0x124: {  	v29 =	vand.u32 $0xFFFFFFF8, v29;
	v30 =	vld.idx.msk [tilespmem:v32+s2+$0x0], $0xffff;
	v59 =	vsel vm9, $0x3F800000, v2  }
0x125: {  	v29 =	vor.u32 v8, v29;
	vm10 =	vne.s32 v33, $0x0;
	v32 =	vadd.f32 v59, v34  }
0x126: {  	v60 =	vld.idx.msk [tilespmem:v35+s2+$0x0], $0xffff;
	v61 =	vsel vm10, $0x3F800000, v2  }
0x127: {  	vm11 =	vne.s32 v31, $0x0;
	v32 =	vadd.f32 v61, v32  }
0x128: {  	v31 =	vld.idx.msk [tilespmem:v36+s2+$0x0], $0xffff;
	v62 =	vsel vm11, $0x3F800000, v2  }
0x129: {  	vm12 =	vne.s32 v30, $0x0;
	v32 =	vadd.f32 v62, v32  }
0x12a: {  	v29 =	vld.idx.msk [tilespmem:v29+s2+$0x0], $0xffff;
	v30 =	vsel vm12, $0x3F800000, v2  }
0x12b: {  	vm13 =	vne.s32 v60, $0x0;
	v30 =	vadd.f32 v30, v32  }
0x12c: {  	v63 =	vsel vm13, $0x3F800000, v2  }
0x12d: {  	vm14 =	vne.s32 v31, $0x0;
	v30 =	vadd.f32 v63, v30  }
0x12e: {  	v31 =	vsel vm14, $0x3F800000, v2  }
0x12f: {  	vm15 =	vne.s32 v29, $0x0;
	v30 =	vadd.f32 v31, v30  }
0x130: {  	v29 =	vsel vm15, $0x3F800000, v2  }
0x131: {  	v29 =	vadd.f32 v29, v30;
	_ =	sdelay $0x1  }
0x132: {  	v30 =	vmax.f32 v29, $1.000000000e+00  }
0x133: {  	(erf) = vrcp.f32 v30;
	_ =	sdelay $0x8  }
0x134: {  	s1 =	sadd.s32 $0x10, s5;
	v29 =	vsub.f32 $2.000000000e+01, v29;
	v30 =	vpop (erf)  }
0x135: {  	s25 =	sadd.s32 $0x10, s3;
	[tilespmem:s1+$0x0] =	vst v30  }
0x136: {  	[tilespmem:s25+$0x0] =	vst v29  }
0x137: {  	v29 =	vld [tilespmem:$0x10E00]  }
0x138: {  	v30 =	vld [tilespmem:$0x10E10];
	_ =	swait.ge [sflag:s12], $0x1000  }
0x139: {  	[sflag:s12] =	ssyncset.done $0x0  }
0x13a: {  	[sflag:s12] =	ssyncadd.s32 $0xFFFFF000  }
0x13b: {  	_ =	swait.ge [sflag:s12], $0x1000  }
0x13c: {  	[sflag:s12] =	ssyncset.done $0x0  }
0x13d: {  	[sflag:s12] =	ssyncadd.s32 $0xFFFFF000  }
0x13e: {  	_ =	swait.ge [sflag:s12], $0x1000  }
0x13f: {  	[sflag:s12] =	ssyncset.done $0x0  }
0x140: {  	[sflag:s12] =	ssyncadd.s32 $0xFFFFF000  }
0x141: {  	_ =	swait.ge [sflag:s12], $0x1000  }
0x142: {  	s28 =	simm.s32 $0x20;
	s8 =	simm.s32 $0x0;
	[sflag:s12] =	ssyncset.done $0x0  }
0x143: {  	s5 =	simm.s32 $0x0;
	s30 =	rddreg [dreg:$0x8];
	[sflag:s12] =	ssyncadd.s32 $0xFFFFF000  }
0x144: {  	[hbm4b:s30+s28] =	stream.strided.scatter [tilespmem:s10], [sflag:$0x3], $0x4000, s29, s28, $0x38;
	[tilespmem:$0x11620] =	vst v63  }
.LBB2_4:
0x145: {  	_ =	swait.ge [sflag:s0], $0x5000  }
0x146: {  	p0 =	seq.s32 s5, $0x0;
	[sflag:s0] =	ssyncset.done $0x0  }
0x147: {  	s1 =	simm.s32 @!p0 $0x4;
	[sflag:s0] =	ssyncadd.s32 $0xFFFFB000  }
0x148: {  	_ =	swait.ge @!p0 [sflag:s1], $0x400  }
0x149: {  	[sflag:s1] =	ssyncset.done @!p0 $0x0  }
0x14a: {  	s9 =	simm.s32 $0x6C80;
	[sflag:s1] =	ssyncadd.s32 @!p0 $0xFFFFFC00  }
0x14b: {  	v31 =	vld [tilespmem:s9+$0xFFFFFFC0]  }
0x14c: {  	v32 =	vld [tilespmem:s9+$0xFFFFFDA0]  }
0x14d: {  	v33 =	vld [tilespmem:s9+$0xFFFFFD90]  }
0x14e: {  	v34 =	vld [tilespmem:s9+$0xFFFFFDB0]  }
0x14f: {  	v35 =	vld [tilespmem:s9+$0xFFFFFD80]  }
0x150: {  	v36 =	vld [tilespmem:s9+$0xFFFFFDD0]  }
0x151: {  	v37 =	vld [tilespmem:s9+$0xFFFFFDC0]  }
0x152: {  	v38 =	vld [tilespmem:s9+$0xFFFFFDF0]  }
0x153: {  	v58 =	vld [tilespmem:s9+$0xFFFFFDE0];
	v33 =	vadd.f32 v34, v33  }
0x154: {  	v59 =	vld [tilespmem:s9+$0xFFFFFE10];
	v32 =	vadd.f32 v32, v35  }
0x155: {  	v60 =	vld [tilespmem:s9+$0xFFFFFE00];
	v33 =	vadd.f32 v36, v33  }
0x156: {  	v61 =	vld [tilespmem:s9+$0xFFFFFE30];
	v32 =	vadd.f32 v37, v32  }
0x157: {  	v62 =	vld [tilespmem:s9+$0xFFFFFE20];
	v33 =	vadd.f32 v38, v33  }
0x158: {  	v63 =	vld [tilespmem:s9+$0xFFFFFE50];
	v32 =	vadd.f32 v58, v32  }
0x159: {  	v40 =	vld [tilespmem:s9+$0xFFFFFE40];
	v33 =	vadd.f32 v59, v33  }
0x15a: {  	v41 =	vld [tilespmem:s9+$0xFFFFFE70];
	v32 =	vadd.f32 v60, v32  }
0x15b: {  	v42 =	vld [tilespmem:s9+$0xFFFFFE60];
	v33 =	vadd.f32 v61, v33  }
0x15c: {  	v43 =	vld [tilespmem:s9+$0xFFFFFE90];
	v32 =	vadd.f32 v62, v32  }
0x15d: {  	v44 =	vld [tilespmem:s9+$0xFFFFFE80];
	v33 =	vadd.f32 v63, v33  }
0x15e: {  	v45 =	vld [tilespmem:s9+$0xFFFFFEB0];
	v32 =	vadd.f32 v40, v32  }
0x15f: {  	v46 =	vld [tilespmem:s9+$0xFFFFFEA0];
	v33 =	vadd.f32 v41, v33  }
0x160: {  	v47 =	vld [tilespmem:s9+$0xFFFFFED0];
	v32 =	vadd.f32 v42, v32  }
0x161: {  	v48 =	vld [tilespmem:s9+$0xFFFFFEC0];
	v33 =	vadd.f32 v43, v33  }
0x162: {  	v49 =	vld [tilespmem:s9+$0xFFFFFEF0];
	v32 =	vadd.f32 v44, v32  }
0x163: {  	v50 =	vld [tilespmem:s9+$0xFFFFFEE0];
	v33 =	vadd.f32 v45, v33  }
0x164: {  	v51 =	vld [tilespmem:s9+$0xFFFFFF10];
	v32 =	vadd.f32 v46, v32  }
0x165: {  	v52 =	vld [tilespmem:s9+$0xFFFFFF00];
	v33 =	vadd.f32 v47, v33  }
0x166: {  	v53 =	vld [tilespmem:s9+$0xFFFFFF30];
	v32 =	vadd.f32 v48, v32  }
0x167: {  	v54 =	vld [tilespmem:s9+$0xFFFFFF20];
	v33 =	vadd.f32 v49, v33  }
0x168: {  	s10 =	sadd.s32 $0x0, s8;
	v55 =	vld [tilespmem:s9+$0xFFFFFF50];
	v32 =	vadd.f32 v50, v32  }
0x169: {  	v39 =	vmov s10;
	v56 =	vld [tilespmem:s9+$0xFFFFFF40];
	v33 =	vadd.f32 v51, v33  }
0x16a: {  	v39 =	vand.u32 $0xFFFFFFFE, v39;
	v57 =	vld [tilespmem:s9+$0xFFFFFF70];
	v32 =	vadd.f32 v52, v32  }
0x16b: {  	v39 =	vbroadcast v39, $0x0;
	v58 =	vld [tilespmem:s9+$0xFFFFFF60];
	v33 =	vadd.f32 v53, v33  }
0x16c: {  	v59 =	vld [tilespmem:s9+$0xFFFFFF90];
	v32 =	vadd.f32 v54, v32  }
0x16d: {  	v60 =	vld [tilespmem:s9+$0xFFFFFF80];
	v33 =	vadd.f32 v55, v33  }
0x16e: {  	v61 =	vld [tilespmem:s9+$0xFFFFFFB0];
	v32 =	vadd.f32 v56, v32  }
0x16f: {  	v62 =	vld [tilespmem:s9+$0xFFFFFFA0];
	v33 =	vadd.f32 v57, v33  }
0x170: {  	v63 =	vld [tilespmem:s9+$0xFFFFFFD0];
	v32 =	vadd.f32 v58, v32  }
0x171: {  	v40 =	vld.idx.msk [tilespmem:v39+s15+$0x0], $0xffff;
	v33 =	vadd.f32 v59, v33  }
0x172: {  	v41 =	vld [tilespmem:s9+$0xFFFFFFF0];
	v32 =	vadd.f32 v60, v32  }
0x173: {  	v42 =	vld [tilespmem:s9+$0xFFFFFFE0];
	v33 =	vadd.f32 v61, v33  }
0x174: {  	v32 =	vadd.f32 v62, v32  }
0x175: {  	v33 =	vadd.f32 v63, v33  }
0x176: {  	v43 =	vld.idx.msk [tilespmem:v39+s14+$0x0], $0xffff;
	v31 =	vadd.f32 v31, v32  }
0x177: {  	v45 =	vmul.f32 v40, v30;
	v44 =	vadd.f32 v41, v33  }
0x178: {  	v34 =	vmul.f32 v40, v29;
	v31 =	vadd.f32 v42, v31  }
0x179: {  	v32 =	vsub.f32 v44, v45  }
0x17a: {  	v31 =	vsub.f32 v31, v34  }
0x17b: {  	v32 =	vmul.f32 v32, v43  }
0x17c: {  	s3 =	simm.s32 $0x10E40;
	v31 =	vmul.f32 v31, v43  }
0x17d: {  	[tilespmem:s3+$0xFFFFFFF0] =	vst v32  }
0x17e: {  	[tilespmem:s3+$0xFFFFFFE0] =	vst v31  }
0x17f: {  	v31 =	vld [tilespmem:s9+$0x50]  }
0x180: {  	v46 =	vld [tilespmem:s9+$0x10]  }
0x181: {  	v47 =	vld [tilespmem:s9+$0x30]  }
0x182: {  	v32 =	vld [tilespmem:s9+$0x20]  }
0x183: {  	v48 =	vld [tilespmem:s9+$0x0]  }
0x184: {  	v49 =	vld [tilespmem:s9+$0x40]  }
0x185: {  	v50 =	vld [tilespmem:s9+$0x70]  }
0x186: {  	v51 =	vld [tilespmem:s9+$0x60];
	v33 =	vadd.f32 v47, v46  }
0x187: {  	v52 =	vld [tilespmem:s9+$0x90]  }
0x188: {  	v53 =	vld [tilespmem:s9+$0x80];
	v32 =	vadd.f32 v32, v48;
	v31 =	vadd.f32 v31, v33  }
0x189: {  	v54 =	vld [tilespmem:s9+$0xB0]  }
0x18a: {  	v55 =	vld [tilespmem:s9+$0xA0];
	v32 =	vadd.f32 v49, v32;
	v31 =	vadd.f32 v50, v31  }
0x18b: {  	v56 =	vld [tilespmem:s9+$0xD0]  }
0x18c: {  	v57 =	vld [tilespmem:s9+$0xC0];
	v32 =	vadd.f32 v51, v32;
	v31 =	vadd.f32 v52, v31  }
0x18d: {  	v58 =	vld [tilespmem:s9+$0xF0]  }
0x18e: {  	v59 =	vld [tilespmem:s9+$0xE0];
	v32 =	vadd.f32 v53, v32;
	v31 =	vadd.f32 v54, v31  }
0x18f: {  	v60 =	vld [tilespmem:s9+$0x110]  }
0x190: {  	v61 =	vld [tilespmem:s9+$0x100];
	v32 =	vadd.f32 v55, v32;
	v31 =	vadd.f32 v56, v31  }
0x191: {  	v62 =	vld [tilespmem:s9+$0x130]  }
0x192: {  	v63 =	vld [tilespmem:s9+$0x120];
	v32 =	vadd.f32 v57, v32;
	v31 =	vadd.f32 v58, v31  }
0x193: {  	v42 =	vld [tilespmem:s9+$0x150]  }
0x194: {  	v43 =	vld [tilespmem:s9+$0x140];
	v32 =	vadd.f32 v59, v32;
	v31 =	vadd.f32 v60, v31  }
0x195: {  	v44 =	vld [tilespmem:s9+$0x170]  }
0x196: {  	v45 =	vld [tilespmem:s9+$0x160];
	v32 =	vadd.f32 v61, v32;
	v31 =	vadd.f32 v62, v31  }
0x197: {  	v46 =	vld [tilespmem:s9+$0x190]  }
0x198: {  	v47 =	vld [tilespmem:s9+$0x180];
	v32 =	vadd.f32 v63, v32;
	v31 =	vadd.f32 v42, v31  }
0x199: {  	v48 =	vld [tilespmem:s9+$0x1B0]  }
0x19a: {  	v49 =	vld [tilespmem:s9+$0x1A0];
	v32 =	vadd.f32 v43, v32;
	v31 =	vadd.f32 v44, v31  }
0x19b: {  	v50 =	vld [tilespmem:s9+$0x1D0]  }
0x19c: {  	v51 =	vld [tilespmem:s9+$0x1C0];
	v32 =	vadd.f32 v45, v32;
	v31 =	vadd.f32 v46, v31  }
0x19d: {  	v52 =	vld [tilespmem:s9+$0x1F0]  }
0x19e: {  	v53 =	vld [tilespmem:s9+$0x1E0];
	v32 =	vadd.f32 v47, v32;
	v31 =	vadd.f32 v48, v31  }
0x19f: {  	v54 =	vld [tilespmem:s9+$0x210]  }
0x1a0: {  	s30 =	sadd.s32 $0x1, s10;
	v55 =	vld [tilespmem:s9+$0x200];
	v32 =	vadd.f32 v49, v32;
	v31 =	vadd.f32 v50, v31  }
0x1a1: {  	v40 =	vmov s30;
	v56 =	vld [tilespmem:s9+$0x230]  }
0x1a2: {  	v57 =	vld [tilespmem:s9+$0x220];
	v32 =	vadd.f32 v51, v32;
	v31 =	vadd.f32 v52, v31  }
0x1a3: {  	v58 =	vld [tilespmem:s9+$0x250]  }
0x1a4: {  	v59 =	vld [tilespmem:s9+$0x240];
	v32 =	vadd.f32 v53, v32;
	v31 =	vadd.f32 v54, v31  }
0x1a5: {  	v61 =	vld [tilespmem:s9+$0x270]  }
0x1a6: {  	v60 =	vld.idx.msk [tilespmem:v40+s15+$0x0], $0xffff;
	v32 =	vadd.f32 v55, v32;
	v31 =	vadd.f32 v56, v31  }
0x1a7: {  	v62 =	vld [tilespmem:s9+$0x260]  }
0x1a8: {  	v32 =	vadd.f32 v57, v32;
	v31 =	vadd.f32 v58, v31;
	_ =	sdelay $0x1  }
0x1a9: {  	v32 =	vadd.f32 v59, v32;
	v35 =	vadd.f32 v61, v31;
	v31 =	vld.idx.msk [tilespmem:v40+s14+$0x0], $0xffff  }
0x1aa: {  	v63 =	vmul.f32 v60, v30  }
0x1ab: {  	v34 =	vmul.f32 v60, v29;
	v32 =	vadd.f32 v62, v32  }
0x1ac: {  	s24 =	simm.s32 $0x2;
	s23 =	simm.s32 $0x10E40;
	s10 =	sshll.u32 s5, $0x1;
	v33 =	vsub.f32 v35, v63  }
.LBB2_5:
0x1ad: {  	p1 =	sne.s32 s24, $0x1E;
	v32 =	vsub.f32 v32, v34;
	s3 =	sadd.s32 $0x40, s3;
	s9 =	sadd.s32 $0x500, s9  }
0x1ae: {  	s1 =	smov.u32 s24;
	s24 =	sadd.s32 $0x2, s24;
	v33 =	vmul.f32 v33, v31  }
0x1af: {  	v31 =	vmul.f32 v32, v31  }
0x1b0: {  	[tilespmem:s23+$0x10] =	vst v33  }
0x1b1: {  	[tilespmem:s23+$0x0] =	vst v31;
	s23 =	smov.u32 s3  }
0x1b2: {  	v31 =	vld [tilespmem:s9+$0xFFFFFFC0]  }
0x1b3: {  	v32 =	vld [tilespmem:s9+$0xFFFFFDA0]  }
0x1b4: {  	v33 =	vld [tilespmem:s9+$0xFFFFFD90]  }
0x1b5: {  	v34 =	vld [tilespmem:s9+$0xFFFFFDB0]  }
0x1b6: {  	v35 =	vld [tilespmem:s9+$0xFFFFFD80]  }
0x1b7: {  	v36 =	vld [tilespmem:s9+$0xFFFFFDD0]  }
0x1b8: {  	v37 =	vld [tilespmem:s9+$0xFFFFFDC0]  }
0x1b9: {  	v38 =	vld [tilespmem:s9+$0xFFFFFDF0]  }
0x1ba: {  	v33 =	vadd.f32 v34, v33;
	v34 =	vld [tilespmem:s9+$0xFFFFFDE0]  }
0x1bb: {  	v32 =	vadd.f32 v32, v35;
	v35 =	vld [tilespmem:s9+$0xFFFFFE10]  }
0x1bc: {  	v33 =	vadd.f32 v36, v33;
	v36 =	vld [tilespmem:s9+$0xFFFFFE00]  }
0x1bd: {  	v32 =	vadd.f32 v37, v32;
	v37 =	vld [tilespmem:s9+$0xFFFFFE30]  }
0x1be: {  	v33 =	vadd.f32 v38, v33;
	v38 =	vld [tilespmem:s9+$0xFFFFFE20]  }
0x1bf: {  	v32 =	vadd.f32 v34, v32;
	v34 =	vld [tilespmem:s9+$0xFFFFFE50]  }
0x1c0: {  	v33 =	vadd.f32 v35, v33;
	v35 =	vld [tilespmem:s9+$0xFFFFFE40]  }
0x1c1: {  	v32 =	vadd.f32 v36, v32;
	v36 =	vld [tilespmem:s9+$0xFFFFFE70]  }
0x1c2: {  	v33 =	vadd.f32 v37, v33;
	v37 =	vld [tilespmem:s9+$0xFFFFFE60]  }
0x1c3: {  	v32 =	vadd.f32 v38, v32;
	v38 =	vld [tilespmem:s9+$0xFFFFFE90]  }
0x1c4: {  	v33 =	vadd.f32 v34, v33;
	v34 =	vld [tilespmem:s9+$0xFFFFFE80]  }
0x1c5: {  	v32 =	vadd.f32 v35, v32;
	v35 =	vld [tilespmem:s9+$0xFFFFFEB0]  }
0x1c6: {  	v33 =	vadd.f32 v36, v33;
	v36 =	vld [tilespmem:s9+$0xFFFFFEA0]  }
0x1c7: {  	v32 =	vadd.f32 v37, v32;
	v37 =	vld [tilespmem:s9+$0xFFFFFED0]  }
0x1c8: {  	v33 =	vadd.f32 v38, v33;
	v38 =	vld [tilespmem:s9+$0xFFFFFEC0]  }
0x1c9: {  	v32 =	vadd.f32 v34, v32;
	v34 =	vld [tilespmem:s9+$0xFFFFFEF0]  }
0x1ca: {  	v33 =	vadd.f32 v35, v33;
	v35 =	vld [tilespmem:s9+$0xFFFFFEE0]  }
0x1cb: {  	v32 =	vadd.f32 v36, v32;
	v36 =	vld [tilespmem:s9+$0xFFFFFF10]  }
0x1cc: {  	v33 =	vadd.f32 v37, v33;
	v37 =	vld [tilespmem:s9+$0xFFFFFF00]  }
0x1cd: {  	v32 =	vadd.f32 v38, v32;
	v38 =	vld [tilespmem:s9+$0xFFFFFF30]  }
0x1ce: {  	v33 =	vadd.f32 v34, v33;
	v34 =	vld [tilespmem:s9+$0xFFFFFF20]  }
0x1cf: {  	s1 =	sadd.s32 s1, s8;
	v32 =	vadd.f32 v35, v32;
	v35 =	vld [tilespmem:s9+$0xFFFFFF50]  }
0x1d0: {  	v39 =	vmov s1;
	s12 =	sadd.s32 $0x1, s1;
	v33 =	vadd.f32 v36, v33;
	v36 =	vld [tilespmem:s9+$0xFFFFFF40]  }
0x1d1: {  	v39 =	vand.u32 $0xFFFFFFFE, v39;
	v32 =	vadd.f32 v37, v32;
	v37 =	vld [tilespmem:s9+$0xFFFFFF70]  }
0x1d2: {  	v39 =	vbroadcast v39, $0x0;
	v33 =	vadd.f32 v38, v33;
	v38 =	vld [tilespmem:s9+$0xFFFFFF60]  }
0x1d3: {  	v32 =	vadd.f32 v34, v32;
	v34 =	vld [tilespmem:s9+$0xFFFFFF90]  }
0x1d4: {  	v33 =	vadd.f32 v35, v33;
	v35 =	vld [tilespmem:s9+$0xFFFFFF80]  }
0x1d5: {  	v32 =	vadd.f32 v36, v32;
	v36 =	vld [tilespmem:s9+$0xFFFFFFB0]  }
0x1d6: {  	v33 =	vadd.f32 v37, v33;
	v37 =	vld [tilespmem:s9+$0xFFFFFFA0]  }
0x1d7: {  	v32 =	vadd.f32 v38, v32;
	v38 =	vld [tilespmem:s9+$0xFFFFFFD0]  }
0x1d8: {  	v33 =	vadd.f32 v34, v33;
	v34 =	vld.idx.msk [tilespmem:v39+s15+$0x0], $0xffff  }
0x1d9: {  	v32 =	vadd.f32 v35, v32;
	v35 =	vld [tilespmem:s9+$0xFFFFFFF0]  }
0x1da: {  	v33 =	vadd.f32 v36, v33;
	v36 =	vld [tilespmem:s9+$0xFFFFFFE0]  }
0x1db: {  	v32 =	vadd.f32 v37, v32  }
0x1dc: {  	v33 =	vadd.f32 v38, v33;
	v37 =	vld.idx.msk [tilespmem:v39+s14+$0x0], $0xffff  }
0x1dd: {  	v31 =	vadd.f32 v31, v32  }
0x1de: {  	v32 =	vadd.f32 v35, v33;
	v33 =	vmul.f32 v34, v30  }
0x1df: {  	v34 =	vmul.f32 v34, v29;
	v31 =	vadd.f32 v36, v31  }
0x1e0: {  	v32 =	vsub.f32 v32, v33  }
0x1e1: {  	v31 =	vsub.f32 v31, v34  }
0x1e2: {  	v32 =	vmul.f32 v32, v37  }
0x1e3: {  	v31 =	vmul.f32 v31, v37  }
0x1e4: {  	[tilespmem:s3+$0xFFFFFFF0] =	vst v32  }
0x1e5: {  	[tilespmem:s3+$0xFFFFFFE0] =	vst v31  }
0x1e6: {  	v31 =	vld [tilespmem:s9+$0x50]  }
0x1e7: {  	v32 =	vld [tilespmem:s9+$0x20]  }
0x1e8: {  	v33 =	vld [tilespmem:s9+$0x10]  }
0x1e9: {  	v34 =	vld [tilespmem:s9+$0x30]  }
0x1ea: {  	v35 =	vld [tilespmem:s9+$0x0]  }
0x1eb: {  	v36 =	vld [tilespmem:s9+$0x40]  }
0x1ec: {  	v37 =	vld [tilespmem:s9+$0x70]  }
0x1ed: {  	v38 =	vld [tilespmem:s9+$0x60]  }
0x1ee: {  	v33 =	vadd.f32 v34, v33;
	v34 =	vld [tilespmem:s9+$0x90]  }
0x1ef: {  	v32 =	vadd.f32 v32, v35;
	v35 =	vld [tilespmem:s9+$0x80]  }
0x1f0: {  	v31 =	vadd.f32 v31, v33;
	v33 =	vld [tilespmem:s9+$0xB0]  }
0x1f1: {  	v32 =	vadd.f32 v36, v32;
	v36 =	vld [tilespmem:s9+$0xA0]  }
0x1f2: {  	v31 =	vadd.f32 v37, v31;
	v37 =	vld [tilespmem:s9+$0xD0]  }
0x1f3: {  	v32 =	vadd.f32 v38, v32;
	v38 =	vld [tilespmem:s9+$0xC0]  }
0x1f4: {  	v31 =	vadd.f32 v34, v31;
	v34 =	vld [tilespmem:s9+$0xF0]  }
0x1f5: {  	v32 =	vadd.f32 v35, v32;
	v35 =	vld [tilespmem:s9+$0xE0]  }
0x1f6: {  	v31 =	vadd.f32 v33, v31;
	v33 =	vld [tilespmem:s9+$0x110]  }
0x1f7: {  	v32 =	vadd.f32 v36, v32;
	v36 =	vld [tilespmem:s9+$0x100]  }
0x1f8: {  	v31 =	vadd.f32 v37, v31;
	v37 =	vld [tilespmem:s9+$0x130]  }
0x1f9: {  	v32 =	vadd.f32 v38, v32;
	v38 =	vld [tilespmem:s9+$0x120]  }
0x1fa: {  	v31 =	vadd.f32 v34, v31;
	v34 =	vld [tilespmem:s9+$0x150]  }
0x1fb: {  	v32 =	vadd.f32 v35, v32;
	v35 =	vld [tilespmem:s9+$0x140]  }
0x1fc: {  	v31 =	vadd.f32 v33, v31;
	v33 =	vld [tilespmem:s9+$0x170]  }
0x1fd: {  	v32 =	vadd.f32 v36, v32;
	v36 =	vld [tilespmem:s9+$0x160]  }
0x1fe: {  	v31 =	vadd.f32 v37, v31;
	v37 =	vld [tilespmem:s9+$0x190]  }
0x1ff: {  	v32 =	vadd.f32 v38, v32;
	v38 =	vld [tilespmem:s9+$0x180]  }
0x200: {  	v31 =	vadd.f32 v34, v31;
	v34 =	vld [tilespmem:s9+$0x1B0]  }
0x201: {  	v32 =	vadd.f32 v35, v32;
	v35 =	vld [tilespmem:s9+$0x1A0]  }
0x202: {  	v31 =	vadd.f32 v33, v31;
	v33 =	vld [tilespmem:s9+$0x1D0]  }
0x203: {  	v32 =	vadd.f32 v36, v32;
	v36 =	vld [tilespmem:s9+$0x1C0]  }
0x204: {  	v31 =	vadd.f32 v37, v31;
	v37 =	vld [tilespmem:s9+$0x1F0]  }
0x205: {  	v32 =	vadd.f32 v38, v32;
	v38 =	vld [tilespmem:s9+$0x1E0]  }
0x206: {  	v31 =	vadd.f32 v34, v31;
	v34 =	vld [tilespmem:s9+$0x210]  }
0x207: {  	v39 =	vmov s12;
	v32 =	vadd.f32 v35, v32;
	v35 =	vld [tilespmem:s9+$0x200]  }
0x208: {  	v31 =	vadd.f32 v33, v31;
	v33 =	vld [tilespmem:s9+$0x230]  }
0x209: {  	v32 =	vadd.f32 v36, v32;
	v36 =	vld [tilespmem:s9+$0x220]  }
0x20a: {  	v31 =	vadd.f32 v37, v31;
	v37 =	vld [tilespmem:s9+$0x250]  }
0x20b: {  	v32 =	vadd.f32 v38, v32;
	v38 =	vld [tilespmem:s9+$0x240]  }
0x20c: {  	v31 =	vadd.f32 v34, v31;
	v34 =	vld.idx.msk [tilespmem:v39+s15+$0x0], $0xffff  }
0x20d: {  	v32 =	vadd.f32 v35, v32;
	v35 =	vld [tilespmem:s9+$0x270]  }
0x20e: {  	v31 =	vadd.f32 v33, v31;
	v33 =	vld [tilespmem:s9+$0x260]  }
0x20f: {  	v32 =	vadd.f32 v36, v32  }
.Ltmp3:
0x210: {  	v36 =	vadd.f32 v37, v31;
	v31 =	vld.idx.msk [tilespmem:v39+s14+$0x0], $0xffff;
	(pc) =	sbr.rel @p1 .LBB2_5-.Ltmp3, $4  }
0x211: {  	v32 =	vadd.f32 v38, v32  }
0x212: {  	v35 =	vadd.f32 v35, v36;
	v36 =	vmul.f32 v34, v30  }
0x213: {  	v34 =	vmul.f32 v34, v29;
	v32 =	vadd.f32 v33, v32  }
0x214: {  	v33 =	vsub.f32 v35, v36  }
0x215: {  	v32 =	vsub.f32 v32, v34;
	p1 =	sne.s32 s5, $0x7  }
.Ltmp4:
0x216: {  	v33 =	vmul.f32 v33, v31;
	(pc) =	sbr.rel @p1 .LBB2_8-.Ltmp4, $4  }
0x217: {  	v31 =	vmul.f32 v32, v31  }
0x218: {  	s1 =	sshll.u32 s5, $0x9;
	[tilespmem:s23+$0x10] =	vst v33  }
0x219: {  	s1 =	sadd.s32 s1, s11;
	[tilespmem:s23+$0x0] =	vst v31  }
0x21a: {  	[hbm4b:s1+s16] =	stream.strided.scatter [tilespmem:s17], [sflag:$0x4], $0x400, s29, s16, $0x38;
	[tilespmem:$0x11620] =	vst v63  }
.Ltmp5:
0x21b: {  	(pc) =	sbr.rel .LBB2_9-.Ltmp5, $4  }
0x21c: {  	_ = 	snop  }
0x21d: {  	_ =	swait.ge [sflag:s20], $0x5000  }
0x21e: {  	[sflag:s20] =	ssyncset.done $0x0  }
0x21f: {  	[sflag:s20] =	ssyncadd.s32 $0xFFFFB000  }
.LBB2_8:
0x220: {  	s1 =	smul.u32 $0x1400, s5;
	_ =	sdelay $0x1  }
0x221: {  	s1 =	sshra.s32 s1, $0x2  }
0x222: {  	s9 =	simm.s32 $0x6A00;
	s3 =	sadd.s32 $0x500, s1  }
0x223: {  	[tilespmem:s9], [sflag:$0x1] =	stream.indirect.gather [hbm4b:s4+s19], $0x20, s3, s19, $0xb8;
	[tilespmem:$0x11620] =	vst v63  }
0x224: {  	s30 =	simm.s32 $0x7A00;
	s25 =	sadd.s32 $0x580, s1  }
0x225: {  	[tilespmem:s30], [sflag:$0x1] =	stream.indirect.gather [hbm4b:s4+s19], $0x20, s25, s19, $0xb8;
	[tilespmem:$0x11620] =	vst v63  }
0x226: {  	s23 =	simm.s32 $0x8A00;
	s12 =	sadd.s32 $0x600, s1  }
0x227: {  	[tilespmem:s23], [sflag:$0x1] =	stream.indirect.gather [hbm4b:s4+s19], $0x20, s12, s19, $0xb8;
	[tilespmem:$0x11620] =	vst v63  }
0x228: {  	s24 =	sadd.s32 $0x680, s1;
	s25 =	simm.s32 $0x9A00  }
0x229: {  	[tilespmem:s25], [sflag:$0x1] =	stream.indirect.gather [hbm4b:s4+s19], $0x20, s24, s19, $0xb8;
	[tilespmem:$0x11620] =	vst v63  }
.Ltmp6:
0x22a: {  	s1 =	sadd.s32 $0x700, s1;
	s30 =	simm.s32 $0xAA00;
	(pc) =	sbr.rel @p0 .LBB2_10-.Ltmp6, $4  }
0x22b: {  	[tilespmem:s30], [sflag:$0x1] =	stream.indirect.gather [hbm4b:s4+s19], $0x20, s1, s19, $0xb8;
	[tilespmem:$0x11620] =	vst v63  }
0x22c: {  	_ =	swait.ge [sflag:s20], $0x5000  }
0x22d: {  	[sflag:s20] =	ssyncset.done $0x0  }
0x22e: {  	[sflag:s20] =	ssyncadd.s32 $0xFFFFB000  }
.LBB2_9:
0x22f: {  	_ =	swait.ge [sflag:s6], $0x400  }
0x230: {  	[sflag:s6] =	ssyncset.done $0x0  }
0x231: {  	[sflag:s6] =	ssyncadd.s32 $0xFFFFFC00  }
.LBB2_10:
0x232: {  	s9 =	simm.s32 $0x0  }
0x233: {  	v33 =	vld [tilespmem:s9+$0xBA00]  }
0x234: {  	v34 =	vld [tilespmem:s9+$0xBA20];
	_ =	sdelay $0x1  }
0x235: {  	v31 =	vld [tilespmem:s9+$0xBA40]  }
0x236: {  	v35 =	vld [tilespmem:s9+$0xBA10]  }
0x237: {  	v37 =	vld [tilespmem:s9+$0xBA60]  }
0x238: {  	v36 =	vld [tilespmem:s9+$0xBA30];
	v33 =	vadd.f32 v34, v33  }
0x239: {  	v39 =	vld [tilespmem:s9+$0xBA80]  }
0x23a: {  	v38 =	vld [tilespmem:s9+$0xBA50];
	v31 =	vadd.f32 v31, v33  }
0x23b: {  	v41 =	vld [tilespmem:s9+$0xBAA0]  }
0x23c: {  	v57 =	vld [tilespmem:s9+$0xBA70];
	v31 =	vadd.f32 v37, v31  }
0x23d: {  	v35 =	vadd.f32 v36, v35  }
0x23e: {  	v40 =	vld [tilespmem:s9+$0xBA90];
	v31 =	vadd.f32 v39, v31  }
0x23f: {  	v61 =	vmov s28;
	v32 =	vld [tilespmem:s9+$0xBB20];
	v58 =	vadd.f32 v38, v35  }
0x240: {  	v59 =	vld [tilespmem:s9+$0xBAB0];
	v63 =	vadd.f32 v41, v31;
	v31 =	vand.u32 $0xFFFFFFFE, v61  }
0x241: {  	v60 =	vld [tilespmem:s9+$0xBAC0];
	v34 =	vadd.f32 v57, v58;
	v31 =	vbroadcast v31, $0x0  }
0x242: {  	v36 =	vld [tilespmem:s9+$0xBAD0]  }
0x243: {  	v33 =	vld [tilespmem:s9+$0xBAE0];
	v62 =	vadd.f32 v40, v34  }
0x244: {  	v34 =	vld [tilespmem:s9+$0xBAF0]  }
0x245: {  	s3 =	sor.u32 $0x1, s10;
	s24 =	simm.s32 $0x11250;
	s23 =	sadd.s32 $0x1, s28;
	v35 =	vld [tilespmem:s9+$0xBB00];
	v39 =	vadd.f32 v59, v62  }
0x246: {  	s25 =	simm.s32 $0x1400;
	s12 =	smov.u32 s28;
	s10 =	simm.s32 $0x11250;
	v37 =	vld [tilespmem:s9+$0xBB10];
	v38 =	vadd.f32 v60, v63  }
.LBB2_11:
0x247: {  	p0 =	sne.s32 s25, $0x12C00;
	v36 =	vadd.f32 v36, v39;
	v39 =	vld.idx.msk [tilespmem:v31+s15+$0x0], $0xffff;
	s12 =	sadd.s32 $0x2, s12;
	s24 =	sadd.s32 $0x40, s24  }
0x248: {  	s30 =	smov.u32 s25;
	s25 =	sadd.s32 $0x1400, s25;
	s1 =	sadd.s32 $0x1, s12;
	v33 =	vadd.f32 v33, v38;
	v38 =	vld [tilespmem:s9+$0xBB30]  }
0x249: {  	v34 =	vadd.f32 v34, v36;
	v36 =	vld [tilespmem:s9+$0xBB40]  }
0x24a: {  	v33 =	vadd.f32 v35, v33;
	v35 =	vld [tilespmem:s9+$0xBB50]  }
0x24b: {  	v34 =	vadd.f32 v37, v34;
	v37 =	vld [tilespmem:s9+$0xBB60]  }
0x24c: {  	v32 =	vadd.f32 v32, v33;
	v33 =	vld [tilespmem:s9+$0xBB70]  }
0x24d: {  	v34 =	vadd.f32 v38, v34;
	v38 =	vld [tilespmem:s9+$0xBB80]  }
0x24e: {  	v32 =	vadd.f32 v36, v32;
	v36 =	vld [tilespmem:s9+$0xBB90]  }
0x24f: {  	s30 =	sshra.s32 s30, $0x2;
	v34 =	vadd.f32 v35, v34;
	v35 =	vld [tilespmem:s9+$0xBBA0]  }
0x250: {  	v32 =	vadd.f32 v37, v32;
	v37 =	vld [tilespmem:s9+$0xBBB0]  }
0x251: {  	v33 =	vadd.f32 v33, v34;
	v34 =	vld [tilespmem:s9+$0xBBC0]  }
0x252: {  	v32 =	vadd.f32 v38, v32;
	v38 =	vld [tilespmem:s9+$0xBBD0]  }
0x253: {  	v33 =	vadd.f32 v36, v33;
	v36 =	vld [tilespmem:s9+$0xBBE0]  }
0x254: {  	v32 =	vadd.f32 v35, v32;
	v35 =	vld [tilespmem:s9+$0xBBF0]  }
0x255: {  	v33 =	vadd.f32 v37, v33;
	v37 =	vld [tilespmem:s9+$0xBC00]  }
0x256: {  	v32 =	vadd.f32 v34, v32;
	v34 =	vld [tilespmem:s9+$0xBC10]  }
0x257: {  	v33 =	vadd.f32 v38, v33;
	v38 =	vld [tilespmem:s9+$0xBC20]  }
0x258: {  	v32 =	vadd.f32 v36, v32;
	v36 =	vld [tilespmem:s9+$0xBC30]  }
0x259: {  	v33 =	vadd.f32 v35, v33;
	v35 =	vld [tilespmem:s9+$0xBC40]  }
0x25a: {  	v32 =	vadd.f32 v37, v32;
	v37 =	vld [tilespmem:s9+$0xBC50]  }
0x25b: {  	v33 =	vadd.f32 v34, v33;
	v34 =	vld [tilespmem:s9+$0xBC60]  }
0x25c: {  	v32 =	vadd.f32 v38, v32;
	v38 =	vld [tilespmem:s9+$0xBC70]  }
0x25d: {  	v33 =	vadd.f32 v36, v33  }
0x25e: {  	v32 =	vadd.f32 v35, v32;
	v31 =	vld.idx.msk [tilespmem:v31+s14+$0x0], $0xffff  }
0x25f: {  	v33 =	vadd.f32 v37, v33  }
0x260: {  	v32 =	vadd.f32 v34, v32;
	v34 =	vmul.f32 v39, v29  }
0x261: {  	v35 =	vmul.f32 v39, v30;
	v33 =	vadd.f32 v38, v33  }
0x262: {  	v32 =	vsub.f32 v32, v34  }
0x263: {  	v33 =	vsub.f32 v33, v35  }
0x264: {  	v32 =	vmul.f32 v32, v31  }
0x265: {  	v31 =	vmul.f32 v33, v31  }
0x266: {  	[tilespmem:s10+$0xFFFFFFD0] =	vst v32  }
0x267: {  	[tilespmem:s10+$0xFFFFFFE0] =	vst v31  }
0x268: {  	v32 =	vmov s23;
	s23 =	smov.u32 s1;
	v31 =	vld [tilespmem:s9+$0xBCA0]  }
0x269: {  	v33 =	vld [tilespmem:s9+$0xBCC0]  }
0x26a: {  	v34 =	vld [tilespmem:s9+$0xBC90]  }
0x26b: {  	v35 =	vld [tilespmem:s9+$0xBC80]  }
0x26c: {  	v36 =	vld [tilespmem:s9+$0xBCB0]  }
0x26d: {  	v37 =	vld.idx.msk [tilespmem:v32+s15+$0x0], $0xffff  }
0x26e: {  	v38 =	vld [tilespmem:s9+$0xBCD0]  }
0x26f: {  	v39 =	vld [tilespmem:s9+$0xBCE0]  }
0x270: {  	v31 =	vadd.f32 v31, v35;
	v35 =	vld [tilespmem:s9+$0xBCF0]  }
0x271: {  	v34 =	vadd.f32 v36, v34;
	v36 =	vld [tilespmem:s9+$0xBD00]  }
0x272: {  	v31 =	vadd.f32 v33, v31;
	v33 =	vld [tilespmem:s9+$0xBD10]  }
0x273: {  	v34 =	vadd.f32 v38, v34;
	v38 =	vld [tilespmem:s9+$0xBD20]  }
0x274: {  	v31 =	vadd.f32 v39, v31;
	v39 =	vld [tilespmem:s9+$0xBD30]  }
0x275: {  	v34 =	vadd.f32 v35, v34;
	v35 =	vld [tilespmem:s9+$0xBD40]  }
0x276: {  	v31 =	vadd.f32 v36, v31;
	v36 =	vld [tilespmem:s9+$0xBD50]  }
0x277: {  	v33 =	vadd.f32 v33, v34;
	v34 =	vld [tilespmem:s9+$0xBD60]  }
0x278: {  	v31 =	vadd.f32 v38, v31;
	v38 =	vld [tilespmem:s9+$0xBD70]  }
0x279: {  	v33 =	vadd.f32 v39, v33;
	v39 =	vld [tilespmem:s9+$0xBD80]  }
0x27a: {  	v31 =	vadd.f32 v35, v31;
	v35 =	vld [tilespmem:s9+$0xBD90]  }
0x27b: {  	v33 =	vadd.f32 v36, v33;
	v36 =	vld [tilespmem:s9+$0xBDA0]  }
0x27c: {  	v31 =	vadd.f32 v34, v31;
	v34 =	vld [tilespmem:s9+$0xBDB0]  }
0x27d: {  	v33 =	vadd.f32 v38, v33;
	v38 =	vld [tilespmem:s9+$0xBDC0]  }
0x27e: {  	v31 =	vadd.f32 v39, v31;
	v39 =	vld [tilespmem:s9+$0xBDD0]  }
0x27f: {  	v33 =	vadd.f32 v35, v33;
	v35 =	vld [tilespmem:s9+$0xBDE0]  }
0x280: {  	v31 =	vadd.f32 v36, v31;
	v36 =	vld [tilespmem:s9+$0xBDF0]  }
0x281: {  	v33 =	vadd.f32 v34, v33;
	v34 =	vld [tilespmem:s9+$0xBE00]  }
0x282: {  	v31 =	vadd.f32 v38, v31;
	v38 =	vld [tilespmem:s9+$0xBE10]  }
0x283: {  	v33 =	vadd.f32 v39, v33;
	v39 =	vld [tilespmem:s9+$0xBE20]  }
0x284: {  	v31 =	vadd.f32 v35, v31;
	v35 =	vld [tilespmem:s9+$0xBE30]  }
0x285: {  	v33 =	vadd.f32 v36, v33;
	v36 =	vld [tilespmem:s9+$0xBE40]  }
0x286: {  	v31 =	vadd.f32 v34, v31;
	v34 =	vld [tilespmem:s9+$0xBE50]  }
0x287: {  	v33 =	vadd.f32 v38, v33;
	v38 =	vld [tilespmem:s9+$0xBE60]  }
0x288: {  	v31 =	vadd.f32 v39, v31;
	v39 =	vld [tilespmem:s9+$0xBE70]  }
0x289: {  	v33 =	vadd.f32 v35, v33;
	v35 =	vld [tilespmem:s9+$0xBE80]  }
0x28a: {  	v31 =	vadd.f32 v36, v31;
	v36 =	vld [tilespmem:s9+$0xBE90]  }
0x28b: {  	v33 =	vadd.f32 v34, v33;
	v34 =	vld [tilespmem:s9+$0xBEA0]  }
0x28c: {  	v31 =	vadd.f32 v38, v31;
	v38 =	vld [tilespmem:s9+$0xBEB0]  }
0x28d: {  	v33 =	vadd.f32 v39, v33;
	v39 =	vld [tilespmem:s9+$0xBEC0]  }
0x28e: {  	v31 =	vadd.f32 v35, v31;
	v35 =	vld [tilespmem:s9+$0xBED0]  }
0x28f: {  	v33 =	vadd.f32 v36, v33;
	v36 =	vld [tilespmem:s9+$0xBEE0]  }
0x290: {  	v31 =	vadd.f32 v34, v31;
	v34 =	vld [tilespmem:s9+$0xBEF0];
	s9 =	smov.u32 s30  }
0x291: {  	v33 =	vadd.f32 v38, v33  }
0x292: {  	v31 =	vadd.f32 v39, v31;
	v32 =	vld.idx.msk [tilespmem:v32+s14+$0x0], $0xffff  }
0x293: {  	v33 =	vadd.f32 v35, v33  }
0x294: {  	v35 =	vmul.f32 v37, v29;
	v31 =	vadd.f32 v36, v31  }
0x295: {  	v33 =	vadd.f32 v34, v33;
	v34 =	vmul.f32 v37, v30  }
0x296: {  	v31 =	vsub.f32 v31, v35  }
0x297: {  	v33 =	vsub.f32 v33, v34  }
0x298: {  	v31 =	vmul.f32 v31, v32  }
0x299: {  	v32 =	vmul.f32 v33, v32  }
0x29a: {  	[tilespmem:s10+$0xFFFFFFF0] =	vst v31  }
0x29b: {  	[tilespmem:s10+$0x0] =	vst v32;
	s10 =	smov.u32 s24  }
0x29c: {  	v31 =	vld [tilespmem:s9+$0xBA40]  }
0x29d: {  	v33 =	vld [tilespmem:s9+$0xBA00]  }
0x29e: {  	v34 =	vld [tilespmem:s9+$0xBA20]  }
0x29f: {  	v35 =	vld [tilespmem:s9+$0xBA10]  }
0x2a0: {  	v36 =	vld [tilespmem:s9+$0xBA30]  }
0x2a1: {  	v37 =	vld [tilespmem:s9+$0xBA60]  }
0x2a2: {  	v38 =	vld [tilespmem:s9+$0xBA50]  }
0x2a3: {  	v32 =	vld [tilespmem:s9+$0xBB20]  }
0x2a4: {  	v33 =	vadd.f32 v34, v33;
	v34 =	vld [tilespmem:s9+$0xBA70]  }
0x2a5: {  	v35 =	vadd.f32 v36, v35;
	v36 =	vld [tilespmem:s9+$0xBA80]  }
0x2a6: {  	v31 =	vadd.f32 v31, v33;
	v33 =	vld [tilespmem:s9+$0xBA90]  }
0x2a7: {  	v39 =	vmov s12;
	v35 =	vadd.f32 v38, v35;
	v38 =	vld [tilespmem:s9+$0xBAA0]  }
0x2a8: {  	v37 =	vadd.f32 v37, v31;
	v31 =	vand.u32 $0xFFFFFFFE, v39;
	v40 =	vld [tilespmem:s9+$0xBAB0]  }
0x2a9: {  	v31 =	vbroadcast v31, $0x0;
	v34 =	vadd.f32 v34, v35;
	v41 =	vld [tilespmem:s9+$0xBAC0]  }
.Ltmp7:
0x2aa: {  	v35 =	vadd.f32 v36, v37;
	v36 =	vld [tilespmem:s9+$0xBAD0];
	(pc) =	sbr.rel @p0 .LBB2_11-.Ltmp7, $4  }
0x2ab: {  	v37 =	vadd.f32 v33, v34;
	v33 =	vld [tilespmem:s9+$0xBAE0]  }
0x2ac: {  	v38 =	vadd.f32 v38, v35;
	v34 =	vld [tilespmem:s9+$0xBAF0]  }
0x2ad: {  	v39 =	vadd.f32 v40, v37;
	v35 =	vld [tilespmem:s9+$0xBB00]  }
0x2ae: {  	v38 =	vadd.f32 v41, v38;
	v37 =	vld [tilespmem:s9+$0xBB10]  }
0x2af: {  	_ =	sdelay $0x3  }
0x2b0: {  	v36 =	vadd.f32 v36, v39;
	v45 =	vld.idx.msk [tilespmem:v31+s15+$0x0], $0xffff  }
0x2b1: {  	v46 =	vld [tilespmem:s9+$0xBB30];
	v33 =	vadd.f32 v33, v38  }
0x2b2: {  	v47 =	vld [tilespmem:s9+$0xBB40];
	v34 =	vadd.f32 v34, v36  }
0x2b3: {  	v48 =	vld [tilespmem:s9+$0xBB50];
	v33 =	vadd.f32 v35, v33  }
0x2b4: {  	v49 =	vld [tilespmem:s9+$0xBB60];
	v34 =	vadd.f32 v37, v34  }
0x2b5: {  	v50 =	vld [tilespmem:s9+$0xBB70];
	v32 =	vadd.f32 v32, v33  }
0x2b6: {  	v51 =	vld [tilespmem:s9+$0xBB80];
	v34 =	vadd.f32 v46, v34  }
0x2b7: {  	v52 =	vld [tilespmem:s9+$0xBB90];
	v32 =	vadd.f32 v47, v32  }
0x2b8: {  	v53 =	vld [tilespmem:s9+$0xBBA0];
	v34 =	vadd.f32 v48, v34  }
0x2b9: {  	v54 =	vld [tilespmem:s9+$0xBBB0];
	v32 =	vadd.f32 v49, v32  }
0x2ba: {  	v55 =	vld [tilespmem:s9+$0xBBC0];
	v33 =	vadd.f32 v50, v34  }
0x2bb: {  	v56 =	vld [tilespmem:s9+$0xBBD0];
	v32 =	vadd.f32 v51, v32  }
0x2bc: {  	v57 =	vld [tilespmem:s9+$0xBBE0];
	v33 =	vadd.f32 v52, v33  }
0x2bd: {  	v58 =	vld [tilespmem:s9+$0xBBF0];
	v32 =	vadd.f32 v53, v32  }
0x2be: {  	v59 =	vld [tilespmem:s9+$0xBC00];
	v33 =	vadd.f32 v54, v33  }
0x2bf: {  	v60 =	vld [tilespmem:s9+$0xBC10];
	v32 =	vadd.f32 v55, v32  }
0x2c0: {  	v61 =	vld [tilespmem:s9+$0xBC20];
	v33 =	vadd.f32 v56, v33  }
0x2c1: {  	v62 =	vld [tilespmem:s9+$0xBC30];
	v32 =	vadd.f32 v57, v32  }
0x2c2: {  	v63 =	vld [tilespmem:s9+$0xBC40];
	v33 =	vadd.f32 v58, v33  }
0x2c3: {  	v40 =	vld [tilespmem:s9+$0xBC50];
	v32 =	vadd.f32 v59, v32  }
0x2c4: {  	v41 =	vld [tilespmem:s9+$0xBC60];
	v33 =	vadd.f32 v60, v33  }
0x2c5: {  	v42 =	vld [tilespmem:s9+$0xBC70];
	v32 =	vadd.f32 v61, v32  }
0x2c6: {  	v33 =	vadd.f32 v62, v33  }
0x2c7: {  	v32 =	vadd.f32 v63, v32  }
0x2c8: {  	v31 =	vld.idx.msk [tilespmem:v31+s14+$0x0], $0xffff;
	v33 =	vadd.f32 v40, v33  }
0x2c9: {  	v43 =	vmul.f32 v45, v29;
	v32 =	vadd.f32 v41, v32  }
0x2ca: {  	v44 =	vmul.f32 v45, v30;
	v33 =	vadd.f32 v42, v33  }
0x2cb: {  	v32 =	vsub.f32 v32, v43  }
0x2cc: {  	v33 =	vsub.f32 v33, v44  }
0x2cd: {  	v32 =	vmul.f32 v32, v31  }
0x2ce: {  	v31 =	vmul.f32 v33, v31  }
0x2cf: {  	[tilespmem:s10+$0xFFFFFFD0] =	vst v32  }
0x2d0: {  	[tilespmem:s10+$0xFFFFFFE0] =	vst v31  }
0x2d1: {  	v31 =	vld [tilespmem:s9+$0xBCA0]  }
0x2d2: {  	v45 =	vld [tilespmem:s9+$0xBCC0]  }
0x2d3: {  	v46 =	vld [tilespmem:s9+$0xBC90]  }
0x2d4: {  	v47 =	vld [tilespmem:s9+$0xBC80]  }
0x2d5: {  	v48 =	vld [tilespmem:s9+$0xBCB0]  }
0x2d6: {  	v49 =	vld [tilespmem:s9+$0xBCD0]  }
0x2d7: {  	v50 =	vld [tilespmem:s9+$0xBCE0]  }
0x2d8: {  	v51 =	vld [tilespmem:s9+$0xBCF0]  }
0x2d9: {  	v52 =	vld [tilespmem:s9+$0xBD00];
	v31 =	vadd.f32 v31, v47  }
0x2da: {  	v53 =	vld [tilespmem:s9+$0xBD10];
	v34 =	vadd.f32 v48, v46  }
0x2db: {  	v54 =	vld [tilespmem:s9+$0xBD20];
	v31 =	vadd.f32 v45, v31  }
0x2dc: {  	v55 =	vld [tilespmem:s9+$0xBD30];
	v34 =	vadd.f32 v49, v34  }
0x2dd: {  	v56 =	vld [tilespmem:s9+$0xBD40];
	v31 =	vadd.f32 v50, v31  }
0x2de: {  	v57 =	vld [tilespmem:s9+$0xBD50];
	v34 =	vadd.f32 v51, v34  }
0x2df: {  	v58 =	vld [tilespmem:s9+$0xBD60];
	v31 =	vadd.f32 v52, v31  }
0x2e0: {  	v59 =	vld [tilespmem:s9+$0xBD70];
	v33 =	vadd.f32 v53, v34  }
0x2e1: {  	v60 =	vld [tilespmem:s9+$0xBD80];
	v31 =	vadd.f32 v54, v31  }
0x2e2: {  	v61 =	vld [tilespmem:s9+$0xBD90];
	v33 =	vadd.f32 v55, v33  }
0x2e3: {  	v32 =	vmov s23;
	v62 =	vld [tilespmem:s9+$0xBDA0];
	v31 =	vadd.f32 v56, v31  }
0x2e4: {  	v63 =	vld [tilespmem:s9+$0xBDB0];
	v33 =	vadd.f32 v57, v33  }
0x2e5: {  	v42 =	vld [tilespmem:s9+$0xBDC0];
	v31 =	vadd.f32 v58, v31  }
0x2e6: {  	v43 =	vld [tilespmem:s9+$0xBDD0];
	v33 =	vadd.f32 v59, v33  }
0x2e7: {  	v44 =	vld [tilespmem:s9+$0xBDE0];
	v31 =	vadd.f32 v60, v31  }
0x2e8: {  	v37 =	vld.idx.msk [tilespmem:v32+s15+$0x0], $0xffff;
	v33 =	vadd.f32 v61, v33  }
0x2e9: {  	v45 =	vld [tilespmem:s9+$0xBDF0];
	v31 =	vadd.f32 v62, v31  }
0x2ea: {  	v46 =	vld [tilespmem:s9+$0xBE00];
	v33 =	vadd.f32 v63, v33  }
0x2eb: {  	v47 =	vld [tilespmem:s9+$0xBE10];
	v31 =	vadd.f32 v42, v31  }
0x2ec: {  	v48 =	vld [tilespmem:s9+$0xBE20];
	v33 =	vadd.f32 v43, v33  }
0x2ed: {  	v49 =	vld [tilespmem:s9+$0xBE30];
	v31 =	vadd.f32 v44, v31  }
0x2ee: {  	v50 =	vld [tilespmem:s9+$0xBE40];
	v33 =	vadd.f32 v45, v33  }
0x2ef: {  	v51 =	vld [tilespmem:s9+$0xBE50];
	v31 =	vadd.f32 v46, v31  }
0x2f0: {  	v52 =	vld [tilespmem:s9+$0xBE60];
	v33 =	vadd.f32 v47, v33  }
0x2f1: {  	v53 =	vld [tilespmem:s9+$0xBE70];
	v31 =	vadd.f32 v48, v31  }
0x2f2: {  	v54 =	vld [tilespmem:s9+$0xBE80];
	v33 =	vadd.f32 v49, v33  }
0x2f3: {  	v55 =	vld [tilespmem:s9+$0xBE90];
	v31 =	vadd.f32 v50, v31  }
0x2f4: {  	v56 =	vld [tilespmem:s9+$0xBEA0];
	v33 =	vadd.f32 v51, v33  }
0x2f5: {  	v57 =	vld [tilespmem:s9+$0xBEB0];
	v31 =	vadd.f32 v52, v31  }
0x2f6: {  	v58 =	vld [tilespmem:s9+$0xBEC0];
	v33 =	vadd.f32 v53, v33  }
0x2f7: {  	v59 =	vld [tilespmem:s9+$0xBED0];
	v31 =	vadd.f32 v54, v31  }
0x2f8: {  	v60 =	vld [tilespmem:s9+$0xBEE0];
	v33 =	vadd.f32 v55, v33  }
0x2f9: {  	v61 =	vld [tilespmem:s9+$0xBEF0];
	v31 =	vadd.f32 v56, v31  }
0x2fa: {  	v33 =	vadd.f32 v57, v33  }
0x2fb: {  	v31 =	vadd.f32 v58, v31  }
0x2fc: {  	v32 =	vld.idx.msk [tilespmem:v32+s14+$0x0], $0xffff;
	v33 =	vadd.f32 v59, v33  }
0x2fd: {  	v62 =	vmul.f32 v37, v29;
	v31 =	vadd.f32 v60, v31  }
0x2fe: {  	v63 =	vmul.f32 v37, v30;
	v33 =	vadd.f32 v61, v33  }
0x2ff: {  	v31 =	vsub.f32 v31, v62  }
0x300: {  	p0 =	seq.s32 s5, $0x7;
	v33 =	vsub.f32 v33, v63  }
.Ltmp8:
0x301: {  	v31 =	vmul.f32 v31, v32;
	(pc) =	sbr.rel @p0 .LBB2_14-.Ltmp8, $4  }
0x302: {  	v32 =	vmul.f32 v33, v32  }
0x303: {  	s1 =	sshll.u32 s3, $0x8;
	[tilespmem:s10+$0xFFFFFFF0] =	vst v31  }
0x304: {  	s1 =	sadd.s32 s1, s11;
	[tilespmem:s10+$0x0] =	vst v32  }
0x305: {  	[hbm4b:s1+s16] =	stream.strided.scatter [tilespmem:s7], [sflag:$0x5], $0x400, s29, s16, $0x38;
	[tilespmem:$0x11620] =	vst v63  }
0x306: {  	s1 =	smul.u32 $0x1400, s5;
	_ =	sdelay $0x1  }
0x307: {  	s1 =	sshra.s32 s1, $0x2  }
0x308: {  	s3 =	sadd.s32 $0x780, s1  }
0x309: {  	[tilespmem:s18], [sflag:$0x2] =	stream.indirect.gather [hbm4b:s4+s19], $0x20, s3, s19, $0xb8;
	[tilespmem:$0x11620] =	vst v63  }
0x30a: {  	s24 =	sadd.s32 $0x800, s1  }
0x30b: {  	[tilespmem:s22], [sflag:$0x2] =	stream.indirect.gather [hbm4b:s4+s19], $0x20, s24, s19, $0xb8;
	[tilespmem:$0x11620] =	vst v63  }
0x30c: {  	s25 =	sadd.s32 $0x880, s1  }
0x30d: {  	[tilespmem:s26], [sflag:$0x2] =	stream.indirect.gather [hbm4b:s4+s19], $0x20, s25, s19, $0xb8;
	[tilespmem:$0x11620] =	vst v63  }
.Ltmp9:
0x30e: {  	_ = 	snop;
	(pc) =	sbr.rel .LBB2_4-.Ltmp9, $4  }
0x30f: {  	s5 =	sadd.s32 $0x1, s5;
	s30 =	sadd.s32 $0x900, s1  }
0x310: {  	[tilespmem:s31], [sflag:$0x2] =	stream.indirect.gather [hbm4b:s4+s19], $0x20, s30, s19, $0xb8;
	[tilespmem:$0x11620] =	vst v63  }
0x311: {  	s8 =	sadd.s32 $0x40, s8;
	s28 =	sadd.s32 $0x40, s28;
	s1 =	sadd.s32 $0x980, s1  }
0x312: {  	[tilespmem:s21], [sflag:$0x2] =	stream.indirect.gather [hbm4b:s4+s19], $0x20, s1, s19, $0xb8;
	[tilespmem:$0x11620] =	vst v63  }
.LBB2_15:
0x313: {  	_ =	sfence.sel $0x180000  }
0x314: {  	[bflag:$0x0] =	sbarrier.arrive $0xFFFF  }
0x315: {  	_ =	strace $0x9000004A  }
0x316: {  	s0 =	stileid.u32;
	[bflag:$0x2] =	sbarrier.arrive $0xFFFF  }
0x317: {  	p0 =	sne.s32 s0, $0x0;
	s0 =	rddreg [dreg:$0x3]  }
0x318: {  	s0 =	sadd.s32 @!p0 $0x100000, s0  }
0x319: {  	[sflag:s0] =	ssyncadd.tile.s32 @!p0 $0x1;
	_ =	shalt  }
.Lfunc_end2:
_tile_overlayer_lowered:
.L_overlay_start_2:
0x31a: {  	(tag) =	ssettag $0x2  }
0x31b: {  	s0 =	rddreg [dreg:$0x0];
	s2 =	stileid.u32  }
0x31c: {  	s1 =	rddreg [dreg:$0x1];
	p0 =	sne.s32 s2, $0x0  }
0x31d: {  	s3 =	rddreg [dreg:$0x2];
	[bflag:$0x3] =	sbarrier.arrive $0xFFFF;
	s2 =	simm.s32 @!p0 $0x1C06  }
0x31e: {  	[timem:s3], [sflag:s2] =	dma.local @!p0 [hbm:s0], s1  }
0x31f: {  	s0 =	simm.s32 @!p0 $0x6  }
0x320: {  	_ =	swait.ge @!p0 [sflag:s0], s1  }
0x321: {  	s1 =	ssub.s32 @!p0 $0x0, s1;
	[sflag:s0] =	ssyncset.done @!p0 $0x0  }
0x322: {  	[sflag:s0] =	ssyncadd.s32 @!p0 s1  }
0x323: {  	[bflag:$0x3] =	sbarrier.arrive $0xFFFF  }
0x324: {  	_ =	shalt  }

</sc_bundles>
